<compile_context>
chip_gen: v7x
topology: tpu7x:2x2x1
jax: 0.10.2.dev20260603
libtpu: 0.0.44.dev20260713+nightly
codegen_flags: <defaults>
</compile_context>

<pallas_src>
import functools

import jax
import jax.numpy as jnp
from jax import lax
from jax.experimental import pallas as pl
from jax.experimental.pallas import tpu as pltpu
from jax.experimental.pallas import tpu_sc as plsc

_TILE = 512
_K = 8

_DN_T = (((1,), (1,)), ((), ()))



def _tc1_body(pr_ref, pa_ref, fr_ref, W1_ref, b1_ref, W2_ref, b2_ref,
              bp_ref, idx_ref):
    N = pa_ref.shape[1]
    p_row = pr_ref[0]
    p_all = pa_ref[0]
    f_r = fr_ref[0]

    pp = jax.lax.dot_general(p_row, p_all, _DN_T,
                             preferred_element_type=jnp.float32)
    pn_row = jnp.sum(p_row * p_row, axis=1, keepdims=True)
    pn_all = jnp.sum(p_all * p_all, axis=1, keepdims=True).T
    d2 = (pn_row + pn_all) - 2.0 * pp

    col = lax.broadcasted_iota(jnp.int32, d2.shape, 1)
    keys = (lax.bitcast_convert_type(d2, jnp.int32) & ~jnp.int32(2047)) | col

    big = jnp.int32(0x7FFFFFFF)
    work = keys
    ms = []
    for k in range(_K):
        m = jnp.min(work, axis=1, keepdims=True)
        ms.append(m)
        if k < _K - 1:
            work = jnp.where(work <= m, big, work)
    b = pl.program_id(0)
    idx8 = (jnp.concatenate(ms, axis=1) & jnp.int32(2047)) + b * N

    h = jnp.maximum(
        jax.lax.dot(f_r, W1_ref[...], preferred_element_type=jnp.float32,
                    precision=jax.lax.Precision.HIGHEST) + b1_ref[...], 0.0)
    logits = jax.lax.dot(h, W2_ref[...], preferred_element_type=jnp.float32,
                         precision=jax.lax.Precision.HIGHEST) + b2_ref[...]
    bp_ref[0] = jax.nn.sigmoid(logits)
    idx_ref[0] = idx8



def _make_sc_fd2(BN, D, NC, NS, L):
    NW = NC * NS
    per_w = BN // NW
    CH = 16
    chunks = per_w // CH

    mesh = plsc.VectorSubcoreMesh(core_axis_name="c", subcore_axis_name="s")
    NACC = 8

    @functools.partial(
        pl.kernel, mesh=mesh,
        out_type=jax.ShapeDtypeStruct((BN * _K, L), jnp.float32),
        scratch_types=[
            pltpu.VMEM((per_w * _K,), jnp.int32),
            pltpu.VMEM((2, CH * _K, D), jnp.float32),
            pltpu.VMEM((2, CH, D), jnp.float32),
            pltpu.VMEM((2, CH * _K, L), jnp.float32),
            pltpu.SemaphoreType.DMA,
            pltpu.SemaphoreType.DMA,
            pltpu.SemaphoreType.DMA,
            pltpu.SemaphoreType.DMA,
            pltpu.SemaphoreType.DMA,
            pltpu.SemaphoreType.DMA,
        ],
    )
    def sc_fd2(f_hbm, idx_hbm, out_hbm, idx_all, rows_v, cent_v, stage_v,
               semr0, semr1, semc0, semc1, semo0, semo1):
        wid = lax.axis_index("s") * NC + lax.axis_index("c")
        base_c = wid * per_w
        semr = (semr0, semr1)
        semc = (semc0, semc1)
        semo = (semo0, semo1)

        pltpu.sync_copy(idx_hbm.at[pl.ds(base_c * _K, per_w * _K)], idx_all)

        def start_chunk(ci, buf):
            pltpu.async_copy(f_hbm.at[idx_all.at[pl.ds(ci * CH * _K, CH * _K)]],
                             rows_v.at[buf], semr[buf])
            pltpu.async_copy(f_hbm.at[pl.ds(base_c + ci * CH, CH)],
                             cent_v.at[buf], semc[buf])

        def wait_chunk(ci, buf):
            pltpu.make_async_copy(
                f_hbm.at[pl.ds(0, CH * _K)], rows_v.at[buf], semr[buf]).wait()
            pltpu.make_async_copy(
                f_hbm.at[pl.ds(0, CH)], cent_v.at[buf], semc[buf]).wait()

        def compute_chunk(ci, buf):
            def centre_body(i, _):
                cvs = [cent_v[buf, i, pl.ds(16 * j, 16)]
                       for j in range(D // 16)]
                for kk in range(_K):
                    p = i * _K + kk
                    accs = [None] * NACC
                    for j in range(D // 16):
                        dd = rows_v[buf, p, pl.ds(16 * j, 16)] - cvs[j]
                        sq = dd * dd
                        accs[j % NACC] = (sq if accs[j % NACC] is None
                                          else accs[j % NACC] + sq)
                    while len(accs) > 1:
                        accs = [accs[2 * a] + accs[2 * a + 1]
                                for a in range(len(accs) // 2)]
                    stage_v[buf, p] = accs[0]
                return 0

            lax.fori_loop(0, CH, centre_body, 0)
            pltpu.async_copy(stage_v.at[buf],
                             out_hbm.at[pl.ds((base_c + ci * CH) * _K,
                                              CH * _K)], semo[buf])

        def wait_out(buf):
            pltpu.make_async_copy(
                stage_v.at[buf], out_hbm.at[pl.ds(0, CH * _K)],
                semo[buf]).wait()

        start_chunk(0, 0)

        def super_body(s, _):
            for par in range(2):
                ci = 2 * s + par
                nxt = ci + 1

                @pl.when(nxt < chunks)
                def _():
                    start_chunk(nxt, 1 - par)

                wait_chunk(ci, par)

                @pl.when(ci >= 2)
                def _():
                    wait_out(par)

                compute_chunk(ci, par)
            return 0

        lax.fori_loop(0, chunks // 2, super_body, 0)
        wait_out(0)
        wait_out(1)

    return sc_fd2



def _tc2_body(fr_ref, bp_ref, fdp_ref, enh_ref):
    f_r = fr_ref[0]
    bp = bp_ref[0]
    fdp = fdp_ref[0]
    gsel = (lax.broadcasted_iota(jnp.int32, (_K * 16, _K), 0) // 16
            == lax.broadcasted_iota(jnp.int32, (_K * 16, _K), 1))
    fd2 = jax.lax.dot(fdp, gsel.astype(jnp.float32),
                      preferred_element_type=jnp.float32)
    fd = jnp.sqrt(fd2)
    fg = jnp.sum(fd, axis=1, keepdims=True) * (1.0 / _K)
    enh_ref[0] = f_r + 0.3 * (jnp.tanh(5.0 * fg) * bp)


@functools.partial(jax.jit, static_argnames=("interpret",))
def kernel(features, points, W1, b1, W2, b2, interpret=False):
    B, N, D = features.shape
    BN = B * N
    b1r = b1.reshape(1, -1)
    W2r = W2.reshape(-1, 1)
    b2r = b2.reshape(1, 1)

    grid = (B, N // _TILE)
    bp, idx = pl.pallas_call(
        _tc1_body,
        grid=grid,
        in_specs=[
            pl.BlockSpec((1, _TILE, 3), lambda b, t: (b, t, 0)),
            pl.BlockSpec((1, N, 3), lambda b, t: (b, 0, 0)),
            pl.BlockSpec((1, _TILE, D), lambda b, t: (b, t, 0)),
            pl.BlockSpec((D, 64), lambda b, t: (0, 0)),
            pl.BlockSpec((1, 64), lambda b, t: (0, 0)),
            pl.BlockSpec((64, 1), lambda b, t: (0, 0)),
            pl.BlockSpec((1, 1), lambda b, t: (0, 0)),
        ],
        out_specs=[
            pl.BlockSpec((1, _TILE, 1), lambda b, t: (b, t, 0)),
            pl.BlockSpec((1, _TILE, _K), lambda b, t: (b, t, 0)),
        ],
        out_shape=[
            jax.ShapeDtypeStruct((B, N, 1), jnp.float32),
            jax.ShapeDtypeStruct((B, N, _K), jnp.int32),
        ],
        interpret=interpret,
    )(points, points, features, W1, b1r, W2r, b2r)

    f_flat = features.reshape(BN, D)
    idx_flat = idx.reshape(BN * _K)
    fdp_flat = _make_sc_fd2(BN, D, 2, 16, 16)(f_flat, idx_flat)
    fdp = fdp_flat.reshape(B, N, _K * 16)

    enh = pl.pallas_call(
        _tc2_body,
        grid=grid,
        in_specs=[
            pl.BlockSpec((1, _TILE, D), lambda b, t: (b, t, 0)),
            pl.BlockSpec((1, _TILE, 1), lambda b, t: (b, t, 0)),
            pl.BlockSpec((1, _TILE, _K * 16), lambda b, t: (b, t, 0)),
        ],
        out_specs=pl.BlockSpec((1, _TILE, D), lambda b, t: (b, t, 0)),
        out_shape=jax.ShapeDtypeStruct((B, N, D), jnp.float32),
        interpret=interpret,
    )(features, bp, fdp)
    return (bp, enh)

# --- scband reference (transcript-rebuilt; emitter-appended) ---
"""Pipeline reference for scband-differential-geometry-operator-86431921865222 (READ-ONLY COPY).

The authoritative reference and input builder live on the scoring server;
editing this copy changes nothing except your own understanding.
"""

import jax, jax.numpy as jnp
import numpy as np


def _safe_norm_lastdim(x):
    # L2 norm over last dim with zero-safe gradient (torch.norm subgradient at 0 is 0)
    s = jnp.sum(x * x, axis=-1)
    safe = jnp.where(s == 0.0, 1.0, s)
    return jnp.where(s == 0.0, 0.0, jnp.sqrt(safe))


def setup_inputs(seed: int = 0) -> dict:
    key = jax.random.key(seed)
    ks = jax.random.split(key, 6)
    B, N, D = 8, 2048, 256
    features = jax.random.normal(ks[0], (B, N, D), dtype=jnp.float32)
    points = jax.random.normal(ks[1], (B, N, 3), dtype=jnp.float32)
    # boundary_net params: Linear(D,64) -> ReLU -> Linear(64,1) -> Sigmoid
    W1 = jax.random.normal(ks[2], (D, 64), dtype=jnp.float32) * (1.0 / np.sqrt(D))
    b1 = jnp.zeros((64,), dtype=jnp.float32)
    W2 = jax.random.normal(ks[3], (64, 1), dtype=jnp.float32) * (1.0 / np.sqrt(64.0))
    b2 = jnp.zeros((1,), dtype=jnp.float32)
    return {"features": features, "points": points, "W1": W1, "b1": b1, "W2": W2, "b2": b2}


def reference(features, points, W1, b1, W2, b2):
    # dists = torch.cdist(points, points)  -> [B, N, N]
    diff = points[:, :, None, :] - points[:, None, :, :]
    dists = jnp.sqrt(jnp.sum(diff * diff, axis=-1))
    # knn_idx = dists.topk(k=8, largest=False).indices -> smallest 8 distances (includes self)
    _, knn_idx = jax.lax.top_k(-dists, 8)  # [B, N, 8]
    B = features.shape[0]
    bidx = jnp.arange(B)[:, None, None]
    # knn gather: knn_feats[b, n, k, :] = features[b, knn_idx[b, n, k], :]
    knn_feats = features[bidx, knn_idx]  # [B, N, 8, D]
    feat_diff = knn_feats - features[:, :, None, :]  # [B, N, 8, D]
    feat_grad = _safe_norm_lastdim(feat_diff).mean(axis=2)  # [B, N]
    # boundary_net(features)
    h = jax.nn.relu(features @ W1 + b1)
    boundary_prob = jax.nn.sigmoid(h @ W2 + b2)  # [B, N, 1]
    enhancement = jnp.tanh(5.0 * feat_grad[..., None]) * boundary_prob  # [B, N, 1]
    enhanced_features = features + 0.3 * enhancement  # broadcast to [B, N, D]
    return (boundary_prob, enhanced_features)

if __name__ == "__main__":
    import jax
    _d = setup_inputs()
    print(jax.jit(kernel)(*tuple(_d.values())))

</pallas_src>

<mosaic_0001>
#map = affine_map<(d0, d1) -> (0, 0)>
#map1 = affine_map<(d0, d1) -> (0)>
module attributes {stable_mosaic.version = 14 : i64} {
  func.func @sc_fd2(%arg0: i32, %arg1: i32, %arg2: memref<16384x256xf32, #tpu.memory_space<hbm>>, %arg3: memref<131072xi32, #tpu.memory_space<hbm>>, %arg4: memref<131072x16xf32, #tpu.memory_space<hbm>>, %arg5: memref<4096xi32, #tpu.memory_space<vmem>>, %arg6: memref<2x128x256xf32, #tpu.memory_space<vmem>>, %arg7: memref<2x16x256xf32, #tpu.memory_space<vmem>>, %arg8: memref<2x128x16xf32, #tpu.memory_space<vmem>>, %arg9: memref<!tpu.dma_semaphore, #tpu.memory_space<semaphore_mem>>, %arg10: memref<!tpu.dma_semaphore, #tpu.memory_space<semaphore_mem>>, %arg11: memref<!tpu.dma_semaphore, #tpu.memory_space<semaphore_mem>>, %arg12: memref<!tpu.dma_semaphore, #tpu.memory_space<semaphore_mem>>, %arg13: memref<!tpu.dma_semaphore, #tpu.memory_space<semaphore_mem>>, %arg14: memref<!tpu.dma_semaphore, #tpu.memory_space<semaphore_mem>>) attributes {dimension_semantics = [#tpu.dimension_semantics<core_parallel>, #tpu.dimension_semantics<subcore_parallel>], iteration_bounds = array<i64: 2, 16>, scalar_prefetch = 0 : i64, scratch_operands = 10 : i64, tpu.core_type = #tpu.core_type<sc_vector_subcore>, window_params = [{transform_indices = #map}, {transform_indices = #map1}, {transform_indices = #map}]} {
    %mul3A = arith.constant 2 : i32
    %mul3A_0 = arith.muli %arg1, %mul3A : i32
    %add3A = arith.addi %mul3A_0, %arg0 : i32
    %mul3A_1 = arith.constant 512 : i32
    %mul3A_2 = arith.muli %add3A, %mul3A_1 : i32
    %mul3A_3 = arith.constant 8 : i32
    %mul3A_4 = arith.muli %mul3A_2, %mul3A_3 : i32
    "tpu.region"() ({
      %run_scoped3A = tpu.sem_alloc : memref<!tpu.dma_semaphore, #tpu.memory_space<semaphore_mem>>
      %dma_start3A_64 = tpu.memref_slice %arg3[%mul3A_4] : memref<131072xi32, #tpu.memory_space<hbm>> -> memref<4096xi32, #tpu.memory_space<hbm>>
      %dma_start3A_65 = tpu.memref_slice %arg3[%mul3A_4] : memref<131072xi32, #tpu.memory_space<hbm>> -> memref<4096xi32, #tpu.memory_space<hbm>>
      tpu.enqueue_dma source(%dma_start3A_65 : memref<4096xi32, #tpu.memory_space<hbm>>) target(%arg5 : memref<4096xi32, #tpu.memory_space<vmem>>) target_semaphore(%run_scoped3A : memref<!tpu.dma_semaphore, #tpu.memory_space<semaphore_mem>>)
      %dma_wait3A_66 = tpu.memref_slice %arg3[%mul3A_4] : memref<131072xi32, #tpu.memory_space<hbm>> -> memref<4096xi32, #tpu.memory_space<hbm>>
      %dma_wait3A_67 = tpu.memref_slice %arg3[%mul3A_4] : memref<131072xi32, #tpu.memory_space<hbm>> -> memref<4096xi32, #tpu.memory_space<hbm>>
      tpu.wait_dma2 semaphore(%run_scoped3A : memref<!tpu.dma_semaphore, #tpu.memory_space<semaphore_mem>>) src(%dma_wait3A_67 : memref<4096xi32, #tpu.memory_space<hbm>>) dst(%arg5 : memref<4096xi32, #tpu.memory_space<vmem>>)
      tpu.yield
    }) : () -> ()
    %dma_start3A = arith.constant 0 : i32
    %dma_start3A_5 = arith.constant 0 : i32
    %dma_start3A_6 = arith.constant 0 : i32
    %dma_start3A_7 = tpu.memref_slice %arg6[%dma_start3A, %dma_start3A_5, %dma_start3A_6] : memref<2x128x256xf32, #tpu.memory_space<vmem>> -> memref<1x128x256xf32, #tpu.memory_space<vmem>>
    %dma_start3A_8 = tpu.memref_squeeze %dma_start3A_7 : memref<1x128x256xf32, #tpu.memory_space<vmem>> -> memref<128x256xf32, #tpu.memory_space<vmem>>
    %dma_start3A_9 = arith.constant 0 : i32
    %dma_start3A_10 = tpu.memref_slice %arg5[%dma_start3A_9] : memref<4096xi32, #tpu.memory_space<vmem>> -> memref<128xi32, #tpu.memory_space<vmem>>
    %dma_start3A_11 = arith.constant 0 : i32
    %dma_start3A_12 = arith.constant 0 : i32
    %dma_start3A_13 = tpu.memref_slice %arg2[%dma_start3A_11, %dma_start3A_12] : memref<16384x256xf32, #tpu.memory_space<hbm>> -> memref<16384x256xf32, #tpu.memory_space<hbm>>
    tpu.enqueue_indirect_dma source(%dma_start3A_13 : memref<16384x256xf32, #tpu.memory_space<hbm>>) target(%dma_start3A_8 : memref<128x256xf32, #tpu.memory_space<vmem>>) offsets(%dma_start3A_10 : memref<128xi32, #tpu.memory_space<vmem>>) semaphore(%arg9 : memref<!tpu.dma_semaphore, #tpu.memory_space<semaphore_mem>>)
    %add3A_14 = arith.constant 0 : i32
    %add3A_15 = arith.addi %mul3A_2, %add3A_14 : i32
    %dma_start3A_16 = arith.constant 0 : i32
    %dma_start3A_17 = arith.constant 0 : i32
    %dma_start3A_18 = arith.constant 0 : i32
    %dma_start3A_19 = tpu.memref_slice %arg7[%dma_start3A_16, %dma_start3A_17, %dma_start3A_18] : memref<2x16x256xf32, #tpu.memory_space<vmem>> -> memref<1x16x256xf32, #tpu.memory_space<vmem>>
    %dma_start3A_20 = tpu.memref_squeeze %dma_start3A_19 : memref<1x16x256xf32, #tpu.memory_space<vmem>> -> memref<16x256xf32, #tpu.memory_space<vmem>>
    %dma_start3A_21 = arith.constant 0 : i32
    %dma_start3A_22 = tpu.memref_slice %arg2[%add3A_15, %dma_start3A_21] : memref<16384x256xf32, #tpu.memory_space<hbm>> -> memref<16x256xf32, #tpu.memory_space<hbm>>
    %dma_start3A_23 = arith.constant 0 : i32
    %dma_start3A_24 = arith.constant 0 : i32
    %dma_start3A_25 = tpu.memref_slice %arg7[%dma_start3A_16, %dma_start3A_23, %dma_start3A_24] : memref<2x16x256xf32, #tpu.memory_space<vmem>> -> memref<1x16x256xf32, #tpu.memory_space<vmem>>
    %dma_start3A_26 = tpu.memref_squeeze %dma_start3A_25 : memref<1x16x256xf32, #tpu.memory_space<vmem>> -> memref<16x256xf32, #tpu.memory_space<vmem>>
    %dma_start3A_27 = arith.constant 0 : i32
    %dma_start3A_28 = tpu.memref_slice %arg2[%add3A_15, %dma_start3A_27] : memref<16384x256xf32, #tpu.memory_space<hbm>> -> memref<16x256xf32, #tpu.memory_space<hbm>>
    tpu.enqueue_dma source(%dma_start3A_28 : memref<16x256xf32, #tpu.memory_space<hbm>>) target(%dma_start3A_26 : memref<16x256xf32, #tpu.memory_space<vmem>>) target_semaphore(%arg11 : memref<!tpu.dma_semaphore, #tpu.memory_space<semaphore_mem>>)
    %scan3A = arith.constant 0 : i32
    %scan3A_29 = arith.constant 0 : i32
    %scan3A_30 = arith.constant 16 : i32
    %scan3A_31 = arith.addi %scan3A_29, %scan3A_30 : i32
    %scan3A_32 = arith.constant 1 : i32
    %scan3A_33 = scf.for %scan3A_64 = %scan3A_29 to %scan3A_31 step %scan3A_32 iter_args(%scan3A_65 = %scan3A) -> (i32)  : i32 {
      %mul3A_66 = arith.constant 2 : i32
      %mul3A_67 = arith.muli %mul3A_66, %scan3A_64 : i32
      %add3A_68 = arith.constant 0 : i32
      %add3A_69 = arith.addi %mul3A_67, %add3A_68 : i32
      %add3A_70 = arith.constant 1 : i32
      %add3A_71 = arith.addi %add3A_69, %add3A_70 : i32
      %lt3A = arith.constant 32 : i32
      %lt3A_72 = arith.cmpi slt, %add3A_71, %lt3A : i32
      %convert_element_type3A = arith.extui %lt3A_72 : i1 to i32
      %cond3A = arith.constant 0 : i32
      %cond3A_73 = arith.cmpi ne, %convert_element_type3A, %cond3A : i32
      scf.if %cond3A_73 {
        %mul3A_205 = arith.constant 16 : i32
        %mul3A_206 = arith.muli %add3A_71, %mul3A_205 : i32
        %mul3A_207 = arith.constant 8 : i32
        %mul3A_208 = arith.muli %mul3A_206, %mul3A_207 : i32
        %dma_start3A_209 = arith.constant 1 : i32
        %dma_start3A_210 = arith.constant 0 : i32
        %dma_start3A_211 = arith.constant 0 : i32
        %dma_start3A_212 = tpu.memref_slice %arg6[%dma_start3A_209, %dma_start3A_210, %dma_start3A_211] : memref<2x128x256xf32, #tpu.memory_space<vmem>> -> memref<1x128x256xf32, #tpu.memory_space<vmem>>
        %dma_start3A_213 = tpu.memref_squeeze %dma_start3A_212 : memref<1x128x256xf32, #tpu.memory_space<vmem>> -> memref<128x256xf32, #tpu.memory_space<vmem>>
        %dma_start3A_214 = tpu.memref_slice %arg5[%mul3A_208] : memref<4096xi32, #tpu.memory_space<vmem>> -> memref<128xi32, #tpu.memory_space<vmem>>
        %dma_start3A_215 = arith.constant 0 : i32
        %dma_start3A_216 = arith.constant 0 : i32
        %dma_start3A_217 = tpu.memref_slice %arg2[%dma_start3A_215, %dma_start3A_216] : memref<16384x256xf32, #tpu.memory_space<hbm>> -> memref<16384x256xf32, #tpu.memory_space<hbm>>
        tpu.enqueue_indirect_dma source(%dma_start3A_217 : memref<16384x256xf32, #tpu.memory_space<hbm>>) target(%dma_start3A_213 : memref<128x256xf32, #tpu.memory_space<vmem>>) offsets(%dma_start3A_214 : memref<128xi32, #tpu.memory_space<vmem>>) semaphore(%arg10 : memref<!tpu.dma_semaphore, #tpu.memory_space<semaphore_mem>>)
        %mul3A_218 = arith.constant 16 : i32
        %mul3A_219 = arith.muli %add3A_71, %mul3A_218 : i32
        %add3A_220 = arith.addi %mul3A_2, %mul3A_219 : i32
        %dma_start3A_221 = arith.constant 1 : i32
        %dma_start3A_222 = arith.constant 0 : i32
        %dma_start3A_223 = arith.constant 0 : i32
        %dma_start3A_224 = tpu.memref_slice %arg7[%dma_start3A_221, %dma_start3A_222, %dma_start3A_223] : memref<2x16x256xf32, #tpu.memory_space<vmem>> -> memref<1x16x256xf32, #tpu.memory_space<vmem>>
        %dma_start3A_225 = tpu.memref_squeeze %dma_start3A_224 : memref<1x16x256xf32, #tpu.memory_space<vmem>> -> memref<16x256xf32, #tpu.memory_space<vmem>>
        %dma_start3A_226 = arith.constant 0 : i32
        %dma_start3A_227 = tpu.memref_slice %arg2[%add3A_220, %dma_start3A_226] : memref<16384x256xf32, #tpu.memory_space<hbm>> -> memref<16x256xf32, #tpu.memory_space<hbm>>
        %dma_start3A_228 = arith.constant 0 : i32
        %dma_start3A_229 = arith.constant 0 : i32
        %dma_start3A_230 = tpu.memref_slice %arg7[%dma_start3A_221, %dma_start3A_228, %dma_start3A_229] : memref<2x16x256xf32, #tpu.memory_space<vmem>> -> memref<1x16x256xf32, #tpu.memory_space<vmem>>
        %dma_start3A_231 = tpu.memref_squeeze %dma_start3A_230 : memref<1x16x256xf32, #tpu.memory_space<vmem>> -> memref<16x256xf32, #tpu.memory_space<vmem>>
        %dma_start3A_232 = arith.constant 0 : i32
        %dma_start3A_233 = tpu.memref_slice %arg2[%add3A_220, %dma_start3A_232] : memref<16384x256xf32, #tpu.memory_space<hbm>> -> memref<16x256xf32, #tpu.memory_space<hbm>>
        tpu.enqueue_dma source(%dma_start3A_233 : memref<16x256xf32, #tpu.memory_space<hbm>>) target(%dma_start3A_231 : memref<16x256xf32, #tpu.memory_space<vmem>>) target_semaphore(%arg12 : memref<!tpu.dma_semaphore, #tpu.memory_space<semaphore_mem>>)
      } else {
      }
      %dma_wait3A_74 = arith.constant 0 : i32
      %dma_wait3A_75 = arith.constant 0 : i32
      %dma_wait3A_76 = arith.constant 0 : i32
      %dma_wait3A_77 = tpu.memref_slice %arg6[%dma_wait3A_74, %dma_wait3A_75, %dma_wait3A_76] : memref<2x128x256xf32, #tpu.memory_space<vmem>> -> memref<1x128x256xf32, #tpu.memory_space<vmem>>
      %dma_wait3A_78 = tpu.memref_squeeze %dma_wait3A_77 : memref<1x128x256xf32, #tpu.memory_space<vmem>> -> memref<128x256xf32, #tpu.memory_space<vmem>>
      %dma_wait3A_79 = arith.constant 0 : i32
      %dma_wait3A_80 = arith.constant 0 : i32
      %dma_wait3A_81 = tpu.memref_slice %arg2[%dma_wait3A_79, %dma_wait3A_80] : memref<16384x256xf32, #tpu.memory_space<hbm>> -> memref<128x256xf32, #tpu.memory_space<hbm>>
      %dma_wait3A_82 = arith.constant 0 : i32
      %dma_wait3A_83 = arith.constant 0 : i32
      %dma_wait3A_84 = tpu.memref_slice %arg6[%dma_wait3A_74, %dma_wait3A_82, %dma_wait3A_83] : memref<2x128x256xf32, #tpu.memory_space<vmem>> -> memref<1x128x256xf32, #tpu.memory_space<vmem>>
      %dma_wait3A_85 = tpu.memref_squeeze %dma_wait3A_84 : memref<1x128x256xf32, #tpu.memory_space<vmem>> -> memref<128x256xf32, #tpu.memory_space<vmem>>
      %dma_wait3A_86 = arith.constant 0 : i32
      %dma_wait3A_87 = arith.constant 0 : i32
      %dma_wait3A_88 = tpu.memref_slice %arg2[%dma_wait3A_86, %dma_wait3A_87] : memref<16384x256xf32, #tpu.memory_space<hbm>> -> memref<128x256xf32, #tpu.memory_space<hbm>>
      tpu.wait_dma2 semaphore(%arg9 : memref<!tpu.dma_semaphore, #tpu.memory_space<semaphore_mem>>) src(%dma_wait3A_88 : memref<128x256xf32, #tpu.memory_space<hbm>>) dst(%dma_wait3A_85 : memref<128x256xf32, #tpu.memory_space<vmem>>)
      %dma_wait3A_89 = arith.constant 0 : i32
      %dma_wait3A_90 = arith.constant 0 : i32
      %dma_wait3A_91 = arith.constant 0 : i32
      %dma_wait3A_92 = tpu.memref_slice %arg7[%dma_wait3A_89, %dma_wait3A_90, %dma_wait3A_91] : memref<2x16x256xf32, #tpu.memory_space<vmem>> -> memref<1x16x256xf32, #tpu.memory_space<vmem>>
      %dma_wait3A_93 = tpu.memref_squeeze %dma_wait3A_92 : memref<1x16x256xf32, #tpu.memory_space<vmem>> -> memref<16x256xf32, #tpu.memory_space<vmem>>
      %dma_wait3A_94 = arith.constant 0 : i32
      %dma_wait3A_95 = arith.constant 0 : i32
      %dma_wait3A_96 = tpu.memref_slice %arg2[%dma_wait3A_94, %dma_wait3A_95] : memref<16384x256xf32, #tpu.memory_space<hbm>> -> memref<16x256xf32, #tpu.memory_space<hbm>>
      %dma_wait3A_97 = arith.constant 0 : i32
      %dma_wait3A_98 = arith.constant 0 : i32
      %dma_wait3A_99 = tpu.memref_slice %arg7[%dma_wait3A_89, %dma_wait3A_97, %dma_wait3A_98] : memref<2x16x256xf32, #tpu.memory_space<vmem>> -> memref<1x16x256xf32, #tpu.memory_space<vmem>>
      %dma_wait3A_100 = tpu.memref_squeeze %dma_wait3A_99 : memref<1x16x256xf32, #tpu.memory_space<vmem>> -> memref<16x256xf32, #tpu.memory_space<vmem>>
      %dma_wait3A_101 = arith.constant 0 : i32
      %dma_wait3A_102 = arith.constant 0 : i32
      %dma_wait3A_103 = tpu.memref_slice %arg2[%dma_wait3A_101, %dma_wait3A_102] : memref<16384x256xf32, #tpu.memory_space<hbm>> -> memref<16x256xf32, #tpu.memory_space<hbm>>
      tpu.wait_dma2 semaphore(%arg11 : memref<!tpu.dma_semaphore, #tpu.memory_space<semaphore_mem>>) src(%dma_wait3A_103 : memref<16x256xf32, #tpu.memory_space<hbm>>) dst(%dma_wait3A_100 : memref<16x256xf32, #tpu.memory_space<vmem>>)
      %ge3A = arith.constant 2 : i32
      %ge3A_104 = arith.cmpi sge, %add3A_69, %ge3A : i32
      %convert_element_type3A_105 = arith.extui %ge3A_104 : i1 to i32
      %cond3A_106 = arith.constant 0 : i32
      %cond3A_107 = arith.cmpi ne, %convert_element_type3A_105, %cond3A_106 : i32
      scf.if %cond3A_107 {
        %dma_wait3A_205 = arith.constant 0 : i32
        %dma_wait3A_206 = arith.constant 0 : i32
        %dma_wait3A_207 = arith.constant 0 : i32
        %dma_wait3A_208 = tpu.memref_slice %arg8[%dma_wait3A_205, %dma_wait3A_206, %dma_wait3A_207] : memref<2x128x16xf32, #tpu.memory_space<vmem>> -> memref<1x128x16xf32, #tpu.memory_space<vmem>>
        %dma_wait3A_209 = tpu.memref_squeeze %dma_wait3A_208 : memref<1x128x16xf32, #tpu.memory_space<vmem>> -> memref<128x16xf32, #tpu.memory_space<vmem>>
        %dma_wait3A_210 = arith.constant 0 : i32
        %dma_wait3A_211 = arith.constant 0 : i32
        %dma_wait3A_212 = tpu.memref_slice %arg4[%dma_wait3A_210, %dma_wait3A_211] : memref<131072x16xf32, #tpu.memory_space<hbm>> -> memref<128x16xf32, #tpu.memory_space<hbm>>
        %dma_wait3A_213 = arith.constant 0 : i32
        %dma_wait3A_214 = arith.constant 0 : i32
        %dma_wait3A_215 = tpu.memref_slice %arg4[%dma_wait3A_213, %dma_wait3A_214] : memref<131072x16xf32, #tpu.memory_space<hbm>> -> memref<128x16xf32, #tpu.memory_space<hbm>>
        %dma_wait3A_216 = arith.constant 0 : i32
        %dma_wait3A_217 = arith.constant 0 : i32
        %dma_wait3A_218 = tpu.memref_slice %arg8[%dma_wait3A_205, %dma_wait3A_216, %dma_wait3A_217] : memref<2x128x16xf32, #tpu.memory_space<vmem>> -> memref<1x128x16xf32, #tpu.memory_space<vmem>>
        %dma_wait3A_219 = tpu.memref_squeeze %dma_wait3A_218 : memref<1x128x16xf32, #tpu.memory_space<vmem>> -> memref<128x16xf32, #tpu.memory_space<vmem>>
        tpu.wait_dma2 semaphore(%arg13 : memref<!tpu.dma_semaphore, #tpu.memory_space<semaphore_mem>>) src(%dma_wait3A_219 : memref<128x16xf32, #tpu.memory_space<vmem>>) dst(%dma_wait3A_215 : memref<128x16xf32, #tpu.memory_space<hbm>>)
      } else {
      }
      %scan3A_108 = arith.constant 0 : i32
      %scan3A_109 = arith.constant 0 : i32
      %scan3A_110 = arith.constant 16 : i32
      %scan3A_111 = arith.addi %scan3A_109, %scan3A_110 : i32
      %scan3A_112 = arith.constant 1 : i32
      %scan3A_113 = scf.for %scan3A_205 = %scan3A_109 to %scan3A_111 step %scan3A_112 iter_args(%scan3A_206 = %scan3A_108) -> (i32)  : i32 {
        %get3A = arith.constant 0 : i32
        %get3A_207 = arith.index_cast %get3A : i32 to index
        %get3A_208 = arith.index_cast %scan3A_205 : i32 to index
        %get3A_209 = arith.constant 0 : index
        %get3A_210 = tpu.vector_load %arg7[%get3A_207, %get3A_208, %get3A_209] {strides = array<i32>} : memref<2x16x256xf32, #tpu.memory_space<vmem>>, vector<1x1x16xf32>,
        %get3A_211 = vector.shape_cast %get3A_210 : vector<1x1x16xf32> to vector<16xf32>
        %get3A_212 = arith.constant 0 : i32
        %get3A_213 = arith.index_cast %get3A_212 : i32 to index
        %get3A_214 = arith.index_cast %scan3A_205 : i32 to index
        %get3A_215 = arith.constant 16 : index
        %get3A_216 = tpu.vector_load %arg7[%get3A_213, %get3A_214, %get3A_215] {strides = array<i32>} : memref<2x16x256xf32, #tpu.memory_space<vmem>>, vector<1x1x16xf32>,
        %get3A_217 = vector.shape_cast %get3A_216 : vector<1x1x16xf32> to vector<16xf32>
        %get3A_218 = arith.constant 0 : i32
        %get3A_219 = arith.index_cast %get3A_218 : i32 to index
        %get3A_220 = arith.index_cast %scan3A_205 : i32 to index
        %get3A_221 = arith.constant 32 : index
        %get3A_222 = tpu.vector_load %arg7[%get3A_219, %get3A_220, %get3A_221] {strides = array<i32>} : memref<2x16x256xf32, #tpu.memory_space<vmem>>, vector<1x1x16xf32>,
        %get3A_223 = vector.shape_cast %get3A_222 : vector<1x1x16xf32> to vector<16xf32>
        %get3A_224 = arith.constant 0 : i32
        %get3A_225 = arith.index_cast %get3A_224 : i32 to index
        %get3A_226 = arith.index_cast %scan3A_205 : i32 to index
        %get3A_227 = arith.constant 48 : index
        %get3A_228 = tpu.vector_load %arg7[%get3A_225, %get3A_226, %get3A_227] {strides = array<i32>} : memref<2x16x256xf32, #tpu.memory_space<vmem>>, vector<1x1x16xf32>,
        %get3A_229 = vector.shape_cast %get3A_228 : vector<1x1x16xf32> to vector<16xf32>
        %get3A_230 = arith.constant 0 : i32
        %get3A_231 = arith.index_cast %get3A_230 : i32 to index
        %get3A_232 = arith.index_cast %scan3A_205 : i32 to index
        %get3A_233 = arith.constant 64 : index
        %get3A_234 = tpu.vector_load %arg7[%get3A_231, %get3A_232, %get3A_233] {strides = array<i32>} : memref<2x16x256xf32, #tpu.memory_space<vmem>>, vector<1x1x16xf32>,
        %get3A_235 = vector.shape_cast %get3A_234 : vector<1x1x16xf32> to vector<16xf32>
        %get3A_236 = arith.constant 0 : i32
        %get3A_237 = arith.index_cast %get3A_236 : i32 to index
        %get3A_238 = arith.index_cast %scan3A_205 : i32 to index
        %get3A_239 = arith.constant 80 : index
        %get3A_240 = tpu.vector_load %arg7[%get3A_237, %get3A_238, %get3A_239] {strides = array<i32>} : memref<2x16x256xf32, #tpu.memory_space<vmem>>, vector<1x1x16xf32>,
        %get3A_241 = vector.shape_cast %get3A_240 : vector<1x1x16xf32> to vector<16xf32>
        %get3A_242 = arith.constant 0 : i32
        %get3A_243 = arith.index_cast %get3A_242 : i32 to index
        %get3A_244 = arith.index_cast %scan3A_205 : i32 to index
        %get3A_245 = arith.constant 96 : index
        %get3A_246 = tpu.vector_load %arg7[%get3A_243, %get3A_244, %get3A_245] {strides = array<i32>} : memref<2x16x256xf32, #tpu.memory_space<vmem>>, vector<1x1x16xf32>,
        %get3A_247 = vector.shape_cast %get3A_246 : vector<1x1x16xf32> to vector<16xf32>
        %get3A_248 = arith.constant 0 : i32
        %get3A_249 = arith.index_cast %get3A_248 : i32 to index
        %get3A_250 = arith.index_cast %scan3A_205 : i32 to index
        %get3A_251 = arith.constant 112 : index
        %get3A_252 = tpu.vector_load %arg7[%get3A_249, %get3A_250, %get3A_251] {strides = array<i32>} : memref<2x16x256xf32, #tpu.memory_space<vmem>>, vector<1x1x16xf32>,
        %get3A_253 = vector.shape_cast %get3A_252 : vector<1x1x16xf32> to vector<16xf32>
        %get3A_254 = arith.constant 0 : i32
        %get3A_255 = arith.index_cast %get3A_254 : i32 to index
        %get3A_256 = arith.index_cast %scan3A_205 : i32 to index
        %get3A_257 = arith.constant 128 : index
        %get3A_258 = tpu.vector_load %arg7[%get3A_255, %get3A_256, %get3A_257] {strides = array<i32>} : memref<2x16x256xf32, #tpu.memory_space<vmem>>, vector<1x1x16xf32>,
        %get3A_259 = vector.shape_cast %get3A_258 : vector<1x1x16xf32> to vector<16xf32>
        %get3A_260 = arith.constant 0 : i32
        %get3A_261 = arith.index_cast %get3A_260 : i32 to index
        %get3A_262 = arith.index_cast %scan3A_205 : i32 to index
        %get3A_263 = arith.constant 144 : index
        %get3A_264 = tpu.vector_load %arg7[%get3A_261, %get3A_262, %get3A_263] {strides = array<i32>} : memref<2x16x256xf32, #tpu.memory_space<vmem>>, vector<1x1x16xf32>,
        %get3A_265 = vector.shape_cast %get3A_264 : vector<1x1x16xf32> to vector<16xf32>
        %get3A_266 = arith.constant 0 : i32
        %get3A_267 = arith.index_cast %get3A_266 : i32 to index
        %get3A_268 = arith.index_cast %scan3A_205 : i32 to index
        %get3A_269 = arith.constant 160 : index
        %get3A_270 = tpu.vector_load %arg7[%get3A_267, %get3A_268, %get3A_269] {strides = array<i32>} : memref<2x16x256xf32, #tpu.memory_space<vmem>>, vector<1x1x16xf32>,
        %get3A_271 = vector.shape_cast %get3A_270 : vector<1x1x16xf32> to vector<16xf32>
        %get3A_272 = arith.constant 0 : i32
        %get3A_273 = arith.index_cast %get3A_272 : i32 to index
        %get3A_274 = arith.index_cast %scan3A_205 : i32 to index
        %get3A_275 = arith.constant 176 : index
        %get3A_276 = tpu.vector_load %arg7[%get3A_273, %get3A_274, %get3A_275] {strides = array<i32>} : memref<2x16x256xf32, #tpu.memory_space<vmem>>, vector<1x1x16xf32>,
        %get3A_277 = vector.shape_cast %get3A_276 : vector<1x1x16xf32> to vector<16xf32>
        %get3A_278 = arith.constant 0 : i32
        %get3A_279 = arith.index_cast %get3A_278 : i32 to index
        %get3A_280 = arith.index_cast %scan3A_205 : i32 to index
        %get3A_281 = arith.constant 192 : index
        %get3A_282 = tpu.vector_load %arg7[%get3A_279, %get3A_280, %get3A_281] {strides = array<i32>} : memref<2x16x256xf32, #tpu.memory_space<vmem>>, vector<1x1x16xf32>,
        %get3A_283 = vector.shape_cast %get3A_282 : vector<1x1x16xf32> to vector<16xf32>
        %get3A_284 = arith.constant 0 : i32
        %get3A_285 = arith.index_cast %get3A_284 : i32 to index
        %get3A_286 = arith.index_cast %scan3A_205 : i32 to index
        %get3A_287 = arith.constant 208 : index
        %get3A_288 = tpu.vector_load %arg7[%get3A_285, %get3A_286, %get3A_287] {strides = array<i32>} : memref<2x16x256xf32, #tpu.memory_space<vmem>>, vector<1x1x16xf32>,
        %get3A_289 = vector.shape_cast %get3A_288 : vector<1x1x16xf32> to vector<16xf32>
        %get3A_290 = arith.constant 0 : i32
        %get3A_291 = arith.index_cast %get3A_290 : i32 to index
        %get3A_292 = arith.index_cast %scan3A_205 : i32 to index
        %get3A_293 = arith.constant 224 : index
        %get3A_294 = tpu.vector_load %arg7[%get3A_291, %get3A_292, %get3A_293] {strides = array<i32>} : memref<2x16x256xf32, #tpu.memory_space<vmem>>, vector<1x1x16xf32>,
        %get3A_295 = vector.shape_cast %get3A_294 : vector<1x1x16xf32> to vector<16xf32>
        %get3A_296 = arith.constant 0 : i32
        %get3A_297 = arith.index_cast %get3A_296 : i32 to index
        %get3A_298 = arith.index_cast %scan3A_205 : i32 to index
        %get3A_299 = arith.constant 240 : index
        %get3A_300 = tpu.vector_load %arg7[%get3A_297, %get3A_298, %get3A_299] {strides = array<i32>} : memref<2x16x256xf32, #tpu.memory_space<vmem>>, vector<1x1x16xf32>,
        %get3A_301 = vector.shape_cast %get3A_300 : vector<1x1x16xf32> to vector<16xf32>
        %mul3A_302 = arith.constant 8 : i32
        %mul3A_303 = arith.muli %scan3A_205, %mul3A_302 : i32
        %add3A_304 = arith.constant 0 : i32
        %add3A_305 = arith.addi %mul3A_303, %add3A_304 : i32
        %get3A_306 = arith.constant 0 : i32
        %get3A_307 = arith.index_cast %get3A_306 : i32 to index
        %get3A_308 = arith.index_cast %add3A_305 : i32 to index
        %get3A_309 = arith.constant 0 : index
        %get3A_310 = tpu.vector_load %arg6[%get3A_307, %get3A_308, %get3A_309] {strides = array<i32>} : memref<2x128x256xf32, #tpu.memory_space<vmem>>, vector<1x1x16xf32>,
        %get3A_311 = vector.shape_cast %get3A_310 : vector<1x1x16xf32> to vector<16xf32>
        %sub3A = arith.subf %get3A_311, %get3A_211 : vector<16xf32>
        %mul3A_312 = arith.mulf %sub3A, %sub3A : vector<16xf32>
        %get3A_313 = arith.constant 0 : i32
        %get3A_314 = arith.index_cast %get3A_313 : i32 to index
        %get3A_315 = arith.index_cast %add3A_305 : i32 to index
        %get3A_316 = arith.constant 16 : index
        %get3A_317 = tpu.vector_load %arg6[%get3A_314, %get3A_315, %get3A_316] {strides = array<i32>} : memref<2x128x256xf32, #tpu.memory_space<vmem>>, vector<1x1x16xf32>,
        %get3A_318 = vector.shape_cast %get3A_317 : vector<1x1x16xf32> to vector<16xf32>
        %sub3A_319 = arith.subf %get3A_318, %get3A_217 : vector<16xf32>
        %mul3A_320 = arith.mulf %sub3A_319, %sub3A_319 : vector<16xf32>
        %get3A_321 = arith.constant 0 : i32
        %get3A_322 = arith.index_cast %get3A_321 : i32 to index
        %get3A_323 = arith.index_cast %add3A_305 : i32 to index
        %get3A_324 = arith.constant 32 : index
        %get3A_325 = tpu.vector_load %arg6[%get3A_322, %get3A_323, %get3A_324] {strides = array<i32>} : memref<2x128x256xf32, #tpu.memory_space<vmem>>, vector<1x1x16xf32>,
        %get3A_326 = vector.shape_cast %get3A_325 : vector<1x1x16xf32> to vector<16xf32>
        %sub3A_327 = arith.subf %get3A_326, %get3A_223 : vector<16xf32>
        %mul3A_328 = arith.mulf %sub3A_327, %sub3A_327 : vector<16xf32>
        %get3A_329 = arith.constant 0 : i32
        %get3A_330 = arith.index_cast %get3A_329 : i32 to index
        %get3A_331 = arith.index_cast %add3A_305 : i32 to index
        %get3A_332 = arith.constant 48 : index
        %get3A_333 = tpu.vector_load %arg6[%get3A_330, %get3A_331, %get3A_332] {strides = array<i32>} : memref<2x128x256xf32, #tpu.memory_space<vmem>>, vector<1x1x16xf32>,
        %get3A_334 = vector.shape_cast %get3A_333 : vector<1x1x16xf32> to vector<16xf32>
        %sub3A_335 = arith.subf %get3A_334, %get3A_229 : vector<16xf32>
        %mul3A_336 = arith.mulf %sub3A_335, %sub3A_335 : vector<16xf32>
        %get3A_337 = arith.constant 0 : i32
        %get3A_338 = arith.index_cast %get3A_337 : i32 to index
        %get3A_339 = arith.index_cast %add3A_305 : i32 to index
        %get3A_340 = arith.constant 64 : index
        %get3A_341 = tpu.vector_load %arg6[%get3A_338, %get3A_339, %get3A_340] {strides = array<i32>} : memref<2x128x256xf32, #tpu.memory_space<vmem>>, vector<1x1x16xf32>,
        %get3A_342 = vector.shape_cast %get3A_341 : vector<1x1x16xf32> to vector<16xf32>
        %sub3A_343 = arith.subf %get3A_342, %get3A_235 : vector<16xf32>
        %mul3A_344 = arith.mulf %sub3A_343, %sub3A_343 : vector<16xf32>
        %get3A_345 = arith.constant 0 : i32
        %get3A_346 = arith.index_cast %get3A_345 : i32 to index
        %get3A_347 = arith.index_cast %add3A_305 : i32 to index
        %get3A_348 = arith.constant 80 : index
        %get3A_349 = tpu.vector_load %arg6[%get3A_346, %get3A_347, %get3A_348] {strides = array<i32>} : memref<2x128x256xf32, #tpu.memory_space<vmem>>, vector<1x1x16xf32>,
        %get3A_350 = vector.shape_cast %get3A_349 : vector<1x1x16xf32> to vector<16xf32>
        %sub3A_351 = arith.subf %get3A_350, %get3A_241 : vector<16xf32>
        %mul3A_352 = arith.mulf %sub3A_351, %sub3A_351 : vector<16xf32>
        %get3A_353 = arith.constant 0 : i32
        %get3A_354 = arith.index_cast %get3A_353 : i32 to index
        %get3A_355 = arith.index_cast %add3A_305 : i32 to index
        %get3A_356 = arith.constant 96 : index
        %get3A_357 = tpu.vector_load %arg6[%get3A_354, %get3A_355, %get3A_356] {strides = array<i32>} : memref<2x128x256xf32, #tpu.memory_space<vmem>>, vector<1x1x16xf32>,
        %get3A_358 = vector.shape_cast %get3A_357 : vector<1x1x16xf32> to vector<16xf32>
        %sub3A_359 = arith.subf %get3A_358, %get3A_247 : vector<16xf32>
        %mul3A_360 = arith.mulf %sub3A_359, %sub3A_359 : vector<16xf32>
        %get3A_361 = arith.constant 0 : i32
        %get3A_362 = arith.index_cast %get3A_361 : i32 to index
        %get3A_363 = arith.index_cast %add3A_305 : i32 to index
        %get3A_364 = arith.constant 112 : index
        %get3A_365 = tpu.vector_load %arg6[%get3A_362, %get3A_363, %get3A_364] {strides = array<i32>} : memref<2x128x256xf32, #tpu.memory_space<vmem>>, vector<1x1x16xf32>,
        %get3A_366 = vector.shape_cast %get3A_365 : vector<1x1x16xf32> to vector<16xf32>
        %sub3A_367 = arith.subf %get3A_366, %get3A_253 : vector<16xf32>
        %mul3A_368 = arith.mulf %sub3A_367, %sub3A_367 : vector<16xf32>
        %get3A_369 = arith.constant 0 : i32
        %get3A_370 = arith.index_cast %get3A_369 : i32 to index
        %get3A_371 = arith.index_cast %add3A_305 : i32 to index
        %get3A_372 = arith.constant 128 : index
        %get3A_373 = tpu.vector_load %arg6[%get3A_370, %get3A_371, %get3A_372] {strides = array<i32>} : memref<2x128x256xf32, #tpu.memory_space<vmem>>, vector<1x1x16xf32>,
        %get3A_374 = vector.shape_cast %get3A_373 : vector<1x1x16xf32> to vector<16xf32>
        %sub3A_375 = arith.subf %get3A_374, %get3A_259 : vector<16xf32>
        %mul3A_376 = arith.mulf %sub3A_375, %sub3A_375 : vector<16xf32>
        %add3A_377 = arith.addf %mul3A_312, %mul3A_376 : vector<16xf32>
        %get3A_378 = arith.constant 0 : i32
        %get3A_379 = arith.index_cast %get3A_378 : i32 to index
        %get3A_380 = arith.index_cast %add3A_305 : i32 to index
        %get3A_381 = arith.constant 144 : index
        %get3A_382 = tpu.vector_load %arg6[%get3A_379, %get3A_380, %get3A_381] {strides = array<i32>} : memref<2x128x256xf32, #tpu.memory_space<vmem>>, vector<1x1x16xf32>,
        %get3A_383 = vector.shape_cast %get3A_382 : vector<1x1x16xf32> to vector<16xf32>
        %sub3A_384 = arith.subf %get3A_383, %get3A_265 : vector<16xf32>
        %mul3A_385 = arith.mulf %sub3A_384, %sub3A_384 : vector<16xf32>
        %add3A_386 = arith.addf %mul3A_320, %mul3A_385 : vector<16xf32>
        %get3A_387 = arith.constant 0 : i32
        %get3A_388 = arith.index_cast %get3A_387 : i32 to index
        %get3A_389 = arith.index_cast %add3A_305 : i32 to index
        %get3A_390 = arith.constant 160 : index
        %get3A_391 = tpu.vector_load %arg6[%get3A_388, %get3A_389, %get3A_390] {strides = array<i32>} : memref<2x128x256xf32, #tpu.memory_space<vmem>>, vector<1x1x16xf32>,
        %get3A_392 = vector.shape_cast %get3A_391 : vector<1x1x16xf32> to vector<16xf32>
        %sub3A_393 = arith.subf %get3A_392, %get3A_271 : vector<16xf32>
        %mul3A_394 = arith.mulf %sub3A_393, %sub3A_393 : vector<16xf32>
        %add3A_395 = arith.addf %mul3A_328, %mul3A_394 : vector<16xf32>
        %get3A_396 = arith.constant 0 : i32
        %get3A_397 = arith.index_cast %get3A_396 : i32 to index
        %get3A_398 = arith.index_cast %add3A_305 : i32 to index
        %get3A_399 = arith.constant 176 : index
        %get3A_400 = tpu.vector_load %arg6[%get3A_397, %get3A_398, %get3A_399] {strides = array<i32>} : memref<2x128x256xf32, #tpu.memory_space<vmem>>, vector<1x1x16xf32>,
        %get3A_401 = vector.shape_cast %get3A_400 : vector<1x1x16xf32> to vector<16xf32>
        %sub3A_402 = arith.subf %get3A_401, %get3A_277 : vector<16xf32>
        %mul3A_403 = arith.mulf %sub3A_402, %sub3A_402 : vector<16xf32>
        %add3A_404 = arith.addf %mul3A_336, %mul3A_403 : vector<16xf32>
        %get3A_405 = arith.constant 0 : i32
        %get3A_406 = arith.index_cast %get3A_405 : i32 to index
        %get3A_407 = arith.index_cast %add3A_305 : i32 to index
        %get3A_408 = arith.constant 192 : index
        %get3A_409 = tpu.vector_load %arg6[%get3A_406, %get3A_407, %get3A_408] {strides = array<i32>} : memref<2x128x256xf32, #tpu.memory_space<vmem>>, vector<1x1x16xf32>,
        %get3A_410 = vector.shape_cast %get3A_409 : vector<1x1x16xf32> to vector<16xf32>
        %sub3A_411 = arith.subf %get3A_410, %get3A_283 : vector<16xf32>
        %mul3A_412 = arith.mulf %sub3A_411, %sub3A_411 : vector<16xf32>
        %add3A_413 = arith.addf %mul3A_344, %mul3A_412 : vector<16xf32>
        %get3A_414 = arith.constant 0 : i32
        %get3A_415 = arith.index_cast %get3A_414 : i32 to index
        %get3A_416 = arith.index_cast %add3A_305 : i32 to index
        %get3A_417 = arith.constant 208 : index
        %get3A_418 = tpu.vector_load %arg6[%get3A_415, %get3A_416, %get3A_417] {strides = array<i32>} : memref<2x128x256xf32, #tpu.memory_space<vmem>>, vector<1x1x16xf32>,
        %get3A_419 = vector.shape_cast %get3A_418 : vector<1x1x16xf32> to vector<16xf32>
        %sub3A_420 = arith.subf %get3A_419, %get3A_289 : vector<16xf32>
        %mul3A_421 = arith.mulf %sub3A_420, %sub3A_420 : vector<16xf32>
        %add3A_422 = arith.addf %mul3A_352, %mul3A_421 : vector<16xf32>
        %get3A_423 = arith.constant 0 : i32
        %get3A_424 = arith.index_cast %get3A_423 : i32 to index
        %get3A_425 = arith.index_cast %add3A_305 : i32 to index
        %get3A_426 = arith.constant 224 : index
        %get3A_427 = tpu.vector_load %arg6[%get3A_424, %get3A_425, %get3A_426] {strides = array<i32>} : memref<2x128x256xf32, #tpu.memory_space<vmem>>, vector<1x1x16xf32>,
        %get3A_428 = vector.shape_cast %get3A_427 : vector<1x1x16xf32> to vector<16xf32>
        %sub3A_429 = arith.subf %get3A_428, %get3A_295 : vector<16xf32>
        %mul3A_430 = arith.mulf %sub3A_429, %sub3A_429 : vector<16xf32>
        %add3A_431 = arith.addf %mul3A_360, %mul3A_430 : vector<16xf32>
        %get3A_432 = arith.constant 0 : i32
        %get3A_433 = arith.index_cast %get3A_432 : i32 to index
        %get3A_434 = arith.index_cast %add3A_305 : i32 to index
        %get3A_435 = arith.constant 240 : index
        %get3A_436 = tpu.vector_load %arg6[%get3A_433, %get3A_434, %get3A_435] {strides = array<i32>} : memref<2x128x256xf32, #tpu.memory_space<vmem>>, vector<1x1x16xf32>,
        %get3A_437 = vector.shape_cast %get3A_436 : vector<1x1x16xf32> to vector<16xf32>
        %sub3A_438 = arith.subf %get3A_437, %get3A_301 : vector<16xf32>
        %mul3A_439 = arith.mulf %sub3A_438, %sub3A_438 : vector<16xf32>
        %add3A_440 = arith.addf %mul3A_368, %mul3A_439 : vector<16xf32>
        %add3A_441 = arith.addf %add3A_377, %add3A_386 : vector<16xf32>
        %add3A_442 = arith.addf %add3A_395, %add3A_404 : vector<16xf32>
        %add3A_443 = arith.addf %add3A_413, %add3A_422 : vector<16xf32>
        %add3A_444 = arith.addf %add3A_431, %add3A_440 : vector<16xf32>
        %add3A_445 = arith.addf %add3A_441, %add3A_442 : vector<16xf32>
        %add3A_446 = arith.addf %add3A_443, %add3A_444 : vector<16xf32>
        %add3A_447 = arith.addf %add3A_445, %add3A_446 : vector<16xf32>
        %swap3A = arith.constant 0 : i32
        %swap3A_448 = arith.index_cast %swap3A : i32 to index
        %swap3A_449 = arith.index_cast %add3A_305 : i32 to index
        %swap3A_450 = arith.constant 0 : index
        %swap3A_451 = tpu.vector_load %arg8[%swap3A_448, %swap3A_449, %swap3A_450] {strides = array<i32>} : memref<2x128x16xf32, #tpu.memory_space<vmem>>, vector<1x1x16xf32>,
        %swap3A_452 = vector.shape_cast %swap3A_451 : vector<1x1x16xf32> to vector<16xf32>
        %swap3A_453 = vector.shape_cast %add3A_447 : vector<16xf32> to vector<1x1x16xf32>
        tpu.vector_store %arg8[%swap3A_448, %swap3A_449, %swap3A_450], %swap3A_453 {strides = array<i32>} : memref<2x128x16xf32, #tpu.memory_space<vmem>>, vector<1x1x16xf32>,
        %mul3A_454 = arith.constant 8 : i32
        %mul3A_455 = arith.muli %scan3A_205, %mul3A_454 : i32
        %add3A_456 = arith.constant 1 : i32
        %add3A_457 = arith.addi %mul3A_455, %add3A_456 : i32
        %get3A_458 = arith.constant 0 : i32
        %get3A_459 = arith.index_cast %get3A_458 : i32 to index
        %get3A_460 = arith.index_cast %add3A_457 : i32 to index
        %get3A_461 = arith.constant 0 : index
        %get3A_462 = tpu.vector_load %arg6[%get3A_459, %get3A_460, %get3A_461] {strides = array<i32>} : memref<2x128x256xf32, #tpu.memory_space<vmem>>, vector<1x1x16xf32>,
        %get3A_463 = vector.shape_cast %get3A_462 : vector<1x1x16xf32> to vector<16xf32>
        %sub3A_464 = arith.subf %get3A_463, %get3A_211 : vector<16xf32>
        %mul3A_465 = arith.mulf %sub3A_464, %sub3A_464 : vector<16xf32>
        %get3A_466 = arith.constant 0 : i32
        %get3A_467 = arith.index_cast %get3A_466 : i32 to index
        %get3A_468 = arith.index_cast %add3A_457 : i32 to index
        %get3A_469 = arith.constant 16 : index
        %get3A_470 = tpu.vector_load %arg6[%get3A_467, %get3A_468, %get3A_469] {strides = array<i32>} : memref<2x128x256xf32, #tpu.memory_space<vmem>>, vector<1x1x16xf32>,
        %get3A_471 = vector.shape_cast %get3A_470 : vector<1x1x16xf32> to vector<16xf32>
        %sub3A_472 = arith.subf %get3A_471, %get3A_217 : vector<16xf32>
        %mul3A_473 = arith.mulf %sub3A_472, %sub3A_472 : vector<16xf32>
        %get3A_474 = arith.constant 0 : i32
        %get3A_475 = arith.index_cast %get3A_474 : i32 to index
        %get3A_476 = arith.index_cast %add3A_457 : i32 to index
        %get3A_477 = arith.constant 32 : index
        %get3A_478 = tpu.vector_load %arg6[%get3A_475, %get3A_476, %get3A_477] {strides = array<i32>} : memref<2x128x256xf32, #tpu.memory_space<vmem>>, vector<1x1x16xf32>,
        %get3A_479 = vector.shape_cast %get3A_478 : vector<1x1x16xf32> to vector<16xf32>
        %sub3A_480 = arith.subf %get3A_479, %get3A_223 : vector<16xf32>
        %mul3A_481 = arith.mulf %sub3A_480, %sub3A_480 : vector<16xf32>
        %get3A_482 = arith.constant 0 : i32
        %get3A_483 = arith.index_cast %get3A_482 : i32 to index
        %get3A_484 = arith.index_cast %add3A_457 : i32 to index
        %get3A_485 = arith.constant 48 : index
        %get3A_486 = tpu.vector_load %arg6[%get3A_483, %get3A_484, %get3A_485] {strides = array<i32>} : memref<2x128x256xf32, #tpu.memory_space<vmem>>, vector<1x1x16xf32>,
        %get3A_487 = vector.shape_cast %get3A_486 : vector<1x1x16xf32> to vector<16xf32>
        %sub3A_488 = arith.subf %get3A_487, %get3A_229 : vector<16xf32>
        %mul3A_489 = arith.mulf %sub3A_488, %sub3A_488 : vector<16xf32>
        %get3A_490 = arith.constant 0 : i32
        %get3A_491 = arith.index_cast %get3A_490 : i32 to index
        %get3A_492 = arith.index_cast %add3A_457 : i32 to index
        %get3A_493 = arith.constant 64 : index
        %get3A_494 = tpu.vector_load %arg6[%get3A_491, %get3A_492, %get3A_493] {strides = array<i32>} : memref<2x128x256xf32, #tpu.memory_space<vmem>>, vector<1x1x16xf32>,
        %get3A_495 = vector.shape_cast %get3A_494 : vector<1x1x16xf32> to vector<16xf32>
        %sub3A_496 = arith.subf %get3A_495, %get3A_235 : vector<16xf32>
        %mul3A_497 = arith.mulf %sub3A_496, %sub3A_496 : vector<16xf32>
        %get3A_498 = arith.constant 0 : i32
        %get3A_499 = arith.index_cast %get3A_498 : i32 to index
        %get3A_500 = arith.index_cast %add3A_457 : i32 to index
        %get3A_501 = arith.constant 80 : index
        %get3A_502 = tpu.vector_load %arg6[%get3A_499, %get3A_500, %get3A_501] {strides = array<i32>} : memref<2x128x256xf32, #tpu.memory_space<vmem>>, vector<1x1x16xf32>,
        %get3A_503 = vector.shape_cast %get3A_502 : vector<1x1x16xf32> to vector<16xf32>
        %sub3A_504 = arith.subf %get3A_503, %get3A_241 : vector<16xf32>
        %mul3A_505 = arith.mulf %sub3A_504, %sub3A_504 : vector<16xf32>
        %get3A_506 = arith.constant 0 : i32
        %get3A_507 = arith.index_cast %get3A_506 : i32 to index
        %get3A_508 = arith.index_cast %add3A_457 : i32 to index
        %get3A_509 = arith.constant 96 : index
        %get3A_510 = tpu.vector_load %arg6[%get3A_507, %get3A_508, %get3A_509] {strides = array<i32>} : memref<2x128x256xf32, #tpu.memory_space<vmem>>, vector<1x1x16xf32>,
        %get3A_511 = vector.shape_cast %get3A_510 : vector<1x1x16xf32> to vector<16xf32>
        %sub3A_512 = arith.subf %get3A_511, %get3A_247 : vector<16xf32>
        %mul3A_513 = arith.mulf %sub3A_512, %sub3A_512 : vector<16xf32>
        %get3A_514 = arith.constant 0 : i32
        %get3A_515 = arith.index_cast %get3A_514 : i32 to index
        %get3A_516 = arith.index_cast %add3A_457 : i32 to index
        %get3A_517 = arith.constant 112 : index
        %get3A_518 = tpu.vector_load %arg6[%get3A_515, %get3A_516, %get3A_517] {strides = array<i32>} : memref<2x128x256xf32, #tpu.memory_space<vmem>>, vector<1x1x16xf32>,
        %get3A_519 = vector.shape_cast %get3A_518 : vector<1x1x16xf32> to vector<16xf32>
        %sub3A_520 = arith.subf %get3A_519, %get3A_253 : vector<16xf32>
        %mul3A_521 = arith.mulf %sub3A_520, %sub3A_520 : vector<16xf32>
        %get3A_522 = arith.constant 0 : i32
        %get3A_523 = arith.index_cast %get3A_522 : i32 to index
        %get3A_524 = arith.index_cast %add3A_457 : i32 to index
        %get3A_525 = arith.constant 128 : index
        %get3A_526 = tpu.vector_load %arg6[%get3A_523, %get3A_524, %get3A_525] {strides = array<i32>} : memref<2x128x256xf32, #tpu.memory_space<vmem>>, vector<1x1x16xf32>,
        %get3A_527 = vector.shape_cast %get3A_526 : vector<1x1x16xf32> to vector<16xf32>
        %sub3A_528 = arith.subf %get3A_527, %get3A_259 : vector<16xf32>
        %mul3A_529 = arith.mulf %sub3A_528, %sub3A_528 : vector<16xf32>
        %add3A_530 = arith.addf %mul3A_465, %mul3A_529 : vector<16xf32>
        %get3A_531 = arith.constant 0 : i32
        %get3A_532 = arith.index_cast %get3A_531 : i32 to index
        %get3A_533 = arith.index_cast %add3A_457 : i32 to index
        %get3A_534 = arith.constant 144 : index
        %get3A_535 = tpu.vector_load %arg6[%get3A_532, %get3A_533, %get3A_534] {strides = array<i32>} : memref<2x128x256xf32, #tpu.memory_space<vmem>>, vector<1x1x16xf32>,
        %get3A_536 = vector.shape_cast %get3A_535 : vector<1x1x16xf32> to vector<16xf32>
        %sub3A_537 = arith.subf %get3A_536, %get3A_265 : vector<16xf32>
        %mul3A_538 = arith.mulf %sub3A_537, %sub3A_537 : vector<16xf32>
        %add3A_539 = arith.addf %mul3A_473, %mul3A_538 : vector<16xf32>
        %get3A_540 = arith.constant 0 : i32
        %get3A_541 = arith.index_cast %get3A_540 : i32 to index
        %get3A_542 = arith.index_cast %add3A_457 : i32 to index
        %get3A_543 = arith.constant 160 : index
        %get3A_544 = tpu.vector_load %arg6[%get3A_541, %get3A_542, %get3A_543] {strides = array<i32>} : memref<2x128x256xf32, #tpu.memory_space<vmem>>, vector<1x1x16xf32>,
        %get3A_545 = vector.shape_cast %get3A_544 : vector<1x1x16xf32> to vector<16xf32>
        %sub3A_546 = arith.subf %get3A_545, %get3A_271 : vector<16xf32>
        %mul3A_547 = arith.mulf %sub3A_546, %sub3A_546 : vector<16xf32>
        %add3A_548 = arith.addf %mul3A_481, %mul3A_547 : vector<16xf32>
        %get3A_549 = arith.constant 0 : i32
        %get3A_550 = arith.index_cast %get3A_549 : i32 to index
        %get3A_551 = arith.index_cast %add3A_457 : i32 to index
        %get3A_552 = arith.constant 176 : index
        %get3A_553 = tpu.vector_load %arg6[%get3A_550, %get3A_551, %get3A_552] {strides = array<i32>} : memref<2x128x256xf32, #tpu.memory_space<vmem>>, vector<1x1x16xf32>,
        %get3A_554 = vector.shape_cast %get3A_553 : vector<1x1x16xf32> to vector<16xf32>
        %sub3A_555 = arith.subf %get3A_554, %get3A_277 : vector<16xf32>
        %mul3A_556 = arith.mulf %sub3A_555, %sub3A_555 : vector<16xf32>
        %add3A_557 = arith.addf %mul3A_489, %mul3A_556 : vector<16xf32>
        %get3A_558 = arith.constant 0 : i32
        %get3A_559 = arith.index_cast %get3A_558 : i32 to index
        %get3A_560 = arith.index_cast %add3A_457 : i32 to index
        %get3A_561 = arith.constant 192 : index
        %get3A_562 = tpu.vector_load %arg6[%get3A_559, %get3A_560, %get3A_561] {strides = array<i32>} : memref<2x128x256xf32, #tpu.memory_space<vmem>>, vector<1x1x16xf32>,
        %get3A_563 = vector.shape_cast %get3A_562 : vector<1x1x16xf32> to vector<16xf32>
        %sub3A_564 = arith.subf %get3A_563, %get3A_283 : vector<16xf32>
        %mul3A_565 = arith.mulf %sub3A_564, %sub3A_564 : vector<16xf32>
        %add3A_566 = arith.addf %mul3A_497, %mul3A_565 : vector<16xf32>
        %get3A_567 = arith.constant 0 : i32
        %get3A_568 = arith.index_cast %get3A_567 : i32 to index
        %get3A_569 = arith.index_cast %add3A_457 : i32 to index
        %get3A_570 = arith.constant 208 : index
        %get3A_571 = tpu.vector_load %arg6[%get3A_568, %get3A_569, %get3A_570] {strides = array<i32>} : memref<2x128x256xf32, #tpu.memory_space<vmem>>, vector<1x1x16xf32>,
        %get3A_572 = vector.shape_cast %get3A_571 : vector<1x1x16xf32> to vector<16xf32>
        %sub3A_573 = arith.subf %get3A_572, %get3A_289 : vector<16xf32>
        %mul3A_574 = arith.mulf %sub3A_573, %sub3A_573 : vector<16xf32>
        %add3A_575 = arith.addf %mul3A_505, %mul3A_574 : vector<16xf32>
        %get3A_576 = arith.constant 0 : i32
        %get3A_577 = arith.index_cast %get3A_576 : i32 to index
        %get3A_578 = arith.index_cast %add3A_457 : i32 to index
        %get3A_579 = arith.constant 224 : index
        %get3A_580 = tpu.vector_load %arg6[%get3A_577, %get3A_578, %get3A_579] {strides = array<i32>} : memref<2x128x256xf32, #tpu.memory_space<vmem>>, vector<1x1x16xf32>,
        %get3A_581 = vector.shape_cast %get3A_580 : vector<1x1x16xf32> to vector<16xf32>
        %sub3A_582 = arith.subf %get3A_581, %get3A_295 : vector<16xf32>
        %mul3A_583 = arith.mulf %sub3A_582, %sub3A_582 : vector<16xf32>
        %add3A_584 = arith.addf %mul3A_513, %mul3A_583 : vector<16xf32>
        %get3A_585 = arith.constant 0 : i32
        %get3A_586 = arith.index_cast %get3A_585 : i32 to index
        %get3A_587 = arith.index_cast %add3A_457 : i32 to index
        %get3A_588 = arith.constant 240 : index
        %get3A_589 = tpu.vector_load %arg6[%get3A_586, %get3A_587, %get3A_588] {strides = array<i32>} : memref<2x128x256xf32, #tpu.memory_space<vmem>>, vector<1x1x16xf32>,
        %get3A_590 = vector.shape_cast %get3A_589 : vector<1x1x16xf32> to vector<16xf32>
        %sub3A_591 = arith.subf %get3A_590, %get3A_301 : vector<16xf32>
        %mul3A_592 = arith.mulf %sub3A_591, %sub3A_591 : vector<16xf32>
        %add3A_593 = arith.addf %mul3A_521, %mul3A_592 : vector<16xf32>
        %add3A_594 = arith.addf %add3A_530, %add3A_539 : vector<16xf32>
        %add3A_595 = arith.addf %add3A_548, %add3A_557 : vector<16xf32>
        %add3A_596 = arith.addf %add3A_566, %add3A_575 : vector<16xf32>
        %add3A_597 = arith.addf %add3A_584, %add3A_593 : vector<16xf32>
        %add3A_598 = arith.addf %add3A_594, %add3A_595 : vector<16xf32>
        %add3A_599 = arith.addf %add3A_596, %add3A_597 : vector<16xf32>
        %add3A_600 = arith.addf %add3A_598, %add3A_599 : vector<16xf32>
        %swap3A_601 = arith.constant 0 : i32
        %swap3A_602 = arith.index_cast %swap3A_601 : i32 to index
        %swap3A_603 = arith.index_cast %add3A_457 : i32 to index
        %swap3A_604 = arith.constant 0 : index
        %swap3A_605 = tpu.vector_load %arg8[%swap3A_602, %swap3A_603, %swap3A_604] {strides = array<i32>} : memref<2x128x16xf32, #tpu.memory_space<vmem>>, vector<1x1x16xf32>,
        %swap3A_606 = vector.shape_cast %swap3A_605 : vector<1x1x16xf32> to vector<16xf32>
        %swap3A_607 = vector.shape_cast %add3A_600 : vector<16xf32> to vector<1x1x16xf32>
        tpu.vector_store %arg8[%swap3A_602, %swap3A_603, %swap3A_604], %swap3A_607 {strides = array<i32>} : memref<2x128x16xf32, #tpu.memory_space<vmem>>, vector<1x1x16xf32>,
        %mul3A_608 = arith.constant 8 : i32
        %mul3A_609 = arith.muli %scan3A_205, %mul3A_608 : i32
        %add3A_610 = arith.constant 2 : i32
        %add3A_611 = arith.addi %mul3A_609, %add3A_610 : i32
        %get3A_612 = arith.constant 0 : i32
        %get3A_613 = arith.index_cast %get3A_612 : i32 to index
        %get3A_614 = arith.index_cast %add3A_611 : i32 to index
        %get3A_615 = arith.constant 0 : index
        %get3A_616 = tpu.vector_load %arg6[%get3A_613, %get3A_614, %get3A_615] {strides = array<i32>} : memref<2x128x256xf32, #tpu.memory_space<vmem>>, vector<1x1x16xf32>,
        %get3A_617 = vector.shape_cast %get3A_616 : vector<1x1x16xf32> to vector<16xf32>
        %sub3A_618 = arith.subf %get3A_617, %get3A_211 : vector<16xf32>
        %mul3A_619 = arith.mulf %sub3A_618, %sub3A_618 : vector<16xf32>
        %get3A_620 = arith.constant 0 : i32
        %get3A_621 = arith.index_cast %get3A_620 : i32 to index
        %get3A_622 = arith.index_cast %add3A_611 : i32 to index
        %get3A_623 = arith.constant 16 : index
        %get3A_624 = tpu.vector_load %arg6[%get3A_621, %get3A_622, %get3A_623] {strides = array<i32>} : memref<2x128x256xf32, #tpu.memory_space<vmem>>, vector<1x1x16xf32>,
        %get3A_625 = vector.shape_cast %get3A_624 : vector<1x1x16xf32> to vector<16xf32>
        %sub3A_626 = arith.subf %get3A_625, %get3A_217 : vector<16xf32>
        %mul3A_627 = arith.mulf %sub3A_626, %sub3A_626 : vector<16xf32>
        %get3A_628 = arith.constant 0 : i32
        %get3A_629 = arith.index_cast %get3A_628 : i32 to index
        %get3A_630 = arith.index_cast %add3A_611 : i32 to index
        %get3A_631 = arith.constant 32 : index
        %get3A_632 = tpu.vector_load %arg6[%get3A_629, %get3A_630, %get3A_631] {strides = array<i32>} : memref<2x128x256xf32, #tpu.memory_space<vmem>>, vector<1x1x16xf32>,
        %get3A_633 = vector.shape_cast %get3A_632 : vector<1x1x16xf32> to vector<16xf32>
        %sub3A_634 = arith.subf %get3A_633, %get3A_223 : vector<16xf32>
        %mul3A_635 = arith.mulf %sub3A_634, %sub3A_634 : vector<16xf32>
        %get3A_636 = arith.constant 0 : i32
        %get3A_637 = arith.index_cast %get3A_636 : i32 to index
        %get3A_638 = arith.index_cast %add3A_611 : i32 to index
        %get3A_639 = arith.constant 48 : index
        %get3A_640 = tpu.vector_load %arg6[%get3A_637, %get3A_638, %get3A_639] {strides = array<i32>} : memref<2x128x256xf32, #tpu.memory_space<vmem>>, vector<1x1x16xf32>,
        %get3A_641 = vector.shape_cast %get3A_640 : vector<1x1x16xf32> to vector<16xf32>
        %sub3A_642 = arith.subf %get3A_641, %get3A_229 : vector<16xf32>
        %mul3A_643 = arith.mulf %sub3A_642, %sub3A_642 : vector<16xf32>
        %get3A_644 = arith.constant 0 : i32
        %get3A_645 = arith.index_cast %get3A_644 : i32 to index
        %get3A_646 = arith.index_cast %add3A_611 : i32 to index
        %get3A_647 = arith.constant 64 : index
        %get3A_648 = tpu.vector_load %arg6[%get3A_645, %get3A_646, %get3A_647] {strides = array<i32>} : memref<2x128x256xf32, #tpu.memory_space<vmem>>, vector<1x1x16xf32>,
        %get3A_649 = vector.shape_cast %get3A_648 : vector<1x1x16xf32> to vector<16xf32>
        %sub3A_650 = arith.subf %get3A_649, %get3A_235 : vector<16xf32>
        %mul3A_651 = arith.mulf %sub3A_650, %sub3A_650 : vector<16xf32>
        %get3A_652 = arith.constant 0 : i32
        %get3A_653 = arith.index_cast %get3A_652 : i32 to index
        %get3A_654 = arith.index_cast %add3A_611 : i32 to index
        %get3A_655 = arith.constant 80 : index
        %get3A_656 = tpu.vector_load %arg6[%get3A_653, %get3A_654, %get3A_655] {strides = array<i32>} : memref<2x128x256xf32, #tpu.memory_space<vmem>>, vector<1x1x16xf32>,
        %get3A_657 = vector.shape_cast %get3A_656 : vector<1x1x16xf32> to vector<16xf32>
        %sub3A_658 = arith.subf %get3A_657, %get3A_241 : vector<16xf32>
        %mul3A_659 = arith.mulf %sub3A_658, %sub3A_658 : vector<16xf32>
        %get3A_660 = arith.constant 0 : i32
        %get3A_661 = arith.index_cast %get3A_660 : i32 to index
        %get3A_662 = arith.index_cast %add3A_611 : i32 to index
        %get3A_663 = arith.constant 96 : index
        %get3A_664 = tpu.vector_load %arg6[%get3A_661, %get3A_662, %get3A_663] {strides = array<i32>} : memref<2x128x256xf32, #tpu.memory_space<vmem>>, vector<1x1x16xf32>,
        %get3A_665 = vector.shape_cast %get3A_664 : vector<1x1x16xf32> to vector<16xf32>
        %sub3A_666 = arith.subf %get3A_665, %get3A_247 : vector<16xf32>
        %mul3A_667 = arith.mulf %sub3A_666, %sub3A_666 : vector<16xf32>
        %get3A_668 = arith.constant 0 : i32
        %get3A_669 = arith.index_cast %get3A_668 : i32 to index
        %get3A_670 = arith.index_cast %add3A_611 : i32 to index
        %get3A_671 = arith.constant 112 : index
        %get3A_672 = tpu.vector_load %arg6[%get3A_669, %get3A_670, %get3A_671] {strides = array<i32>} : memref<2x128x256xf32, #tpu.memory_space<vmem>>, vector<1x1x16xf32>,
        %get3A_673 = vector.shape_cast %get3A_672 : vector<1x1x16xf32> to vector<16xf32>
        %sub3A_674 = arith.subf %get3A_673, %get3A_253 : vector<16xf32>
        %mul3A_675 = arith.mulf %sub3A_674, %sub3A_674 : vector<16xf32>
        %get3A_676 = arith.constant 0 : i32
        %get3A_677 = arith.index_cast %get3A_676 : i32 to index
        %get3A_678 = arith.index_cast %add3A_611 : i32 to index
        %get3A_679 = arith.constant 128 : index
        %get3A_680 = tpu.vector_load %arg6[%get3A_677, %get3A_678, %get3A_679] {strides = array<i32>} : memref<2x128x256xf32, #tpu.memory_space<vmem>>, vector<1x1x16xf32>,
        %get3A_681 = vector.shape_cast %get3A_680 : vector<1x1x16xf32> to vector<16xf32>
        %sub3A_682 = arith.subf %get3A_681, %get3A_259 : vector<16xf32>
        %mul3A_683 = arith.mulf %sub3A_682, %sub3A_682 : vector<16xf32>
        %add3A_684 = arith.addf %mul3A_619, %mul3A_683 : vector<16xf32>
        %get3A_685 = arith.constant 0 : i32
        %get3A_686 = arith.index_cast %get3A_685 : i32 to index
        %get3A_687 = arith.index_cast %add3A_611 : i32 to index
        %get3A_688 = arith.constant 144 : index
        %get3A_689 = tpu.vector_load %arg6[%get3A_686, %get3A_687, %get3A_688] {strides = array<i32>} : memref<2x128x256xf32, #tpu.memory_space<vmem>>, vector<1x1x16xf32>,
        %get3A_690 = vector.shape_cast %get3A_689 : vector<1x1x16xf32> to vector<16xf32>
        %sub3A_691 = arith.subf %get3A_690, %get3A_265 : vector<16xf32>
        %mul3A_692 = arith.mulf %sub3A_691, %sub3A_691 : vector<16xf32>
        %add3A_693 = arith.addf %mul3A_627, %mul3A_692 : vector<16xf32>
        %get3A_694 = arith.constant 0 : i32
        %get3A_695 = arith.index_cast %get3A_694 : i32 to index
        %get3A_696 = arith.index_cast %add3A_611 : i32 to index
        %get3A_697 = arith.constant 160 : index
        %get3A_698 = tpu.vector_load %arg6[%get3A_695, %get3A_696, %get3A_697] {strides = array<i32>} : memref<2x128x256xf32, #tpu.memory_space<vmem>>, vector<1x1x16xf32>,
        %get3A_699 = vector.shape_cast %get3A_698 : vector<1x1x16xf32> to vector<16xf32>
        %sub3A_700 = arith.subf %get3A_699, %get3A_271 : vector<16xf32>
        %mul3A_701 = arith.mulf %sub3A_700, %sub3A_700 : vector<16xf32>
        %add3A_702 = arith.addf %mul3A_635, %mul3A_701 : vector<16xf32>
        %get3A_703 = arith.constant 0 : i32
        %get3A_704 = arith.index_cast %get3A_703 : i32 to index
        %get3A_705 = arith.index_cast %add3A_611 : i32 to index
        %get3A_706 = arith.constant 176 : index
        %get3A_707 = tpu.vector_load %arg6[%get3A_704, %get3A_705, %get3A_706] {strides = array<i32>} : memref<2x128x256xf32, #tpu.memory_space<vmem>>, vector<1x1x16xf32>,
        %get3A_708 = vector.shape_cast %get3A_707 : vector<1x1x16xf32> to vector<16xf32>
        %sub3A_709 = arith.subf %get3A_708, %get3A_277 : vector<16xf32>
        %mul3A_710 = arith.mulf %sub3A_709, %sub3A_709 : vector<16xf32>
        %add3A_711 = arith.addf %mul3A_643, %mul3A_710 : vector<16xf32>
        %get3A_712 = arith.constant 0 : i32
        %get3A_713 = arith.index_cast %get3A_712 : i32 to index
        %get3A_714 = arith.index_cast %add3A_611 : i32 to index
        %get3A_715 = arith.constant 192 : index
        %get3A_716 = tpu.vector_load %arg6[%get3A_713, %get3A_714, %get3A_715] {strides = array<i32>} : memref<2x128x256xf32, #tpu.memory_space<vmem>>, vector<1x1x16xf32>,
        %get3A_717 = vector.shape_cast %get3A_716 : vector<1x1x16xf32> to vector<16xf32>
        %sub3A_718 = arith.subf %get3A_717, %get3A_283 : vector<16xf32>
        %mul3A_719 = arith.mulf %sub3A_718, %sub3A_718 : vector<16xf32>
        %add3A_720 = arith.addf %mul3A_651, %mul3A_719 : vector<16xf32>
        %get3A_721 = arith.constant 0 : i32
        %get3A_722 = arith.index_cast %get3A_721 : i32 to index
        %get3A_723 = arith.index_cast %add3A_611 : i32 to index
        %get3A_724 = arith.constant 208 : index
        %get3A_725 = tpu.vector_load %arg6[%get3A_722, %get3A_723, %get3A_724] {strides = array<i32>} : memref<2x128x256xf32, #tpu.memory_space<vmem>>, vector<1x1x16xf32>,
        %get3A_726 = vector.shape_cast %get3A_725 : vector<1x1x16xf32> to vector<16xf32>
        %sub3A_727 = arith.subf %get3A_726, %get3A_289 : vector<16xf32>
        %mul3A_728 = arith.mulf %sub3A_727, %sub3A_727 : vector<16xf32>
        %add3A_729 = arith.addf %mul3A_659, %mul3A_728 : vector<16xf32>
        %get3A_730 = arith.constant 0 : i32
        %get3A_731 = arith.index_cast %get3A_730 : i32 to index
        %get3A_732 = arith.index_cast %add3A_611 : i32 to index
        %get3A_733 = arith.constant 224 : index
        %get3A_734 = tpu.vector_load %arg6[%get3A_731, %get3A_732, %get3A_733] {strides = array<i32>} : memref<2x128x256xf32, #tpu.memory_space<vmem>>, vector<1x1x16xf32>,
        %get3A_735 = vector.shape_cast %get3A_734 : vector<1x1x16xf32> to vector<16xf32>
        %sub3A_736 = arith.subf %get3A_735, %get3A_295 : vector<16xf32>
        %mul3A_737 = arith.mulf %sub3A_736, %sub3A_736 : vector<16xf32>
        %add3A_738 = arith.addf %mul3A_667, %mul3A_737 : vector<16xf32>
        %get3A_739 = arith.constant 0 : i32
        %get3A_740 = arith.index_cast %get3A_739 : i32 to index
        %get3A_741 = arith.index_cast %add3A_611 : i32 to index
        %get3A_742 = arith.constant 240 : index
        %get3A_743 = tpu.vector_load %arg6[%get3A_740, %get3A_741, %get3A_742] {strides = array<i32>} : memref<2x128x256xf32, #tpu.memory_space<vmem>>, vector<1x1x16xf32>,
        %get3A_744 = vector.shape_cast %get3A_743 : vector<1x1x16xf32> to vector<16xf32>
        %sub3A_745 = arith.subf %get3A_744, %get3A_301 : vector<16xf32>
        %mul3A_746 = arith.mulf %sub3A_745, %sub3A_745 : vector<16xf32>
        %add3A_747 = arith.addf %mul3A_675, %mul3A_746 : vector<16xf32>
        %add3A_748 = arith.addf %add3A_684, %add3A_693 : vector<16xf32>
        %add3A_749 = arith.addf %add3A_702, %add3A_711 : vector<16xf32>
        %add3A_750 = arith.addf %add3A_720, %add3A_729 : vector<16xf32>
        %add3A_751 = arith.addf %add3A_738, %add3A_747 : vector<16xf32>
        %add3A_752 = arith.addf %add3A_748, %add3A_749 : vector<16xf32>
        %add3A_753 = arith.addf %add3A_750, %add3A_751 : vector<16xf32>
        %add3A_754 = arith.addf %add3A_752, %add3A_753 : vector<16xf32>
        %swap3A_755 = arith.constant 0 : i32
        %swap3A_756 = arith.index_cast %swap3A_755 : i32 to index
        %swap3A_757 = arith.index_cast %add3A_611 : i32 to index
        %swap3A_758 = arith.constant 0 : index
        %swap3A_759 = tpu.vector_load %arg8[%swap3A_756, %swap3A_757, %swap3A_758] {strides = array<i32>} : memref<2x128x16xf32, #tpu.memory_space<vmem>>, vector<1x1x16xf32>,
        %swap3A_760 = vector.shape_cast %swap3A_759 : vector<1x1x16xf32> to vector<16xf32>
        %swap3A_761 = vector.shape_cast %add3A_754 : vector<16xf32> to vector<1x1x16xf32>
        tpu.vector_store %arg8[%swap3A_756, %swap3A_757, %swap3A_758], %swap3A_761 {strides = array<i32>} : memref<2x128x16xf32, #tpu.memory_space<vmem>>, vector<1x1x16xf32>,
        %mul3A_762 = arith.constant 8 : i32
        %mul3A_763 = arith.muli %scan3A_205, %mul3A_762 : i32
        %add3A_764 = arith.constant 3 : i32
        %add3A_765 = arith.addi %mul3A_763, %add3A_764 : i32
        %get3A_766 = arith.constant 0 : i32
        %get3A_767 = arith.index_cast %get3A_766 : i32 to index
        %get3A_768 = arith.index_cast %add3A_765 : i32 to index
        %get3A_769 = arith.constant 0 : index
        %get3A_770 = tpu.vector_load %arg6[%get3A_767, %get3A_768, %get3A_769] {strides = array<i32>} : memref<2x128x256xf32, #tpu.memory_space<vmem>>, vector<1x1x16xf32>,
        %get3A_771 = vector.shape_cast %get3A_770 : vector<1x1x16xf32> to vector<16xf32>
        %sub3A_772 = arith.subf %get3A_771, %get3A_211 : vector<16xf32>
        %mul3A_773 = arith.mulf %sub3A_772, %sub3A_772 : vector<16xf32>
        %get3A_774 = arith.constant 0 : i32
        %get3A_775 = arith.index_cast %get3A_774 : i32 to index
        %get3A_776 = arith.index_cast %add3A_765 : i32 to index
        %get3A_777 = arith.constant 16 : index
        %get3A_778 = tpu.vector_load %arg6[%get3A_775, %get3A_776, %get3A_777] {strides = array<i32>} : memref<2x128x256xf32, #tpu.memory_space<vmem>>, vector<1x1x16xf32>,
        %get3A_779 = vector.shape_cast %get3A_778 : vector<1x1x16xf32> to vector<16xf32>
        %sub3A_780 = arith.subf %get3A_779, %get3A_217 : vector<16xf32>
        %mul3A_781 = arith.mulf %sub3A_780, %sub3A_780 : vector<16xf32>
        %get3A_782 = arith.constant 0 : i32
        %get3A_783 = arith.index_cast %get3A_782 : i32 to index
        %get3A_784 = arith.index_cast %add3A_765 : i32 to index
        %get3A_785 = arith.constant 32 : index
        %get3A_786 = tpu.vector_load %arg6[%get3A_783, %get3A_784, %get3A_785] {strides = array<i32>} : memref<2x128x256xf32, #tpu.memory_space<vmem>>, vector<1x1x16xf32>,
        %get3A_787 = vector.shape_cast %get3A_786 : vector<1x1x16xf32> to vector<16xf32>
        %sub3A_788 = arith.subf %get3A_787, %get3A_223 : vector<16xf32>
        %mul3A_789 = arith.mulf %sub3A_788, %sub3A_788 : vector<16xf32>
        %get3A_790 = arith.constant 0 : i32
        %get3A_791 = arith.index_cast %get3A_790 : i32 to index
        %get3A_792 = arith.index_cast %add3A_765 : i32 to index
        %get3A_793 = arith.constant 48 : index
        %get3A_794 = tpu.vector_load %arg6[%get3A_791, %get3A_792, %get3A_793] {strides = array<i32>} : memref<2x128x256xf32, #tpu.memory_space<vmem>>, vector<1x1x16xf32>,
        %get3A_795 = vector.shape_cast %get3A_794 : vector<1x1x16xf32> to vector<16xf32>
        %sub3A_796 = arith.subf %get3A_795, %get3A_229 : vector<16xf32>
        %mul3A_797 = arith.mulf %sub3A_796, %sub3A_796 : vector<16xf32>
        %get3A_798 = arith.constant 0 : i32
        %get3A_799 = arith.index_cast %get3A_798 : i32 to index
        %get3A_800 = arith.index_cast %add3A_765 : i32 to index
        %get3A_801 = arith.constant 64 : index
        %get3A_802 = tpu.vector_load %arg6[%get3A_799, %get3A_800, %get3A_801] {strides = array<i32>} : memref<2x128x256xf32, #tpu.memory_space<vmem>>, vector<1x1x16xf32>,
        %get3A_803 = vector.shape_cast %get3A_802 : vector<1x1x16xf32> to vector<16xf32>
        %sub3A_804 = arith.subf %get3A_803, %get3A_235 : vector<16xf32>
        %mul3A_805 = arith.mulf %sub3A_804, %sub3A_804 : vector<16xf32>
        %get3A_806 = arith.constant 0 : i32
        %get3A_807 = arith.index_cast %get3A_806 : i32 to index
        %get3A_808 = arith.index_cast %add3A_765 : i32 to index
        %get3A_809 = arith.constant 80 : index
        %get3A_810 = tpu.vector_load %arg6[%get3A_807, %get3A_808, %get3A_809] {strides = array<i32>} : memref<2x128x256xf32, #tpu.memory_space<vmem>>, vector<1x1x16xf32>,
        %get3A_811 = vector.shape_cast %get3A_810 : vector<1x1x16xf32> to vector<16xf32>
        %sub3A_812 = arith.subf %get3A_811, %get3A_241 : vector<16xf32>
        %mul3A_813 = arith.mulf %sub3A_812, %sub3A_812 : vector<16xf32>
        %get3A_814 = arith.constant 0 : i32
        %get3A_815 = arith.index_cast %get3A_814 : i32 to index
        %get3A_816 = arith.index_cast %add3A_765 : i32 to index
        %get3A_817 = arith.constant 96 : index
        %get3A_818 = tpu.vector_load %arg6[%get3A_815, %get3A_816, %get3A_817] {strides = array<i32>} : memref<2x128x256xf32, #tpu.memory_space<vmem>>, vector<1x1x16xf32>,
        %get3A_819 = vector.shape_cast %get3A_818 : vector<1x1x16xf32> to vector<16xf32>
        %sub3A_820 = arith.subf %get3A_819, %get3A_247 : vector<16xf32>
        %mul3A_821 = arith.mulf %sub3A_820, %sub3A_820 : vector<16xf32>
        %get3A_822 = arith.constant 0 : i32
        %get3A_823 = arith.index_cast %get3A_822 : i32 to index
        %get3A_824 = arith.index_cast %add3A_765 : i32 to index
        %get3A_825 = arith.constant 112 : index
        %get3A_826 = tpu.vector_load %arg6[%get3A_823, %get3A_824, %get3A_825] {strides = array<i32>} : memref<2x128x256xf32, #tpu.memory_space<vmem>>, vector<1x1x16xf32>,
        %get3A_827 = vector.shape_cast %get3A_826 : vector<1x1x16xf32> to vector<16xf32>
        %sub3A_828 = arith.subf %get3A_827, %get3A_253 : vector<16xf32>
        %mul3A_829 = arith.mulf %sub3A_828, %sub3A_828 : vector<16xf32>
        %get3A_830 = arith.constant 0 : i32
        %get3A_831 = arith.index_cast %get3A_830 : i32 to index
        %get3A_832 = arith.index_cast %add3A_765 : i32 to index
        %get3A_833 = arith.constant 128 : index
        %get3A_834 = tpu.vector_load %arg6[%get3A_831, %get3A_832, %get3A_833] {strides = array<i32>} : memref<2x128x256xf32, #tpu.memory_space<vmem>>, vector<1x1x16xf32>,
        %get3A_835 = vector.shape_cast %get3A_834 : vector<1x1x16xf32> to vector<16xf32>
        %sub3A_836 = arith.subf %get3A_835, %get3A_259 : vector<16xf32>
        %mul3A_837 = arith.mulf %sub3A_836, %sub3A_836 : vector<16xf32>
        %add3A_838 = arith.addf %mul3A_773, %mul3A_837 : vector<16xf32>
        %get3A_839 = arith.constant 0 : i32
        %get3A_840 = arith.index_cast %get3A_839 : i32 to index
        %get3A_841 = arith.index_cast %add3A_765 : i32 to index
        %get3A_842 = arith.constant 144 : index
        %get3A_843 = tpu.vector_load %arg6[%get3A_840, %get3A_841, %get3A_842] {strides = array<i32>} : memref<2x128x256xf32, #tpu.memory_space<vmem>>, vector<1x1x16xf32>,
        %get3A_844 = vector.shape_cast %get3A_843 : vector<1x1x16xf32> to vector<16xf32>
        %sub3A_845 = arith.subf %get3A_844, %get3A_265 : vector<16xf32>
        %mul3A_846 = arith.mulf %sub3A_845, %sub3A_845 : vector<16xf32>
        %add3A_847 = arith.addf %mul3A_781, %mul3A_846 : vector<16xf32>
        %get3A_848 = arith.constant 0 : i32
        %get3A_849 = arith.index_cast %get3A_848 : i32 to index
        %get3A_850 = arith.index_cast %add3A_765 : i32 to index
        %get3A_851 = arith.constant 160 : index
        %get3A_852 = tpu.vector_load %arg6[%get3A_849, %get3A_850, %get3A_851] {strides = array<i32>} : memref<2x128x256xf32, #tpu.memory_space<vmem>>, vector<1x1x16xf32>,
        %get3A_853 = vector.shape_cast %get3A_852 : vector<1x1x16xf32> to vector<16xf32>
        %sub3A_854 = arith.subf %get3A_853, %get3A_271 : vector<16xf32>
        %mul3A_855 = arith.mulf %sub3A_854, %sub3A_854 : vector<16xf32>
        %add3A_856 = arith.addf %mul3A_789, %mul3A_855 : vector<16xf32>
        %get3A_857 = arith.constant 0 : i32
        %get3A_858 = arith.index_cast %get3A_857 : i32 to index
        %get3A_859 = arith.index_cast %add3A_765 : i32 to index
        %get3A_860 = arith.constant 176 : index
        %get3A_861 = tpu.vector_load %arg6[%get3A_858, %get3A_859, %get3A_860] {strides = array<i32>} : memref<2x128x256xf32, #tpu.memory_space<vmem>>, vector<1x1x16xf32>,
        %get3A_862 = vector.shape_cast %get3A_861 : vector<1x1x16xf32> to vector<16xf32>
        %sub3A_863 = arith.subf %get3A_862, %get3A_277 : vector<16xf32>
        %mul3A_864 = arith.mulf %sub3A_863, %sub3A_863 : vector<16xf32>
        %add3A_865 = arith.addf %mul3A_797, %mul3A_864 : vector<16xf32>
        %get3A_866 = arith.constant 0 : i32
        %get3A_867 = arith.index_cast %get3A_866 : i32 to index
        %get3A_868 = arith.index_cast %add3A_765 : i32 to index
        %get3A_869 = arith.constant 192 : index
        %get3A_870 = tpu.vector_load %arg6[%get3A_867, %get3A_868, %get3A_869] {strides = array<i32>} : memref<2x128x256xf32, #tpu.memory_space<vmem>>, vector<1x1x16xf32>,
        %get3A_871 = vector.shape_cast %get3A_870 : vector<1x1x16xf32> to vector<16xf32>
        %sub3A_872 = arith.subf %get3A_871, %get3A_283 : vector<16xf32>
        %mul3A_873 = arith.mulf %sub3A_872, %sub3A_872 : vector<16xf32>
        %add3A_874 = arith.addf %mul3A_805, %mul3A_873 : vector<16xf32>
        %get3A_875 = arith.constant 0 : i32
        %get3A_876 = arith.index_cast %get3A_875 : i32 to index
        %get3A_877 = arith.index_cast %add3A_765 : i32 to index
        %get3A_878 = arith.constant 208 : index
        %get3A_879 = tpu.vector_load %arg6[%get3A_876, %get3A_877, %get3A_878] {strides = array<i32>} : memref<2x128x256xf32, #tpu.memory_space<vmem>>, vector<1x1x16xf32>,
        %get3A_880 = vector.shape_cast %get3A_879 : vector<1x1x16xf32> to vector<16xf32>
        %sub3A_881 = arith.subf %get3A_880, %get3A_289 : vector<16xf32>
        %mul3A_882 = arith.mulf %sub3A_881, %sub3A_881 : vector<16xf32>
        %add3A_883 = arith.addf %mul3A_813, %mul3A_882 : vector<16xf32>
        %get3A_884 = arith.constant 0 : i32
        %get3A_885 = arith.index_cast %get3A_884 : i32 to index
        %get3A_886 = arith.index_cast %add3A_765 : i32 to index
        %get3A_887 = arith.constant 224 : index
        %get3A_888 = tpu.vector_load %arg6[%get3A_885, %get3A_886, %get3A_887] {strides = array<i32>} : memref<2x128x256xf32, #tpu.memory_space<vmem>>, vector<1x1x16xf32>,
        %get3A_889 = vector.shape_cast %get3A_888 : vector<1x1x16xf32> to vector<16xf32>
        %sub3A_890 = arith.subf %get3A_889, %get3A_295 : vector<16xf32>
        %mul3A_891 = arith.mulf %sub3A_890, %sub3A_890 : vector<16xf32>
        %add3A_892 = arith.addf %mul3A_821, %mul3A_891 : vector<16xf32>
        %get3A_893 = arith.constant 0 : i32
        %get3A_894 = arith.index_cast %get3A_893 : i32 to index
        %get3A_895 = arith.index_cast %add3A_765 : i32 to index
        %get3A_896 = arith.constant 240 : index
        %get3A_897 = tpu.vector_load %arg6[%get3A_894, %get3A_895, %get3A_896] {strides = array<i32>} : memref<2x128x256xf32, #tpu.memory_space<vmem>>, vector<1x1x16xf32>,
        %get3A_898 = vector.shape_cast %get3A_897 : vector<1x1x16xf32> to vector<16xf32>
        %sub3A_899 = arith.subf %get3A_898, %get3A_301 : vector<16xf32>
        %mul3A_900 = arith.mulf %sub3A_899, %sub3A_899 : vector<16xf32>
        %add3A_901 = arith.addf %mul3A_829, %mul3A_900 : vector<16xf32>
        %add3A_902 = arith.addf %add3A_838, %add3A_847 : vector<16xf32>
        %add3A_903 = arith.addf %add3A_856, %add3A_865 : vector<16xf32>
        %add3A_904 = arith.addf %add3A_874, %add3A_883 : vector<16xf32>
        %add3A_905 = arith.addf %add3A_892, %add3A_901 : vector<16xf32>
        %add3A_906 = arith.addf %add3A_902, %add3A_903 : vector<16xf32>
        %add3A_907 = arith.addf %add3A_904, %add3A_905 : vector<16xf32>
        %add3A_908 = arith.addf %add3A_906, %add3A_907 : vector<16xf32>
        %swap3A_909 = arith.constant 0 : i32
        %swap3A_910 = arith.index_cast %swap3A_909 : i32 to index
        %swap3A_911 = arith.index_cast %add3A_765 : i32 to index
        %swap3A_912 = arith.constant 0 : index
        %swap3A_913 = tpu.vector_load %arg8[%swap3A_910, %swap3A_911, %swap3A_912] {strides = array<i32>} : memref<2x128x16xf32, #tpu.memory_space<vmem>>, vector<1x1x16xf32>,
        %swap3A_914 = vector.shape_cast %swap3A_913 : vector<1x1x16xf32> to vector<16xf32>
        %swap3A_915 = vector.shape_cast %add3A_908 : vector<16xf32> to vector<1x1x16xf32>
        tpu.vector_store %arg8[%swap3A_910, %swap3A_911, %swap3A_912], %swap3A_915 {strides = array<i32>} : memref<2x128x16xf32, #tpu.memory_space<vmem>>, vector<1x1x16xf32>,
        %mul3A_916 = arith.constant 8 : i32
        %mul3A_917 = arith.muli %scan3A_205, %mul3A_916 : i32
        %add3A_918 = arith.constant 4 : i32
        %add3A_919 = arith.addi %mul3A_917, %add3A_918 : i32
        %get3A_920 = arith.constant 0 : i32
        %get3A_921 = arith.index_cast %get3A_920 : i32 to index
        %get3A_922 = arith.index_cast %add3A_919 : i32 to index
        %get3A_923 = arith.constant 0 : index
        %get3A_924 = tpu.vector_load %arg6[%get3A_921, %get3A_922, %get3A_923] {strides = array<i32>} : memref<2x128x256xf32, #tpu.memory_space<vmem>>, vector<1x1x16xf32>,
        %get3A_925 = vector.shape_cast %get3A_924 : vector<1x1x16xf32> to vector<16xf32>
        %sub3A_926 = arith.subf %get3A_925, %get3A_211 : vector<16xf32>
        %mul3A_927 = arith.mulf %sub3A_926, %sub3A_926 : vector<16xf32>
        %get3A_928 = arith.constant 0 : i32
        %get3A_929 = arith.index_cast %get3A_928 : i32 to index
        %get3A_930 = arith.index_cast %add3A_919 : i32 to index
        %get3A_931 = arith.constant 16 : index
        %get3A_932 = tpu.vector_load %arg6[%get3A_929, %get3A_930, %get3A_931] {strides = array<i32>} : memref<2x128x256xf32, #tpu.memory_space<vmem>>, vector<1x1x16xf32>,
        %get3A_933 = vector.shape_cast %get3A_932 : vector<1x1x16xf32> to vector<16xf32>
        %sub3A_934 = arith.subf %get3A_933, %get3A_217 : vector<16xf32>
        %mul3A_935 = arith.mulf %sub3A_934, %sub3A_934 : vector<16xf32>
        %get3A_936 = arith.constant 0 : i32
        %get3A_937 = arith.index_cast %get3A_936 : i32 to index
        %get3A_938 = arith.index_cast %add3A_919 : i32 to index
        %get3A_939 = arith.constant 32 : index
        %get3A_940 = tpu.vector_load %arg6[%get3A_937, %get3A_938, %get3A_939] {strides = array<i32>} : memref<2x128x256xf32, #tpu.memory_space<vmem>>, vector<1x1x16xf32>,
        %get3A_941 = vector.shape_cast %get3A_940 : vector<1x1x16xf32> to vector<16xf32>
        %sub3A_942 = arith.subf %get3A_941, %get3A_223 : vector<16xf32>
        %mul3A_943 = arith.mulf %sub3A_942, %sub3A_942 : vector<16xf32>
        %get3A_944 = arith.constant 0 : i32
        %get3A_945 = arith.index_cast %get3A_944 : i32 to index
        %get3A_946 = arith.index_cast %add3A_919 : i32 to index
        %get3A_947 = arith.constant 48 : index
        %get3A_948 = tpu.vector_load %arg6[%get3A_945, %get3A_946, %get3A_947] {strides = array<i32>} : memref<2x128x256xf32, #tpu.memory_space<vmem>>, vector<1x1x16xf32>,
        %get3A_949 = vector.shape_cast %get3A_948 : vector<1x1x16xf32> to vector<16xf32>
        %sub3A_950 = arith.subf %get3A_949, %get3A_229 : vector<16xf32>
        %mul3A_951 = arith.mulf %sub3A_950, %sub3A_950 : vector<16xf32>
        %get3A_952 = arith.constant 0 : i32
        %get3A_953 = arith.index_cast %get3A_952 : i32 to index
        %get3A_954 = arith.index_cast %add3A_919 : i32 to index
        %get3A_955 = arith.constant 64 : index
        %get3A_956 = tpu.vector_load %arg6[%get3A_953, %get3A_954, %get3A_955] {strides = array<i32>} : memref<2x128x256xf32, #tpu.memory_space<vmem>>, vector<1x1x16xf32>,
        %get3A_957 = vector.shape_cast %get3A_956 : vector<1x1x16xf32> to vector<16xf32>
        %sub3A_958 = arith.subf %get3A_957, %get3A_235 : vector<16xf32>
        %mul3A_959 = arith.mulf %sub3A_958, %sub3A_958 : vector<16xf32>
        %get3A_960 = arith.constant 0 : i32
        %get3A_961 = arith.index_cast %get3A_960 : i32 to index
        %get3A_962 = arith.index_cast %add3A_919 : i32 to index
        %get3A_963 = arith.constant 80 : index
        %get3A_964 = tpu.vector_load %arg6[%get3A_961, %get3A_962, %get3A_963] {strides = array<i32>} : memref<2x128x256xf32, #tpu.memory_space<vmem>>, vector<1x1x16xf32>,
        %get3A_965 = vector.shape_cast %get3A_964 : vector<1x1x16xf32> to vector<16xf32>
        %sub3A_966 = arith.subf %get3A_965, %get3A_241 : vector<16xf32>
        %mul3A_967 = arith.mulf %sub3A_966, %sub3A_966 : vector<16xf32>
        %get3A_968 = arith.constant 0 : i32
        %get3A_969 = arith.index_cast %get3A_968 : i32 to index
        %get3A_970 = arith.index_cast %add3A_919 : i32 to index
        %get3A_971 = arith.constant 96 : index
        %get3A_972 = tpu.vector_load %arg6[%get3A_969, %get3A_970, %get3A_971] {strides = array<i32>} : memref<2x128x256xf32, #tpu.memory_space<vmem>>, vector<1x1x16xf32>,
        %get3A_973 = vector.shape_cast %get3A_972 : vector<1x1x16xf32> to vector<16xf32>
        %sub3A_974 = arith.subf %get3A_973, %get3A_247 : vector<16xf32>
        %mul3A_975 = arith.mulf %sub3A_974, %sub3A_974 : vector<16xf32>
        %get3A_976 = arith.constant 0 : i32
        %get3A_977 = arith.index_cast %get3A_976 : i32 to index
        %get3A_978 = arith.index_cast %add3A_919 : i32 to index
        %get3A_979 = arith.constant 112 : index
        %get3A_980 = tpu.vector_load %arg6[%get3A_977, %get3A_978, %get3A_979] {strides = array<i32>} : memref<2x128x256xf32, #tpu.memory_space<vmem>>, vector<1x1x16xf32>,
        %get3A_981 = vector.shape_cast %get3A_980 : vector<1x1x16xf32> to vector<16xf32>
        %sub3A_982 = arith.subf %get3A_981, %get3A_253 : vector<16xf32>
        %mul3A_983 = arith.mulf %sub3A_982, %sub3A_982 : vector<16xf32>
        %get3A_984 = arith.constant 0 : i32
        %get3A_985 = arith.index_cast %get3A_984 : i32 to index
        %get3A_986 = arith.index_cast %add3A_919 : i32 to index
        %get3A_987 = arith.constant 128 : index
        %get3A_988 = tpu.vector_load %arg6[%get3A_985, %get3A_986, %get3A_987] {strides = array<i32>} : memref<2x128x256xf32, #tpu.memory_space<vmem>>, vector<1x1x16xf32>,
        %get3A_989 = vector.shape_cast %get3A_988 : vector<1x1x16xf32> to vector<16xf32>
        %sub3A_990 = arith.subf %get3A_989, %get3A_259 : vector<16xf32>
        %mul3A_991 = arith.mulf %sub3A_990, %sub3A_990 : vector<16xf32>
        %add3A_992 = arith.addf %mul3A_927, %mul3A_991 : vector<16xf32>
        %get3A_993 = arith.constant 0 : i32
        %get3A_994 = arith.index_cast %get3A_993 : i32 to index
        %get3A_995 = arith.index_cast %add3A_919 : i32 to index
        %get3A_996 = arith.constant 144 : index
        %get3A_997 = tpu.vector_load %arg6[%get3A_994, %get3A_995, %get3A_996] {strides = array<i32>} : memref<2x128x256xf32, #tpu.memory_space<vmem>>, vector<1x1x16xf32>,
        %get3A_998 = vector.shape_cast %get3A_997 : vector<1x1x16xf32> to vector<16xf32>
        %sub3A_999 = arith.subf %get3A_998, %get3A_265 : vector<16xf32>
        %mul3A_1000 = arith.mulf %sub3A_999, %sub3A_999 : vector<16xf32>
        %add3A_1001 = arith.addf %mul3A_935, %mul3A_1000 : vector<16xf32>
        %get3A_1002 = arith.constant 0 : i32
        %get3A_1003 = arith.index_cast %get3A_1002 : i32 to index
        %get3A_1004 = arith.index_cast %add3A_919 : i32 to index
        %get3A_1005 = arith.constant 160 : index
        %get3A_1006 = tpu.vector_load %arg6[%get3A_1003, %get3A_1004, %get3A_1005] {strides = array<i32>} : memref<2x128x256xf32, #tpu.memory_space<vmem>>, vector<1x1x16xf32>,
        %get3A_1007 = vector.shape_cast %get3A_1006 : vector<1x1x16xf32> to vector<16xf32>
        %sub3A_1008 = arith.subf %get3A_1007, %get3A_271 : vector<16xf32>
        %mul3A_1009 = arith.mulf %sub3A_1008, %sub3A_1008 : vector<16xf32>
        %add3A_1010 = arith.addf %mul3A_943, %mul3A_1009 : vector<16xf32>
        %get3A_1011 = arith.constant 0 : i32
        %get3A_1012 = arith.index_cast %get3A_1011 : i32 to index
        %get3A_1013 = arith.index_cast %add3A_919 : i32 to index
        %get3A_1014 = arith.constant 176 : index
        %get3A_1015 = tpu.vector_load %arg6[%get3A_1012, %get3A_1013, %get3A_1014] {strides = array<i32>} : memref<2x128x256xf32, #tpu.memory_space<vmem>>, vector<1x1x16xf32>,
        %get3A_1016 = vector.shape_cast %get3A_1015 : vector<1x1x16xf32> to vector<16xf32>
        %sub3A_1017 = arith.subf %get3A_1016, %get3A_277 : vector<16xf32>
        %mul3A_1018 = arith.mulf %sub3A_1017, %sub3A_1017 : vector<16xf32>
        %add3A_1019 = arith.addf %mul3A_951, %mul3A_1018 : vector<16xf32>
        %get3A_1020 = arith.constant 0 : i32
        %get3A_1021 = arith.index_cast %get3A_1020 : i32 to index
        %get3A_1022 = arith.index_cast %add3A_919 : i32 to index
        %get3A_1023 = arith.constant 192 : index
        %get3A_1024 = tpu.vector_load %arg6[%get3A_1021, %get3A_1022, %get3A_1023] {strides = array<i32>} : memref<2x128x256xf32, #tpu.memory_space<vmem>>, vector<1x1x16xf32>,
        %get3A_1025 = vector.shape_cast %get3A_1024 : vector<1x1x16xf32> to vector<16xf32>
        %sub3A_1026 = arith.subf %get3A_1025, %get3A_283 : vector<16xf32>
        %mul3A_1027 = arith.mulf %sub3A_1026, %sub3A_1026 : vector<16xf32>
        %add3A_1028 = arith.addf %mul3A_959, %mul3A_1027 : vector<16xf32>
        %get3A_1029 = arith.constant 0 : i32
        %get3A_1030 = arith.index_cast %get3A_1029 : i32 to index
        %get3A_1031 = arith.index_cast %add3A_919 : i32 to index
        %get3A_1032 = arith.constant 208 : index
        %get3A_1033 = tpu.vector_load %arg6[%get3A_1030, %get3A_1031, %get3A_1032] {strides = array<i32>} : memref<2x128x256xf32, #tpu.memory_space<vmem>>, vector<1x1x16xf32>,
        %get3A_1034 = vector.shape_cast %get3A_1033 : vector<1x1x16xf32> to vector<16xf32>
        %sub3A_1035 = arith.subf %get3A_1034, %get3A_289 : vector<16xf32>
        %mul3A_1036 = arith.mulf %sub3A_1035, %sub3A_1035 : vector<16xf32>
        %add3A_1037 = arith.addf %mul3A_967, %mul3A_1036 : vector<16xf32>
        %get3A_1038 = arith.constant 0 : i32
        %get3A_1039 = arith.index_cast %get3A_1038 : i32 to index
        %get3A_1040 = arith.index_cast %add3A_919 : i32 to index
        %get3A_1041 = arith.constant 224 : index
        %get3A_1042 = tpu.vector_load %arg6[%get3A_1039, %get3A_1040, %get3A_1041] {strides = array<i32>} : memref<2x128x256xf32, #tpu.memory_space<vmem>>, vector<1x1x16xf32>,
        %get3A_1043 = vector.shape_cast %get3A_1042 : vector<1x1x16xf32> to vector<16xf32>
        %sub3A_1044 = arith.subf %get3A_1043, %get3A_295 : vector<16xf32>
        %mul3A_1045 = arith.mulf %sub3A_1044, %sub3A_1044 : vector<16xf32>
        %add3A_1046 = arith.addf %mul3A_975, %mul3A_1045 : vector<16xf32>
        %get3A_1047 = arith.constant 0 : i32
        %get3A_1048 = arith.index_cast %get3A_1047 : i32 to index
        %get3A_1049 = arith.index_cast %add3A_919 : i32 to index
        %get3A_1050 = arith.constant 240 : index
        %get3A_1051 = tpu.vector_load %arg6[%get3A_1048, %get3A_1049, %get3A_1050] {strides = array<i32>} : memref<2x128x256xf32, #tpu.memory_space<vmem>>, vector<1x1x16xf32>,
        %get3A_1052 = vector.shape_cast %get3A_1051 : vector<1x1x16xf32> to vector<16xf32>
        %sub3A_1053 = arith.subf %get3A_1052, %get3A_301 : vector<16xf32>
        %mul3A_1054 = arith.mulf %sub3A_1053, %sub3A_1053 : vector<16xf32>
        %add3A_1055 = arith.addf %mul3A_983, %mul3A_1054 : vector<16xf32>
        %add3A_1056 = arith.addf %add3A_992, %add3A_1001 : vector<16xf32>
        %add3A_1057 = arith.addf %add3A_1010, %add3A_1019 : vector<16xf32>
        %add3A_1058 = arith.addf %add3A_1028, %add3A_1037 : vector<16xf32>
        %add3A_1059 = arith.addf %add3A_1046, %add3A_1055 : vector<16xf32>
        %add3A_1060 = arith.addf %add3A_1056, %add3A_1057 : vector<16xf32>
        %add3A_1061 = arith.addf %add3A_1058, %add3A_1059 : vector<16xf32>
        %add3A_1062 = arith.addf %add3A_1060, %add3A_1061 : vector<16xf32>
        %swap3A_1063 = arith.constant 0 : i32
        %swap3A_1064 = arith.index_cast %swap3A_1063 : i32 to index
        %swap3A_1065 = arith.index_cast %add3A_919 : i32 to index
        %swap3A_1066 = arith.constant 0 : index
        %swap3A_1067 = tpu.vector_load %arg8[%swap3A_1064, %swap3A_1065, %swap3A_1066] {strides = array<i32>} : memref<2x128x16xf32, #tpu.memory_space<vmem>>, vector<1x1x16xf32>,
        %swap3A_1068 = vector.shape_cast %swap3A_1067 : vector<1x1x16xf32> to vector<16xf32>
        %swap3A_1069 = vector.shape_cast %add3A_1062 : vector<16xf32> to vector<1x1x16xf32>
        tpu.vector_store %arg8[%swap3A_1064, %swap3A_1065, %swap3A_1066], %swap3A_1069 {strides = array<i32>} : memref<2x128x16xf32, #tpu.memory_space<vmem>>, vector<1x1x16xf32>,
        %mul3A_1070 = arith.constant 8 : i32
        %mul3A_1071 = arith.muli %scan3A_205, %mul3A_1070 : i32
        %add3A_1072 = arith.constant 5 : i32
        %add3A_1073 = arith.addi %mul3A_1071, %add3A_1072 : i32
        %get3A_1074 = arith.constant 0 : i32
        %get3A_1075 = arith.index_cast %get3A_1074 : i32 to index
        %get3A_1076 = arith.index_cast %add3A_1073 : i32 to index
        %get3A_1077 = arith.constant 0 : index
        %get3A_1078 = tpu.vector_load %arg6[%get3A_1075, %get3A_1076, %get3A_1077] {strides = array<i32>} : memref<2x128x256xf32, #tpu.memory_space<vmem>>, vector<1x1x16xf32>,
        %get3A_1079 = vector.shape_cast %get3A_1078 : vector<1x1x16xf32> to vector<16xf32>
        %sub3A_1080 = arith.subf %get3A_1079, %get3A_211 : vector<16xf32>
        %mul3A_1081 = arith.mulf %sub3A_1080, %sub3A_1080 : vector<16xf32>
        %get3A_1082 = arith.constant 0 : i32
        %get3A_1083 = arith.index_cast %get3A_1082 : i32 to index
        %get3A_1084 = arith.index_cast %add3A_1073 : i32 to index
        %get3A_1085 = arith.constant 16 : index
        %get3A_1086 = tpu.vector_load %arg6[%get3A_1083, %get3A_1084, %get3A_1085] {strides = array<i32>} : memref<2x128x256xf32, #tpu.memory_space<vmem>>, vector<1x1x16xf32>,
        %get3A_1087 = vector.shape_cast %get3A_1086 : vector<1x1x16xf32> to vector<16xf32>
        %sub3A_1088 = arith.subf %get3A_1087, %get3A_217 : vector<16xf32>
        %mul3A_1089 = arith.mulf %sub3A_1088, %sub3A_1088 : vector<16xf32>
        %get3A_1090 = arith.constant 0 : i32
        %get3A_1091 = arith.index_cast %get3A_1090 : i32 to index
        %get3A_1092 = arith.index_cast %add3A_1073 : i32 to index
        %get3A_1093 = arith.constant 32 : index
        %get3A_1094 = tpu.vector_load %arg6[%get3A_1091, %get3A_1092, %get3A_1093] {strides = array<i32>} : memref<2x128x256xf32, #tpu.memory_space<vmem>>, vector<1x1x16xf32>,
        %get3A_1095 = vector.shape_cast %get3A_1094 : vector<1x1x16xf32> to vector<16xf32>
        %sub3A_1096 = arith.subf %get3A_1095, %get3A_223 : vector<16xf32>
        %mul3A_1097 = arith.mulf %sub3A_1096, %sub3A_1096 : vector<16xf32>
        %get3A_1098 = arith.constant 0 : i32
        %get3A_1099 = arith.index_cast %get3A_1098 : i32 to index
        %get3A_1100 = arith.index_cast %add3A_1073 : i32 to index
        %get3A_1101 = arith.constant 48 : index
        %get3A_1102 = tpu.vector_load %arg6[%get3A_1099, %get3A_1100, %get3A_1101] {strides = array<i32>} : memref<2x128x256xf32, #tpu.memory_space<vmem>>, vector<1x1x16xf32>,
        %get3A_1103 = vector.shape_cast %get3A_1102 : vector<1x1x16xf32> to vector<16xf32>
        %sub3A_1104 = arith.subf %get3A_1103, %get3A_229 : vector<16xf32>
        %mul3A_1105 = arith.mulf %sub3A_1104, %sub3A_1104 : vector<16xf32>
        %get3A_1106 = arith.constant 0 : i32
        %get3A_1107 = arith.index_cast %get3A_1106 : i32 to index
        %get3A_1108 = arith.index_cast %add3A_1073 : i32 to index
        %get3A_1109 = arith.constant 64 : index
        %get3A_1110 = tpu.vector_load %arg6[%get3A_1107, %get3A_1108, %get3A_1109] {strides = array<i32>} : memref<2x128x256xf32, #tpu.memory_space<vmem>>, vector<1x1x16xf32>,
        %get3A_1111 = vector.shape_cast %get3A_1110 : vector<1x1x16xf32> to vector<16xf32>
        %sub3A_1112 = arith.subf %get3A_1111, %get3A_235 : vector<16xf32>
        %mul3A_1113 = arith.mulf %sub3A_1112, %sub3A_1112 : vector<16xf32>
        %get3A_1114 = arith.constant 0 : i32
        %get3A_1115 = arith.index_cast %get3A_1114 : i32 to index
        %get3A_1116 = arith.index_cast %add3A_1073 : i32 to index
        %get3A_1117 = arith.constant 80 : index
        %get3A_1118 = tpu.vector_load %arg6[%get3A_1115, %get3A_1116, %get3A_1117] {strides = array<i32>} : memref<2x128x256xf32, #tpu.memory_space<vmem>>, vector<1x1x16xf32>,
        %get3A_1119 = vector.shape_cast %get3A_1118 : vector<1x1x16xf32> to vector<16xf32>
        %sub3A_1120 = arith.subf %get3A_1119, %get3A_241 : vector<16xf32>
        %mul3A_1121 = arith.mulf %sub3A_1120, %sub3A_1120 : vector<16xf32>
        %get3A_1122 = arith.constant 0 : i32
        %get3A_1123 = arith.index_cast %get3A_1122 : i32 to index
        %get3A_1124 = arith.index_cast %add3A_1073 : i32 to index
        %get3A_1125 = arith.constant 96 : index
        %get3A_1126 = tpu.vector_load %arg6[%get3A_1123, %get3A_1124, %get3A_1125] {strides = array<i32>} : memref<2x128x256xf32, #tpu.memory_space<vmem>>, vector<1x1x16xf32>,
        %get3A_1127 = vector.shape_cast %get3A_1126 : vector<1x1x16xf32> to vector<16xf32>
        %sub3A_1128 = arith.subf %get3A_1127, %get3A_247 : vector<16xf32>
        %mul3A_1129 = arith.mulf %sub3A_1128, %sub3A_1128 : vector<16xf32>
        %get3A_1130 = arith.constant 0 : i32
        %get3A_1131 = arith.index_cast %get3A_1130 : i32 to index
        %get3A_1132 = arith.index_cast %add3A_1073 : i32 to index
        %get3A_1133 = arith.constant 112 : index
        %get3A_1134 = tpu.vector_load %arg6[%get3A_1131, %get3A_1132, %get3A_1133] {strides = array<i32>} : memref<2x128x256xf32, #tpu.memory_space<vmem>>, vector<1x1x16xf32>,
        %get3A_1135 = vector.shape_cast %get3A_1134 : vector<1x1x16xf32> to vector<16xf32>
        %sub3A_1136 = arith.subf %get3A_1135, %get3A_253 : vector<16xf32>
        %mul3A_1137 = arith.mulf %sub3A_1136, %sub3A_1136 : vector<16xf32>
        %get3A_1138 = arith.constant 0 : i32
        %get3A_1139 = arith.index_cast %get3A_1138 : i32 to index
        %get3A_1140 = arith.index_cast %add3A_1073 : i32 to index
        %get3A_1141 = arith.constant 128 : index
        %get3A_1142 = tpu.vector_load %arg6[%get3A_1139, %get3A_1140, %get3A_1141] {strides = array<i32>} : memref<2x128x256xf32, #tpu.memory_space<vmem>>, vector<1x1x16xf32>,
        %get3A_1143 = vector.shape_cast %get3A_1142 : vector<1x1x16xf32> to vector<16xf32>
        %sub3A_1144 = arith.subf %get3A_1143, %get3A_259 : vector<16xf32>
        %mul3A_1145 = arith.mulf %sub3A_1144, %sub3A_1144 : vector<16xf32>
        %add3A_1146 = arith.addf %mul3A_1081, %mul3A_1145 : vector<16xf32>
        %get3A_1147 = arith.constant 0 : i32
        %get3A_1148 = arith.index_cast %get3A_1147 : i32 to index
        %get3A_1149 = arith.index_cast %add3A_1073 : i32 to index
        %get3A_1150 = arith.constant 144 : index
        %get3A_1151 = tpu.vector_load %arg6[%get3A_1148, %get3A_1149, %get3A_1150] {strides = array<i32>} : memref<2x128x256xf32, #tpu.memory_space<vmem>>, vector<1x1x16xf32>,
        %get3A_1152 = vector.shape_cast %get3A_1151 : vector<1x1x16xf32> to vector<16xf32>
        %sub3A_1153 = arith.subf %get3A_1152, %get3A_265 : vector<16xf32>
        %mul3A_1154 = arith.mulf %sub3A_1153, %sub3A_1153 : vector<16xf32>
        %add3A_1155 = arith.addf %mul3A_1089, %mul3A_1154 : vector<16xf32>
        %get3A_1156 = arith.constant 0 : i32
        %get3A_1157 = arith.index_cast %get3A_1156 : i32 to index
        %get3A_1158 = arith.index_cast %add3A_1073 : i32 to index
        %get3A_1159 = arith.constant 160 : index
        %get3A_1160 = tpu.vector_load %arg6[%get3A_1157, %get3A_1158, %get3A_1159] {strides = array<i32>} : memref<2x128x256xf32, #tpu.memory_space<vmem>>, vector<1x1x16xf32>,
        %get3A_1161 = vector.shape_cast %get3A_1160 : vector<1x1x16xf32> to vector<16xf32>
        %sub3A_1162 = arith.subf %get3A_1161, %get3A_271 : vector<16xf32>
        %mul3A_1163 = arith.mulf %sub3A_1162, %sub3A_1162 : vector<16xf32>
        %add3A_1164 = arith.addf %mul3A_1097, %mul3A_1163 : vector<16xf32>
        %get3A_1165 = arith.constant 0 : i32
        %get3A_1166 = arith.index_cast %get3A_1165 : i32 to index
        %get3A_1167 = arith.index_cast %add3A_1073 : i32 to index
        %get3A_1168 = arith.constant 176 : index
        %get3A_1169 = tpu.vector_load %arg6[%get3A_1166, %get3A_1167, %get3A_1168] {strides = array<i32>} : memref<2x128x256xf32, #tpu.memory_space<vmem>>, vector<1x1x16xf32>,
        %get3A_1170 = vector.shape_cast %get3A_1169 : vector<1x1x16xf32> to vector<16xf32>
        %sub3A_1171 = arith.subf %get3A_1170, %get3A_277 : vector<16xf32>
        %mul3A_1172 = arith.mulf %sub3A_1171, %sub3A_1171 : vector<16xf32>
        %add3A_1173 = arith.addf %mul3A_1105, %mul3A_1172 : vector<16xf32>
        %get3A_1174 = arith.constant 0 : i32
        %get3A_1175 = arith.index_cast %get3A_1174 : i32 to index
        %get3A_1176 = arith.index_cast %add3A_1073 : i32 to index
        %get3A_1177 = arith.constant 192 : index
        %get3A_1178 = tpu.vector_load %arg6[%get3A_1175, %get3A_1176, %get3A_1177] {strides = array<i32>} : memref<2x128x256xf32, #tpu.memory_space<vmem>>, vector<1x1x16xf32>,
        %get3A_1179 = vector.shape_cast %get3A_1178 : vector<1x1x16xf32> to vector<16xf32>
        %sub3A_1180 = arith.subf %get3A_1179, %get3A_283 : vector<16xf32>
        %mul3A_1181 = arith.mulf %sub3A_1180, %sub3A_1180 : vector<16xf32>
        %add3A_1182 = arith.addf %mul3A_1113, %mul3A_1181 : vector<16xf32>
        %get3A_1183 = arith.constant 0 : i32
        %get3A_1184 = arith.index_cast %get3A_1183 : i32 to index
        %get3A_1185 = arith.index_cast %add3A_1073 : i32 to index
        %get3A_1186 = arith.constant 208 : index
        %get3A_1187 = tpu.vector_load %arg6[%get3A_1184, %get3A_1185, %get3A_1186] {strides = array<i32>} : memref<2x128x256xf32, #tpu.memory_space<vmem>>, vector<1x1x16xf32>,
        %get3A_1188 = vector.shape_cast %get3A_1187 : vector<1x1x16xf32> to vector<16xf32>
        %sub3A_1189 = arith.subf %get3A_1188, %get3A_289 : vector<16xf32>
        %mul3A_1190 = arith.mulf %sub3A_1189, %sub3A_1189 : vector<16xf32>
        %add3A_1191 = arith.addf %mul3A_1121, %mul3A_1190 : vector<16xf32>
        %get3A_1192 = arith.constant 0 : i32
        %get3A_1193 = arith.index_cast %get3A_1192 : i32 to index
        %get3A_1194 = arith.index_cast %add3A_1073 : i32 to index
        %get3A_1195 = arith.constant 224 : index
        %get3A_1196 = tpu.vector_load %arg6[%get3A_1193, %get3A_1194, %get3A_1195] {strides = array<i32>} : memref<2x128x256xf32, #tpu.memory_space<vmem>>, vector<1x1x16xf32>,
        %get3A_1197 = vector.shape_cast %get3A_1196 : vector<1x1x16xf32> to vector<16xf32>
        %sub3A_1198 = arith.subf %get3A_1197, %get3A_295 : vector<16xf32>
        %mul3A_1199 = arith.mulf %sub3A_1198, %sub3A_1198 : vector<16xf32>
        %add3A_1200 = arith.addf %mul3A_1129, %mul3A_1199 : vector<16xf32>
        %get3A_1201 = arith.constant 0 : i32
        %get3A_1202 = arith.index_cast %get3A_1201 : i32 to index
        %get3A_1203 = arith.index_cast %add3A_1073 : i32 to index
        %get3A_1204 = arith.constant 240 : index
        %get3A_1205 = tpu.vector_load %arg6[%get3A_1202, %get3A_1203, %get3A_1204] {strides = array<i32>} : memref<2x128x256xf32, #tpu.memory_space<vmem>>, vector<1x1x16xf32>,
        %get3A_1206 = vector.shape_cast %get3A_1205 : vector<1x1x16xf32> to vector<16xf32>
        %sub3A_1207 = arith.subf %get3A_1206, %get3A_301 : vector<16xf32>
        %mul3A_1208 = arith.mulf %sub3A_1207, %sub3A_1207 : vector<16xf32>
        %add3A_1209 = arith.addf %mul3A_1137, %mul3A_1208 : vector<16xf32>
        %add3A_1210 = arith.addf %add3A_1146, %add3A_1155 : vector<16xf32>
        %add3A_1211 = arith.addf %add3A_1164, %add3A_1173 : vector<16xf32>
        %add3A_1212 = arith.addf %add3A_1182, %add3A_1191 : vector<16xf32>
        %add3A_1213 = arith.addf %add3A_1200, %add3A_1209 : vector<16xf32>
        %add3A_1214 = arith.addf %add3A_1210, %add3A_1211 : vector<16xf32>
        %add3A_1215 = arith.addf %add3A_1212, %add3A_1213 : vector<16xf32>
        %add3A_1216 = arith.addf %add3A_1214, %add3A_1215 : vector<16xf32>
        %swap3A_1217 = arith.constant 0 : i32
        %swap3A_1218 = arith.index_cast %swap3A_1217 : i32 to index
        %swap3A_1219 = arith.index_cast %add3A_1073 : i32 to index
        %swap3A_1220 = arith.constant 0 : index
        %swap3A_1221 = tpu.vector_load %arg8[%swap3A_1218, %swap3A_1219, %swap3A_1220] {strides = array<i32>} : memref<2x128x16xf32, #tpu.memory_space<vmem>>, vector<1x1x16xf32>,
        %swap3A_1222 = vector.shape_cast %swap3A_1221 : vector<1x1x16xf32> to vector<16xf32>
        %swap3A_1223 = vector.shape_cast %add3A_1216 : vector<16xf32> to vector<1x1x16xf32>
        tpu.vector_store %arg8[%swap3A_1218, %swap3A_1219, %swap3A_1220], %swap3A_1223 {strides = array<i32>} : memref<2x128x16xf32, #tpu.memory_space<vmem>>, vector<1x1x16xf32>,
        %mul3A_1224 = arith.constant 8 : i32
        %mul3A_1225 = arith.muli %scan3A_205, %mul3A_1224 : i32
        %add3A_1226 = arith.constant 6 : i32
        %add3A_1227 = arith.addi %mul3A_1225, %add3A_1226 : i32
        %get3A_1228 = arith.constant 0 : i32
        %get3A_1229 = arith.index_cast %get3A_1228 : i32 to index
        %get3A_1230 = arith.index_cast %add3A_1227 : i32 to index
        %get3A_1231 = arith.constant 0 : index
        %get3A_1232 = tpu.vector_load %arg6[%get3A_1229, %get3A_1230, %get3A_1231] {strides = array<i32>} : memref<2x128x256xf32, #tpu.memory_space<vmem>>, vector<1x1x16xf32>,
        %get3A_1233 = vector.shape_cast %get3A_1232 : vector<1x1x16xf32> to vector<16xf32>
        %sub3A_1234 = arith.subf %get3A_1233, %get3A_211 : vector<16xf32>
        %mul3A_1235 = arith.mulf %sub3A_1234, %sub3A_1234 : vector<16xf32>
        %get3A_1236 = arith.constant 0 : i32
        %get3A_1237 = arith.index_cast %get3A_1236 : i32 to index
        %get3A_1238 = arith.index_cast %add3A_1227 : i32 to index
        %get3A_1239 = arith.constant 16 : index
        %get3A_1240 = tpu.vector_load %arg6[%get3A_1237, %get3A_1238, %get3A_1239] {strides = array<i32>} : memref<2x128x256xf32, #tpu.memory_space<vmem>>, vector<1x1x16xf32>,
        %get3A_1241 = vector.shape_cast %get3A_1240 : vector<1x1x16xf32> to vector<16xf32>
        %sub3A_1242 = arith.subf %get3A_1241, %get3A_217 : vector<16xf32>
        %mul3A_1243 = arith.mulf %sub3A_1242, %sub3A_1242 : vector<16xf32>
        %get3A_1244 = arith.constant 0 : i32
        %get3A_1245 = arith.index_cast %get3A_1244 : i32 to index
        %get3A_1246 = arith.index_cast %add3A_1227 : i32 to index
        %get3A_1247 = arith.constant 32 : index
        %get3A_1248 = tpu.vector_load %arg6[%get3A_1245, %get3A_1246, %get3A_1247] {strides = array<i32>} : memref<2x128x256xf32, #tpu.memory_space<vmem>>, vector<1x1x16xf32>,
        %get3A_1249 = vector.shape_cast %get3A_1248 : vector<1x1x16xf32> to vector<16xf32>
        %sub3A_1250 = arith.subf %get3A_1249, %get3A_223 : vector<16xf32>
        %mul3A_1251 = arith.mulf %sub3A_1250, %sub3A_1250 : vector<16xf32>
        %get3A_1252 = arith.constant 0 : i32
        %get3A_1253 = arith.index_cast %get3A_1252 : i32 to index
        %get3A_1254 = arith.index_cast %add3A_1227 : i32 to index
        %get3A_1255 = arith.constant 48 : index
        %get3A_1256 = tpu.vector_load %arg6[%get3A_1253, %get3A_1254, %get3A_1255] {strides = array<i32>} : memref<2x128x256xf32, #tpu.memory_space<vmem>>, vector<1x1x16xf32>,
        %get3A_1257 = vector.shape_cast %get3A_1256 : vector<1x1x16xf32> to vector<16xf32>
        %sub3A_1258 = arith.subf %get3A_1257, %get3A_229 : vector<16xf32>
        %mul3A_1259 = arith.mulf %sub3A_1258, %sub3A_1258 : vector<16xf32>
        %get3A_1260 = arith.constant 0 : i32
        %get3A_1261 = arith.index_cast %get3A_1260 : i32 to index
        %get3A_1262 = arith.index_cast %add3A_1227 : i32 to index
        %get3A_1263 = arith.constant 64 : index
        %get3A_1264 = tpu.vector_load %arg6[%get3A_1261, %get3A_1262, %get3A_1263] {strides = array<i32>} : memref<2x128x256xf32, #tpu.memory_space<vmem>>, vector<1x1x16xf32>,
        %get3A_1265 = vector.shape_cast %get3A_1264 : vector<1x1x16xf32> to vector<16xf32>
        %sub3A_1266 = arith.subf %get3A_1265, %get3A_235 : vector<16xf32>
        %mul3A_1267 = arith.mulf %sub3A_1266, %sub3A_1266 : vector<16xf32>
        %get3A_1268 = arith.constant 0 : i32
        %get3A_1269 = arith.index_cast %get3A_1268 : i32 to index
        %get3A_1270 = arith.index_cast %add3A_1227 : i32 to index
        %get3A_1271 = arith.constant 80 : index
        %get3A_1272 = tpu.vector_load %arg6[%get3A_1269, %get3A_1270, %get3A_1271] {strides = array<i32>} : memref<2x128x256xf32, #tpu.memory_space<vmem>>, vector<1x1x16xf32>,
        %get3A_1273 = vector.shape_cast %get3A_1272 : vector<1x1x16xf32> to vector<16xf32>
        %sub3A_1274 = arith.subf %get3A_1273, %get3A_241 : vector<16xf32>
        %mul3A_1275 = arith.mulf %sub3A_1274, %sub3A_1274 : vector<16xf32>
        %get3A_1276 = arith.constant 0 : i32
        %get3A_1277 = arith.index_cast %get3A_1276 : i32 to index
        %get3A_1278 = arith.index_cast %add3A_1227 : i32 to index
        %get3A_1279 = arith.constant 96 : index
        %get3A_1280 = tpu.vector_load %arg6[%get3A_1277, %get3A_1278, %get3A_1279] {strides = array<i32>} : memref<2x128x256xf32, #tpu.memory_space<vmem>>, vector<1x1x16xf32>,
        %get3A_1281 = vector.shape_cast %get3A_1280 : vector<1x1x16xf32> to vector<16xf32>
        %sub3A_1282 = arith.subf %get3A_1281, %get3A_247 : vector<16xf32>
        %mul3A_1283 = arith.mulf %sub3A_1282, %sub3A_1282 : vector<16xf32>
        %get3A_1284 = arith.constant 0 : i32
        %get3A_1285 = arith.index_cast %get3A_1284 : i32 to index
        %get3A_1286 = arith.index_cast %add3A_1227 : i32 to index
        %get3A_1287 = arith.constant 112 : index
        %get3A_1288 = tpu.vector_load %arg6[%get3A_1285, %get3A_1286, %get3A_1287] {strides = array<i32>} : memref<2x128x256xf32, #tpu.memory_space<vmem>>, vector<1x1x16xf32>,
        %get3A_1289 = vector.shape_cast %get3A_1288 : vector<1x1x16xf32> to vector<16xf32>
        %sub3A_1290 = arith.subf %get3A_1289, %get3A_253 : vector<16xf32>
        %mul3A_1291 = arith.mulf %sub3A_1290, %sub3A_1290 : vector<16xf32>
        %get3A_1292 = arith.constant 0 : i32
        %get3A_1293 = arith.index_cast %get3A_1292 : i32 to index
        %get3A_1294 = arith.index_cast %add3A_1227 : i32 to index
        %get3A_1295 = arith.constant 128 : index
        %get3A_1296 = tpu.vector_load %arg6[%get3A_1293, %get3A_1294, %get3A_1295] {strides = array<i32>} : memref<2x128x256xf32, #tpu.memory_space<vmem>>, vector<1x1x16xf32>,
        %get3A_1297 = vector.shape_cast %get3A_1296 : vector<1x1x16xf32> to vector<16xf32>
        %sub3A_1298 = arith.subf %get3A_1297, %get3A_259 : vector<16xf32>
        %mul3A_1299 = arith.mulf %sub3A_1298, %sub3A_1298 : vector<16xf32>
        %add3A_1300 = arith.addf %mul3A_1235, %mul3A_1299 : vector<16xf32>
        %get3A_1301 = arith.constant 0 : i32
        %get3A_1302 = arith.index_cast %get3A_1301 : i32 to index
        %get3A_1303 = arith.index_cast %add3A_1227 : i32 to index
        %get3A_1304 = arith.constant 144 : index
        %get3A_1305 = tpu.vector_load %arg6[%get3A_1302, %get3A_1303, %get3A_1304] {strides = array<i32>} : memref<2x128x256xf32, #tpu.memory_space<vmem>>, vector<1x1x16xf32>,
        %get3A_1306 = vector.shape_cast %get3A_1305 : vector<1x1x16xf32> to vector<16xf32>
        %sub3A_1307 = arith.subf %get3A_1306, %get3A_265 : vector<16xf32>
        %mul3A_1308 = arith.mulf %sub3A_1307, %sub3A_1307 : vector<16xf32>
        %add3A_1309 = arith.addf %mul3A_1243, %mul3A_1308 : vector<16xf32>
        %get3A_1310 = arith.constant 0 : i32
        %get3A_1311 = arith.index_cast %get3A_1310 : i32 to index
        %get3A_1312 = arith.index_cast %add3A_1227 : i32 to index
        %get3A_1313 = arith.constant 160 : index
        %get3A_1314 = tpu.vector_load %arg6[%get3A_1311, %get3A_1312, %get3A_1313] {strides = array<i32>} : memref<2x128x256xf32, #tpu.memory_space<vmem>>, vector<1x1x16xf32>,
        %get3A_1315 = vector.shape_cast %get3A_1314 : vector<1x1x16xf32> to vector<16xf32>
        %sub3A_1316 = arith.subf %get3A_1315, %get3A_271 : vector<16xf32>
        %mul3A_1317 = arith.mulf %sub3A_1316, %sub3A_1316 : vector<16xf32>
        %add3A_1318 = arith.addf %mul3A_1251, %mul3A_1317 : vector<16xf32>
        %get3A_1319 = arith.constant 0 : i32
        %get3A_1320 = arith.index_cast %get3A_1319 : i32 to index
        %get3A_1321 = arith.index_cast %add3A_1227 : i32 to index
        %get3A_1322 = arith.constant 176 : index
        %get3A_1323 = tpu.vector_load %arg6[%get3A_1320, %get3A_1321, %get3A_1322] {strides = array<i32>} : memref<2x128x256xf32, #tpu.memory_space<vmem>>, vector<1x1x16xf32>,
        %get3A_1324 = vector.shape_cast %get3A_1323 : vector<1x1x16xf32> to vector<16xf32>
        %sub3A_1325 = arith.subf %get3A_1324, %get3A_277 : vector<16xf32>
        %mul3A_1326 = arith.mulf %sub3A_1325, %sub3A_1325 : vector<16xf32>
        %add3A_1327 = arith.addf %mul3A_1259, %mul3A_1326 : vector<16xf32>
        %get3A_1328 = arith.constant 0 : i32
        %get3A_1329 = arith.index_cast %get3A_1328 : i32 to index
        %get3A_1330 = arith.index_cast %add3A_1227 : i32 to index
        %get3A_1331 = arith.constant 192 : index
        %get3A_1332 = tpu.vector_load %arg6[%get3A_1329, %get3A_1330, %get3A_1331] {strides = array<i32>} : memref<2x128x256xf32, #tpu.memory_space<vmem>>, vector<1x1x16xf32>,
        %get3A_1333 = vector.shape_cast %get3A_1332 : vector<1x1x16xf32> to vector<16xf32>
        %sub3A_1334 = arith.subf %get3A_1333, %get3A_283 : vector<16xf32>
        %mul3A_1335 = arith.mulf %sub3A_1334, %sub3A_1334 : vector<16xf32>
        %add3A_1336 = arith.addf %mul3A_1267, %mul3A_1335 : vector<16xf32>
        %get3A_1337 = arith.constant 0 : i32
        %get3A_1338 = arith.index_cast %get3A_1337 : i32 to index
        %get3A_1339 = arith.index_cast %add3A_1227 : i32 to index
        %get3A_1340 = arith.constant 208 : index
        %get3A_1341 = tpu.vector_load %arg6[%get3A_1338, %get3A_1339, %get3A_1340] {strides = array<i32>} : memref<2x128x256xf32, #tpu.memory_space<vmem>>, vector<1x1x16xf32>,
        %get3A_1342 = vector.shape_cast %get3A_1341 : vector<1x1x16xf32> to vector<16xf32>
        %sub3A_1343 = arith.subf %get3A_1342, %get3A_289 : vector<16xf32>
        %mul3A_1344 = arith.mulf %sub3A_1343, %sub3A_1343 : vector<16xf32>
        %add3A_1345 = arith.addf %mul3A_1275, %mul3A_1344 : vector<16xf32>
        %get3A_1346 = arith.constant 0 : i32
        %get3A_1347 = arith.index_cast %get3A_1346 : i32 to index
        %get3A_1348 = arith.index_cast %add3A_1227 : i32 to index
        %get3A_1349 = arith.constant 224 : index
        %get3A_1350 = tpu.vector_load %arg6[%get3A_1347, %get3A_1348, %get3A_1349] {strides = array<i32>} : memref<2x128x256xf32, #tpu.memory_space<vmem>>, vector<1x1x16xf32>,
        %get3A_1351 = vector.shape_cast %get3A_1350 : vector<1x1x16xf32> to vector<16xf32>
        %sub3A_1352 = arith.subf %get3A_1351, %get3A_295 : vector<16xf32>
        %mul3A_1353 = arith.mulf %sub3A_1352, %sub3A_1352 : vector<16xf32>
        %add3A_1354 = arith.addf %mul3A_1283, %mul3A_1353 : vector<16xf32>
        %get3A_1355 = arith.constant 0 : i32
        %get3A_1356 = arith.index_cast %get3A_1355 : i32 to index
        %get3A_1357 = arith.index_cast %add3A_1227 : i32 to index
        %get3A_1358 = arith.constant 240 : index
        %get3A_1359 = tpu.vector_load %arg6[%get3A_1356, %get3A_1357, %get3A_1358] {strides = array<i32>} : memref<2x128x256xf32, #tpu.memory_space<vmem>>, vector<1x1x16xf32>,
        %get3A_1360 = vector.shape_cast %get3A_1359 : vector<1x1x16xf32> to vector<16xf32>
        %sub3A_1361 = arith.subf %get3A_1360, %get3A_301 : vector<16xf32>
        %mul3A_1362 = arith.mulf %sub3A_1361, %sub3A_1361 : vector<16xf32>
        %add3A_1363 = arith.addf %mul3A_1291, %mul3A_1362 : vector<16xf32>
        %add3A_1364 = arith.addf %add3A_1300, %add3A_1309 : vector<16xf32>
        %add3A_1365 = arith.addf %add3A_1318, %add3A_1327 : vector<16xf32>
        %add3A_1366 = arith.addf %add3A_1336, %add3A_1345 : vector<16xf32>
        %add3A_1367 = arith.addf %add3A_1354, %add3A_1363 : vector<16xf32>
        %add3A_1368 = arith.addf %add3A_1364, %add3A_1365 : vector<16xf32>
        %add3A_1369 = arith.addf %add3A_1366, %add3A_1367 : vector<16xf32>
        %add3A_1370 = arith.addf %add3A_1368, %add3A_1369 : vector<16xf32>
        %swap3A_1371 = arith.constant 0 : i32
        %swap3A_1372 = arith.index_cast %swap3A_1371 : i32 to index
        %swap3A_1373 = arith.index_cast %add3A_1227 : i32 to index
        %swap3A_1374 = arith.constant 0 : index
        %swap3A_1375 = tpu.vector_load %arg8[%swap3A_1372, %swap3A_1373, %swap3A_1374] {strides = array<i32>} : memref<2x128x16xf32, #tpu.memory_space<vmem>>, vector<1x1x16xf32>,
        %swap3A_1376 = vector.shape_cast %swap3A_1375 : vector<1x1x16xf32> to vector<16xf32>
        %swap3A_1377 = vector.shape_cast %add3A_1370 : vector<16xf32> to vector<1x1x16xf32>
        tpu.vector_store %arg8[%swap3A_1372, %swap3A_1373, %swap3A_1374], %swap3A_1377 {strides = array<i32>} : memref<2x128x16xf32, #tpu.memory_space<vmem>>, vector<1x1x16xf32>,
        %mul3A_1378 = arith.constant 8 : i32
        %mul3A_1379 = arith.muli %scan3A_205, %mul3A_1378 : i32
        %add3A_1380 = arith.constant 7 : i32
        %add3A_1381 = arith.addi %mul3A_1379, %add3A_1380 : i32
        %get3A_1382 = arith.constant 0 : i32
        %get3A_1383 = arith.index_cast %get3A_1382 : i32 to index
        %get3A_1384 = arith.index_cast %add3A_1381 : i32 to index
        %get3A_1385 = arith.constant 0 : index
        %get3A_1386 = tpu.vector_load %arg6[%get3A_1383, %get3A_1384, %get3A_1385] {strides = array<i32>} : memref<2x128x256xf32, #tpu.memory_space<vmem>>, vector<1x1x16xf32>,
        %get3A_1387 = vector.shape_cast %get3A_1386 : vector<1x1x16xf32> to vector<16xf32>
        %sub3A_1388 = arith.subf %get3A_1387, %get3A_211 : vector<16xf32>
        %mul3A_1389 = arith.mulf %sub3A_1388, %sub3A_1388 : vector<16xf32>
        %get3A_1390 = arith.constant 0 : i32
        %get3A_1391 = arith.index_cast %get3A_1390 : i32 to index
        %get3A_1392 = arith.index_cast %add3A_1381 : i32 to index
        %get3A_1393 = arith.constant 16 : index
        %get3A_1394 = tpu.vector_load %arg6[%get3A_1391, %get3A_1392, %get3A_1393] {strides = array<i32>} : memref<2x128x256xf32, #tpu.memory_space<vmem>>, vector<1x1x16xf32>,
        %get3A_1395 = vector.shape_cast %get3A_1394 : vector<1x1x16xf32> to vector<16xf32>
        %sub3A_1396 = arith.subf %get3A_1395, %get3A_217 : vector<16xf32>
        %mul3A_1397 = arith.mulf %sub3A_1396, %sub3A_1396 : vector<16xf32>
        %get3A_1398 = arith.constant 0 : i32
        %get3A_1399 = arith.index_cast %get3A_1398 : i32 to index
        %get3A_1400 = arith.index_cast %add3A_1381 : i32 to index
        %get3A_1401 = arith.constant 32 : index
        %get3A_1402 = tpu.vector_load %arg6[%get3A_1399, %get3A_1400, %get3A_1401] {strides = array<i32>} : memref<2x128x256xf32, #tpu.memory_space<vmem>>, vector<1x1x16xf32>,
        %get3A_1403 = vector.shape_cast %get3A_1402 : vector<1x1x16xf32> to vector<16xf32>
        %sub3A_1404 = arith.subf %get3A_1403, %get3A_223 : vector<16xf32>
        %mul3A_1405 = arith.mulf %sub3A_1404, %sub3A_1404 : vector<16xf32>
        %get3A_1406 = arith.constant 0 : i32
        %get3A_1407 = arith.index_cast %get3A_1406 : i32 to index
        %get3A_1408 = arith.index_cast %add3A_1381 : i32 to index
        %get3A_1409 = arith.constant 48 : index
        %get3A_1410 = tpu.vector_load %arg6[%get3A_1407, %get3A_1408, %get3A_1409] {strides = array<i32>} : memref<2x128x256xf32, #tpu.memory_space<vmem>>, vector<1x1x16xf32>,
        %get3A_1411 = vector.shape_cast %get3A_1410 : vector<1x1x16xf32> to vector<16xf32>
        %sub3A_1412 = arith.subf %get3A_1411, %get3A_229 : vector<16xf32>
        %mul3A_1413 = arith.mulf %sub3A_1412, %sub3A_1412 : vector<16xf32>
        %get3A_1414 = arith.constant 0 : i32
        %get3A_1415 = arith.index_cast %get3A_1414 : i32 to index
        %get3A_1416 = arith.index_cast %add3A_1381 : i32 to index
        %get3A_1417 = arith.constant 64 : index
        %get3A_1418 = tpu.vector_load %arg6[%get3A_1415, %get3A_1416, %get3A_1417] {strides = array<i32>} : memref<2x128x256xf32, #tpu.memory_space<vmem>>, vector<1x1x16xf32>,
        %get3A_1419 = vector.shape_cast %get3A_1418 : vector<1x1x16xf32> to vector<16xf32>
        %sub3A_1420 = arith.subf %get3A_1419, %get3A_235 : vector<16xf32>
        %mul3A_1421 = arith.mulf %sub3A_1420, %sub3A_1420 : vector<16xf32>
        %get3A_1422 = arith.constant 0 : i32
        %get3A_1423 = arith.index_cast %get3A_1422 : i32 to index
        %get3A_1424 = arith.index_cast %add3A_1381 : i32 to index
        %get3A_1425 = arith.constant 80 : index
        %get3A_1426 = tpu.vector_load %arg6[%get3A_1423, %get3A_1424, %get3A_1425] {strides = array<i32>} : memref<2x128x256xf32, #tpu.memory_space<vmem>>, vector<1x1x16xf32>,
        %get3A_1427 = vector.shape_cast %get3A_1426 : vector<1x1x16xf32> to vector<16xf32>
        %sub3A_1428 = arith.subf %get3A_1427, %get3A_241 : vector<16xf32>
        %mul3A_1429 = arith.mulf %sub3A_1428, %sub3A_1428 : vector<16xf32>
        %get3A_1430 = arith.constant 0 : i32
        %get3A_1431 = arith.index_cast %get3A_1430 : i32 to index
        %get3A_1432 = arith.index_cast %add3A_1381 : i32 to index
        %get3A_1433 = arith.constant 96 : index
        %get3A_1434 = tpu.vector_load %arg6[%get3A_1431, %get3A_1432, %get3A_1433] {strides = array<i32>} : memref<2x128x256xf32, #tpu.memory_space<vmem>>, vector<1x1x16xf32>,
        %get3A_1435 = vector.shape_cast %get3A_1434 : vector<1x1x16xf32> to vector<16xf32>
        %sub3A_1436 = arith.subf %get3A_1435, %get3A_247 : vector<16xf32>
        %mul3A_1437 = arith.mulf %sub3A_1436, %sub3A_1436 : vector<16xf32>
        %get3A_1438 = arith.constant 0 : i32
        %get3A_1439 = arith.index_cast %get3A_1438 : i32 to index
        %get3A_1440 = arith.index_cast %add3A_1381 : i32 to index
        %get3A_1441 = arith.constant 112 : index
        %get3A_1442 = tpu.vector_load %arg6[%get3A_1439, %get3A_1440, %get3A_1441] {strides = array<i32>} : memref<2x128x256xf32, #tpu.memory_space<vmem>>, vector<1x1x16xf32>,
        %get3A_1443 = vector.shape_cast %get3A_1442 : vector<1x1x16xf32> to vector<16xf32>
        %sub3A_1444 = arith.subf %get3A_1443, %get3A_253 : vector<16xf32>
        %mul3A_1445 = arith.mulf %sub3A_1444, %sub3A_1444 : vector<16xf32>
        %get3A_1446 = arith.constant 0 : i32
        %get3A_1447 = arith.index_cast %get3A_1446 : i32 to index
        %get3A_1448 = arith.index_cast %add3A_1381 : i32 to index
        %get3A_1449 = arith.constant 128 : index
        %get3A_1450 = tpu.vector_load %arg6[%get3A_1447, %get3A_1448, %get3A_1449] {strides = array<i32>} : memref<2x128x256xf32, #tpu.memory_space<vmem>>, vector<1x1x16xf32>,
        %get3A_1451 = vector.shape_cast %get3A_1450 : vector<1x1x16xf32> to vector<16xf32>
        %sub3A_1452 = arith.subf %get3A_1451, %get3A_259 : vector<16xf32>
        %mul3A_1453 = arith.mulf %sub3A_1452, %sub3A_1452 : vector<16xf32>
        %add3A_1454 = arith.addf %mul3A_1389, %mul3A_1453 : vector<16xf32>
        %get3A_1455 = arith.constant 0 : i32
        %get3A_1456 = arith.index_cast %get3A_1455 : i32 to index
        %get3A_1457 = arith.index_cast %add3A_1381 : i32 to index
        %get3A_1458 = arith.constant 144 : index
        %get3A_1459 = tpu.vector_load %arg6[%get3A_1456, %get3A_1457, %get3A_1458] {strides = array<i32>} : memref<2x128x256xf32, #tpu.memory_space<vmem>>, vector<1x1x16xf32>,
        %get3A_1460 = vector.shape_cast %get3A_1459 : vector<1x1x16xf32> to vector<16xf32>
        %sub3A_1461 = arith.subf %get3A_1460, %get3A_265 : vector<16xf32>
        %mul3A_1462 = arith.mulf %sub3A_1461, %sub3A_1461 : vector<16xf32>
        %add3A_1463 = arith.addf %mul3A_1397, %mul3A_1462 : vector<16xf32>
        %get3A_1464 = arith.constant 0 : i32
        %get3A_1465 = arith.index_cast %get3A_1464 : i32 to index
        %get3A_1466 = arith.index_cast %add3A_1381 : i32 to index
        %get3A_1467 = arith.constant 160 : index
        %get3A_1468 = tpu.vector_load %arg6[%get3A_1465, %get3A_1466, %get3A_1467] {strides = array<i32>} : memref<2x128x256xf32, #tpu.memory_space<vmem>>, vector<1x1x16xf32>,
        %get3A_1469 = vector.shape_cast %get3A_1468 : vector<1x1x16xf32> to vector<16xf32>
        %sub3A_1470 = arith.subf %get3A_1469, %get3A_271 : vector<16xf32>
        %mul3A_1471 = arith.mulf %sub3A_1470, %sub3A_1470 : vector<16xf32>
        %add3A_1472 = arith.addf %mul3A_1405, %mul3A_1471 : vector<16xf32>
        %get3A_1473 = arith.constant 0 : i32
        %get3A_1474 = arith.index_cast %get3A_1473 : i32 to index
        %get3A_1475 = arith.index_cast %add3A_1381 : i32 to index
        %get3A_1476 = arith.constant 176 : index
        %get3A_1477 = tpu.vector_load %arg6[%get3A_1474, %get3A_1475, %get3A_1476] {strides = array<i32>} : memref<2x128x256xf32, #tpu.memory_space<vmem>>, vector<1x1x16xf32>,
        %get3A_1478 = vector.shape_cast %get3A_1477 : vector<1x1x16xf32> to vector<16xf32>
        %sub3A_1479 = arith.subf %get3A_1478, %get3A_277 : vector<16xf32>
        %mul3A_1480 = arith.mulf %sub3A_1479, %sub3A_1479 : vector<16xf32>
        %add3A_1481 = arith.addf %mul3A_1413, %mul3A_1480 : vector<16xf32>
        %get3A_1482 = arith.constant 0 : i32
        %get3A_1483 = arith.index_cast %get3A_1482 : i32 to index
        %get3A_1484 = arith.index_cast %add3A_1381 : i32 to index
        %get3A_1485 = arith.constant 192 : index
        %get3A_1486 = tpu.vector_load %arg6[%get3A_1483, %get3A_1484, %get3A_1485] {strides = array<i32>} : memref<2x128x256xf32, #tpu.memory_space<vmem>>, vector<1x1x16xf32>,
        %get3A_1487 = vector.shape_cast %get3A_1486 : vector<1x1x16xf32> to vector<16xf32>
        %sub3A_1488 = arith.subf %get3A_1487, %get3A_283 : vector<16xf32>
        %mul3A_1489 = arith.mulf %sub3A_1488, %sub3A_1488 : vector<16xf32>
        %add3A_1490 = arith.addf %mul3A_1421, %mul3A_1489 : vector<16xf32>
        %get3A_1491 = arith.constant 0 : i32
        %get3A_1492 = arith.index_cast %get3A_1491 : i32 to index
        %get3A_1493 = arith.index_cast %add3A_1381 : i32 to index
        %get3A_1494 = arith.constant 208 : index
        %get3A_1495 = tpu.vector_load %arg6[%get3A_1492, %get3A_1493, %get3A_1494] {strides = array<i32>} : memref<2x128x256xf32, #tpu.memory_space<vmem>>, vector<1x1x16xf32>,
        %get3A_1496 = vector.shape_cast %get3A_1495 : vector<1x1x16xf32> to vector<16xf32>
        %sub3A_1497 = arith.subf %get3A_1496, %get3A_289 : vector<16xf32>
        %mul3A_1498 = arith.mulf %sub3A_1497, %sub3A_1497 : vector<16xf32>
        %add3A_1499 = arith.addf %mul3A_1429, %mul3A_1498 : vector<16xf32>
        %get3A_1500 = arith.constant 0 : i32
        %get3A_1501 = arith.index_cast %get3A_1500 : i32 to index
        %get3A_1502 = arith.index_cast %add3A_1381 : i32 to index
        %get3A_1503 = arith.constant 224 : index
        %get3A_1504 = tpu.vector_load %arg6[%get3A_1501, %get3A_1502, %get3A_1503] {strides = array<i32>} : memref<2x128x256xf32, #tpu.memory_space<vmem>>, vector<1x1x16xf32>,
        %get3A_1505 = vector.shape_cast %get3A_1504 : vector<1x1x16xf32> to vector<16xf32>
        %sub3A_1506 = arith.subf %get3A_1505, %get3A_295 : vector<16xf32>
        %mul3A_1507 = arith.mulf %sub3A_1506, %sub3A_1506 : vector<16xf32>
        %add3A_1508 = arith.addf %mul3A_1437, %mul3A_1507 : vector<16xf32>
        %get3A_1509 = arith.constant 0 : i32
        %get3A_1510 = arith.index_cast %get3A_1509 : i32 to index
        %get3A_1511 = arith.index_cast %add3A_1381 : i32 to index
        %get3A_1512 = arith.constant 240 : index
        %get3A_1513 = tpu.vector_load %arg6[%get3A_1510, %get3A_1511, %get3A_1512] {strides = array<i32>} : memref<2x128x256xf32, #tpu.memory_space<vmem>>, vector<1x1x16xf32>,
        %get3A_1514 = vector.shape_cast %get3A_1513 : vector<1x1x16xf32> to vector<16xf32>
        %sub3A_1515 = arith.subf %get3A_1514, %get3A_301 : vector<16xf32>
        %mul3A_1516 = arith.mulf %sub3A_1515, %sub3A_1515 : vector<16xf32>
        %add3A_1517 = arith.addf %mul3A_1445, %mul3A_1516 : vector<16xf32>
        %add3A_1518 = arith.addf %add3A_1454, %add3A_1463 : vector<16xf32>
        %add3A_1519 = arith.addf %add3A_1472, %add3A_1481 : vector<16xf32>
        %add3A_1520 = arith.addf %add3A_1490, %add3A_1499 : vector<16xf32>
        %add3A_1521 = arith.addf %add3A_1508, %add3A_1517 : vector<16xf32>
        %add3A_1522 = arith.addf %add3A_1518, %add3A_1519 : vector<16xf32>
        %add3A_1523 = arith.addf %add3A_1520, %add3A_1521 : vector<16xf32>
        %add3A_1524 = arith.addf %add3A_1522, %add3A_1523 : vector<16xf32>
        %swap3A_1525 = arith.constant 0 : i32
        %swap3A_1526 = arith.index_cast %swap3A_1525 : i32 to index
        %swap3A_1527 = arith.index_cast %add3A_1381 : i32 to index
        %swap3A_1528 = arith.constant 0 : index
        %swap3A_1529 = tpu.vector_load %arg8[%swap3A_1526, %swap3A_1527, %swap3A_1528] {strides = array<i32>} : memref<2x128x16xf32, #tpu.memory_space<vmem>>, vector<1x1x16xf32>,
        %swap3A_1530 = vector.shape_cast %swap3A_1529 : vector<1x1x16xf32> to vector<16xf32>
        %swap3A_1531 = vector.shape_cast %add3A_1524 : vector<16xf32> to vector<1x1x16xf32>
        tpu.vector_store %arg8[%swap3A_1526, %swap3A_1527, %swap3A_1528], %swap3A_1531 {strides = array<i32>} : memref<2x128x16xf32, #tpu.memory_space<vmem>>, vector<1x1x16xf32>,
        %scan3A_1532 = arith.constant 0 : i32
        scf.yield %scan3A_1532 : i32
      }
      %scan3A_114 = arith.constant 16 : i32
      %mul3A_115 = arith.constant 16 : i32
      %mul3A_116 = arith.muli %add3A_69, %mul3A_115 : i32
      %add3A_117 = arith.addi %mul3A_2, %mul3A_116 : i32
      %mul3A_118 = arith.constant 8 : i32
      %mul3A_119 = arith.muli %add3A_117, %mul3A_118 : i32
      %dma_start3A_120 = arith.constant 0 : i32
      %dma_start3A_121 = arith.constant 0 : i32
      %dma_start3A_122 = arith.constant 0 : i32
      %dma_start3A_123 = tpu.memref_slice %arg8[%dma_start3A_120, %dma_start3A_121, %dma_start3A_122] : memref<2x128x16xf32, #tpu.memory_space<vmem>> -> memref<1x128x16xf32, #tpu.memory_space<vmem>>
      %dma_start3A_124 = tpu.memref_squeeze %dma_start3A_123 : memref<1x128x16xf32, #tpu.memory_space<vmem>> -> memref<128x16xf32, #tpu.memory_space<vmem>>
      %dma_start3A_125 = arith.constant 0 : i32
      %dma_start3A_126 = tpu.memref_slice %arg4[%mul3A_119, %dma_start3A_125] : memref<131072x16xf32, #tpu.memory_space<hbm>> -> memref<128x16xf32, #tpu.memory_space<hbm>>
      %dma_start3A_127 = arith.constant 0 : i32
      %dma_start3A_128 = tpu.memref_slice %arg4[%mul3A_119, %dma_start3A_127] : memref<131072x16xf32, #tpu.memory_space<hbm>> -> memref<128x16xf32, #tpu.memory_space<hbm>>
      %dma_start3A_129 = arith.constant 0 : i32
      %dma_start3A_130 = arith.constant 0 : i32
      %dma_start3A_131 = tpu.memref_slice %arg8[%dma_start3A_120, %dma_start3A_129, %dma_start3A_130] : memref<2x128x16xf32, #tpu.memory_space<vmem>> -> memref<1x128x16xf32, #tpu.memory_space<vmem>>
      %dma_start3A_132 = tpu.memref_squeeze %dma_start3A_131 : memref<1x128x16xf32, #tpu.memory_space<vmem>> -> memref<128x16xf32, #tpu.memory_space<vmem>>
      tpu.enqueue_dma source(%dma_start3A_132 : memref<128x16xf32, #tpu.memory_space<vmem>>) target(%dma_start3A_128 : memref<128x16xf32, #tpu.memory_space<hbm>>) target_semaphore(%arg13 : memref<!tpu.dma_semaphore, #tpu.memory_space<semaphore_mem>>)
      %mul3A_133 = arith.constant 2 : i32
      %mul3A_134 = arith.muli %mul3A_133, %scan3A_64 : i32
      %add3A_135 = arith.constant 1 : i32
      %add3A_136 = arith.addi %mul3A_134, %add3A_135 : i32
      %add3A_137 = arith.constant 1 : i32
      %add3A_138 = arith.addi %add3A_136, %add3A_137 : i32
      %lt3A_139 = arith.constant 32 : i32
      %lt3A_140 = arith.cmpi slt, %add3A_138, %lt3A_139 : i32
      %convert_element_type3A_141 = arith.extui %lt3A_140 : i1 to i32
      %cond3A_142 = arith.constant 0 : i32
      %cond3A_143 = arith.cmpi ne, %convert_element_type3A_141, %cond3A_142 : i32
      scf.if %cond3A_143 {
        %mul3A_205 = arith.constant 16 : i32
        %mul3A_206 = arith.muli %add3A_138, %mul3A_205 : i32
        %mul3A_207 = arith.constant 8 : i32
        %mul3A_208 = arith.muli %mul3A_206, %mul3A_207 : i32
        %dma_start3A_209 = arith.constant 0 : i32
        %dma_start3A_210 = arith.constant 0 : i32
        %dma_start3A_211 = arith.constant 0 : i32
        %dma_start3A_212 = tpu.memref_slice %arg6[%dma_start3A_209, %dma_start3A_210, %dma_start3A_211] : memref<2x128x256xf32, #tpu.memory_space<vmem>> -> memref<1x128x256xf32, #tpu.memory_space<vmem>>
        %dma_start3A_213 = tpu.memref_squeeze %dma_start3A_212 : memref<1x128x256xf32, #tpu.memory_space<vmem>> -> memref<128x256xf32, #tpu.memory_space<vmem>>
        %dma_start3A_214 = tpu.memref_slice %arg5[%mul3A_208] : memref<4096xi32, #tpu.memory_space<vmem>> -> memref<128xi32, #tpu.memory_space<vmem>>
        %dma_start3A_215 = arith.constant 0 : i32
        %dma_start3A_216 = arith.constant 0 : i32
        %dma_start3A_217 = tpu.memref_slice %arg2[%dma_start3A_215, %dma_start3A_216] : memref<16384x256xf32, #tpu.memory_space<hbm>> -> memref<16384x256xf32, #tpu.memory_space<hbm>>
        tpu.enqueue_indirect_dma source(%dma_start3A_217 : memref<16384x256xf32, #tpu.memory_space<hbm>>) target(%dma_start3A_213 : memref<128x256xf32, #tpu.memory_space<vmem>>) offsets(%dma_start3A_214 : memref<128xi32, #tpu.memory_space<vmem>>) semaphore(%arg9 : memref<!tpu.dma_semaphore, #tpu.memory_space<semaphore_mem>>)
        %mul3A_218 = arith.constant 16 : i32
        %mul3A_219 = arith.muli %add3A_138, %mul3A_218 : i32
        %add3A_220 = arith.addi %mul3A_2, %mul3A_219 : i32
        %dma_start3A_221 = arith.constant 0 : i32
        %dma_start3A_222 = arith.constant 0 : i32
        %dma_start3A_223 = arith.constant 0 : i32
        %dma_start3A_224 = tpu.memref_slice %arg7[%dma_start3A_221, %dma_start3A_222, %dma_start3A_223] : memref<2x16x256xf32, #tpu.memory_space<vmem>> -> memref<1x16x256xf32, #tpu.memory_space<vmem>>
        %dma_start3A_225 = tpu.memref_squeeze %dma_start3A_224 : memref<1x16x256xf32, #tpu.memory_space<vmem>> -> memref<16x256xf32, #tpu.memory_space<vmem>>
        %dma_start3A_226 = arith.constant 0 : i32
        %dma_start3A_227 = tpu.memref_slice %arg2[%add3A_220, %dma_start3A_226] : memref<16384x256xf32, #tpu.memory_space<hbm>> -> memref<16x256xf32, #tpu.memory_space<hbm>>
        %dma_start3A_228 = arith.constant 0 : i32
        %dma_start3A_229 = arith.constant 0 : i32
        %dma_start3A_230 = tpu.memref_slice %arg7[%dma_start3A_221, %dma_start3A_228, %dma_start3A_229] : memref<2x16x256xf32, #tpu.memory_space<vmem>> -> memref<1x16x256xf32, #tpu.memory_space<vmem>>
        %dma_start3A_231 = tpu.memref_squeeze %dma_start3A_230 : memref<1x16x256xf32, #tpu.memory_space<vmem>> -> memref<16x256xf32, #tpu.memory_space<vmem>>
        %dma_start3A_232 = arith.constant 0 : i32
        %dma_start3A_233 = tpu.memref_slice %arg2[%add3A_220, %dma_start3A_232] : memref<16384x256xf32, #tpu.memory_space<hbm>> -> memref<16x256xf32, #tpu.memory_space<hbm>>
        tpu.enqueue_dma source(%dma_start3A_233 : memref<16x256xf32, #tpu.memory_space<hbm>>) target(%dma_start3A_231 : memref<16x256xf32, #tpu.memory_space<vmem>>) target_semaphore(%arg11 : memref<!tpu.dma_semaphore, #tpu.memory_space<semaphore_mem>>)
      } else {
      }
      %dma_wait3A_144 = arith.constant 1 : i32
      %dma_wait3A_145 = arith.constant 0 : i32
      %dma_wait3A_146 = arith.constant 0 : i32
      %dma_wait3A_147 = tpu.memref_slice %arg6[%dma_wait3A_144, %dma_wait3A_145, %dma_wait3A_146] : memref<2x128x256xf32, #tpu.memory_space<vmem>> -> memref<1x128x256xf32, #tpu.memory_space<vmem>>
      %dma_wait3A_148 = tpu.memref_squeeze %dma_wait3A_147 : memref<1x128x256xf32, #tpu.memory_space<vmem>> -> memref<128x256xf32, #tpu.memory_space<vmem>>
      %dma_wait3A_149 = arith.constant 0 : i32
      %dma_wait3A_150 = arith.constant 0 : i32
      %dma_wait3A_151 = tpu.memref_slice %arg2[%dma_wait3A_149, %dma_wait3A_150] : memref<16384x256xf32, #tpu.memory_space<hbm>> -> memref<128x256xf32, #tpu.memory_space<hbm>>
      %dma_wait3A_152 = arith.constant 0 : i32
      %dma_wait3A_153 = arith.constant 0 : i32
      %dma_wait3A_154 = tpu.memref_slice %arg6[%dma_wait3A_144, %dma_wait3A_152, %dma_wait3A_153] : memref<2x128x256xf32, #tpu.memory_space<vmem>> -> memref<1x128x256xf32, #tpu.memory_space<vmem>>
      %dma_wait3A_155 = tpu.memref_squeeze %dma_wait3A_154 : memref<1x128x256xf32, #tpu.memory_space<vmem>> -> memref<128x256xf32, #tpu.memory_space<vmem>>
      %dma_wait3A_156 = arith.constant 0 : i32
      %dma_wait3A_157 = arith.constant 0 : i32
      %dma_wait3A_158 = tpu.memref_slice %arg2[%dma_wait3A_156, %dma_wait3A_157] : memref<16384x256xf32, #tpu.memory_space<hbm>> -> memref<128x256xf32, #tpu.memory_space<hbm>>
      tpu.wait_dma2 semaphore(%arg10 : memref<!tpu.dma_semaphore, #tpu.memory_space<semaphore_mem>>) src(%dma_wait3A_158 : memref<128x256xf32, #tpu.memory_space<hbm>>) dst(%dma_wait3A_155 : memref<128x256xf32, #tpu.memory_space<vmem>>)
      %dma_wait3A_159 = arith.constant 1 : i32
      %dma_wait3A_160 = arith.constant 0 : i32
      %dma_wait3A_161 = arith.constant 0 : i32
      %dma_wait3A_162 = tpu.memref_slice %arg7[%dma_wait3A_159, %dma_wait3A_160, %dma_wait3A_161] : memref<2x16x256xf32, #tpu.memory_space<vmem>> -> memref<1x16x256xf32, #tpu.memory_space<vmem>>
      %dma_wait3A_163 = tpu.memref_squeeze %dma_wait3A_162 : memref<1x16x256xf32, #tpu.memory_space<vmem>> -> memref<16x256xf32, #tpu.memory_space<vmem>>
      %dma_wait3A_164 = arith.constant 0 : i32
      %dma_wait3A_165 = arith.constant 0 : i32
      %dma_wait3A_166 = tpu.memref_slice %arg2[%dma_wait3A_164, %dma_wait3A_165] : memref<16384x256xf32, #tpu.memory_space<hbm>> -> memref<16x256xf32, #tpu.memory_space<hbm>>
      %dma_wait3A_167 = arith.constant 0 : i32
      %dma_wait3A_168 = arith.constant 0 : i32
      %dma_wait3A_169 = tpu.memref_slice %arg7[%dma_wait3A_159, %dma_wait3A_167, %dma_wait3A_168] : memref<2x16x256xf32, #tpu.memory_space<vmem>> -> memref<1x16x256xf32, #tpu.memory_space<vmem>>
      %dma_wait3A_170 = tpu.memref_squeeze %dma_wait3A_169 : memref<1x16x256xf32, #tpu.memory_space<vmem>> -> memref<16x256xf32, #tpu.memory_space<vmem>>
      %dma_wait3A_171 = arith.constant 0 : i32
      %dma_wait3A_172 = arith.constant 0 : i32
      %dma_wait3A_173 = tpu.memref_slice %arg2[%dma_wait3A_171, %dma_wait3A_172] : memref<16384x256xf32, #tpu.memory_space<hbm>> -> memref<16x256xf32, #tpu.memory_space<hbm>>
      tpu.wait_dma2 semaphore(%arg12 : memref<!tpu.dma_semaphore, #tpu.memory_space<semaphore_mem>>) src(%dma_wait3A_173 : memref<16x256xf32, #tpu.memory_space<hbm>>) dst(%dma_wait3A_170 : memref<16x256xf32, #tpu.memory_space<vmem>>)
      %ge3A_174 = arith.constant 2 : i32
      %ge3A_175 = arith.cmpi sge, %add3A_136, %ge3A_174 : i32
      %convert_element_type3A_176 = arith.extui %ge3A_175 : i1 to i32
      %cond3A_177 = arith.constant 0 : i32
      %cond3A_178 = arith.cmpi ne, %convert_element_type3A_176, %cond3A_177 : i32
      scf.if %cond3A_178 {
        %dma_wait3A_205 = arith.constant 1 : i32
        %dma_wait3A_206 = arith.constant 0 : i32
        %dma_wait3A_207 = arith.constant 0 : i32
        %dma_wait3A_208 = tpu.memref_slice %arg8[%dma_wait3A_205, %dma_wait3A_206, %dma_wait3A_207] : memref<2x128x16xf32, #tpu.memory_space<vmem>> -> memref<1x128x16xf32, #tpu.memory_space<vmem>>
        %dma_wait3A_209 = tpu.memref_squeeze %dma_wait3A_208 : memref<1x128x16xf32, #tpu.memory_space<vmem>> -> memref<128x16xf32, #tpu.memory_space<vmem>>
        %dma_wait3A_210 = arith.constant 0 : i32
        %dma_wait3A_211 = arith.constant 0 : i32
        %dma_wait3A_212 = tpu.memref_slice %arg4[%dma_wait3A_210, %dma_wait3A_211] : memref<131072x16xf32, #tpu.memory_space<hbm>> -> memref<128x16xf32, #tpu.memory_space<hbm>>
        %dma_wait3A_213 = arith.constant 0 : i32
        %dma_wait3A_214 = arith.constant 0 : i32
        %dma_wait3A_215 = tpu.memref_slice %arg4[%dma_wait3A_213, %dma_wait3A_214] : memref<131072x16xf32, #tpu.memory_space<hbm>> -> memref<128x16xf32, #tpu.memory_space<hbm>>
        %dma_wait3A_216 = arith.constant 0 : i32
        %dma_wait3A_217 = arith.constant 0 : i32
        %dma_wait3A_218 = tpu.memref_slice %arg8[%dma_wait3A_205, %dma_wait3A_216, %dma_wait3A_217] : memref<2x128x16xf32, #tpu.memory_space<vmem>> -> memref<1x128x16xf32, #tpu.memory_space<vmem>>
        %dma_wait3A_219 = tpu.memref_squeeze %dma_wait3A_218 : memref<1x128x16xf32, #tpu.memory_space<vmem>> -> memref<128x16xf32, #tpu.memory_space<vmem>>
        tpu.wait_dma2 semaphore(%arg14 : memref<!tpu.dma_semaphore, #tpu.memory_space<semaphore_mem>>) src(%dma_wait3A_219 : memref<128x16xf32, #tpu.memory_space<vmem>>) dst(%dma_wait3A_215 : memref<128x16xf32, #tpu.memory_space<hbm>>)
      } else {
      }
      %scan3A_179 = arith.constant 0 : i32
      %scan3A_180 = arith.constant 0 : i32
      %scan3A_181 = arith.constant 16 : i32
      %scan3A_182 = arith.addi %scan3A_180, %scan3A_181 : i32
      %scan3A_183 = arith.constant 1 : i32
      %scan3A_184 = scf.for %scan3A_205 = %scan3A_180 to %scan3A_182 step %scan3A_183 iter_args(%scan3A_206 = %scan3A_179) -> (i32)  : i32 {
        %get3A = arith.constant 1 : i32
        %get3A_207 = arith.index_cast %get3A : i32 to index
        %get3A_208 = arith.index_cast %scan3A_205 : i32 to index
        %get3A_209 = arith.constant 0 : index
        %get3A_210 = tpu.vector_load %arg7[%get3A_207, %get3A_208, %get3A_209] {strides = array<i32>} : memref<2x16x256xf32, #tpu.memory_space<vmem>>, vector<1x1x16xf32>,
        %get3A_211 = vector.shape_cast %get3A_210 : vector<1x1x16xf32> to vector<16xf32>
        %get3A_212 = arith.constant 1 : i32
        %get3A_213 = arith.index_cast %get3A_212 : i32 to index
        %get3A_214 = arith.index_cast %scan3A_205 : i32 to index
        %get3A_215 = arith.constant 16 : index
        %get3A_216 = tpu.vector_load %arg7[%get3A_213, %get3A_214, %get3A_215] {strides = array<i32>} : memref<2x16x256xf32, #tpu.memory_space<vmem>>, vector<1x1x16xf32>,
        %get3A_217 = vector.shape_cast %get3A_216 : vector<1x1x16xf32> to vector<16xf32>
        %get3A_218 = arith.constant 1 : i32
        %get3A_219 = arith.index_cast %get3A_218 : i32 to index
        %get3A_220 = arith.index_cast %scan3A_205 : i32 to index
        %get3A_221 = arith.constant 32 : index
        %get3A_222 = tpu.vector_load %arg7[%get3A_219, %get3A_220, %get3A_221] {strides = array<i32>} : memref<2x16x256xf32, #tpu.memory_space<vmem>>, vector<1x1x16xf32>,
        %get3A_223 = vector.shape_cast %get3A_222 : vector<1x1x16xf32> to vector<16xf32>
        %get3A_224 = arith.constant 1 : i32
        %get3A_225 = arith.index_cast %get3A_224 : i32 to index
        %get3A_226 = arith.index_cast %scan3A_205 : i32 to index
        %get3A_227 = arith.constant 48 : index
        %get3A_228 = tpu.vector_load %arg7[%get3A_225, %get3A_226, %get3A_227] {strides = array<i32>} : memref<2x16x256xf32, #tpu.memory_space<vmem>>, vector<1x1x16xf32>,
        %get3A_229 = vector.shape_cast %get3A_228 : vector<1x1x16xf32> to vector<16xf32>
        %get3A_230 = arith.constant 1 : i32
        %get3A_231 = arith.index_cast %get3A_230 : i32 to index
        %get3A_232 = arith.index_cast %scan3A_205 : i32 to index
        %get3A_233 = arith.constant 64 : index
        %get3A_234 = tpu.vector_load %arg7[%get3A_231, %get3A_232, %get3A_233] {strides = array<i32>} : memref<2x16x256xf32, #tpu.memory_space<vmem>>, vector<1x1x16xf32>,
        %get3A_235 = vector.shape_cast %get3A_234 : vector<1x1x16xf32> to vector<16xf32>
        %get3A_236 = arith.constant 1 : i32
        %get3A_237 = arith.index_cast %get3A_236 : i32 to index
        %get3A_238 = arith.index_cast %scan3A_205 : i32 to index
        %get3A_239 = arith.constant 80 : index
        %get3A_240 = tpu.vector_load %arg7[%get3A_237, %get3A_238, %get3A_239] {strides = array<i32>} : memref<2x16x256xf32, #tpu.memory_space<vmem>>, vector<1x1x16xf32>,
        %get3A_241 = vector.shape_cast %get3A_240 : vector<1x1x16xf32> to vector<16xf32>
        %get3A_242 = arith.constant 1 : i32
        %get3A_243 = arith.index_cast %get3A_242 : i32 to index
        %get3A_244 = arith.index_cast %scan3A_205 : i32 to index
        %get3A_245 = arith.constant 96 : index
        %get3A_246 = tpu.vector_load %arg7[%get3A_243, %get3A_244, %get3A_245] {strides = array<i32>} : memref<2x16x256xf32, #tpu.memory_space<vmem>>, vector<1x1x16xf32>,
        %get3A_247 = vector.shape_cast %get3A_246 : vector<1x1x16xf32> to vector<16xf32>
        %get3A_248 = arith.constant 1 : i32
        %get3A_249 = arith.index_cast %get3A_248 : i32 to index
        %get3A_250 = arith.index_cast %scan3A_205 : i32 to index
        %get3A_251 = arith.constant 112 : index
        %get3A_252 = tpu.vector_load %arg7[%get3A_249, %get3A_250, %get3A_251] {strides = array<i32>} : memref<2x16x256xf32, #tpu.memory_space<vmem>>, vector<1x1x16xf32>,
        %get3A_253 = vector.shape_cast %get3A_252 : vector<1x1x16xf32> to vector<16xf32>
        %get3A_254 = arith.constant 1 : i32
        %get3A_255 = arith.index_cast %get3A_254 : i32 to index
        %get3A_256 = arith.index_cast %scan3A_205 : i32 to index
        %get3A_257 = arith.constant 128 : index
        %get3A_258 = tpu.vector_load %arg7[%get3A_255, %get3A_256, %get3A_257] {strides = array<i32>} : memref<2x16x256xf32, #tpu.memory_space<vmem>>, vector<1x1x16xf32>,
        %get3A_259 = vector.shape_cast %get3A_258 : vector<1x1x16xf32> to vector<16xf32>
        %get3A_260 = arith.constant 1 : i32
        %get3A_261 = arith.index_cast %get3A_260 : i32 to index
        %get3A_262 = arith.index_cast %scan3A_205 : i32 to index
        %get3A_263 = arith.constant 144 : index
        %get3A_264 = tpu.vector_load %arg7[%get3A_261, %get3A_262, %get3A_263] {strides = array<i32>} : memref<2x16x256xf32, #tpu.memory_space<vmem>>, vector<1x1x16xf32>,
        %get3A_265 = vector.shape_cast %get3A_264 : vector<1x1x16xf32> to vector<16xf32>
        %get3A_266 = arith.constant 1 : i32
        %get3A_267 = arith.index_cast %get3A_266 : i32 to index
        %get3A_268 = arith.index_cast %scan3A_205 : i32 to index
        %get3A_269 = arith.constant 160 : index
        %get3A_270 = tpu.vector_load %arg7[%get3A_267, %get3A_268, %get3A_269] {strides = array<i32>} : memref<2x16x256xf32, #tpu.memory_space<vmem>>, vector<1x1x16xf32>,
        %get3A_271 = vector.shape_cast %get3A_270 : vector<1x1x16xf32> to vector<16xf32>
        %get3A_272 = arith.constant 1 : i32
        %get3A_273 = arith.index_cast %get3A_272 : i32 to index
        %get3A_274 = arith.index_cast %scan3A_205 : i32 to index
        %get3A_275 = arith.constant 176 : index
        %get3A_276 = tpu.vector_load %arg7[%get3A_273, %get3A_274, %get3A_275] {strides = array<i32>} : memref<2x16x256xf32, #tpu.memory_space<vmem>>, vector<1x1x16xf32>,
        %get3A_277 = vector.shape_cast %get3A_276 : vector<1x1x16xf32> to vector<16xf32>
        %get3A_278 = arith.constant 1 : i32
        %get3A_279 = arith.index_cast %get3A_278 : i32 to index
        %get3A_280 = arith.index_cast %scan3A_205 : i32 to index
        %get3A_281 = arith.constant 192 : index
        %get3A_282 = tpu.vector_load %arg7[%get3A_279, %get3A_280, %get3A_281] {strides = array<i32>} : memref<2x16x256xf32, #tpu.memory_space<vmem>>, vector<1x1x16xf32>,
        %get3A_283 = vector.shape_cast %get3A_282 : vector<1x1x16xf32> to vector<16xf32>
        %get3A_284 = arith.constant 1 : i32
        %get3A_285 = arith.index_cast %get3A_284 : i32 to index
        %get3A_286 = arith.index_cast %scan3A_205 : i32 to index
        %get3A_287 = arith.constant 208 : index
        %get3A_288 = tpu.vector_load %arg7[%get3A_285, %get3A_286, %get3A_287] {strides = array<i32>} : memref<2x16x256xf32, #tpu.memory_space<vmem>>, vector<1x1x16xf32>,
        %get3A_289 = vector.shape_cast %get3A_288 : vector<1x1x16xf32> to vector<16xf32>
        %get3A_290 = arith.constant 1 : i32
        %get3A_291 = arith.index_cast %get3A_290 : i32 to index
        %get3A_292 = arith.index_cast %scan3A_205 : i32 to index
        %get3A_293 = arith.constant 224 : index
        %get3A_294 = tpu.vector_load %arg7[%get3A_291, %get3A_292, %get3A_293] {strides = array<i32>} : memref<2x16x256xf32, #tpu.memory_space<vmem>>, vector<1x1x16xf32>,
        %get3A_295 = vector.shape_cast %get3A_294 : vector<1x1x16xf32> to vector<16xf32>
        %get3A_296 = arith.constant 1 : i32
        %get3A_297 = arith.index_cast %get3A_296 : i32 to index
        %get3A_298 = arith.index_cast %scan3A_205 : i32 to index
        %get3A_299 = arith.constant 240 : index
        %get3A_300 = tpu.vector_load %arg7[%get3A_297, %get3A_298, %get3A_299] {strides = array<i32>} : memref<2x16x256xf32, #tpu.memory_space<vmem>>, vector<1x1x16xf32>,
        %get3A_301 = vector.shape_cast %get3A_300 : vector<1x1x16xf32> to vector<16xf32>
        %mul3A_302 = arith.constant 8 : i32
        %mul3A_303 = arith.muli %scan3A_205, %mul3A_302 : i32
        %add3A_304 = arith.constant 0 : i32
        %add3A_305 = arith.addi %mul3A_303, %add3A_304 : i32
        %get3A_306 = arith.constant 1 : i32
        %get3A_307 = arith.index_cast %get3A_306 : i32 to index
        %get3A_308 = arith.index_cast %add3A_305 : i32 to index
        %get3A_309 = arith.constant 0 : index
        %get3A_310 = tpu.vector_load %arg6[%get3A_307, %get3A_308, %get3A_309] {strides = array<i32>} : memref<2x128x256xf32, #tpu.memory_space<vmem>>, vector<1x1x16xf32>,
        %get3A_311 = vector.shape_cast %get3A_310 : vector<1x1x16xf32> to vector<16xf32>
        %sub3A = arith.subf %get3A_311, %get3A_211 : vector<16xf32>
        %mul3A_312 = arith.mulf %sub3A, %sub3A : vector<16xf32>
        %get3A_313 = arith.constant 1 : i32
        %get3A_314 = arith.index_cast %get3A_313 : i32 to index
        %get3A_315 = arith.index_cast %add3A_305 : i32 to index
        %get3A_316 = arith.constant 16 : index
        %get3A_317 = tpu.vector_load %arg6[%get3A_314, %get3A_315, %get3A_316] {strides = array<i32>} : memref<2x128x256xf32, #tpu.memory_space<vmem>>, vector<1x1x16xf32>,
        %get3A_318 = vector.shape_cast %get3A_317 : vector<1x1x16xf32> to vector<16xf32>
        %sub3A_319 = arith.subf %get3A_318, %get3A_217 : vector<16xf32>
        %mul3A_320 = arith.mulf %sub3A_319, %sub3A_319 : vector<16xf32>
        %get3A_321 = arith.constant 1 : i32
        %get3A_322 = arith.index_cast %get3A_321 : i32 to index
        %get3A_323 = arith.index_cast %add3A_305 : i32 to index
        %get3A_324 = arith.constant 32 : index
        %get3A_325 = tpu.vector_load %arg6[%get3A_322, %get3A_323, %get3A_324] {strides = array<i32>} : memref<2x128x256xf32, #tpu.memory_space<vmem>>, vector<1x1x16xf32>,
        %get3A_326 = vector.shape_cast %get3A_325 : vector<1x1x16xf32> to vector<16xf32>
        %sub3A_327 = arith.subf %get3A_326, %get3A_223 : vector<16xf32>
        %mul3A_328 = arith.mulf %sub3A_327, %sub3A_327 : vector<16xf32>
        %get3A_329 = arith.constant 1 : i32
        %get3A_330 = arith.index_cast %get3A_329 : i32 to index
        %get3A_331 = arith.index_cast %add3A_305 : i32 to index
        %get3A_332 = arith.constant 48 : index
        %get3A_333 = tpu.vector_load %arg6[%get3A_330, %get3A_331, %get3A_332] {strides = array<i32>} : memref<2x128x256xf32, #tpu.memory_space<vmem>>, vector<1x1x16xf32>,
        %get3A_334 = vector.shape_cast %get3A_333 : vector<1x1x16xf32> to vector<16xf32>
        %sub3A_335 = arith.subf %get3A_334, %get3A_229 : vector<16xf32>
        %mul3A_336 = arith.mulf %sub3A_335, %sub3A_335 : vector<16xf32>
        %get3A_337 = arith.constant 1 : i32
        %get3A_338 = arith.index_cast %get3A_337 : i32 to index
        %get3A_339 = arith.index_cast %add3A_305 : i32 to index
        %get3A_340 = arith.constant 64 : index
        %get3A_341 = tpu.vector_load %arg6[%get3A_338, %get3A_339, %get3A_340] {strides = array<i32>} : memref<2x128x256xf32, #tpu.memory_space<vmem>>, vector<1x1x16xf32>,
        %get3A_342 = vector.shape_cast %get3A_341 : vector<1x1x16xf32> to vector<16xf32>
        %sub3A_343 = arith.subf %get3A_342, %get3A_235 : vector<16xf32>
        %mul3A_344 = arith.mulf %sub3A_343, %sub3A_343 : vector<16xf32>
        %get3A_345 = arith.constant 1 : i32
        %get3A_346 = arith.index_cast %get3A_345 : i32 to index
        %get3A_347 = arith.index_cast %add3A_305 : i32 to index
        %get3A_348 = arith.constant 80 : index
        %get3A_349 = tpu.vector_load %arg6[%get3A_346, %get3A_347, %get3A_348] {strides = array<i32>} : memref<2x128x256xf32, #tpu.memory_space<vmem>>, vector<1x1x16xf32>,
        %get3A_350 = vector.shape_cast %get3A_349 : vector<1x1x16xf32> to vector<16xf32>
        %sub3A_351 = arith.subf %get3A_350, %get3A_241 : vector<16xf32>
        %mul3A_352 = arith.mulf %sub3A_351, %sub3A_351 : vector<16xf32>
        %get3A_353 = arith.constant 1 : i32
        %get3A_354 = arith.index_cast %get3A_353 : i32 to index
        %get3A_355 = arith.index_cast %add3A_305 : i32 to index
        %get3A_356 = arith.constant 96 : index
        %get3A_357 = tpu.vector_load %arg6[%get3A_354, %get3A_355, %get3A_356] {strides = array<i32>} : memref<2x128x256xf32, #tpu.memory_space<vmem>>, vector<1x1x16xf32>,
        %get3A_358 = vector.shape_cast %get3A_357 : vector<1x1x16xf32> to vector<16xf32>
        %sub3A_359 = arith.subf %get3A_358, %get3A_247 : vector<16xf32>
        %mul3A_360 = arith.mulf %sub3A_359, %sub3A_359 : vector<16xf32>
        %get3A_361 = arith.constant 1 : i32
        %get3A_362 = arith.index_cast %get3A_361 : i32 to index
        %get3A_363 = arith.index_cast %add3A_305 : i32 to index
        %get3A_364 = arith.constant 112 : index
        %get3A_365 = tpu.vector_load %arg6[%get3A_362, %get3A_363, %get3A_364] {strides = array<i32>} : memref<2x128x256xf32, #tpu.memory_space<vmem>>, vector<1x1x16xf32>,
        %get3A_366 = vector.shape_cast %get3A_365 : vector<1x1x16xf32> to vector<16xf32>
        %sub3A_367 = arith.subf %get3A_366, %get3A_253 : vector<16xf32>
        %mul3A_368 = arith.mulf %sub3A_367, %sub3A_367 : vector<16xf32>
        %get3A_369 = arith.constant 1 : i32
        %get3A_370 = arith.index_cast %get3A_369 : i32 to index
        %get3A_371 = arith.index_cast %add3A_305 : i32 to index
        %get3A_372 = arith.constant 128 : index
        %get3A_373 = tpu.vector_load %arg6[%get3A_370, %get3A_371, %get3A_372] {strides = array<i32>} : memref<2x128x256xf32, #tpu.memory_space<vmem>>, vector<1x1x16xf32>,
        %get3A_374 = vector.shape_cast %get3A_373 : vector<1x1x16xf32> to vector<16xf32>
        %sub3A_375 = arith.subf %get3A_374, %get3A_259 : vector<16xf32>
        %mul3A_376 = arith.mulf %sub3A_375, %sub3A_375 : vector<16xf32>
        %add3A_377 = arith.addf %mul3A_312, %mul3A_376 : vector<16xf32>
        %get3A_378 = arith.constant 1 : i32
        %get3A_379 = arith.index_cast %get3A_378 : i32 to index
        %get3A_380 = arith.index_cast %add3A_305 : i32 to index
        %get3A_381 = arith.constant 144 : index
        %get3A_382 = tpu.vector_load %arg6[%get3A_379, %get3A_380, %get3A_381] {strides = array<i32>} : memref<2x128x256xf32, #tpu.memory_space<vmem>>, vector<1x1x16xf32>,
        %get3A_383 = vector.shape_cast %get3A_382 : vector<1x1x16xf32> to vector<16xf32>
        %sub3A_384 = arith.subf %get3A_383, %get3A_265 : vector<16xf32>
        %mul3A_385 = arith.mulf %sub3A_384, %sub3A_384 : vector<16xf32>
        %add3A_386 = arith.addf %mul3A_320, %mul3A_385 : vector<16xf32>
        %get3A_387 = arith.constant 1 : i32
        %get3A_388 = arith.index_cast %get3A_387 : i32 to index
        %get3A_389 = arith.index_cast %add3A_305 : i32 to index
        %get3A_390 = arith.constant 160 : index
        %get3A_391 = tpu.vector_load %arg6[%get3A_388, %get3A_389, %get3A_390] {strides = array<i32>} : memref<2x128x256xf32, #tpu.memory_space<vmem>>, vector<1x1x16xf32>,
        %get3A_392 = vector.shape_cast %get3A_391 : vector<1x1x16xf32> to vector<16xf32>
        %sub3A_393 = arith.subf %get3A_392, %get3A_271 : vector<16xf32>
        %mul3A_394 = arith.mulf %sub3A_393, %sub3A_393 : vector<16xf32>
        %add3A_395 = arith.addf %mul3A_328, %mul3A_394 : vector<16xf32>
        %get3A_396 = arith.constant 1 : i32
        %get3A_397 = arith.index_cast %get3A_396 : i32 to index
        %get3A_398 = arith.index_cast %add3A_305 : i32 to index
        %get3A_399 = arith.constant 176 : index
        %get3A_400 = tpu.vector_load %arg6[%get3A_397, %get3A_398, %get3A_399] {strides = array<i32>} : memref<2x128x256xf32, #tpu.memory_space<vmem>>, vector<1x1x16xf32>,
        %get3A_401 = vector.shape_cast %get3A_400 : vector<1x1x16xf32> to vector<16xf32>
        %sub3A_402 = arith.subf %get3A_401, %get3A_277 : vector<16xf32>
        %mul3A_403 = arith.mulf %sub3A_402, %sub3A_402 : vector<16xf32>
        %add3A_404 = arith.addf %mul3A_336, %mul3A_403 : vector<16xf32>
        %get3A_405 = arith.constant 1 : i32
        %get3A_406 = arith.index_cast %get3A_405 : i32 to index
        %get3A_407 = arith.index_cast %add3A_305 : i32 to index
        %get3A_408 = arith.constant 192 : index
        %get3A_409 = tpu.vector_load %arg6[%get3A_406, %get3A_407, %get3A_408] {strides = array<i32>} : memref<2x128x256xf32, #tpu.memory_space<vmem>>, vector<1x1x16xf32>,
        %get3A_410 = vector.shape_cast %get3A_409 : vector<1x1x16xf32> to vector<16xf32>
        %sub3A_411 = arith.subf %get3A_410, %get3A_283 : vector<16xf32>
        %mul3A_412 = arith.mulf %sub3A_411, %sub3A_411 : vector<16xf32>
        %add3A_413 = arith.addf %mul3A_344, %mul3A_412 : vector<16xf32>
        %get3A_414 = arith.constant 1 : i32
        %get3A_415 = arith.index_cast %get3A_414 : i32 to index
        %get3A_416 = arith.index_cast %add3A_305 : i32 to index
        %get3A_417 = arith.constant 208 : index
        %get3A_418 = tpu.vector_load %arg6[%get3A_415, %get3A_416, %get3A_417] {strides = array<i32>} : memref<2x128x256xf32, #tpu.memory_space<vmem>>, vector<1x1x16xf32>,
        %get3A_419 = vector.shape_cast %get3A_418 : vector<1x1x16xf32> to vector<16xf32>
        %sub3A_420 = arith.subf %get3A_419, %get3A_289 : vector<16xf32>
        %mul3A_421 = arith.mulf %sub3A_420, %sub3A_420 : vector<16xf32>
        %add3A_422 = arith.addf %mul3A_352, %mul3A_421 : vector<16xf32>
        %get3A_423 = arith.constant 1 : i32
        %get3A_424 = arith.index_cast %get3A_423 : i32 to index
        %get3A_425 = arith.index_cast %add3A_305 : i32 to index
        %get3A_426 = arith.constant 224 : index
        %get3A_427 = tpu.vector_load %arg6[%get3A_424, %get3A_425, %get3A_426] {strides = array<i32>} : memref<2x128x256xf32, #tpu.memory_space<vmem>>, vector<1x1x16xf32>,
        %get3A_428 = vector.shape_cast %get3A_427 : vector<1x1x16xf32> to vector<16xf32>
        %sub3A_429 = arith.subf %get3A_428, %get3A_295 : vector<16xf32>
        %mul3A_430 = arith.mulf %sub3A_429, %sub3A_429 : vector<16xf32>
        %add3A_431 = arith.addf %mul3A_360, %mul3A_430 : vector<16xf32>
        %get3A_432 = arith.constant 1 : i32
        %get3A_433 = arith.index_cast %get3A_432 : i32 to index
        %get3A_434 = arith.index_cast %add3A_305 : i32 to index
        %get3A_435 = arith.constant 240 : index
        %get3A_436 = tpu.vector_load %arg6[%get3A_433, %get3A_434, %get3A_435] {strides = array<i32>} : memref<2x128x256xf32, #tpu.memory_space<vmem>>, vector<1x1x16xf32>,
        %get3A_437 = vector.shape_cast %get3A_436 : vector<1x1x16xf32> to vector<16xf32>
        %sub3A_438 = arith.subf %get3A_437, %get3A_301 : vector<16xf32>
        %mul3A_439 = arith.mulf %sub3A_438, %sub3A_438 : vector<16xf32>
        %add3A_440 = arith.addf %mul3A_368, %mul3A_439 : vector<16xf32>
        %add3A_441 = arith.addf %add3A_377, %add3A_386 : vector<16xf32>
        %add3A_442 = arith.addf %add3A_395, %add3A_404 : vector<16xf32>
        %add3A_443 = arith.addf %add3A_413, %add3A_422 : vector<16xf32>
        %add3A_444 = arith.addf %add3A_431, %add3A_440 : vector<16xf32>
        %add3A_445 = arith.addf %add3A_441, %add3A_442 : vector<16xf32>
        %add3A_446 = arith.addf %add3A_443, %add3A_444 : vector<16xf32>
        %add3A_447 = arith.addf %add3A_445, %add3A_446 : vector<16xf32>
        %swap3A = arith.constant 1 : i32
        %swap3A_448 = arith.index_cast %swap3A : i32 to index
        %swap3A_449 = arith.index_cast %add3A_305 : i32 to index
        %swap3A_450 = arith.constant 0 : index
        %swap3A_451 = tpu.vector_load %arg8[%swap3A_448, %swap3A_449, %swap3A_450] {strides = array<i32>} : memref<2x128x16xf32, #tpu.memory_space<vmem>>, vector<1x1x16xf32>,
        %swap3A_452 = vector.shape_cast %swap3A_451 : vector<1x1x16xf32> to vector<16xf32>
        %swap3A_453 = vector.shape_cast %add3A_447 : vector<16xf32> to vector<1x1x16xf32>
        tpu.vector_store %arg8[%swap3A_448, %swap3A_449, %swap3A_450], %swap3A_453 {strides = array<i32>} : memref<2x128x16xf32, #tpu.memory_space<vmem>>, vector<1x1x16xf32>,
        %mul3A_454 = arith.constant 8 : i32
        %mul3A_455 = arith.muli %scan3A_205, %mul3A_454 : i32
        %add3A_456 = arith.constant 1 : i32
        %add3A_457 = arith.addi %mul3A_455, %add3A_456 : i32
        %get3A_458 = arith.constant 1 : i32
        %get3A_459 = arith.index_cast %get3A_458 : i32 to index
        %get3A_460 = arith.index_cast %add3A_457 : i32 to index
        %get3A_461 = arith.constant 0 : index
        %get3A_462 = tpu.vector_load %arg6[%get3A_459, %get3A_460, %get3A_461] {strides = array<i32>} : memref<2x128x256xf32, #tpu.memory_space<vmem>>, vector<1x1x16xf32>,
        %get3A_463 = vector.shape_cast %get3A_462 : vector<1x1x16xf32> to vector<16xf32>
        %sub3A_464 = arith.subf %get3A_463, %get3A_211 : vector<16xf32>
        %mul3A_465 = arith.mulf %sub3A_464, %sub3A_464 : vector<16xf32>
        %get3A_466 = arith.constant 1 : i32
        %get3A_467 = arith.index_cast %get3A_466 : i32 to index
        %get3A_468 = arith.index_cast %add3A_457 : i32 to index
        %get3A_469 = arith.constant 16 : index
        %get3A_470 = tpu.vector_load %arg6[%get3A_467, %get3A_468, %get3A_469] {strides = array<i32>} : memref<2x128x256xf32, #tpu.memory_space<vmem>>, vector<1x1x16xf32>,
        %get3A_471 = vector.shape_cast %get3A_470 : vector<1x1x16xf32> to vector<16xf32>
        %sub3A_472 = arith.subf %get3A_471, %get3A_217 : vector<16xf32>
        %mul3A_473 = arith.mulf %sub3A_472, %sub3A_472 : vector<16xf32>
        %get3A_474 = arith.constant 1 : i32
        %get3A_475 = arith.index_cast %get3A_474 : i32 to index
        %get3A_476 = arith.index_cast %add3A_457 : i32 to index
        %get3A_477 = arith.constant 32 : index
        %get3A_478 = tpu.vector_load %arg6[%get3A_475, %get3A_476, %get3A_477] {strides = array<i32>} : memref<2x128x256xf32, #tpu.memory_space<vmem>>, vector<1x1x16xf32>,
        %get3A_479 = vector.shape_cast %get3A_478 : vector<1x1x16xf32> to vector<16xf32>
        %sub3A_480 = arith.subf %get3A_479, %get3A_223 : vector<16xf32>
        %mul3A_481 = arith.mulf %sub3A_480, %sub3A_480 : vector<16xf32>
        %get3A_482 = arith.constant 1 : i32
        %get3A_483 = arith.index_cast %get3A_482 : i32 to index
        %get3A_484 = arith.index_cast %add3A_457 : i32 to index
        %get3A_485 = arith.constant 48 : index
        %get3A_486 = tpu.vector_load %arg6[%get3A_483, %get3A_484, %get3A_485] {strides = array<i32>} : memref<2x128x256xf32, #tpu.memory_space<vmem>>, vector<1x1x16xf32>,
        %get3A_487 = vector.shape_cast %get3A_486 : vector<1x1x16xf32> to vector<16xf32>
        %sub3A_488 = arith.subf %get3A_487, %get3A_229 : vector<16xf32>
        %mul3A_489 = arith.mulf %sub3A_488, %sub3A_488 : vector<16xf32>
        %get3A_490 = arith.constant 1 : i32
        %get3A_491 = arith.index_cast %get3A_490 : i32 to index
        %get3A_492 = arith.index_cast %add3A_457 : i32 to index
        %get3A_493 = arith.constant 64 : index
        %get3A_494 = tpu.vector_load %arg6[%get3A_491, %get3A_492, %get3A_493] {strides = array<i32>} : memref<2x128x256xf32, #tpu.memory_space<vmem>>, vector<1x1x16xf32>,
        %get3A_495 = vector.shape_cast %get3A_494 : vector<1x1x16xf32> to vector<16xf32>
        %sub3A_496 = arith.subf %get3A_495, %get3A_235 : vector<16xf32>
        %mul3A_497 = arith.mulf %sub3A_496, %sub3A_496 : vector<16xf32>
        %get3A_498 = arith.constant 1 : i32
        %get3A_499 = arith.index_cast %get3A_498 : i32 to index
        %get3A_500 = arith.index_cast %add3A_457 : i32 to index
        %get3A_501 = arith.constant 80 : index
        %get3A_502 = tpu.vector_load %arg6[%get3A_499, %get3A_500, %get3A_501] {strides = array<i32>} : memref<2x128x256xf32, #tpu.memory_space<vmem>>, vector<1x1x16xf32>,
        %get3A_503 = vector.shape_cast %get3A_502 : vector<1x1x16xf32> to vector<16xf32>
        %sub3A_504 = arith.subf %get3A_503, %get3A_241 : vector<16xf32>
        %mul3A_505 = arith.mulf %sub3A_504, %sub3A_504 : vector<16xf32>
        %get3A_506 = arith.constant 1 : i32
        %get3A_507 = arith.index_cast %get3A_506 : i32 to index
        %get3A_508 = arith.index_cast %add3A_457 : i32 to index
        %get3A_509 = arith.constant 96 : index
        %get3A_510 = tpu.vector_load %arg6[%get3A_507, %get3A_508, %get3A_509] {strides = array<i32>} : memref<2x128x256xf32, #tpu.memory_space<vmem>>, vector<1x1x16xf32>,
        %get3A_511 = vector.shape_cast %get3A_510 : vector<1x1x16xf32> to vector<16xf32>
        %sub3A_512 = arith.subf %get3A_511, %get3A_247 : vector<16xf32>
        %mul3A_513 = arith.mulf %sub3A_512, %sub3A_512 : vector<16xf32>
        %get3A_514 = arith.constant 1 : i32
        %get3A_515 = arith.index_cast %get3A_514 : i32 to index
        %get3A_516 = arith.index_cast %add3A_457 : i32 to index
        %get3A_517 = arith.constant 112 : index
        %get3A_518 = tpu.vector_load %arg6[%get3A_515, %get3A_516, %get3A_517] {strides = array<i32>} : memref<2x128x256xf32, #tpu.memory_space<vmem>>, vector<1x1x16xf32>,
        %get3A_519 = vector.shape_cast %get3A_518 : vector<1x1x16xf32> to vector<16xf32>
        %sub3A_520 = arith.subf %get3A_519, %get3A_253 : vector<16xf32>
        %mul3A_521 = arith.mulf %sub3A_520, %sub3A_520 : vector<16xf32>
        %get3A_522 = arith.constant 1 : i32
        %get3A_523 = arith.index_cast %get3A_522 : i32 to index
        %get3A_524 = arith.index_cast %add3A_457 : i32 to index
        %get3A_525 = arith.constant 128 : index
        %get3A_526 = tpu.vector_load %arg6[%get3A_523, %get3A_524, %get3A_525] {strides = array<i32>} : memref<2x128x256xf32, #tpu.memory_space<vmem>>, vector<1x1x16xf32>,
        %get3A_527 = vector.shape_cast %get3A_526 : vector<1x1x16xf32> to vector<16xf32>
        %sub3A_528 = arith.subf %get3A_527, %get3A_259 : vector<16xf32>
        %mul3A_529 = arith.mulf %sub3A_528, %sub3A_528 : vector<16xf32>
        %add3A_530 = arith.addf %mul3A_465, %mul3A_529 : vector<16xf32>
        %get3A_531 = arith.constant 1 : i32
        %get3A_532 = arith.index_cast %get3A_531 : i32 to index
        %get3A_533 = arith.index_cast %add3A_457 : i32 to index
        %get3A_534 = arith.constant 144 : index
        %get3A_535 = tpu.vector_load %arg6[%get3A_532, %get3A_533, %get3A_534] {strides = array<i32>} : memref<2x128x256xf32, #tpu.memory_space<vmem>>, vector<1x1x16xf32>,
        %get3A_536 = vector.shape_cast %get3A_535 : vector<1x1x16xf32> to vector<16xf32>
        %sub3A_537 = arith.subf %get3A_536, %get3A_265 : vector<16xf32>
        %mul3A_538 = arith.mulf %sub3A_537, %sub3A_537 : vector<16xf32>
        %add3A_539 = arith.addf %mul3A_473, %mul3A_538 : vector<16xf32>
        %get3A_540 = arith.constant 1 : i32
        %get3A_541 = arith.index_cast %get3A_540 : i32 to index
        %get3A_542 = arith.index_cast %add3A_457 : i32 to index
        %get3A_543 = arith.constant 160 : index
        %get3A_544 = tpu.vector_load %arg6[%get3A_541, %get3A_542, %get3A_543] {strides = array<i32>} : memref<2x128x256xf32, #tpu.memory_space<vmem>>, vector<1x1x16xf32>,
        %get3A_545 = vector.shape_cast %get3A_544 : vector<1x1x16xf32> to vector<16xf32>
        %sub3A_546 = arith.subf %get3A_545, %get3A_271 : vector<16xf32>
        %mul3A_547 = arith.mulf %sub3A_546, %sub3A_546 : vector<16xf32>
        %add3A_548 = arith.addf %mul3A_481, %mul3A_547 : vector<16xf32>
        %get3A_549 = arith.constant 1 : i32
        %get3A_550 = arith.index_cast %get3A_549 : i32 to index
        %get3A_551 = arith.index_cast %add3A_457 : i32 to index
        %get3A_552 = arith.constant 176 : index
        %get3A_553 = tpu.vector_load %arg6[%get3A_550, %get3A_551, %get3A_552] {strides = array<i32>} : memref<2x128x256xf32, #tpu.memory_space<vmem>>, vector<1x1x16xf32>,
        %get3A_554 = vector.shape_cast %get3A_553 : vector<1x1x16xf32> to vector<16xf32>
        %sub3A_555 = arith.subf %get3A_554, %get3A_277 : vector<16xf32>
        %mul3A_556 = arith.mulf %sub3A_555, %sub3A_555 : vector<16xf32>
        %add3A_557 = arith.addf %mul3A_489, %mul3A_556 : vector<16xf32>
        %get3A_558 = arith.constant 1 : i32
        %get3A_559 = arith.index_cast %get3A_558 : i32 to index
        %get3A_560 = arith.index_cast %add3A_457 : i32 to index
        %get3A_561 = arith.constant 192 : index
        %get3A_562 = tpu.vector_load %arg6[%get3A_559, %get3A_560, %get3A_561] {strides = array<i32>} : memref<2x128x256xf32, #tpu.memory_space<vmem>>, vector<1x1x16xf32>,
        %get3A_563 = vector.shape_cast %get3A_562 : vector<1x1x16xf32> to vector<16xf32>
        %sub3A_564 = arith.subf %get3A_563, %get3A_283 : vector<16xf32>
        %mul3A_565 = arith.mulf %sub3A_564, %sub3A_564 : vector<16xf32>
        %add3A_566 = arith.addf %mul3A_497, %mul3A_565 : vector<16xf32>
        %get3A_567 = arith.constant 1 : i32
        %get3A_568 = arith.index_cast %get3A_567 : i32 to index
        %get3A_569 = arith.index_cast %add3A_457 : i32 to index
        %get3A_570 = arith.constant 208 : index
        %get3A_571 = tpu.vector_load %arg6[%get3A_568, %get3A_569, %get3A_570] {strides = array<i32>} : memref<2x128x256xf32, #tpu.memory_space<vmem>>, vector<1x1x16xf32>,
        %get3A_572 = vector.shape_cast %get3A_571 : vector<1x1x16xf32> to vector<16xf32>
        %sub3A_573 = arith.subf %get3A_572, %get3A_289 : vector<16xf32>
        %mul3A_574 = arith.mulf %sub3A_573, %sub3A_573 : vector<16xf32>
        %add3A_575 = arith.addf %mul3A_505, %mul3A_574 : vector<16xf32>
        %get3A_576 = arith.constant 1 : i32
        %get3A_577 = arith.index_cast %get3A_576 : i32 to index
        %get3A_578 = arith.index_cast %add3A_457 : i32 to index
        %get3A_579 = arith.constant 224 : index
        %get3A_580 = tpu.vector_load %arg6[%get3A_577, %get3A_578, %get3A_579] {strides = array<i32>} : memref<2x128x256xf32, #tpu.memory_space<vmem>>, vector<1x1x16xf32>,
        %get3A_581 = vector.shape_cast %get3A_580 : vector<1x1x16xf32> to vector<16xf32>
        %sub3A_582 = arith.subf %get3A_581, %get3A_295 : vector<16xf32>
        %mul3A_583 = arith.mulf %sub3A_582, %sub3A_582 : vector<16xf32>
        %add3A_584 = arith.addf %mul3A_513, %mul3A_583 : vector<16xf32>
        %get3A_585 = arith.constant 1 : i32
        %get3A_586 = arith.index_cast %get3A_585 : i32 to index
        %get3A_587 = arith.index_cast %add3A_457 : i32 to index
        %get3A_588 = arith.constant 240 : index
        %get3A_589 = tpu.vector_load %arg6[%get3A_586, %get3A_587, %get3A_588] {strides = array<i32>} : memref<2x128x256xf32, #tpu.memory_space<vmem>>, vector<1x1x16xf32>,
        %get3A_590 = vector.shape_cast %get3A_589 : vector<1x1x16xf32> to vector<16xf32>
        %sub3A_591 = arith.subf %get3A_590, %get3A_301 : vector<16xf32>
        %mul3A_592 = arith.mulf %sub3A_591, %sub3A_591 : vector<16xf32>
        %add3A_593 = arith.addf %mul3A_521, %mul3A_592 : vector<16xf32>
        %add3A_594 = arith.addf %add3A_530, %add3A_539 : vector<16xf32>
        %add3A_595 = arith.addf %add3A_548, %add3A_557 : vector<16xf32>
        %add3A_596 = arith.addf %add3A_566, %add3A_575 : vector<16xf32>
        %add3A_597 = arith.addf %add3A_584, %add3A_593 : vector<16xf32>
        %add3A_598 = arith.addf %add3A_594, %add3A_595 : vector<16xf32>
        %add3A_599 = arith.addf %add3A_596, %add3A_597 : vector<16xf32>
        %add3A_600 = arith.addf %add3A_598, %add3A_599 : vector<16xf32>
        %swap3A_601 = arith.constant 1 : i32
        %swap3A_602 = arith.index_cast %swap3A_601 : i32 to index
        %swap3A_603 = arith.index_cast %add3A_457 : i32 to index
        %swap3A_604 = arith.constant 0 : index
        %swap3A_605 = tpu.vector_load %arg8[%swap3A_602, %swap3A_603, %swap3A_604] {strides = array<i32>} : memref<2x128x16xf32, #tpu.memory_space<vmem>>, vector<1x1x16xf32>,
        %swap3A_606 = vector.shape_cast %swap3A_605 : vector<1x1x16xf32> to vector<16xf32>
        %swap3A_607 = vector.shape_cast %add3A_600 : vector<16xf32> to vector<1x1x16xf32>
        tpu.vector_store %arg8[%swap3A_602, %swap3A_603, %swap3A_604], %swap3A_607 {strides = array<i32>} : memref<2x128x16xf32, #tpu.memory_space<vmem>>, vector<1x1x16xf32>,
        %mul3A_608 = arith.constant 8 : i32
        %mul3A_609 = arith.muli %scan3A_205, %mul3A_608 : i32
        %add3A_610 = arith.constant 2 : i32
        %add3A_611 = arith.addi %mul3A_609, %add3A_610 : i32
        %get3A_612 = arith.constant 1 : i32
        %get3A_613 = arith.index_cast %get3A_612 : i32 to index
        %get3A_614 = arith.index_cast %add3A_611 : i32 to index
        %get3A_615 = arith.constant 0 : index
        %get3A_616 = tpu.vector_load %arg6[%get3A_613, %get3A_614, %get3A_615] {strides = array<i32>} : memref<2x128x256xf32, #tpu.memory_space<vmem>>, vector<1x1x16xf32>,
        %get3A_617 = vector.shape_cast %get3A_616 : vector<1x1x16xf32> to vector<16xf32>
        %sub3A_618 = arith.subf %get3A_617, %get3A_211 : vector<16xf32>
        %mul3A_619 = arith.mulf %sub3A_618, %sub3A_618 : vector<16xf32>
        %get3A_620 = arith.constant 1 : i32
        %get3A_621 = arith.index_cast %get3A_620 : i32 to index
        %get3A_622 = arith.index_cast %add3A_611 : i32 to index
        %get3A_623 = arith.constant 16 : index
        %get3A_624 = tpu.vector_load %arg6[%get3A_621, %get3A_622, %get3A_623] {strides = array<i32>} : memref<2x128x256xf32, #tpu.memory_space<vmem>>, vector<1x1x16xf32>,
        %get3A_625 = vector.shape_cast %get3A_624 : vector<1x1x16xf32> to vector<16xf32>
        %sub3A_626 = arith.subf %get3A_625, %get3A_217 : vector<16xf32>
        %mul3A_627 = arith.mulf %sub3A_626, %sub3A_626 : vector<16xf32>
        %get3A_628 = arith.constant 1 : i32
        %get3A_629 = arith.index_cast %get3A_628 : i32 to index
        %get3A_630 = arith.index_cast %add3A_611 : i32 to index
        %get3A_631 = arith.constant 32 : index
        %get3A_632 = tpu.vector_load %arg6[%get3A_629, %get3A_630, %get3A_631] {strides = array<i32>} : memref<2x128x256xf32, #tpu.memory_space<vmem>>, vector<1x1x16xf32>,
        %get3A_633 = vector.shape_cast %get3A_632 : vector<1x1x16xf32> to vector<16xf32>
        %sub3A_634 = arith.subf %get3A_633, %get3A_223 : vector<16xf32>
        %mul3A_635 = arith.mulf %sub3A_634, %sub3A_634 : vector<16xf32>
        %get3A_636 = arith.constant 1 : i32
        %get3A_637 = arith.index_cast %get3A_636 : i32 to index
        %get3A_638 = arith.index_cast %add3A_611 : i32 to index
        %get3A_639 = arith.constant 48 : index
        %get3A_640 = tpu.vector_load %arg6[%get3A_637, %get3A_638, %get3A_639] {strides = array<i32>} : memref<2x128x256xf32, #tpu.memory_space<vmem>>, vector<1x1x16xf32>,
        %get3A_641 = vector.shape_cast %get3A_640 : vector<1x1x16xf32> to vector<16xf32>
        %sub3A_642 = arith.subf %get3A_641, %get3A_229 : vector<16xf32>
        %mul3A_643 = arith.mulf %sub3A_642, %sub3A_642 : vector<16xf32>
        %get3A_644 = arith.constant 1 : i32
        %get3A_645 = arith.index_cast %get3A_644 : i32 to index
        %get3A_646 = arith.index_cast %add3A_611 : i32 to index
        %get3A_647 = arith.constant 64 : index
        %get3A_648 = tpu.vector_load %arg6[%get3A_645, %get3A_646, %get3A_647] {strides = array<i32>} : memref<2x128x256xf32, #tpu.memory_space<vmem>>, vector<1x1x16xf32>,
        %get3A_649 = vector.shape_cast %get3A_648 : vector<1x1x16xf32> to vector<16xf32>
        %sub3A_650 = arith.subf %get3A_649, %get3A_235 : vector<16xf32>
        %mul3A_651 = arith.mulf %sub3A_650, %sub3A_650 : vector<16xf32>
        %get3A_652 = arith.constant 1 : i32
        %get3A_653 = arith.index_cast %get3A_652 : i32 to index
        %get3A_654 = arith.index_cast %add3A_611 : i32 to index
        %get3A_655 = arith.constant 80 : index
        %get3A_656 = tpu.vector_load %arg6[%get3A_653, %get3A_654, %get3A_655] {strides = array<i32>} : memref<2x128x256xf32, #tpu.memory_space<vmem>>, vector<1x1x16xf32>,
        %get3A_657 = vector.shape_cast %get3A_656 : vector<1x1x16xf32> to vector<16xf32>
        %sub3A_658 = arith.subf %get3A_657, %get3A_241 : vector<16xf32>
        %mul3A_659 = arith.mulf %sub3A_658, %sub3A_658 : vector<16xf32>
        %get3A_660 = arith.constant 1 : i32
        %get3A_661 = arith.index_cast %get3A_660 : i32 to index
        %get3A_662 = arith.index_cast %add3A_611 : i32 to index
        %get3A_663 = arith.constant 96 : index
        %get3A_664 = tpu.vector_load %arg6[%get3A_661, %get3A_662, %get3A_663] {strides = array<i32>} : memref<2x128x256xf32, #tpu.memory_space<vmem>>, vector<1x1x16xf32>,
        %get3A_665 = vector.shape_cast %get3A_664 : vector<1x1x16xf32> to vector<16xf32>
        %sub3A_666 = arith.subf %get3A_665, %get3A_247 : vector<16xf32>
        %mul3A_667 = arith.mulf %sub3A_666, %sub3A_666 : vector<16xf32>
        %get3A_668 = arith.constant 1 : i32
        %get3A_669 = arith.index_cast %get3A_668 : i32 to index
        %get3A_670 = arith.index_cast %add3A_611 : i32 to index
        %get3A_671 = arith.constant 112 : index
        %get3A_672 = tpu.vector_load %arg6[%get3A_669, %get3A_670, %get3A_671] {strides = array<i32>} : memref<2x128x256xf32, #tpu.memory_space<vmem>>, vector<1x1x16xf32>,
        %get3A_673 = vector.shape_cast %get3A_672 : vector<1x1x16xf32> to vector<16xf32>
        %sub3A_674 = arith.subf %get3A_673, %get3A_253 : vector<16xf32>
        %mul3A_675 = arith.mulf %sub3A_674, %sub3A_674 : vector<16xf32>
        %get3A_676 = arith.constant 1 : i32
        %get3A_677 = arith.index_cast %get3A_676 : i32 to index
        %get3A_678 = arith.index_cast %add3A_611 : i32 to index
        %get3A_679 = arith.constant 128 : index
        %get3A_680 = tpu.vector_load %arg6[%get3A_677, %get3A_678, %get3A_679] {strides = array<i32>} : memref<2x128x256xf32, #tpu.memory_space<vmem>>, vector<1x1x16xf32>,
        %get3A_681 = vector.shape_cast %get3A_680 : vector<1x1x16xf32> to vector<16xf32>
        %sub3A_682 = arith.subf %get3A_681, %get3A_259 : vector<16xf32>
        %mul3A_683 = arith.mulf %sub3A_682, %sub3A_682 : vector<16xf32>
        %add3A_684 = arith.addf %mul3A_619, %mul3A_683 : vector<16xf32>
        %get3A_685 = arith.constant 1 : i32
        %get3A_686 = arith.index_cast %get3A_685 : i32 to index
        %get3A_687 = arith.index_cast %add3A_611 : i32 to index
        %get3A_688 = arith.constant 144 : index
        %get3A_689 = tpu.vector_load %arg6[%get3A_686, %get3A_687, %get3A_688] {strides = array<i32>} : memref<2x128x256xf32, #tpu.memory_space<vmem>>, vector<1x1x16xf32>,
        %get3A_690 = vector.shape_cast %get3A_689 : vector<1x1x16xf32> to vector<16xf32>
        %sub3A_691 = arith.subf %get3A_690, %get3A_265 : vector<16xf32>
        %mul3A_692 = arith.mulf %sub3A_691, %sub3A_691 : vector<16xf32>
        %add3A_693 = arith.addf %mul3A_627, %mul3A_692 : vector<16xf32>
        %get3A_694 = arith.constant 1 : i32
        %get3A_695 = arith.index_cast %get3A_694 : i32 to index
        %get3A_696 = arith.index_cast %add3A_611 : i32 to index
        %get3A_697 = arith.constant 160 : index
        %get3A_698 = tpu.vector_load %arg6[%get3A_695, %get3A_696, %get3A_697] {strides = array<i32>} : memref<2x128x256xf32, #tpu.memory_space<vmem>>, vector<1x1x16xf32>,
        %get3A_699 = vector.shape_cast %get3A_698 : vector<1x1x16xf32> to vector<16xf32>
        %sub3A_700 = arith.subf %get3A_699, %get3A_271 : vector<16xf32>
        %mul3A_701 = arith.mulf %sub3A_700, %sub3A_700 : vector<16xf32>
        %add3A_702 = arith.addf %mul3A_635, %mul3A_701 : vector<16xf32>
        %get3A_703 = arith.constant 1 : i32
        %get3A_704 = arith.index_cast %get3A_703 : i32 to index
        %get3A_705 = arith.index_cast %add3A_611 : i32 to index
        %get3A_706 = arith.constant 176 : index
        %get3A_707 = tpu.vector_load %arg6[%get3A_704, %get3A_705, %get3A_706] {strides = array<i32>} : memref<2x128x256xf32, #tpu.memory_space<vmem>>, vector<1x1x16xf32>,
        %get3A_708 = vector.shape_cast %get3A_707 : vector<1x1x16xf32> to vector<16xf32>
        %sub3A_709 = arith.subf %get3A_708, %get3A_277 : vector<16xf32>
        %mul3A_710 = arith.mulf %sub3A_709, %sub3A_709 : vector<16xf32>
        %add3A_711 = arith.addf %mul3A_643, %mul3A_710 : vector<16xf32>
        %get3A_712 = arith.constant 1 : i32
        %get3A_713 = arith.index_cast %get3A_712 : i32 to index
        %get3A_714 = arith.index_cast %add3A_611 : i32 to index
        %get3A_715 = arith.constant 192 : index
        %get3A_716 = tpu.vector_load %arg6[%get3A_713, %get3A_714, %get3A_715] {strides = array<i32>} : memref<2x128x256xf32, #tpu.memory_space<vmem>>, vector<1x1x16xf32>,
        %get3A_717 = vector.shape_cast %get3A_716 : vector<1x1x16xf32> to vector<16xf32>
        %sub3A_718 = arith.subf %get3A_717, %get3A_283 : vector<16xf32>
        %mul3A_719 = arith.mulf %sub3A_718, %sub3A_718 : vector<16xf32>
        %add3A_720 = arith.addf %mul3A_651, %mul3A_719 : vector<16xf32>
        %get3A_721 = arith.constant 1 : i32
        %get3A_722 = arith.index_cast %get3A_721 : i32 to index
        %get3A_723 = arith.index_cast %add3A_611 : i32 to index
        %get3A_724 = arith.constant 208 : index
        %get3A_725 = tpu.vector_load %arg6[%get3A_722, %get3A_723, %get3A_724] {strides = array<i32>} : memref<2x128x256xf32, #tpu.memory_space<vmem>>, vector<1x1x16xf32>,
        %get3A_726 = vector.shape_cast %get3A_725 : vector<1x1x16xf32> to vector<16xf32>
        %sub3A_727 = arith.subf %get3A_726, %get3A_289 : vector<16xf32>
        %mul3A_728 = arith.mulf %sub3A_727, %sub3A_727 : vector<16xf32>
        %add3A_729 = arith.addf %mul3A_659, %mul3A_728 : vector<16xf32>
        %get3A_730 = arith.constant 1 : i32
        %get3A_731 = arith.index_cast %get3A_730 : i32 to index
        %get3A_732 = arith.index_cast %add3A_611 : i32 to index
        %get3A_733 = arith.constant 224 : index
        %get3A_734 = tpu.vector_load %arg6[%get3A_731, %get3A_732, %get3A_733] {strides = array<i32>} : memref<2x128x256xf32, #tpu.memory_space<vmem>>, vector<1x1x16xf32>,
        %get3A_735 = vector.shape_cast %get3A_734 : vector<1x1x16xf32> to vector<16xf32>
        %sub3A_736 = arith.subf %get3A_735, %get3A_295 : vector<16xf32>
        %mul3A_737 = arith.mulf %sub3A_736, %sub3A_736 : vector<16xf32>
        %add3A_738 = arith.addf %mul3A_667, %mul3A_737 : vector<16xf32>
        %get3A_739 = arith.constant 1 : i32
        %get3A_740 = arith.index_cast %get3A_739 : i32 to index
        %get3A_741 = arith.index_cast %add3A_611 : i32 to index
        %get3A_742 = arith.constant 240 : index
        %get3A_743 = tpu.vector_load %arg6[%get3A_740, %get3A_741, %get3A_742] {strides = array<i32>} : memref<2x128x256xf32, #tpu.memory_space<vmem>>, vector<1x1x16xf32>,
        %get3A_744 = vector.shape_cast %get3A_743 : vector<1x1x16xf32> to vector<16xf32>
        %sub3A_745 = arith.subf %get3A_744, %get3A_301 : vector<16xf32>
        %mul3A_746 = arith.mulf %sub3A_745, %sub3A_745 : vector<16xf32>
        %add3A_747 = arith.addf %mul3A_675, %mul3A_746 : vector<16xf32>
        %add3A_748 = arith.addf %add3A_684, %add3A_693 : vector<16xf32>
        %add3A_749 = arith.addf %add3A_702, %add3A_711 : vector<16xf32>
        %add3A_750 = arith.addf %add3A_720, %add3A_729 : vector<16xf32>
        %add3A_751 = arith.addf %add3A_738, %add3A_747 : vector<16xf32>
        %add3A_752 = arith.addf %add3A_748, %add3A_749 : vector<16xf32>
        %add3A_753 = arith.addf %add3A_750, %add3A_751 : vector<16xf32>
        %add3A_754 = arith.addf %add3A_752, %add3A_753 : vector<16xf32>
        %swap3A_755 = arith.constant 1 : i32
        %swap3A_756 = arith.index_cast %swap3A_755 : i32 to index
        %swap3A_757 = arith.index_cast %add3A_611 : i32 to index
        %swap3A_758 = arith.constant 0 : index
        %swap3A_759 = tpu.vector_load %arg8[%swap3A_756, %swap3A_757, %swap3A_758] {strides = array<i32>} : memref<2x128x16xf32, #tpu.memory_space<vmem>>, vector<1x1x16xf32>,
        %swap3A_760 = vector.shape_cast %swap3A_759 : vector<1x1x16xf32> to vector<16xf32>
        %swap3A_761 = vector.shape_cast %add3A_754 : vector<16xf32> to vector<1x1x16xf32>
        tpu.vector_store %arg8[%swap3A_756, %swap3A_757, %swap3A_758], %swap3A_761 {strides = array<i32>} : memref<2x128x16xf32, #tpu.memory_space<vmem>>, vector<1x1x16xf32>,
        %mul3A_762 = arith.constant 8 : i32
        %mul3A_763 = arith.muli %scan3A_205, %mul3A_762 : i32
        %add3A_764 = arith.constant 3 : i32
        %add3A_765 = arith.addi %mul3A_763, %add3A_764 : i32
        %get3A_766 = arith.constant 1 : i32
        %get3A_767 = arith.index_cast %get3A_766 : i32 to index
        %get3A_768 = arith.index_cast %add3A_765 : i32 to index
        %get3A_769 = arith.constant 0 : index
        %get3A_770 = tpu.vector_load %arg6[%get3A_767, %get3A_768, %get3A_769] {strides = array<i32>} : memref<2x128x256xf32, #tpu.memory_space<vmem>>, vector<1x1x16xf32>,
        %get3A_771 = vector.shape_cast %get3A_770 : vector<1x1x16xf32> to vector<16xf32>
        %sub3A_772 = arith.subf %get3A_771, %get3A_211 : vector<16xf32>
        %mul3A_773 = arith.mulf %sub3A_772, %sub3A_772 : vector<16xf32>
        %get3A_774 = arith.constant 1 : i32
        %get3A_775 = arith.index_cast %get3A_774 : i32 to index
        %get3A_776 = arith.index_cast %add3A_765 : i32 to index
        %get3A_777 = arith.constant 16 : index
        %get3A_778 = tpu.vector_load %arg6[%get3A_775, %get3A_776, %get3A_777] {strides = array<i32>} : memref<2x128x256xf32, #tpu.memory_space<vmem>>, vector<1x1x16xf32>,
        %get3A_779 = vector.shape_cast %get3A_778 : vector<1x1x16xf32> to vector<16xf32>
        %sub3A_780 = arith.subf %get3A_779, %get3A_217 : vector<16xf32>
        %mul3A_781 = arith.mulf %sub3A_780, %sub3A_780 : vector<16xf32>
        %get3A_782 = arith.constant 1 : i32
        %get3A_783 = arith.index_cast %get3A_782 : i32 to index
        %get3A_784 = arith.index_cast %add3A_765 : i32 to index
        %get3A_785 = arith.constant 32 : index
        %get3A_786 = tpu.vector_load %arg6[%get3A_783, %get3A_784, %get3A_785] {strides = array<i32>} : memref<2x128x256xf32, #tpu.memory_space<vmem>>, vector<1x1x16xf32>,
        %get3A_787 = vector.shape_cast %get3A_786 : vector<1x1x16xf32> to vector<16xf32>
        %sub3A_788 = arith.subf %get3A_787, %get3A_223 : vector<16xf32>
        %mul3A_789 = arith.mulf %sub3A_788, %sub3A_788 : vector<16xf32>
        %get3A_790 = arith.constant 1 : i32
        %get3A_791 = arith.index_cast %get3A_790 : i32 to index
        %get3A_792 = arith.index_cast %add3A_765 : i32 to index
        %get3A_793 = arith.constant 48 : index
        %get3A_794 = tpu.vector_load %arg6[%get3A_791, %get3A_792, %get3A_793] {strides = array<i32>} : memref<2x128x256xf32, #tpu.memory_space<vmem>>, vector<1x1x16xf32>,
        %get3A_795 = vector.shape_cast %get3A_794 : vector<1x1x16xf32> to vector<16xf32>
        %sub3A_796 = arith.subf %get3A_795, %get3A_229 : vector<16xf32>
        %mul3A_797 = arith.mulf %sub3A_796, %sub3A_796 : vector<16xf32>
        %get3A_798 = arith.constant 1 : i32
        %get3A_799 = arith.index_cast %get3A_798 : i32 to index
        %get3A_800 = arith.index_cast %add3A_765 : i32 to index
        %get3A_801 = arith.constant 64 : index
        %get3A_802 = tpu.vector_load %arg6[%get3A_799, %get3A_800, %get3A_801] {strides = array<i32>} : memref<2x128x256xf32, #tpu.memory_space<vmem>>, vector<1x1x16xf32>,
        %get3A_803 = vector.shape_cast %get3A_802 : vector<1x1x16xf32> to vector<16xf32>
        %sub3A_804 = arith.subf %get3A_803, %get3A_235 : vector<16xf32>
        %mul3A_805 = arith.mulf %sub3A_804, %sub3A_804 : vector<16xf32>
        %get3A_806 = arith.constant 1 : i32
        %get3A_807 = arith.index_cast %get3A_806 : i32 to index
        %get3A_808 = arith.index_cast %add3A_765 : i32 to index
        %get3A_809 = arith.constant 80 : index
        %get3A_810 = tpu.vector_load %arg6[%get3A_807, %get3A_808, %get3A_809] {strides = array<i32>} : memref<2x128x256xf32, #tpu.memory_space<vmem>>, vector<1x1x16xf32>,
        %get3A_811 = vector.shape_cast %get3A_810 : vector<1x1x16xf32> to vector<16xf32>
        %sub3A_812 = arith.subf %get3A_811, %get3A_241 : vector<16xf32>
        %mul3A_813 = arith.mulf %sub3A_812, %sub3A_812 : vector<16xf32>
        %get3A_814 = arith.constant 1 : i32
        %get3A_815 = arith.index_cast %get3A_814 : i32 to index
        %get3A_816 = arith.index_cast %add3A_765 : i32 to index
        %get3A_817 = arith.constant 96 : index
        %get3A_818 = tpu.vector_load %arg6[%get3A_815, %get3A_816, %get3A_817] {strides = array<i32>} : memref<2x128x256xf32, #tpu.memory_space<vmem>>, vector<1x1x16xf32>,
        %get3A_819 = vector.shape_cast %get3A_818 : vector<1x1x16xf32> to vector<16xf32>
        %sub3A_820 = arith.subf %get3A_819, %get3A_247 : vector<16xf32>
        %mul3A_821 = arith.mulf %sub3A_820, %sub3A_820 : vector<16xf32>
        %get3A_822 = arith.constant 1 : i32
        %get3A_823 = arith.index_cast %get3A_822 : i32 to index
        %get3A_824 = arith.index_cast %add3A_765 : i32 to index
        %get3A_825 = arith.constant 112 : index
        %get3A_826 = tpu.vector_load %arg6[%get3A_823, %get3A_824, %get3A_825] {strides = array<i32>} : memref<2x128x256xf32, #tpu.memory_space<vmem>>, vector<1x1x16xf32>,
        %get3A_827 = vector.shape_cast %get3A_826 : vector<1x1x16xf32> to vector<16xf32>
        %sub3A_828 = arith.subf %get3A_827, %get3A_253 : vector<16xf32>
        %mul3A_829 = arith.mulf %sub3A_828, %sub3A_828 : vector<16xf32>
        %get3A_830 = arith.constant 1 : i32
        %get3A_831 = arith.index_cast %get3A_830 : i32 to index
        %get3A_832 = arith.index_cast %add3A_765 : i32 to index
        %get3A_833 = arith.constant 128 : index
        %get3A_834 = tpu.vector_load %arg6[%get3A_831, %get3A_832, %get3A_833] {strides = array<i32>} : memref<2x128x256xf32, #tpu.memory_space<vmem>>, vector<1x1x16xf32>,
        %get3A_835 = vector.shape_cast %get3A_834 : vector<1x1x16xf32> to vector<16xf32>
        %sub3A_836 = arith.subf %get3A_835, %get3A_259 : vector<16xf32>
        %mul3A_837 = arith.mulf %sub3A_836, %sub3A_836 : vector<16xf32>
        %add3A_838 = arith.addf %mul3A_773, %mul3A_837 : vector<16xf32>
        %get3A_839 = arith.constant 1 : i32
        %get3A_840 = arith.index_cast %get3A_839 : i32 to index
        %get3A_841 = arith.index_cast %add3A_765 : i32 to index
        %get3A_842 = arith.constant 144 : index
        %get3A_843 = tpu.vector_load %arg6[%get3A_840, %get3A_841, %get3A_842] {strides = array<i32>} : memref<2x128x256xf32, #tpu.memory_space<vmem>>, vector<1x1x16xf32>,
        %get3A_844 = vector.shape_cast %get3A_843 : vector<1x1x16xf32> to vector<16xf32>
        %sub3A_845 = arith.subf %get3A_844, %get3A_265 : vector<16xf32>
        %mul3A_846 = arith.mulf %sub3A_845, %sub3A_845 : vector<16xf32>
        %add3A_847 = arith.addf %mul3A_781, %mul3A_846 : vector<16xf32>
        %get3A_848 = arith.constant 1 : i32
        %get3A_849 = arith.index_cast %get3A_848 : i32 to index
        %get3A_850 = arith.index_cast %add3A_765 : i32 to index
        %get3A_851 = arith.constant 160 : index
        %get3A_852 = tpu.vector_load %arg6[%get3A_849, %get3A_850, %get3A_851] {strides = array<i32>} : memref<2x128x256xf32, #tpu.memory_space<vmem>>, vector<1x1x16xf32>,
        %get3A_853 = vector.shape_cast %get3A_852 : vector<1x1x16xf32> to vector<16xf32>
        %sub3A_854 = arith.subf %get3A_853, %get3A_271 : vector<16xf32>
        %mul3A_855 = arith.mulf %sub3A_854, %sub3A_854 : vector<16xf32>
        %add3A_856 = arith.addf %mul3A_789, %mul3A_855 : vector<16xf32>
        %get3A_857 = arith.constant 1 : i32
        %get3A_858 = arith.index_cast %get3A_857 : i32 to index
        %get3A_859 = arith.index_cast %add3A_765 : i32 to index
        %get3A_860 = arith.constant 176 : index
        %get3A_861 = tpu.vector_load %arg6[%get3A_858, %get3A_859, %get3A_860] {strides = array<i32>} : memref<2x128x256xf32, #tpu.memory_space<vmem>>, vector<1x1x16xf32>,
        %get3A_862 = vector.shape_cast %get3A_861 : vector<1x1x16xf32> to vector<16xf32>
        %sub3A_863 = arith.subf %get3A_862, %get3A_277 : vector<16xf32>
        %mul3A_864 = arith.mulf %sub3A_863, %sub3A_863 : vector<16xf32>
        %add3A_865 = arith.addf %mul3A_797, %mul3A_864 : vector<16xf32>
        %get3A_866 = arith.constant 1 : i32
        %get3A_867 = arith.index_cast %get3A_866 : i32 to index
        %get3A_868 = arith.index_cast %add3A_765 : i32 to index
        %get3A_869 = arith.constant 192 : index
        %get3A_870 = tpu.vector_load %arg6[%get3A_867, %get3A_868, %get3A_869] {strides = array<i32>} : memref<2x128x256xf32, #tpu.memory_space<vmem>>, vector<1x1x16xf32>,
        %get3A_871 = vector.shape_cast %get3A_870 : vector<1x1x16xf32> to vector<16xf32>
        %sub3A_872 = arith.subf %get3A_871, %get3A_283 : vector<16xf32>
        %mul3A_873 = arith.mulf %sub3A_872, %sub3A_872 : vector<16xf32>
        %add3A_874 = arith.addf %mul3A_805, %mul3A_873 : vector<16xf32>
        %get3A_875 = arith.constant 1 : i32
        %get3A_876 = arith.index_cast %get3A_875 : i32 to index
        %get3A_877 = arith.index_cast %add3A_765 : i32 to index
        %get3A_878 = arith.constant 208 : index
        %get3A_879 = tpu.vector_load %arg6[%get3A_876, %get3A_877, %get3A_878] {strides = array<i32>} : memref<2x128x256xf32, #tpu.memory_space<vmem>>, vector<1x1x16xf32>,
        %get3A_880 = vector.shape_cast %get3A_879 : vector<1x1x16xf32> to vector<16xf32>
        %sub3A_881 = arith.subf %get3A_880, %get3A_289 : vector<16xf32>
        %mul3A_882 = arith.mulf %sub3A_881, %sub3A_881 : vector<16xf32>
        %add3A_883 = arith.addf %mul3A_813, %mul3A_882 : vector<16xf32>
        %get3A_884 = arith.constant 1 : i32
        %get3A_885 = arith.index_cast %get3A_884 : i32 to index
        %get3A_886 = arith.index_cast %add3A_765 : i32 to index
        %get3A_887 = arith.constant 224 : index
        %get3A_888 = tpu.vector_load %arg6[%get3A_885, %get3A_886, %get3A_887] {strides = array<i32>} : memref<2x128x256xf32, #tpu.memory_space<vmem>>, vector<1x1x16xf32>,
        %get3A_889 = vector.shape_cast %get3A_888 : vector<1x1x16xf32> to vector<16xf32>
        %sub3A_890 = arith.subf %get3A_889, %get3A_295 : vector<16xf32>
        %mul3A_891 = arith.mulf %sub3A_890, %sub3A_890 : vector<16xf32>
        %add3A_892 = arith.addf %mul3A_821, %mul3A_891 : vector<16xf32>
        %get3A_893 = arith.constant 1 : i32
        %get3A_894 = arith.index_cast %get3A_893 : i32 to index
        %get3A_895 = arith.index_cast %add3A_765 : i32 to index
        %get3A_896 = arith.constant 240 : index
        %get3A_897 = tpu.vector_load %arg6[%get3A_894, %get3A_895, %get3A_896] {strides = array<i32>} : memref<2x128x256xf32, #tpu.memory_space<vmem>>, vector<1x1x16xf32>,
        %get3A_898 = vector.shape_cast %get3A_897 : vector<1x1x16xf32> to vector<16xf32>
        %sub3A_899 = arith.subf %get3A_898, %get3A_301 : vector<16xf32>
        %mul3A_900 = arith.mulf %sub3A_899, %sub3A_899 : vector<16xf32>
        %add3A_901 = arith.addf %mul3A_829, %mul3A_900 : vector<16xf32>
        %add3A_902 = arith.addf %add3A_838, %add3A_847 : vector<16xf32>
        %add3A_903 = arith.addf %add3A_856, %add3A_865 : vector<16xf32>
        %add3A_904 = arith.addf %add3A_874, %add3A_883 : vector<16xf32>
        %add3A_905 = arith.addf %add3A_892, %add3A_901 : vector<16xf32>
        %add3A_906 = arith.addf %add3A_902, %add3A_903 : vector<16xf32>
        %add3A_907 = arith.addf %add3A_904, %add3A_905 : vector<16xf32>
        %add3A_908 = arith.addf %add3A_906, %add3A_907 : vector<16xf32>
        %swap3A_909 = arith.constant 1 : i32
        %swap3A_910 = arith.index_cast %swap3A_909 : i32 to index
        %swap3A_911 = arith.index_cast %add3A_765 : i32 to index
        %swap3A_912 = arith.constant 0 : index
        %swap3A_913 = tpu.vector_load %arg8[%swap3A_910, %swap3A_911, %swap3A_912] {strides = array<i32>} : memref<2x128x16xf32, #tpu.memory_space<vmem>>, vector<1x1x16xf32>,
        %swap3A_914 = vector.shape_cast %swap3A_913 : vector<1x1x16xf32> to vector<16xf32>
        %swap3A_915 = vector.shape_cast %add3A_908 : vector<16xf32> to vector<1x1x16xf32>
        tpu.vector_store %arg8[%swap3A_910, %swap3A_911, %swap3A_912], %swap3A_915 {strides = array<i32>} : memref<2x128x16xf32, #tpu.memory_space<vmem>>, vector<1x1x16xf32>,
        %mul3A_916 = arith.constant 8 : i32
        %mul3A_917 = arith.muli %scan3A_205, %mul3A_916 : i32
        %add3A_918 = arith.constant 4 : i32
        %add3A_919 = arith.addi %mul3A_917, %add3A_918 : i32
        %get3A_920 = arith.constant 1 : i32
        %get3A_921 = arith.index_cast %get3A_920 : i32 to index
        %get3A_922 = arith.index_cast %add3A_919 : i32 to index
        %get3A_923 = arith.constant 0 : index
        %get3A_924 = tpu.vector_load %arg6[%get3A_921, %get3A_922, %get3A_923] {strides = array<i32>} : memref<2x128x256xf32, #tpu.memory_space<vmem>>, vector<1x1x16xf32>,
        %get3A_925 = vector.shape_cast %get3A_924 : vector<1x1x16xf32> to vector<16xf32>
        %sub3A_926 = arith.subf %get3A_925, %get3A_211 : vector<16xf32>
        %mul3A_927 = arith.mulf %sub3A_926, %sub3A_926 : vector<16xf32>
        %get3A_928 = arith.constant 1 : i32
        %get3A_929 = arith.index_cast %get3A_928 : i32 to index
        %get3A_930 = arith.index_cast %add3A_919 : i32 to index
        %get3A_931 = arith.constant 16 : index
        %get3A_932 = tpu.vector_load %arg6[%get3A_929, %get3A_930, %get3A_931] {strides = array<i32>} : memref<2x128x256xf32, #tpu.memory_space<vmem>>, vector<1x1x16xf32>,
        %get3A_933 = vector.shape_cast %get3A_932 : vector<1x1x16xf32> to vector<16xf32>
        %sub3A_934 = arith.subf %get3A_933, %get3A_217 : vector<16xf32>
        %mul3A_935 = arith.mulf %sub3A_934, %sub3A_934 : vector<16xf32>
        %get3A_936 = arith.constant 1 : i32
        %get3A_937 = arith.index_cast %get3A_936 : i32 to index
        %get3A_938 = arith.index_cast %add3A_919 : i32 to index
        %get3A_939 = arith.constant 32 : index
        %get3A_940 = tpu.vector_load %arg6[%get3A_937, %get3A_938, %get3A_939] {strides = array<i32>} : memref<2x128x256xf32, #tpu.memory_space<vmem>>, vector<1x1x16xf32>,
        %get3A_941 = vector.shape_cast %get3A_940 : vector<1x1x16xf32> to vector<16xf32>
        %sub3A_942 = arith.subf %get3A_941, %get3A_223 : vector<16xf32>
        %mul3A_943 = arith.mulf %sub3A_942, %sub3A_942 : vector<16xf32>
        %get3A_944 = arith.constant 1 : i32
        %get3A_945 = arith.index_cast %get3A_944 : i32 to index
        %get3A_946 = arith.index_cast %add3A_919 : i32 to index
        %get3A_947 = arith.constant 48 : index
        %get3A_948 = tpu.vector_load %arg6[%get3A_945, %get3A_946, %get3A_947] {strides = array<i32>} : memref<2x128x256xf32, #tpu.memory_space<vmem>>, vector<1x1x16xf32>,
        %get3A_949 = vector.shape_cast %get3A_948 : vector<1x1x16xf32> to vector<16xf32>
        %sub3A_950 = arith.subf %get3A_949, %get3A_229 : vector<16xf32>
        %mul3A_951 = arith.mulf %sub3A_950, %sub3A_950 : vector<16xf32>
        %get3A_952 = arith.constant 1 : i32
        %get3A_953 = arith.index_cast %get3A_952 : i32 to index
        %get3A_954 = arith.index_cast %add3A_919 : i32 to index
        %get3A_955 = arith.constant 64 : index
        %get3A_956 = tpu.vector_load %arg6[%get3A_953, %get3A_954, %get3A_955] {strides = array<i32>} : memref<2x128x256xf32, #tpu.memory_space<vmem>>, vector<1x1x16xf32>,
        %get3A_957 = vector.shape_cast %get3A_956 : vector<1x1x16xf32> to vector<16xf32>
        %sub3A_958 = arith.subf %get3A_957, %get3A_235 : vector<16xf32>
        %mul3A_959 = arith.mulf %sub3A_958, %sub3A_958 : vector<16xf32>
        %get3A_960 = arith.constant 1 : i32
        %get3A_961 = arith.index_cast %get3A_960 : i32 to index
        %get3A_962 = arith.index_cast %add3A_919 : i32 to index
        %get3A_963 = arith.constant 80 : index
        %get3A_964 = tpu.vector_load %arg6[%get3A_961, %get3A_962, %get3A_963] {strides = array<i32>} : memref<2x128x256xf32, #tpu.memory_space<vmem>>, vector<1x1x16xf32>,
        %get3A_965 = vector.shape_cast %get3A_964 : vector<1x1x16xf32> to vector<16xf32>
        %sub3A_966 = arith.subf %get3A_965, %get3A_241 : vector<16xf32>
        %mul3A_967 = arith.mulf %sub3A_966, %sub3A_966 : vector<16xf32>
        %get3A_968 = arith.constant 1 : i32
        %get3A_969 = arith.index_cast %get3A_968 : i32 to index
        %get3A_970 = arith.index_cast %add3A_919 : i32 to index
        %get3A_971 = arith.constant 96 : index
        %get3A_972 = tpu.vector_load %arg6[%get3A_969, %get3A_970, %get3A_971] {strides = array<i32>} : memref<2x128x256xf32, #tpu.memory_space<vmem>>, vector<1x1x16xf32>,
        %get3A_973 = vector.shape_cast %get3A_972 : vector<1x1x16xf32> to vector<16xf32>
        %sub3A_974 = arith.subf %get3A_973, %get3A_247 : vector<16xf32>
        %mul3A_975 = arith.mulf %sub3A_974, %sub3A_974 : vector<16xf32>
        %get3A_976 = arith.constant 1 : i32
        %get3A_977 = arith.index_cast %get3A_976 : i32 to index
        %get3A_978 = arith.index_cast %add3A_919 : i32 to index
        %get3A_979 = arith.constant 112 : index
        %get3A_980 = tpu.vector_load %arg6[%get3A_977, %get3A_978, %get3A_979] {strides = array<i32>} : memref<2x128x256xf32, #tpu.memory_space<vmem>>, vector<1x1x16xf32>,
        %get3A_981 = vector.shape_cast %get3A_980 : vector<1x1x16xf32> to vector<16xf32>
        %sub3A_982 = arith.subf %get3A_981, %get3A_253 : vector<16xf32>
        %mul3A_983 = arith.mulf %sub3A_982, %sub3A_982 : vector<16xf32>
        %get3A_984 = arith.constant 1 : i32
        %get3A_985 = arith.index_cast %get3A_984 : i32 to index
        %get3A_986 = arith.index_cast %add3A_919 : i32 to index
        %get3A_987 = arith.constant 128 : index
        %get3A_988 = tpu.vector_load %arg6[%get3A_985, %get3A_986, %get3A_987] {strides = array<i32>} : memref<2x128x256xf32, #tpu.memory_space<vmem>>, vector<1x1x16xf32>,
        %get3A_989 = vector.shape_cast %get3A_988 : vector<1x1x16xf32> to vector<16xf32>
        %sub3A_990 = arith.subf %get3A_989, %get3A_259 : vector<16xf32>
        %mul3A_991 = arith.mulf %sub3A_990, %sub3A_990 : vector<16xf32>
        %add3A_992 = arith.addf %mul3A_927, %mul3A_991 : vector<16xf32>
        %get3A_993 = arith.constant 1 : i32
        %get3A_994 = arith.index_cast %get3A_993 : i32 to index
        %get3A_995 = arith.index_cast %add3A_919 : i32 to index
        %get3A_996 = arith.constant 144 : index
        %get3A_997 = tpu.vector_load %arg6[%get3A_994, %get3A_995, %get3A_996] {strides = array<i32>} : memref<2x128x256xf32, #tpu.memory_space<vmem>>, vector<1x1x16xf32>,
        %get3A_998 = vector.shape_cast %get3A_997 : vector<1x1x16xf32> to vector<16xf32>
        %sub3A_999 = arith.subf %get3A_998, %get3A_265 : vector<16xf32>
        %mul3A_1000 = arith.mulf %sub3A_999, %sub3A_999 : vector<16xf32>
        %add3A_1001 = arith.addf %mul3A_935, %mul3A_1000 : vector<16xf32>
        %get3A_1002 = arith.constant 1 : i32
        %get3A_1003 = arith.index_cast %get3A_1002 : i32 to index
        %get3A_1004 = arith.index_cast %add3A_919 : i32 to index
        %get3A_1005 = arith.constant 160 : index
        %get3A_1006 = tpu.vector_load %arg6[%get3A_1003, %get3A_1004, %get3A_1005] {strides = array<i32>} : memref<2x128x256xf32, #tpu.memory_space<vmem>>, vector<1x1x16xf32>,
        %get3A_1007 = vector.shape_cast %get3A_1006 : vector<1x1x16xf32> to vector<16xf32>
        %sub3A_1008 = arith.subf %get3A_1007, %get3A_271 : vector<16xf32>
        %mul3A_1009 = arith.mulf %sub3A_1008, %sub3A_1008 : vector<16xf32>
        %add3A_1010 = arith.addf %mul3A_943, %mul3A_1009 : vector<16xf32>
        %get3A_1011 = arith.constant 1 : i32
        %get3A_1012 = arith.index_cast %get3A_1011 : i32 to index
        %get3A_1013 = arith.index_cast %add3A_919 : i32 to index
        %get3A_1014 = arith.constant 176 : index
        %get3A_1015 = tpu.vector_load %arg6[%get3A_1012, %get3A_1013, %get3A_1014] {strides = array<i32>} : memref<2x128x256xf32, #tpu.memory_space<vmem>>, vector<1x1x16xf32>,
        %get3A_1016 = vector.shape_cast %get3A_1015 : vector<1x1x16xf32> to vector<16xf32>
        %sub3A_1017 = arith.subf %get3A_1016, %get3A_277 : vector<16xf32>
        %mul3A_1018 = arith.mulf %sub3A_1017, %sub3A_1017 : vector<16xf32>
        %add3A_1019 = arith.addf %mul3A_951, %mul3A_1018 : vector<16xf32>
        %get3A_1020 = arith.constant 1 : i32
        %get3A_1021 = arith.index_cast %get3A_1020 : i32 to index
        %get3A_1022 = arith.index_cast %add3A_919 : i32 to index
        %get3A_1023 = arith.constant 192 : index
        %get3A_1024 = tpu.vector_load %arg6[%get3A_1021, %get3A_1022, %get3A_1023] {strides = array<i32>} : memref<2x128x256xf32, #tpu.memory_space<vmem>>, vector<1x1x16xf32>,
        %get3A_1025 = vector.shape_cast %get3A_1024 : vector<1x1x16xf32> to vector<16xf32>
        %sub3A_1026 = arith.subf %get3A_1025, %get3A_283 : vector<16xf32>
        %mul3A_1027 = arith.mulf %sub3A_1026, %sub3A_1026 : vector<16xf32>
        %add3A_1028 = arith.addf %mul3A_959, %mul3A_1027 : vector<16xf32>
        %get3A_1029 = arith.constant 1 : i32
        %get3A_1030 = arith.index_cast %get3A_1029 : i32 to index
        %get3A_1031 = arith.index_cast %add3A_919 : i32 to index
        %get3A_1032 = arith.constant 208 : index
        %get3A_1033 = tpu.vector_load %arg6[%get3A_1030, %get3A_1031, %get3A_1032] {strides = array<i32>} : memref<2x128x256xf32, #tpu.memory_space<vmem>>, vector<1x1x16xf32>,
        %get3A_1034 = vector.shape_cast %get3A_1033 : vector<1x1x16xf32> to vector<16xf32>
        %sub3A_1035 = arith.subf %get3A_1034, %get3A_289 : vector<16xf32>
        %mul3A_1036 = arith.mulf %sub3A_1035, %sub3A_1035 : vector<16xf32>
        %add3A_1037 = arith.addf %mul3A_967, %mul3A_1036 : vector<16xf32>
        %get3A_1038 = arith.constant 1 : i32
        %get3A_1039 = arith.index_cast %get3A_1038 : i32 to index
        %get3A_1040 = arith.index_cast %add3A_919 : i32 to index
        %get3A_1041 = arith.constant 224 : index
        %get3A_1042 = tpu.vector_load %arg6[%get3A_1039, %get3A_1040, %get3A_1041] {strides = array<i32>} : memref<2x128x256xf32, #tpu.memory_space<vmem>>, vector<1x1x16xf32>,
        %get3A_1043 = vector.shape_cast %get3A_1042 : vector<1x1x16xf32> to vector<16xf32>
        %sub3A_1044 = arith.subf %get3A_1043, %get3A_295 : vector<16xf32>
        %mul3A_1045 = arith.mulf %sub3A_1044, %sub3A_1044 : vector<16xf32>
        %add3A_1046 = arith.addf %mul3A_975, %mul3A_1045 : vector<16xf32>
        %get3A_1047 = arith.constant 1 : i32
        %get3A_1048 = arith.index_cast %get3A_1047 : i32 to index
        %get3A_1049 = arith.index_cast %add3A_919 : i32 to index
        %get3A_1050 = arith.constant 240 : index
        %get3A_1051 = tpu.vector_load %arg6[%get3A_1048, %get3A_1049, %get3A_1050] {strides = array<i32>} : memref<2x128x256xf32, #tpu.memory_space<vmem>>, vector<1x1x16xf32>,
        %get3A_1052 = vector.shape_cast %get3A_1051 : vector<1x1x16xf32> to vector<16xf32>
        %sub3A_1053 = arith.subf %get3A_1052, %get3A_301 : vector<16xf32>
        %mul3A_1054 = arith.mulf %sub3A_1053, %sub3A_1053 : vector<16xf32>
        %add3A_1055 = arith.addf %mul3A_983, %mul3A_1054 : vector<16xf32>
        %add3A_1056 = arith.addf %add3A_992, %add3A_1001 : vector<16xf32>
        %add3A_1057 = arith.addf %add3A_1010, %add3A_1019 : vector<16xf32>
        %add3A_1058 = arith.addf %add3A_1028, %add3A_1037 : vector<16xf32>
        %add3A_1059 = arith.addf %add3A_1046, %add3A_1055 : vector<16xf32>
        %add3A_1060 = arith.addf %add3A_1056, %add3A_1057 : vector<16xf32>
        %add3A_1061 = arith.addf %add3A_1058, %add3A_1059 : vector<16xf32>
        %add3A_1062 = arith.addf %add3A_1060, %add3A_1061 : vector<16xf32>
        %swap3A_1063 = arith.constant 1 : i32
        %swap3A_1064 = arith.index_cast %swap3A_1063 : i32 to index
        %swap3A_1065 = arith.index_cast %add3A_919 : i32 to index
        %swap3A_1066 = arith.constant 0 : index
        %swap3A_1067 = tpu.vector_load %arg8[%swap3A_1064, %swap3A_1065, %swap3A_1066] {strides = array<i32>} : memref<2x128x16xf32, #tpu.memory_space<vmem>>, vector<1x1x16xf32>,
        %swap3A_1068 = vector.shape_cast %swap3A_1067 : vector<1x1x16xf32> to vector<16xf32>
        %swap3A_1069 = vector.shape_cast %add3A_1062 : vector<16xf32> to vector<1x1x16xf32>
        tpu.vector_store %arg8[%swap3A_1064, %swap3A_1065, %swap3A_1066], %swap3A_1069 {strides = array<i32>} : memref<2x128x16xf32, #tpu.memory_space<vmem>>, vector<1x1x16xf32>,
        %mul3A_1070 = arith.constant 8 : i32
        %mul3A_1071 = arith.muli %scan3A_205, %mul3A_1070 : i32
        %add3A_1072 = arith.constant 5 : i32
        %add3A_1073 = arith.addi %mul3A_1071, %add3A_1072 : i32
        %get3A_1074 = arith.constant 1 : i32
        %get3A_1075 = arith.index_cast %get3A_1074 : i32 to index
        %get3A_1076 = arith.index_cast %add3A_1073 : i32 to index
        %get3A_1077 = arith.constant 0 : index
        %get3A_1078 = tpu.vector_load %arg6[%get3A_1075, %get3A_1076, %get3A_1077] {strides = array<i32>} : memref<2x128x256xf32, #tpu.memory_space<vmem>>, vector<1x1x16xf32>,
        %get3A_1079 = vector.shape_cast %get3A_1078 : vector<1x1x16xf32> to vector<16xf32>
        %sub3A_1080 = arith.subf %get3A_1079, %get3A_211 : vector<16xf32>
        %mul3A_1081 = arith.mulf %sub3A_1080, %sub3A_1080 : vector<16xf32>
        %get3A_1082 = arith.constant 1 : i32
        %get3A_1083 = arith.index_cast %get3A_1082 : i32 to index
        %get3A_1084 = arith.index_cast %add3A_1073 : i32 to index
        %get3A_1085 = arith.constant 16 : index
        %get3A_1086 = tpu.vector_load %arg6[%get3A_1083, %get3A_1084, %get3A_1085] {strides = array<i32>} : memref<2x128x256xf32, #tpu.memory_space<vmem>>, vector<1x1x16xf32>,
        %get3A_1087 = vector.shape_cast %get3A_1086 : vector<1x1x16xf32> to vector<16xf32>
        %sub3A_1088 = arith.subf %get3A_1087, %get3A_217 : vector<16xf32>
        %mul3A_1089 = arith.mulf %sub3A_1088, %sub3A_1088 : vector<16xf32>
        %get3A_1090 = arith.constant 1 : i32
        %get3A_1091 = arith.index_cast %get3A_1090 : i32 to index
        %get3A_1092 = arith.index_cast %add3A_1073 : i32 to index
        %get3A_1093 = arith.constant 32 : index
        %get3A_1094 = tpu.vector_load %arg6[%get3A_1091, %get3A_1092, %get3A_1093] {strides = array<i32>} : memref<2x128x256xf32, #tpu.memory_space<vmem>>, vector<1x1x16xf32>,
        %get3A_1095 = vector.shape_cast %get3A_1094 : vector<1x1x16xf32> to vector<16xf32>
        %sub3A_1096 = arith.subf %get3A_1095, %get3A_223 : vector<16xf32>
        %mul3A_1097 = arith.mulf %sub3A_1096, %sub3A_1096 : vector<16xf32>
        %get3A_1098 = arith.constant 1 : i32
        %get3A_1099 = arith.index_cast %get3A_1098 : i32 to index
        %get3A_1100 = arith.index_cast %add3A_1073 : i32 to index
        %get3A_1101 = arith.constant 48 : index
        %get3A_1102 = tpu.vector_load %arg6[%get3A_1099, %get3A_1100, %get3A_1101] {strides = array<i32>} : memref<2x128x256xf32, #tpu.memory_space<vmem>>, vector<1x1x16xf32>,
        %get3A_1103 = vector.shape_cast %get3A_1102 : vector<1x1x16xf32> to vector<16xf32>
        %sub3A_1104 = arith.subf %get3A_1103, %get3A_229 : vector<16xf32>
        %mul3A_1105 = arith.mulf %sub3A_1104, %sub3A_1104 : vector<16xf32>
        %get3A_1106 = arith.constant 1 : i32
        %get3A_1107 = arith.index_cast %get3A_1106 : i32 to index
        %get3A_1108 = arith.index_cast %add3A_1073 : i32 to index
        %get3A_1109 = arith.constant 64 : index
        %get3A_1110 = tpu.vector_load %arg6[%get3A_1107, %get3A_1108, %get3A_1109] {strides = array<i32>} : memref<2x128x256xf32, #tpu.memory_space<vmem>>, vector<1x1x16xf32>,
        %get3A_1111 = vector.shape_cast %get3A_1110 : vector<1x1x16xf32> to vector<16xf32>
        %sub3A_1112 = arith.subf %get3A_1111, %get3A_235 : vector<16xf32>
        %mul3A_1113 = arith.mulf %sub3A_1112, %sub3A_1112 : vector<16xf32>
        %get3A_1114 = arith.constant 1 : i32
        %get3A_1115 = arith.index_cast %get3A_1114 : i32 to index
        %get3A_1116 = arith.index_cast %add3A_1073 : i32 to index
        %get3A_1117 = arith.constant 80 : index
        %get3A_1118 = tpu.vector_load %arg6[%get3A_1115, %get3A_1116, %get3A_1117] {strides = array<i32>} : memref<2x128x256xf32, #tpu.memory_space<vmem>>, vector<1x1x16xf32>,
        %get3A_1119 = vector.shape_cast %get3A_1118 : vector<1x1x16xf32> to vector<16xf32>
        %sub3A_1120 = arith.subf %get3A_1119, %get3A_241 : vector<16xf32>
        %mul3A_1121 = arith.mulf %sub3A_1120, %sub3A_1120 : vector<16xf32>
        %get3A_1122 = arith.constant 1 : i32
        %get3A_1123 = arith.index_cast %get3A_1122 : i32 to index
        %get3A_1124 = arith.index_cast %add3A_1073 : i32 to index
        %get3A_1125 = arith.constant 96 : index
        %get3A_1126 = tpu.vector_load %arg6[%get3A_1123, %get3A_1124, %get3A_1125] {strides = array<i32>} : memref<2x128x256xf32, #tpu.memory_space<vmem>>, vector<1x1x16xf32>,
        %get3A_1127 = vector.shape_cast %get3A_1126 : vector<1x1x16xf32> to vector<16xf32>
        %sub3A_1128 = arith.subf %get3A_1127, %get3A_247 : vector<16xf32>
        %mul3A_1129 = arith.mulf %sub3A_1128, %sub3A_1128 : vector<16xf32>
        %get3A_1130 = arith.constant 1 : i32
        %get3A_1131 = arith.index_cast %get3A_1130 : i32 to index
        %get3A_1132 = arith.index_cast %add3A_1073 : i32 to index
        %get3A_1133 = arith.constant 112 : index
        %get3A_1134 = tpu.vector_load %arg6[%get3A_1131, %get3A_1132, %get3A_1133] {strides = array<i32>} : memref<2x128x256xf32, #tpu.memory_space<vmem>>, vector<1x1x16xf32>,
        %get3A_1135 = vector.shape_cast %get3A_1134 : vector<1x1x16xf32> to vector<16xf32>
        %sub3A_1136 = arith.subf %get3A_1135, %get3A_253 : vector<16xf32>
        %mul3A_1137 = arith.mulf %sub3A_1136, %sub3A_1136 : vector<16xf32>
        %get3A_1138 = arith.constant 1 : i32
        %get3A_1139 = arith.index_cast %get3A_1138 : i32 to index
        %get3A_1140 = arith.index_cast %add3A_1073 : i32 to index
        %get3A_1141 = arith.constant 128 : index
        %get3A_1142 = tpu.vector_load %arg6[%get3A_1139, %get3A_1140, %get3A_1141] {strides = array<i32>} : memref<2x128x256xf32, #tpu.memory_space<vmem>>, vector<1x1x16xf32>,
        %get3A_1143 = vector.shape_cast %get3A_1142 : vector<1x1x16xf32> to vector<16xf32>
        %sub3A_1144 = arith.subf %get3A_1143, %get3A_259 : vector<16xf32>
        %mul3A_1145 = arith.mulf %sub3A_1144, %sub3A_1144 : vector<16xf32>
        %add3A_1146 = arith.addf %mul3A_1081, %mul3A_1145 : vector<16xf32>
        %get3A_1147 = arith.constant 1 : i32
        %get3A_1148 = arith.index_cast %get3A_1147 : i32 to index
        %get3A_1149 = arith.index_cast %add3A_1073 : i32 to index
        %get3A_1150 = arith.constant 144 : index
        %get3A_1151 = tpu.vector_load %arg6[%get3A_1148, %get3A_1149, %get3A_1150] {strides = array<i32>} : memref<2x128x256xf32, #tpu.memory_space<vmem>>, vector<1x1x16xf32>,
        %get3A_1152 = vector.shape_cast %get3A_1151 : vector<1x1x16xf32> to vector<16xf32>
        %sub3A_1153 = arith.subf %get3A_1152, %get3A_265 : vector<16xf32>
        %mul3A_1154 = arith.mulf %sub3A_1153, %sub3A_1153 : vector<16xf32>
        %add3A_1155 = arith.addf %mul3A_1089, %mul3A_1154 : vector<16xf32>
        %get3A_1156 = arith.constant 1 : i32
        %get3A_1157 = arith.index_cast %get3A_1156 : i32 to index
        %get3A_1158 = arith.index_cast %add3A_1073 : i32 to index
        %get3A_1159 = arith.constant 160 : index
        %get3A_1160 = tpu.vector_load %arg6[%get3A_1157, %get3A_1158, %get3A_1159] {strides = array<i32>} : memref<2x128x256xf32, #tpu.memory_space<vmem>>, vector<1x1x16xf32>,
        %get3A_1161 = vector.shape_cast %get3A_1160 : vector<1x1x16xf32> to vector<16xf32>
        %sub3A_1162 = arith.subf %get3A_1161, %get3A_271 : vector<16xf32>
        %mul3A_1163 = arith.mulf %sub3A_1162, %sub3A_1162 : vector<16xf32>
        %add3A_1164 = arith.addf %mul3A_1097, %mul3A_1163 : vector<16xf32>
        %get3A_1165 = arith.constant 1 : i32
        %get3A_1166 = arith.index_cast %get3A_1165 : i32 to index
        %get3A_1167 = arith.index_cast %add3A_1073 : i32 to index
        %get3A_1168 = arith.constant 176 : index
        %get3A_1169 = tpu.vector_load %arg6[%get3A_1166, %get3A_1167, %get3A_1168] {strides = array<i32>} : memref<2x128x256xf32, #tpu.memory_space<vmem>>, vector<1x1x16xf32>,
        %get3A_1170 = vector.shape_cast %get3A_1169 : vector<1x1x16xf32> to vector<16xf32>
        %sub3A_1171 = arith.subf %get3A_1170, %get3A_277 : vector<16xf32>
        %mul3A_1172 = arith.mulf %sub3A_1171, %sub3A_1171 : vector<16xf32>
        %add3A_1173 = arith.addf %mul3A_1105, %mul3A_1172 : vector<16xf32>
        %get3A_1174 = arith.constant 1 : i32
        %get3A_1175 = arith.index_cast %get3A_1174 : i32 to index
        %get3A_1176 = arith.index_cast %add3A_1073 : i32 to index
        %get3A_1177 = arith.constant 192 : index
        %get3A_1178 = tpu.vector_load %arg6[%get3A_1175, %get3A_1176, %get3A_1177] {strides = array<i32>} : memref<2x128x256xf32, #tpu.memory_space<vmem>>, vector<1x1x16xf32>,
        %get3A_1179 = vector.shape_cast %get3A_1178 : vector<1x1x16xf32> to vector<16xf32>
        %sub3A_1180 = arith.subf %get3A_1179, %get3A_283 : vector<16xf32>
        %mul3A_1181 = arith.mulf %sub3A_1180, %sub3A_1180 : vector<16xf32>
        %add3A_1182 = arith.addf %mul3A_1113, %mul3A_1181 : vector<16xf32>
        %get3A_1183 = arith.constant 1 : i32
        %get3A_1184 = arith.index_cast %get3A_1183 : i32 to index
        %get3A_1185 = arith.index_cast %add3A_1073 : i32 to index
        %get3A_1186 = arith.constant 208 : index
        %get3A_1187 = tpu.vector_load %arg6[%get3A_1184, %get3A_1185, %get3A_1186] {strides = array<i32>} : memref<2x128x256xf32, #tpu.memory_space<vmem>>, vector<1x1x16xf32>,
        %get3A_1188 = vector.shape_cast %get3A_1187 : vector<1x1x16xf32> to vector<16xf32>
        %sub3A_1189 = arith.subf %get3A_1188, %get3A_289 : vector<16xf32>
        %mul3A_1190 = arith.mulf %sub3A_1189, %sub3A_1189 : vector<16xf32>
        %add3A_1191 = arith.addf %mul3A_1121, %mul3A_1190 : vector<16xf32>
        %get3A_1192 = arith.constant 1 : i32
        %get3A_1193 = arith.index_cast %get3A_1192 : i32 to index
        %get3A_1194 = arith.index_cast %add3A_1073 : i32 to index
        %get3A_1195 = arith.constant 224 : index
        %get3A_1196 = tpu.vector_load %arg6[%get3A_1193, %get3A_1194, %get3A_1195] {strides = array<i32>} : memref<2x128x256xf32, #tpu.memory_space<vmem>>, vector<1x1x16xf32>,
        %get3A_1197 = vector.shape_cast %get3A_1196 : vector<1x1x16xf32> to vector<16xf32>
        %sub3A_1198 = arith.subf %get3A_1197, %get3A_295 : vector<16xf32>
        %mul3A_1199 = arith.mulf %sub3A_1198, %sub3A_1198 : vector<16xf32>
        %add3A_1200 = arith.addf %mul3A_1129, %mul3A_1199 : vector<16xf32>
        %get3A_1201 = arith.constant 1 : i32
        %get3A_1202 = arith.index_cast %get3A_1201 : i32 to index
        %get3A_1203 = arith.index_cast %add3A_1073 : i32 to index
        %get3A_1204 = arith.constant 240 : index
        %get3A_1205 = tpu.vector_load %arg6[%get3A_1202, %get3A_1203, %get3A_1204] {strides = array<i32>} : memref<2x128x256xf32, #tpu.memory_space<vmem>>, vector<1x1x16xf32>,
        %get3A_1206 = vector.shape_cast %get3A_1205 : vector<1x1x16xf32> to vector<16xf32>
        %sub3A_1207 = arith.subf %get3A_1206, %get3A_301 : vector<16xf32>
        %mul3A_1208 = arith.mulf %sub3A_1207, %sub3A_1207 : vector<16xf32>
        %add3A_1209 = arith.addf %mul3A_1137, %mul3A_1208 : vector<16xf32>
        %add3A_1210 = arith.addf %add3A_1146, %add3A_1155 : vector<16xf32>
        %add3A_1211 = arith.addf %add3A_1164, %add3A_1173 : vector<16xf32>
        %add3A_1212 = arith.addf %add3A_1182, %add3A_1191 : vector<16xf32>
        %add3A_1213 = arith.addf %add3A_1200, %add3A_1209 : vector<16xf32>
        %add3A_1214 = arith.addf %add3A_1210, %add3A_1211 : vector<16xf32>
        %add3A_1215 = arith.addf %add3A_1212, %add3A_1213 : vector<16xf32>
        %add3A_1216 = arith.addf %add3A_1214, %add3A_1215 : vector<16xf32>
        %swap3A_1217 = arith.constant 1 : i32
        %swap3A_1218 = arith.index_cast %swap3A_1217 : i32 to index
        %swap3A_1219 = arith.index_cast %add3A_1073 : i32 to index
        %swap3A_1220 = arith.constant 0 : index
        %swap3A_1221 = tpu.vector_load %arg8[%swap3A_1218, %swap3A_1219, %swap3A_1220] {strides = array<i32>} : memref<2x128x16xf32, #tpu.memory_space<vmem>>, vector<1x1x16xf32>,
        %swap3A_1222 = vector.shape_cast %swap3A_1221 : vector<1x1x16xf32> to vector<16xf32>
        %swap3A_1223 = vector.shape_cast %add3A_1216 : vector<16xf32> to vector<1x1x16xf32>
        tpu.vector_store %arg8[%swap3A_1218, %swap3A_1219, %swap3A_1220], %swap3A_1223 {strides = array<i32>} : memref<2x128x16xf32, #tpu.memory_space<vmem>>, vector<1x1x16xf32>,
        %mul3A_1224 = arith.constant 8 : i32
        %mul3A_1225 = arith.muli %scan3A_205, %mul3A_1224 : i32
        %add3A_1226 = arith.constant 6 : i32
        %add3A_1227 = arith.addi %mul3A_1225, %add3A_1226 : i32
        %get3A_1228 = arith.constant 1 : i32
        %get3A_1229 = arith.index_cast %get3A_1228 : i32 to index
        %get3A_1230 = arith.index_cast %add3A_1227 : i32 to index
        %get3A_1231 = arith.constant 0 : index
        %get3A_1232 = tpu.vector_load %arg6[%get3A_1229, %get3A_1230, %get3A_1231] {strides = array<i32>} : memref<2x128x256xf32, #tpu.memory_space<vmem>>, vector<1x1x16xf32>,
        %get3A_1233 = vector.shape_cast %get3A_1232 : vector<1x1x16xf32> to vector<16xf32>
        %sub3A_1234 = arith.subf %get3A_1233, %get3A_211 : vector<16xf32>
        %mul3A_1235 = arith.mulf %sub3A_1234, %sub3A_1234 : vector<16xf32>
        %get3A_1236 = arith.constant 1 : i32
        %get3A_1237 = arith.index_cast %get3A_1236 : i32 to index
        %get3A_1238 = arith.index_cast %add3A_1227 : i32 to index
        %get3A_1239 = arith.constant 16 : index
        %get3A_1240 = tpu.vector_load %arg6[%get3A_1237, %get3A_1238, %get3A_1239] {strides = array<i32>} : memref<2x128x256xf32, #tpu.memory_space<vmem>>, vector<1x1x16xf32>,
        %get3A_1241 = vector.shape_cast %get3A_1240 : vector<1x1x16xf32> to vector<16xf32>
        %sub3A_1242 = arith.subf %get3A_1241, %get3A_217 : vector<16xf32>
        %mul3A_1243 = arith.mulf %sub3A_1242, %sub3A_1242 : vector<16xf32>
        %get3A_1244 = arith.constant 1 : i32
        %get3A_1245 = arith.index_cast %get3A_1244 : i32 to index
        %get3A_1246 = arith.index_cast %add3A_1227 : i32 to index
        %get3A_1247 = arith.constant 32 : index
        %get3A_1248 = tpu.vector_load %arg6[%get3A_1245, %get3A_1246, %get3A_1247] {strides = array<i32>} : memref<2x128x256xf32, #tpu.memory_space<vmem>>, vector<1x1x16xf32>,
        %get3A_1249 = vector.shape_cast %get3A_1248 : vector<1x1x16xf32> to vector<16xf32>
        %sub3A_1250 = arith.subf %get3A_1249, %get3A_223 : vector<16xf32>
        %mul3A_1251 = arith.mulf %sub3A_1250, %sub3A_1250 : vector<16xf32>
        %get3A_1252 = arith.constant 1 : i32
        %get3A_1253 = arith.index_cast %get3A_1252 : i32 to index
        %get3A_1254 = arith.index_cast %add3A_1227 : i32 to index
        %get3A_1255 = arith.constant 48 : index
        %get3A_1256 = tpu.vector_load %arg6[%get3A_1253, %get3A_1254, %get3A_1255] {strides = array<i32>} : memref<2x128x256xf32, #tpu.memory_space<vmem>>, vector<1x1x16xf32>,
        %get3A_1257 = vector.shape_cast %get3A_1256 : vector<1x1x16xf32> to vector<16xf32>
        %sub3A_1258 = arith.subf %get3A_1257, %get3A_229 : vector<16xf32>
        %mul3A_1259 = arith.mulf %sub3A_1258, %sub3A_1258 : vector<16xf32>
        %get3A_1260 = arith.constant 1 : i32
        %get3A_1261 = arith.index_cast %get3A_1260 : i32 to index
        %get3A_1262 = arith.index_cast %add3A_1227 : i32 to index
        %get3A_1263 = arith.constant 64 : index
        %get3A_1264 = tpu.vector_load %arg6[%get3A_1261, %get3A_1262, %get3A_1263] {strides = array<i32>} : memref<2x128x256xf32, #tpu.memory_space<vmem>>, vector<1x1x16xf32>,
        %get3A_1265 = vector.shape_cast %get3A_1264 : vector<1x1x16xf32> to vector<16xf32>
        %sub3A_1266 = arith.subf %get3A_1265, %get3A_235 : vector<16xf32>
        %mul3A_1267 = arith.mulf %sub3A_1266, %sub3A_1266 : vector<16xf32>
        %get3A_1268 = arith.constant 1 : i32
        %get3A_1269 = arith.index_cast %get3A_1268 : i32 to index
        %get3A_1270 = arith.index_cast %add3A_1227 : i32 to index
        %get3A_1271 = arith.constant 80 : index
        %get3A_1272 = tpu.vector_load %arg6[%get3A_1269, %get3A_1270, %get3A_1271] {strides = array<i32>} : memref<2x128x256xf32, #tpu.memory_space<vmem>>, vector<1x1x16xf32>,
        %get3A_1273 = vector.shape_cast %get3A_1272 : vector<1x1x16xf32> to vector<16xf32>
        %sub3A_1274 = arith.subf %get3A_1273, %get3A_241 : vector<16xf32>
        %mul3A_1275 = arith.mulf %sub3A_1274, %sub3A_1274 : vector<16xf32>
        %get3A_1276 = arith.constant 1 : i32
        %get3A_1277 = arith.index_cast %get3A_1276 : i32 to index
        %get3A_1278 = arith.index_cast %add3A_1227 : i32 to index
        %get3A_1279 = arith.constant 96 : index
        %get3A_1280 = tpu.vector_load %arg6[%get3A_1277, %get3A_1278, %get3A_1279] {strides = array<i32>} : memref<2x128x256xf32, #tpu.memory_space<vmem>>, vector<1x1x16xf32>,
        %get3A_1281 = vector.shape_cast %get3A_1280 : vector<1x1x16xf32> to vector<16xf32>
        %sub3A_1282 = arith.subf %get3A_1281, %get3A_247 : vector<16xf32>
        %mul3A_1283 = arith.mulf %sub3A_1282, %sub3A_1282 : vector<16xf32>
        %get3A_1284 = arith.constant 1 : i32
        %get3A_1285 = arith.index_cast %get3A_1284 : i32 to index
        %get3A_1286 = arith.index_cast %add3A_1227 : i32 to index
        %get3A_1287 = arith.constant 112 : index
        %get3A_1288 = tpu.vector_load %arg6[%get3A_1285, %get3A_1286, %get3A_1287] {strides = array<i32>} : memref<2x128x256xf32, #tpu.memory_space<vmem>>, vector<1x1x16xf32>,
        %get3A_1289 = vector.shape_cast %get3A_1288 : vector<1x1x16xf32> to vector<16xf32>
        %sub3A_1290 = arith.subf %get3A_1289, %get3A_253 : vector<16xf32>
        %mul3A_1291 = arith.mulf %sub3A_1290, %sub3A_1290 : vector<16xf32>
        %get3A_1292 = arith.constant 1 : i32
        %get3A_1293 = arith.index_cast %get3A_1292 : i32 to index
        %get3A_1294 = arith.index_cast %add3A_1227 : i32 to index
        %get3A_1295 = arith.constant 128 : index
        %get3A_1296 = tpu.vector_load %arg6[%get3A_1293, %get3A_1294, %get3A_1295] {strides = array<i32>} : memref<2x128x256xf32, #tpu.memory_space<vmem>>, vector<1x1x16xf32>,
        %get3A_1297 = vector.shape_cast %get3A_1296 : vector<1x1x16xf32> to vector<16xf32>
        %sub3A_1298 = arith.subf %get3A_1297, %get3A_259 : vector<16xf32>
        %mul3A_1299 = arith.mulf %sub3A_1298, %sub3A_1298 : vector<16xf32>
        %add3A_1300 = arith.addf %mul3A_1235, %mul3A_1299 : vector<16xf32>
        %get3A_1301 = arith.constant 1 : i32
        %get3A_1302 = arith.index_cast %get3A_1301 : i32 to index
        %get3A_1303 = arith.index_cast %add3A_1227 : i32 to index
        %get3A_1304 = arith.constant 144 : index
        %get3A_1305 = tpu.vector_load %arg6[%get3A_1302, %get3A_1303, %get3A_1304] {strides = array<i32>} : memref<2x128x256xf32, #tpu.memory_space<vmem>>, vector<1x1x16xf32>,
        %get3A_1306 = vector.shape_cast %get3A_1305 : vector<1x1x16xf32> to vector<16xf32>
        %sub3A_1307 = arith.subf %get3A_1306, %get3A_265 : vector<16xf32>
        %mul3A_1308 = arith.mulf %sub3A_1307, %sub3A_1307 : vector<16xf32>
        %add3A_1309 = arith.addf %mul3A_1243, %mul3A_1308 : vector<16xf32>
        %get3A_1310 = arith.constant 1 : i32
        %get3A_1311 = arith.index_cast %get3A_1310 : i32 to index
        %get3A_1312 = arith.index_cast %add3A_1227 : i32 to index
        %get3A_1313 = arith.constant 160 : index
        %get3A_1314 = tpu.vector_load %arg6[%get3A_1311, %get3A_1312, %get3A_1313] {strides = array<i32>} : memref<2x128x256xf32, #tpu.memory_space<vmem>>, vector<1x1x16xf32>,
        %get3A_1315 = vector.shape_cast %get3A_1314 : vector<1x1x16xf32> to vector<16xf32>
        %sub3A_1316 = arith.subf %get3A_1315, %get3A_271 : vector<16xf32>
        %mul3A_1317 = arith.mulf %sub3A_1316, %sub3A_1316 : vector<16xf32>
        %add3A_1318 = arith.addf %mul3A_1251, %mul3A_1317 : vector<16xf32>
        %get3A_1319 = arith.constant 1 : i32
        %get3A_1320 = arith.index_cast %get3A_1319 : i32 to index
        %get3A_1321 = arith.index_cast %add3A_1227 : i32 to index
        %get3A_1322 = arith.constant 176 : index
        %get3A_1323 = tpu.vector_load %arg6[%get3A_1320, %get3A_1321, %get3A_1322] {strides = array<i32>} : memref<2x128x256xf32, #tpu.memory_space<vmem>>, vector<1x1x16xf32>,
        %get3A_1324 = vector.shape_cast %get3A_1323 : vector<1x1x16xf32> to vector<16xf32>
        %sub3A_1325 = arith.subf %get3A_1324, %get3A_277 : vector<16xf32>
        %mul3A_1326 = arith.mulf %sub3A_1325, %sub3A_1325 : vector<16xf32>
        %add3A_1327 = arith.addf %mul3A_1259, %mul3A_1326 : vector<16xf32>
        %get3A_1328 = arith.constant 1 : i32
        %get3A_1329 = arith.index_cast %get3A_1328 : i32 to index
        %get3A_1330 = arith.index_cast %add3A_1227 : i32 to index
        %get3A_1331 = arith.constant 192 : index
        %get3A_1332 = tpu.vector_load %arg6[%get3A_1329, %get3A_1330, %get3A_1331] {strides = array<i32>} : memref<2x128x256xf32, #tpu.memory_space<vmem>>, vector<1x1x16xf32>,
        %get3A_1333 = vector.shape_cast %get3A_1332 : vector<1x1x16xf32> to vector<16xf32>
        %sub3A_1334 = arith.subf %get3A_1333, %get3A_283 : vector<16xf32>
        %mul3A_1335 = arith.mulf %sub3A_1334, %sub3A_1334 : vector<16xf32>
        %add3A_1336 = arith.addf %mul3A_1267, %mul3A_1335 : vector<16xf32>
        %get3A_1337 = arith.constant 1 : i32
        %get3A_1338 = arith.index_cast %get3A_1337 : i32 to index
        %get3A_1339 = arith.index_cast %add3A_1227 : i32 to index
        %get3A_1340 = arith.constant 208 : index
        %get3A_1341 = tpu.vector_load %arg6[%get3A_1338, %get3A_1339, %get3A_1340] {strides = array<i32>} : memref<2x128x256xf32, #tpu.memory_space<vmem>>, vector<1x1x16xf32>,
        %get3A_1342 = vector.shape_cast %get3A_1341 : vector<1x1x16xf32> to vector<16xf32>
        %sub3A_1343 = arith.subf %get3A_1342, %get3A_289 : vector<16xf32>
        %mul3A_1344 = arith.mulf %sub3A_1343, %sub3A_1343 : vector<16xf32>
        %add3A_1345 = arith.addf %mul3A_1275, %mul3A_1344 : vector<16xf32>
        %get3A_1346 = arith.constant 1 : i32
        %get3A_1347 = arith.index_cast %get3A_1346 : i32 to index
        %get3A_1348 = arith.index_cast %add3A_1227 : i32 to index
        %get3A_1349 = arith.constant 224 : index
        %get3A_1350 = tpu.vector_load %arg6[%get3A_1347, %get3A_1348, %get3A_1349] {strides = array<i32>} : memref<2x128x256xf32, #tpu.memory_space<vmem>>, vector<1x1x16xf32>,
        %get3A_1351 = vector.shape_cast %get3A_1350 : vector<1x1x16xf32> to vector<16xf32>
        %sub3A_1352 = arith.subf %get3A_1351, %get3A_295 : vector<16xf32>
        %mul3A_1353 = arith.mulf %sub3A_1352, %sub3A_1352 : vector<16xf32>
        %add3A_1354 = arith.addf %mul3A_1283, %mul3A_1353 : vector<16xf32>
        %get3A_1355 = arith.constant 1 : i32
        %get3A_1356 = arith.index_cast %get3A_1355 : i32 to index
        %get3A_1357 = arith.index_cast %add3A_1227 : i32 to index
        %get3A_1358 = arith.constant 240 : index
        %get3A_1359 = tpu.vector_load %arg6[%get3A_1356, %get3A_1357, %get3A_1358] {strides = array<i32>} : memref<2x128x256xf32, #tpu.memory_space<vmem>>, vector<1x1x16xf32>,
        %get3A_1360 = vector.shape_cast %get3A_1359 : vector<1x1x16xf32> to vector<16xf32>
        %sub3A_1361 = arith.subf %get3A_1360, %get3A_301 : vector<16xf32>
        %mul3A_1362 = arith.mulf %sub3A_1361, %sub3A_1361 : vector<16xf32>
        %add3A_1363 = arith.addf %mul3A_1291, %mul3A_1362 : vector<16xf32>
        %add3A_1364 = arith.addf %add3A_1300, %add3A_1309 : vector<16xf32>
        %add3A_1365 = arith.addf %add3A_1318, %add3A_1327 : vector<16xf32>
        %add3A_1366 = arith.addf %add3A_1336, %add3A_1345 : vector<16xf32>
        %add3A_1367 = arith.addf %add3A_1354, %add3A_1363 : vector<16xf32>
        %add3A_1368 = arith.addf %add3A_1364, %add3A_1365 : vector<16xf32>
        %add3A_1369 = arith.addf %add3A_1366, %add3A_1367 : vector<16xf32>
        %add3A_1370 = arith.addf %add3A_1368, %add3A_1369 : vector<16xf32>
        %swap3A_1371 = arith.constant 1 : i32
        %swap3A_1372 = arith.index_cast %swap3A_1371 : i32 to index
        %swap3A_1373 = arith.index_cast %add3A_1227 : i32 to index
        %swap3A_1374 = arith.constant 0 : index
        %swap3A_1375 = tpu.vector_load %arg8[%swap3A_1372, %swap3A_1373, %swap3A_1374] {strides = array<i32>} : memref<2x128x16xf32, #tpu.memory_space<vmem>>, vector<1x1x16xf32>,
        %swap3A_1376 = vector.shape_cast %swap3A_1375 : vector<1x1x16xf32> to vector<16xf32>
        %swap3A_1377 = vector.shape_cast %add3A_1370 : vector<16xf32> to vector<1x1x16xf32>
        tpu.vector_store %arg8[%swap3A_1372, %swap3A_1373, %swap3A_1374], %swap3A_1377 {strides = array<i32>} : memref<2x128x16xf32, #tpu.memory_space<vmem>>, vector<1x1x16xf32>,
        %mul3A_1378 = arith.constant 8 : i32
        %mul3A_1379 = arith.muli %scan3A_205, %mul3A_1378 : i32
        %add3A_1380 = arith.constant 7 : i32
        %add3A_1381 = arith.addi %mul3A_1379, %add3A_1380 : i32
        %get3A_1382 = arith.constant 1 : i32
        %get3A_1383 = arith.index_cast %get3A_1382 : i32 to index
        %get3A_1384 = arith.index_cast %add3A_1381 : i32 to index
        %get3A_1385 = arith.constant 0 : index
        %get3A_1386 = tpu.vector_load %arg6[%get3A_1383, %get3A_1384, %get3A_1385] {strides = array<i32>} : memref<2x128x256xf32, #tpu.memory_space<vmem>>, vector<1x1x16xf32>,
        %get3A_1387 = vector.shape_cast %get3A_1386 : vector<1x1x16xf32> to vector<16xf32>
        %sub3A_1388 = arith.subf %get3A_1387, %get3A_211 : vector<16xf32>
        %mul3A_1389 = arith.mulf %sub3A_1388, %sub3A_1388 : vector<16xf32>
        %get3A_1390 = arith.constant 1 : i32
        %get3A_1391 = arith.index_cast %get3A_1390 : i32 to index
        %get3A_1392 = arith.index_cast %add3A_1381 : i32 to index
        %get3A_1393 = arith.constant 16 : index
        %get3A_1394 = tpu.vector_load %arg6[%get3A_1391, %get3A_1392, %get3A_1393] {strides = array<i32>} : memref<2x128x256xf32, #tpu.memory_space<vmem>>, vector<1x1x16xf32>,
        %get3A_1395 = vector.shape_cast %get3A_1394 : vector<1x1x16xf32> to vector<16xf32>
        %sub3A_1396 = arith.subf %get3A_1395, %get3A_217 : vector<16xf32>
        %mul3A_1397 = arith.mulf %sub3A_1396, %sub3A_1396 : vector<16xf32>
        %get3A_1398 = arith.constant 1 : i32
        %get3A_1399 = arith.index_cast %get3A_1398 : i32 to index
        %get3A_1400 = arith.index_cast %add3A_1381 : i32 to index
        %get3A_1401 = arith.constant 32 : index
        %get3A_1402 = tpu.vector_load %arg6[%get3A_1399, %get3A_1400, %get3A_1401] {strides = array<i32>} : memref<2x128x256xf32, #tpu.memory_space<vmem>>, vector<1x1x16xf32>,
        %get3A_1403 = vector.shape_cast %get3A_1402 : vector<1x1x16xf32> to vector<16xf32>
        %sub3A_1404 = arith.subf %get3A_1403, %get3A_223 : vector<16xf32>
        %mul3A_1405 = arith.mulf %sub3A_1404, %sub3A_1404 : vector<16xf32>
        %get3A_1406 = arith.constant 1 : i32
        %get3A_1407 = arith.index_cast %get3A_1406 : i32 to index
        %get3A_1408 = arith.index_cast %add3A_1381 : i32 to index
        %get3A_1409 = arith.constant 48 : index
        %get3A_1410 = tpu.vector_load %arg6[%get3A_1407, %get3A_1408, %get3A_1409] {strides = array<i32>} : memref<2x128x256xf32, #tpu.memory_space<vmem>>, vector<1x1x16xf32>,
        %get3A_1411 = vector.shape_cast %get3A_1410 : vector<1x1x16xf32> to vector<16xf32>
        %sub3A_1412 = arith.subf %get3A_1411, %get3A_229 : vector<16xf32>
        %mul3A_1413 = arith.mulf %sub3A_1412, %sub3A_1412 : vector<16xf32>
        %get3A_1414 = arith.constant 1 : i32
        %get3A_1415 = arith.index_cast %get3A_1414 : i32 to index
        %get3A_1416 = arith.index_cast %add3A_1381 : i32 to index
        %get3A_1417 = arith.constant 64 : index
        %get3A_1418 = tpu.vector_load %arg6[%get3A_1415, %get3A_1416, %get3A_1417] {strides = array<i32>} : memref<2x128x256xf32, #tpu.memory_space<vmem>>, vector<1x1x16xf32>,
        %get3A_1419 = vector.shape_cast %get3A_1418 : vector<1x1x16xf32> to vector<16xf32>
        %sub3A_1420 = arith.subf %get3A_1419, %get3A_235 : vector<16xf32>
        %mul3A_1421 = arith.mulf %sub3A_1420, %sub3A_1420 : vector<16xf32>
        %get3A_1422 = arith.constant 1 : i32
        %get3A_1423 = arith.index_cast %get3A_1422 : i32 to index
        %get3A_1424 = arith.index_cast %add3A_1381 : i32 to index
        %get3A_1425 = arith.constant 80 : index
        %get3A_1426 = tpu.vector_load %arg6[%get3A_1423, %get3A_1424, %get3A_1425] {strides = array<i32>} : memref<2x128x256xf32, #tpu.memory_space<vmem>>, vector<1x1x16xf32>,
        %get3A_1427 = vector.shape_cast %get3A_1426 : vector<1x1x16xf32> to vector<16xf32>
        %sub3A_1428 = arith.subf %get3A_1427, %get3A_241 : vector<16xf32>
        %mul3A_1429 = arith.mulf %sub3A_1428, %sub3A_1428 : vector<16xf32>
        %get3A_1430 = arith.constant 1 : i32
        %get3A_1431 = arith.index_cast %get3A_1430 : i32 to index
        %get3A_1432 = arith.index_cast %add3A_1381 : i32 to index
        %get3A_1433 = arith.constant 96 : index
        %get3A_1434 = tpu.vector_load %arg6[%get3A_1431, %get3A_1432, %get3A_1433] {strides = array<i32>} : memref<2x128x256xf32, #tpu.memory_space<vmem>>, vector<1x1x16xf32>,
        %get3A_1435 = vector.shape_cast %get3A_1434 : vector<1x1x16xf32> to vector<16xf32>
        %sub3A_1436 = arith.subf %get3A_1435, %get3A_247 : vector<16xf32>
        %mul3A_1437 = arith.mulf %sub3A_1436, %sub3A_1436 : vector<16xf32>
        %get3A_1438 = arith.constant 1 : i32
        %get3A_1439 = arith.index_cast %get3A_1438 : i32 to index
        %get3A_1440 = arith.index_cast %add3A_1381 : i32 to index
        %get3A_1441 = arith.constant 112 : index
        %get3A_1442 = tpu.vector_load %arg6[%get3A_1439, %get3A_1440, %get3A_1441] {strides = array<i32>} : memref<2x128x256xf32, #tpu.memory_space<vmem>>, vector<1x1x16xf32>,
        %get3A_1443 = vector.shape_cast %get3A_1442 : vector<1x1x16xf32> to vector<16xf32>
        %sub3A_1444 = arith.subf %get3A_1443, %get3A_253 : vector<16xf32>
        %mul3A_1445 = arith.mulf %sub3A_1444, %sub3A_1444 : vector<16xf32>
        %get3A_1446 = arith.constant 1 : i32
        %get3A_1447 = arith.index_cast %get3A_1446 : i32 to index
        %get3A_1448 = arith.index_cast %add3A_1381 : i32 to index
        %get3A_1449 = arith.constant 128 : index
        %get3A_1450 = tpu.vector_load %arg6[%get3A_1447, %get3A_1448, %get3A_1449] {strides = array<i32>} : memref<2x128x256xf32, #tpu.memory_space<vmem>>, vector<1x1x16xf32>,
        %get3A_1451 = vector.shape_cast %get3A_1450 : vector<1x1x16xf32> to vector<16xf32>
        %sub3A_1452 = arith.subf %get3A_1451, %get3A_259 : vector<16xf32>
        %mul3A_1453 = arith.mulf %sub3A_1452, %sub3A_1452 : vector<16xf32>
        %add3A_1454 = arith.addf %mul3A_1389, %mul3A_1453 : vector<16xf32>
        %get3A_1455 = arith.constant 1 : i32
        %get3A_1456 = arith.index_cast %get3A_1455 : i32 to index
        %get3A_1457 = arith.index_cast %add3A_1381 : i32 to index
        %get3A_1458 = arith.constant 144 : index
        %get3A_1459 = tpu.vector_load %arg6[%get3A_1456, %get3A_1457, %get3A_1458] {strides = array<i32>} : memref<2x128x256xf32, #tpu.memory_space<vmem>>, vector<1x1x16xf32>,
        %get3A_1460 = vector.shape_cast %get3A_1459 : vector<1x1x16xf32> to vector<16xf32>
        %sub3A_1461 = arith.subf %get3A_1460, %get3A_265 : vector<16xf32>
        %mul3A_1462 = arith.mulf %sub3A_1461, %sub3A_1461 : vector<16xf32>
        %add3A_1463 = arith.addf %mul3A_1397, %mul3A_1462 : vector<16xf32>
        %get3A_1464 = arith.constant 1 : i32
        %get3A_1465 = arith.index_cast %get3A_1464 : i32 to index
        %get3A_1466 = arith.index_cast %add3A_1381 : i32 to index
        %get3A_1467 = arith.constant 160 : index
        %get3A_1468 = tpu.vector_load %arg6[%get3A_1465, %get3A_1466, %get3A_1467] {strides = array<i32>} : memref<2x128x256xf32, #tpu.memory_space<vmem>>, vector<1x1x16xf32>,
        %get3A_1469 = vector.shape_cast %get3A_1468 : vector<1x1x16xf32> to vector<16xf32>
        %sub3A_1470 = arith.subf %get3A_1469, %get3A_271 : vector<16xf32>
        %mul3A_1471 = arith.mulf %sub3A_1470, %sub3A_1470 : vector<16xf32>
        %add3A_1472 = arith.addf %mul3A_1405, %mul3A_1471 : vector<16xf32>
        %get3A_1473 = arith.constant 1 : i32
        %get3A_1474 = arith.index_cast %get3A_1473 : i32 to index
        %get3A_1475 = arith.index_cast %add3A_1381 : i32 to index
        %get3A_1476 = arith.constant 176 : index
        %get3A_1477 = tpu.vector_load %arg6[%get3A_1474, %get3A_1475, %get3A_1476] {strides = array<i32>} : memref<2x128x256xf32, #tpu.memory_space<vmem>>, vector<1x1x16xf32>,
        %get3A_1478 = vector.shape_cast %get3A_1477 : vector<1x1x16xf32> to vector<16xf32>
        %sub3A_1479 = arith.subf %get3A_1478, %get3A_277 : vector<16xf32>
        %mul3A_1480 = arith.mulf %sub3A_1479, %sub3A_1479 : vector<16xf32>
        %add3A_1481 = arith.addf %mul3A_1413, %mul3A_1480 : vector<16xf32>
        %get3A_1482 = arith.constant 1 : i32
        %get3A_1483 = arith.index_cast %get3A_1482 : i32 to index
        %get3A_1484 = arith.index_cast %add3A_1381 : i32 to index
        %get3A_1485 = arith.constant 192 : index
        %get3A_1486 = tpu.vector_load %arg6[%get3A_1483, %get3A_1484, %get3A_1485] {strides = array<i32>} : memref<2x128x256xf32, #tpu.memory_space<vmem>>, vector<1x1x16xf32>,
        %get3A_1487 = vector.shape_cast %get3A_1486 : vector<1x1x16xf32> to vector<16xf32>
        %sub3A_1488 = arith.subf %get3A_1487, %get3A_283 : vector<16xf32>
        %mul3A_1489 = arith.mulf %sub3A_1488, %sub3A_1488 : vector<16xf32>
        %add3A_1490 = arith.addf %mul3A_1421, %mul3A_1489 : vector<16xf32>
        %get3A_1491 = arith.constant 1 : i32
        %get3A_1492 = arith.index_cast %get3A_1491 : i32 to index
        %get3A_1493 = arith.index_cast %add3A_1381 : i32 to index
        %get3A_1494 = arith.constant 208 : index
        %get3A_1495 = tpu.vector_load %arg6[%get3A_1492, %get3A_1493, %get3A_1494] {strides = array<i32>} : memref<2x128x256xf32, #tpu.memory_space<vmem>>, vector<1x1x16xf32>,
        %get3A_1496 = vector.shape_cast %get3A_1495 : vector<1x1x16xf32> to vector<16xf32>
        %sub3A_1497 = arith.subf %get3A_1496, %get3A_289 : vector<16xf32>
        %mul3A_1498 = arith.mulf %sub3A_1497, %sub3A_1497 : vector<16xf32>
        %add3A_1499 = arith.addf %mul3A_1429, %mul3A_1498 : vector<16xf32>
        %get3A_1500 = arith.constant 1 : i32
        %get3A_1501 = arith.index_cast %get3A_1500 : i32 to index
        %get3A_1502 = arith.index_cast %add3A_1381 : i32 to index
        %get3A_1503 = arith.constant 224 : index
        %get3A_1504 = tpu.vector_load %arg6[%get3A_1501, %get3A_1502, %get3A_1503] {strides = array<i32>} : memref<2x128x256xf32, #tpu.memory_space<vmem>>, vector<1x1x16xf32>,
        %get3A_1505 = vector.shape_cast %get3A_1504 : vector<1x1x16xf32> to vector<16xf32>
        %sub3A_1506 = arith.subf %get3A_1505, %get3A_295 : vector<16xf32>
        %mul3A_1507 = arith.mulf %sub3A_1506, %sub3A_1506 : vector<16xf32>
        %add3A_1508 = arith.addf %mul3A_1437, %mul3A_1507 : vector<16xf32>
        %get3A_1509 = arith.constant 1 : i32
        %get3A_1510 = arith.index_cast %get3A_1509 : i32 to index
        %get3A_1511 = arith.index_cast %add3A_1381 : i32 to index
        %get3A_1512 = arith.constant 240 : index
        %get3A_1513 = tpu.vector_load %arg6[%get3A_1510, %get3A_1511, %get3A_1512] {strides = array<i32>} : memref<2x128x256xf32, #tpu.memory_space<vmem>>, vector<1x1x16xf32>,
        %get3A_1514 = vector.shape_cast %get3A_1513 : vector<1x1x16xf32> to vector<16xf32>
        %sub3A_1515 = arith.subf %get3A_1514, %get3A_301 : vector<16xf32>
        %mul3A_1516 = arith.mulf %sub3A_1515, %sub3A_1515 : vector<16xf32>
        %add3A_1517 = arith.addf %mul3A_1445, %mul3A_1516 : vector<16xf32>
        %add3A_1518 = arith.addf %add3A_1454, %add3A_1463 : vector<16xf32>
        %add3A_1519 = arith.addf %add3A_1472, %add3A_1481 : vector<16xf32>
        %add3A_1520 = arith.addf %add3A_1490, %add3A_1499 : vector<16xf32>
        %add3A_1521 = arith.addf %add3A_1508, %add3A_1517 : vector<16xf32>
        %add3A_1522 = arith.addf %add3A_1518, %add3A_1519 : vector<16xf32>
        %add3A_1523 = arith.addf %add3A_1520, %add3A_1521 : vector<16xf32>
        %add3A_1524 = arith.addf %add3A_1522, %add3A_1523 : vector<16xf32>
        %swap3A_1525 = arith.constant 1 : i32
        %swap3A_1526 = arith.index_cast %swap3A_1525 : i32 to index
        %swap3A_1527 = arith.index_cast %add3A_1381 : i32 to index
        %swap3A_1528 = arith.constant 0 : index
        %swap3A_1529 = tpu.vector_load %arg8[%swap3A_1526, %swap3A_1527, %swap3A_1528] {strides = array<i32>} : memref<2x128x16xf32, #tpu.memory_space<vmem>>, vector<1x1x16xf32>,
        %swap3A_1530 = vector.shape_cast %swap3A_1529 : vector<1x1x16xf32> to vector<16xf32>
        %swap3A_1531 = vector.shape_cast %add3A_1524 : vector<16xf32> to vector<1x1x16xf32>
        tpu.vector_store %arg8[%swap3A_1526, %swap3A_1527, %swap3A_1528], %swap3A_1531 {strides = array<i32>} : memref<2x128x16xf32, #tpu.memory_space<vmem>>, vector<1x1x16xf32>,
        %scan3A_1532 = arith.constant 0 : i32
        scf.yield %scan3A_1532 : i32
      }
      %scan3A_185 = arith.constant 16 : i32
      %mul3A_186 = arith.constant 16 : i32
      %mul3A_187 = arith.muli %add3A_136, %mul3A_186 : i32
      %add3A_188 = arith.addi %mul3A_2, %mul3A_187 : i32
      %mul3A_189 = arith.constant 8 : i32
      %mul3A_190 = arith.muli %add3A_188, %mul3A_189 : i32
      %dma_start3A_191 = arith.constant 1 : i32
      %dma_start3A_192 = arith.constant 0 : i32
      %dma_start3A_193 = arith.constant 0 : i32
      %dma_start3A_194 = tpu.memref_slice %arg8[%dma_start3A_191, %dma_start3A_192, %dma_start3A_193] : memref<2x128x16xf32, #tpu.memory_space<vmem>> -> memref<1x128x16xf32, #tpu.memory_space<vmem>>
      %dma_start3A_195 = tpu.memref_squeeze %dma_start3A_194 : memref<1x128x16xf32, #tpu.memory_space<vmem>> -> memref<128x16xf32, #tpu.memory_space<vmem>>
      %dma_start3A_196 = arith.constant 0 : i32
      %dma_start3A_197 = tpu.memref_slice %arg4[%mul3A_190, %dma_start3A_196] : memref<131072x16xf32, #tpu.memory_space<hbm>> -> memref<128x16xf32, #tpu.memory_space<hbm>>
      %dma_start3A_198 = arith.constant 0 : i32
      %dma_start3A_199 = tpu.memref_slice %arg4[%mul3A_190, %dma_start3A_198] : memref<131072x16xf32, #tpu.memory_space<hbm>> -> memref<128x16xf32, #tpu.memory_space<hbm>>
      %dma_start3A_200 = arith.constant 0 : i32
      %dma_start3A_201 = arith.constant 0 : i32
      %dma_start3A_202 = tpu.memref_slice %arg8[%dma_start3A_191, %dma_start3A_200, %dma_start3A_201] : memref<2x128x16xf32, #tpu.memory_space<vmem>> -> memref<1x128x16xf32, #tpu.memory_space<vmem>>
      %dma_start3A_203 = tpu.memref_squeeze %dma_start3A_202 : memref<1x128x16xf32, #tpu.memory_space<vmem>> -> memref<128x16xf32, #tpu.memory_space<vmem>>
      tpu.enqueue_dma source(%dma_start3A_203 : memref<128x16xf32, #tpu.memory_space<vmem>>) target(%dma_start3A_199 : memref<128x16xf32, #tpu.memory_space<hbm>>) target_semaphore(%arg14 : memref<!tpu.dma_semaphore, #tpu.memory_space<semaphore_mem>>)
      %scan3A_204 = arith.constant 0 : i32
      scf.yield %scan3A_204 : i32
    }
    %scan3A_34 = arith.constant 16 : i32
    %dma_wait3A = arith.constant 0 : i32
    %dma_wait3A_35 = arith.constant 0 : i32
    %dma_wait3A_36 = arith.constant 0 : i32
    %dma_wait3A_37 = tpu.memref_slice %arg8[%dma_wait3A, %dma_wait3A_35, %dma_wait3A_36] : memref<2x128x16xf32, #tpu.memory_space<vmem>> -> memref<1x128x16xf32, #tpu.memory_space<vmem>>
    %dma_wait3A_38 = tpu.memref_squeeze %dma_wait3A_37 : memref<1x128x16xf32, #tpu.memory_space<vmem>> -> memref<128x16xf32, #tpu.memory_space<vmem>>
    %dma_wait3A_39 = arith.constant 0 : i32
    %dma_wait3A_40 = arith.constant 0 : i32
    %dma_wait3A_41 = tpu.memref_slice %arg4[%dma_wait3A_39, %dma_wait3A_40] : memref<131072x16xf32, #tpu.memory_space<hbm>> -> memref<128x16xf32, #tpu.memory_space<hbm>>
    %dma_wait3A_42 = arith.constant 0 : i32
    %dma_wait3A_43 = arith.constant 0 : i32
    %dma_wait3A_44 = tpu.memref_slice %arg4[%dma_wait3A_42, %dma_wait3A_43] : memref<131072x16xf32, #tpu.memory_space<hbm>> -> memref<128x16xf32, #tpu.memory_space<hbm>>
    %dma_wait3A_45 = arith.constant 0 : i32
    %dma_wait3A_46 = arith.constant 0 : i32
    %dma_wait3A_47 = tpu.memref_slice %arg8[%dma_wait3A, %dma_wait3A_45, %dma_wait3A_46] : memref<2x128x16xf32, #tpu.memory_space<vmem>> -> memref<1x128x16xf32, #tpu.memory_space<vmem>>
    %dma_wait3A_48 = tpu.memref_squeeze %dma_wait3A_47 : memref<1x128x16xf32, #tpu.memory_space<vmem>> -> memref<128x16xf32, #tpu.memory_space<vmem>>
    tpu.wait_dma2 semaphore(%arg13 : memref<!tpu.dma_semaphore, #tpu.memory_space<semaphore_mem>>) src(%dma_wait3A_48 : memref<128x16xf32, #tpu.memory_space<vmem>>) dst(%dma_wait3A_44 : memref<128x16xf32, #tpu.memory_space<hbm>>)
    %dma_wait3A_49 = arith.constant 1 : i32
    %dma_wait3A_50 = arith.constant 0 : i32
    %dma_wait3A_51 = arith.constant 0 : i32
    %dma_wait3A_52 = tpu.memref_slice %arg8[%dma_wait3A_49, %dma_wait3A_50, %dma_wait3A_51] : memref<2x128x16xf32, #tpu.memory_space<vmem>> -> memref<1x128x16xf32, #tpu.memory_space<vmem>>
    %dma_wait3A_53 = tpu.memref_squeeze %dma_wait3A_52 : memref<1x128x16xf32, #tpu.memory_space<vmem>> -> memref<128x16xf32, #tpu.memory_space<vmem>>
    %dma_wait3A_54 = arith.constant 0 : i32
    %dma_wait3A_55 = arith.constant 0 : i32
    %dma_wait3A_56 = tpu.memref_slice %arg4[%dma_wait3A_54, %dma_wait3A_55] : memref<131072x16xf32, #tpu.memory_space<hbm>> -> memref<128x16xf32, #tpu.memory_space<hbm>>
    %dma_wait3A_57 = arith.constant 0 : i32
    %dma_wait3A_58 = arith.constant 0 : i32
    %dma_wait3A_59 = tpu.memref_slice %arg4[%dma_wait3A_57, %dma_wait3A_58] : memref<131072x16xf32, #tpu.memory_space<hbm>> -> memref<128x16xf32, #tpu.memory_space<hbm>>
    %dma_wait3A_60 = arith.constant 0 : i32
    %dma_wait3A_61 = arith.constant 0 : i32
    %dma_wait3A_62 = tpu.memref_slice %arg8[%dma_wait3A_49, %dma_wait3A_60, %dma_wait3A_61] : memref<2x128x16xf32, #tpu.memory_space<vmem>> -> memref<1x128x16xf32, #tpu.memory_space<vmem>>
    %dma_wait3A_63 = tpu.memref_squeeze %dma_wait3A_62 : memref<1x128x16xf32, #tpu.memory_space<vmem>> -> memref<128x16xf32, #tpu.memory_space<vmem>>
    tpu.wait_dma2 semaphore(%arg14 : memref<!tpu.dma_semaphore, #tpu.memory_space<semaphore_mem>>) src(%dma_wait3A_63 : memref<128x16xf32, #tpu.memory_space<vmem>>) dst(%dma_wait3A_59 : memref<128x16xf32, #tpu.memory_space<hbm>>)
    return
  }
}

module attributes {stable_mosaic.version = 14 : i64} {
  func.func @_tc1_body(%arg0: i32, %arg1: i32, %arg2: memref<1x512x3xf32, #tpu.memory_space<vmem>>, %arg3: memref<1x2048x3xf32, #tpu.memory_space<vmem>>, %arg4: memref<1x512x256xf32, #tpu.memory_space<vmem>>, %arg5: memref<256x64xf32, #tpu.memory_space<vmem>>, %arg6: memref<1x64xf32, #tpu.memory_space<vmem>>, %arg7: memref<64x1xf32, #tpu.memory_space<vmem>>, %arg8: memref<1x1xf32, #tpu.memory_space<vmem>>, %arg9: memref<1x512x1xf32, #tpu.memory_space<vmem>>, %arg10: memref<1x512x8xi32, #tpu.memory_space<vmem>>) attributes {dimension_semantics = [#tpu.dimension_semantics<arbitrary>, #tpu.dimension_semantics<arbitrary>], iteration_bounds = array<i64: 8, 4>, scalar_prefetch = 0 : i64, scratch_operands = 0 : i64, tpu.core_type = #tpu.core_type<tc>, window_params = [{transform_indices = @transform_0, window_bounds = array<i64: 1, 512, 3>}, {transform_indices = @transform_1, window_bounds = array<i64: 1, 2048, 3>}, {transform_indices = @transform_2, window_bounds = array<i64: 1, 512, 256>}, {pipeline_mode = #tpu.pipeline_mode<synchronous>, transform_indices = @transform_3, window_bounds = array<i64: 256, 64>}, {pipeline_mode = #tpu.pipeline_mode<synchronous>, transform_indices = @transform_4, window_bounds = array<i64: 1, 64>}, {pipeline_mode = #tpu.pipeline_mode<synchronous>, transform_indices = @transform_5, window_bounds = array<i64: 64, 1>}, {pipeline_mode = #tpu.pipeline_mode<synchronous>, transform_indices = @transform_6, window_bounds = array<i64: 1, 1>}, {transform_indices = @transform_7, window_bounds = array<i64: 1, 512, 1>}, {transform_indices = @transform_8, window_bounds = array<i64: 1, 512, 8>}]} {
    %get3A = arith.constant 0 : index
    %get3A_0 = arith.constant 0 : index
    %get3A_1 = arith.constant 0 : index
    %get3A_2 = vector.load %arg2[%get3A, %get3A_0, %get3A_1] : memref<1x512x3xf32, #tpu.memory_space<vmem>>, vector<1x512x3xf32>
    %get3A_3 = vector.shape_cast %get3A_2 : vector<1x512x3xf32> to vector<512x3xf32>
    %get3A_4 = arith.constant 0 : index
    %get3A_5 = arith.constant 0 : index
    %get3A_6 = arith.constant 0 : index
    %get3A_7 = vector.load %arg3[%get3A_4, %get3A_5, %get3A_6] : memref<1x2048x3xf32, #tpu.memory_space<vmem>>, vector<1x2048x3xf32>
    %get3A_8 = vector.shape_cast %get3A_7 : vector<1x2048x3xf32> to vector<2048x3xf32>
    %get3A_9 = arith.constant 0 : index
    %get3A_10 = arith.constant 0 : index
    %get3A_11 = arith.constant 0 : index
    %get3A_12 = vector.load %arg4[%get3A_9, %get3A_10, %get3A_11] : memref<1x512x256xf32, #tpu.memory_space<vmem>>, vector<1x512x256xf32>
    %get3A_13 = vector.shape_cast %get3A_12 : vector<1x512x256xf32> to vector<512x256xf32>
    %dot_general3A = arith.constant dense<0.000000e+00> : vector<512x2048xf32>
    %dot_general3A_14 = tpu.matmul %get3A_3, %get3A_8, %dot_general3A {dimension_numbers = #tpu.dot_dimension_numbers<[1], [1], [0], [0], [0, 0, 1, 0], [], []>, transpose_lhs_hint = false} : vector<512x3xf32>, vector<2048x3xf32>, vector<512x2048xf32> -> vector<512x2048xf32>
    %mul3A = arith.mulf %get3A_3, %get3A_3 : vector<512x3xf32>
    %reduce_sum3A = arith.constant dense<0.000000e+00> : vector<512xf32>
    %reduce_sum3A_15 = vector.multi_reduction <add>, %mul3A, %reduce_sum3A [1] : vector<512x3xf32> to vector<512xf32>
    %broadcast_in_dim3A = vector.shape_cast %reduce_sum3A_15 : vector<512xf32> to vector<512x1xf32>
    %mul3A_16 = arith.mulf %get3A_8, %get3A_8 : vector<2048x3xf32>
    %reduce_sum3A_17 = arith.constant dense<0.000000e+00> : vector<2048xf32>
    %reduce_sum3A_18 = vector.multi_reduction <add>, %mul3A_16, %reduce_sum3A_17 [1] : vector<2048x3xf32> to vector<2048xf32>
    %broadcast_in_dim3A_19 = vector.shape_cast %reduce_sum3A_18 : vector<2048xf32> to vector<2048x1xf32>
    %transpose3A = tpu.transpose %broadcast_in_dim3A_19, [1, 0] : vector<2048x1xf32> -> vector<1x2048xf32>
    %add3A = vector.broadcast %broadcast_in_dim3A : vector<512x1xf32> to vector<512x2048xf32>
    %add3A_20 = vector.broadcast %transpose3A : vector<1x2048xf32> to vector<512x2048xf32>
    %add3A_21 = arith.addf %add3A, %add3A_20 : vector<512x2048xf32>
    %mul3A_22 = arith.constant 2.000000e+00 : f32
    %mul3A_23 = vector.broadcast %mul3A_22 : f32 to vector<512x2048xf32>
    %mul3A_24 = arith.mulf %mul3A_23, %dot_general3A_14 : vector<512x2048xf32>
    %sub3A = arith.subf %add3A_21, %mul3A_24 : vector<512x2048xf32>
    %iota3A = tpu.iota {dimensions = array<i32: 1>} : vector<512x2048xi32>
    %bitcast_convert_type3A = tpu.bitcast %sub3A : vector<512x2048xf32> -> vector<512x2048xi32>
    %not3A = arith.constant 2047 : i32
    %not3A_25 = arith.constant -1 : i32
    %not3A_26 = arith.xori %not3A, %not3A_25 : i32
    %and3A = vector.broadcast %not3A_26 : i32 to vector<512x2048xi32>
    %and3A_27 = arith.andi %bitcast_convert_type3A, %and3A : vector<512x2048xi32>
    %or3A = arith.ori %and3A_27, %iota3A : vector<512x2048xi32>
    %reduce_min3A = arith.constant dense<2147483647> : vector<512xi32>
    %reduce_min3A_28 = vector.multi_reduction <minsi>, %or3A, %reduce_min3A [1] : vector<512x2048xi32> to vector<512xi32>
    %broadcast_in_dim3A_29 = vector.shape_cast %reduce_min3A_28 : vector<512xi32> to vector<512x1xi32>
    %le3A = vector.broadcast %broadcast_in_dim3A_29 : vector<512x1xi32> to vector<512x2048xi32>
    %le3A_30 = arith.cmpi sle, %or3A, %le3A : vector<512x2048xi32>
    %jit3A = arith.constant 2147483647 : i32
    %broadcast_in_dim3A_31 = vector.broadcast %jit3A : i32 to vector<512x2048xi32>
    %select_n3A = arith.select %le3A_30, %broadcast_in_dim3A_31, %or3A : vector<512x2048xi1>, vector<512x2048xi32>
    %reduce_min3A_32 = arith.constant dense<2147483647> : vector<512xi32>
    %reduce_min3A_33 = vector.multi_reduction <minsi>, %select_n3A, %reduce_min3A_32 [1] : vector<512x2048xi32> to vector<512xi32>
    %broadcast_in_dim3A_34 = vector.shape_cast %reduce_min3A_33 : vector<512xi32> to vector<512x1xi32>
    %le3A_35 = vector.broadcast %broadcast_in_dim3A_34 : vector<512x1xi32> to vector<512x2048xi32>
    %le3A_36 = arith.cmpi sle, %select_n3A, %le3A_35 : vector<512x2048xi32>
    %jit3A_37 = arith.constant 2147483647 : i32
    %broadcast_in_dim3A_38 = vector.broadcast %jit3A_37 : i32 to vector<512x2048xi32>
    %select_n3A_39 = arith.select %le3A_36, %broadcast_in_dim3A_38, %select_n3A : vector<512x2048xi1>, vector<512x2048xi32>
    %reduce_min3A_40 = arith.constant dense<2147483647> : vector<512xi32>
    %reduce_min3A_41 = vector.multi_reduction <minsi>, %select_n3A_39, %reduce_min3A_40 [1] : vector<512x2048xi32> to vector<512xi32>
    %broadcast_in_dim3A_42 = vector.shape_cast %reduce_min3A_41 : vector<512xi32> to vector<512x1xi32>
    %le3A_43 = vector.broadcast %broadcast_in_dim3A_42 : vector<512x1xi32> to vector<512x2048xi32>
    %le3A_44 = arith.cmpi sle, %select_n3A_39, %le3A_43 : vector<512x2048xi32>
    %jit3A_45 = arith.constant 2147483647 : i32
    %broadcast_in_dim3A_46 = vector.broadcast %jit3A_45 : i32 to vector<512x2048xi32>
    %select_n3A_47 = arith.select %le3A_44, %broadcast_in_dim3A_46, %select_n3A_39 : vector<512x2048xi1>, vector<512x2048xi32>
    %reduce_min3A_48 = arith.constant dense<2147483647> : vector<512xi32>
    %reduce_min3A_49 = vector.multi_reduction <minsi>, %select_n3A_47, %reduce_min3A_48 [1] : vector<512x2048xi32> to vector<512xi32>
    %broadcast_in_dim3A_50 = vector.shape_cast %reduce_min3A_49 : vector<512xi32> to vector<512x1xi32>
    %le3A_51 = vector.broadcast %broadcast_in_dim3A_50 : vector<512x1xi32> to vector<512x2048xi32>
    %le3A_52 = arith.cmpi sle, %select_n3A_47, %le3A_51 : vector<512x2048xi32>
    %jit3A_53 = arith.constant 2147483647 : i32
    %broadcast_in_dim3A_54 = vector.broadcast %jit3A_53 : i32 to vector<512x2048xi32>
    %select_n3A_55 = arith.select %le3A_52, %broadcast_in_dim3A_54, %select_n3A_47 : vector<512x2048xi1>, vector<512x2048xi32>
    %reduce_min3A_56 = arith.constant dense<2147483647> : vector<512xi32>
    %reduce_min3A_57 = vector.multi_reduction <minsi>, %select_n3A_55, %reduce_min3A_56 [1] : vector<512x2048xi32> to vector<512xi32>
    %broadcast_in_dim3A_58 = vector.shape_cast %reduce_min3A_57 : vector<512xi32> to vector<512x1xi32>
    %le3A_59 = vector.broadcast %broadcast_in_dim3A_58 : vector<512x1xi32> to vector<512x2048xi32>
    %le3A_60 = arith.cmpi sle, %select_n3A_55, %le3A_59 : vector<512x2048xi32>
    %jit3A_61 = arith.constant 2147483647 : i32
    %broadcast_in_dim3A_62 = vector.broadcast %jit3A_61 : i32 to vector<512x2048xi32>
    %select_n3A_63 = arith.select %le3A_60, %broadcast_in_dim3A_62, %select_n3A_55 : vector<512x2048xi1>, vector<512x2048xi32>
    %reduce_min3A_64 = arith.constant dense<2147483647> : vector<512xi32>
    %reduce_min3A_65 = vector.multi_reduction <minsi>, %select_n3A_63, %reduce_min3A_64 [1] : vector<512x2048xi32> to vector<512xi32>
    %broadcast_in_dim3A_66 = vector.shape_cast %reduce_min3A_65 : vector<512xi32> to vector<512x1xi32>
    %le3A_67 = vector.broadcast %broadcast_in_dim3A_66 : vector<512x1xi32> to vector<512x2048xi32>
    %le3A_68 = arith.cmpi sle, %select_n3A_63, %le3A_67 : vector<512x2048xi32>
    %jit3A_69 = arith.constant 2147483647 : i32
    %broadcast_in_dim3A_70 = vector.broadcast %jit3A_69 : i32 to vector<512x2048xi32>
    %select_n3A_71 = arith.select %le3A_68, %broadcast_in_dim3A_70, %select_n3A_63 : vector<512x2048xi1>, vector<512x2048xi32>
    %reduce_min3A_72 = arith.constant dense<2147483647> : vector<512xi32>
    %reduce_min3A_73 = vector.multi_reduction <minsi>, %select_n3A_71, %reduce_min3A_72 [1] : vector<512x2048xi32> to vector<512xi32>
    %broadcast_in_dim3A_74 = vector.shape_cast %reduce_min3A_73 : vector<512xi32> to vector<512x1xi32>
    %le3A_75 = vector.broadcast %broadcast_in_dim3A_74 : vector<512x1xi32> to vector<512x2048xi32>
    %le3A_76 = arith.cmpi sle, %select_n3A_71, %le3A_75 : vector<512x2048xi32>
    %jit3A_77 = arith.constant 2147483647 : i32
    %broadcast_in_dim3A_78 = vector.broadcast %jit3A_77 : i32 to vector<512x2048xi32>
    %select_n3A_79 = arith.select %le3A_76, %broadcast_in_dim3A_78, %select_n3A_71 : vector<512x2048xi1>, vector<512x2048xi32>
    %reduce_min3A_80 = arith.constant dense<2147483647> : vector<512xi32>
    %reduce_min3A_81 = vector.multi_reduction <minsi>, %select_n3A_79, %reduce_min3A_80 [1] : vector<512x2048xi32> to vector<512xi32>
    %broadcast_in_dim3A_82 = vector.shape_cast %reduce_min3A_81 : vector<512xi32> to vector<512x1xi32>
    %concatenate3A = tpu.concatenate %broadcast_in_dim3A_29, %broadcast_in_dim3A_34, %broadcast_in_dim3A_42, %broadcast_in_dim3A_50, %broadcast_in_dim3A_58, %broadcast_in_dim3A_66, %broadcast_in_dim3A_74, %broadcast_in_dim3A_82 in 1 : vector<512x1xi32>, vector<512x1xi32>, vector<512x1xi32>, vector<512x1xi32>, vector<512x1xi32>, vector<512x1xi32>, vector<512x1xi32>, vector<512x1xi32> -> vector<512x8xi32>
    %and3A_83 = arith.constant 2047 : i32
    %and3A_84 = vector.broadcast %and3A_83 : i32 to vector<512x8xi32>
    %and3A_85 = arith.andi %concatenate3A, %and3A_84 : vector<512x8xi32>
    %mul3A_86 = arith.constant 2048 : i32
    %mul3A_87 = arith.muli %arg0, %mul3A_86 : i32
    %add3A_88 = vector.broadcast %mul3A_87 : i32 to vector<512x8xi32>
    %add3A_89 = arith.addi %and3A_85, %add3A_88 : vector<512x8xi32>
    %get3A_90 = arith.constant 0 : index
    %get3A_91 = arith.constant 0 : index
    %get3A_92 = vector.load %arg5[%get3A_90, %get3A_91] : memref<256x64xf32, #tpu.memory_space<vmem>>, vector<256x64xf32>
    %dot_general3A_93 = arith.constant dense<0.000000e+00> : vector<512x64xf32>
    %dot_general3A_94 = tpu.matmul %get3A_13, %get3A_92, %dot_general3A_93 {dimension_numbers = #tpu.dot_dimension_numbers<[1], [0], [0], [1], [0, 0, 1, 1], [], []>, precision = #tpu.contract_precision<fp32>, transpose_lhs_hint = false} : vector<512x256xf32>, vector<256x64xf32>, vector<512x64xf32> -> vector<512x64xf32>
    %get3A_95 = arith.constant 0 : index
    %get3A_96 = arith.constant 0 : index
    %get3A_97 = vector.load %arg6[%get3A_95, %get3A_96] : memref<1x64xf32, #tpu.memory_space<vmem>>, vector<1x64xf32>
    %add3A_98 = vector.broadcast %get3A_97 : vector<1x64xf32> to vector<512x64xf32>
    %add3A_99 = arith.addf %dot_general3A_94, %add3A_98 : vector<512x64xf32>
    %max3A = arith.constant 0.000000e+00 : f32
    %max3A_100 = vector.broadcast %max3A : f32 to vector<512x64xf32>
    %max3A_101 = arith.maximumf %add3A_99, %max3A_100 : vector<512x64xf32>
    %get3A_102 = arith.constant 0 : index
    %get3A_103 = arith.constant 0 : index
    %get3A_104 = vector.load %arg7[%get3A_102, %get3A_103] : memref<64x1xf32, #tpu.memory_space<vmem>>, vector<64x1xf32>
    %dot_general3A_105 = arith.constant dense<0.000000e+00> : vector<512x1xf32>
    %dot_general3A_106 = tpu.matmul %max3A_101, %get3A_104, %dot_general3A_105 {dimension_numbers = #tpu.dot_dimension_numbers<[1], [0], [0], [1], [0, 0, 1, 1], [], []>, precision = #tpu.contract_precision<fp32>, transpose_lhs_hint = false} : vector<512x64xf32>, vector<64x1xf32>, vector<512x1xf32> -> vector<512x1xf32>
    %get3A_107 = arith.constant 0 : index
    %get3A_108 = arith.constant 0 : index
    %get3A_109 = vector.load %arg8[%get3A_107, %get3A_108] : memref<1x1xf32, #tpu.memory_space<vmem>>, vector<1x1xf32>
    %add3A_110 = vector.broadcast %get3A_109 : vector<1x1xf32> to vector<512x1xf32>
    %add3A_111 = arith.addf %dot_general3A_106, %add3A_110 : vector<512x1xf32>
    %logistic3A = arith.negf %add3A_111 : vector<512x1xf32>
    %logistic3A_112 = math.exp %logistic3A : vector<512x1xf32>
    %logistic3A_113 = arith.constant 1.000000e+00 : f32
    %logistic3A_114 = vector.broadcast %logistic3A_113 : f32 to vector<512x1xf32>
    %logistic3A_115 = arith.addf %logistic3A_114, %logistic3A_112 : vector<512x1xf32>
    %logistic3A_116 = arith.divf %logistic3A_114, %logistic3A_115 : vector<512x1xf32>
    %swap3A = arith.constant 0 : index
    %swap3A_117 = arith.constant 0 : index
    %swap3A_118 = arith.constant 0 : index
    %swap3A_119 = vector.load %arg9[%swap3A, %swap3A_117, %swap3A_118] : memref<1x512x1xf32, #tpu.memory_space<vmem>>, vector<1x512x1xf32>
    %swap3A_120 = vector.shape_cast %swap3A_119 : vector<1x512x1xf32> to vector<512x1xf32>
    %swap3A_121 = vector.shape_cast %logistic3A_116 : vector<512x1xf32> to vector<1x512x1xf32>
    tpu.vector_store %arg9[%swap3A, %swap3A_117, %swap3A_118], %swap3A_121 {strides = array<i32>} : memref<1x512x1xf32, #tpu.memory_space<vmem>>, vector<1x512x1xf32>,
    %swap3A_122 = arith.constant 0 : index
    %swap3A_123 = arith.constant 0 : index
    %swap3A_124 = arith.constant 0 : index
    %swap3A_125 = vector.load %arg10[%swap3A_122, %swap3A_123, %swap3A_124] : memref<1x512x8xi32, #tpu.memory_space<vmem>>, vector<1x512x8xi32>
    %swap3A_126 = vector.shape_cast %swap3A_125 : vector<1x512x8xi32> to vector<512x8xi32>
    %swap3A_127 = vector.shape_cast %add3A_89 : vector<512x8xi32> to vector<1x512x8xi32>
    tpu.vector_store %arg10[%swap3A_122, %swap3A_123, %swap3A_124], %swap3A_127 {strides = array<i32>} : memref<1x512x8xi32, #tpu.memory_space<vmem>>, vector<1x512x8xi32>,
    return
  }
  func.func @transform_0(%arg0: i32, %arg1: i32) -> (i32, i32, i32) {
    %c0_i32 = arith.constant 0 : i32
    %c0_i32_0 = arith.constant 0 : i32
    return %arg0, %arg1, %c0_i32 : i32, i32, i32
  }
  func.func @transform_1(%arg0: i32, %arg1: i32) -> (i32, i32, i32) {
    %c0_i32 = arith.constant 0 : i32
    %c0_i32_0 = arith.constant 0 : i32
    %c0_i32_1 = arith.constant 0 : i32
    return %arg0, %c0_i32, %c0_i32_0 : i32, i32, i32
  }
  func.func @transform_2(%arg0: i32, %arg1: i32) -> (i32, i32, i32) {
    %c0_i32 = arith.constant 0 : i32
    %c0_i32_0 = arith.constant 0 : i32
    return %arg0, %arg1, %c0_i32 : i32, i32, i32
  }
  func.func @transform_3(%arg0: i32, %arg1: i32) -> (i32, i32) {
    %c0_i32 = arith.constant 0 : i32
    %c0_i32_0 = arith.constant 0 : i32
    %c0_i32_1 = arith.constant 0 : i32
    return %c0_i32, %c0_i32_0 : i32, i32
  }
  func.func @transform_4(%arg0: i32, %arg1: i32) -> (i32, i32) {
    %c0_i32 = arith.constant 0 : i32
    %c0_i32_0 = arith.constant 0 : i32
    %c0_i32_1 = arith.constant 0 : i32
    return %c0_i32, %c0_i32_0 : i32, i32
  }
  func.func @transform_5(%arg0: i32, %arg1: i32) -> (i32, i32) {
    %c0_i32 = arith.constant 0 : i32
    %c0_i32_0 = arith.constant 0 : i32
    %c0_i32_1 = arith.constant 0 : i32
    return %c0_i32, %c0_i32_0 : i32, i32
  }
  func.func @transform_6(%arg0: i32, %arg1: i32) -> (i32, i32) {
    %c0_i32 = arith.constant 0 : i32
    %c0_i32_0 = arith.constant 0 : i32
    %c0_i32_1 = arith.constant 0 : i32
    return %c0_i32, %c0_i32_0 : i32, i32
  }
  func.func @transform_7(%arg0: i32, %arg1: i32) -> (i32, i32, i32) {
    %c0_i32 = arith.constant 0 : i32
    %c0_i32_0 = arith.constant 0 : i32
    return %arg0, %arg1, %c0_i32 : i32, i32, i32
  }
  func.func @transform_8(%arg0: i32, %arg1: i32) -> (i32, i32, i32) {
    %c0_i32 = arith.constant 0 : i32
    %c0_i32_0 = arith.constant 0 : i32
    return %arg0, %arg1, %c0_i32 : i32, i32, i32
  }
}

module attributes {stable_mosaic.version = 14 : i64} {
  func.func @_tc2_body(%arg0: i32, %arg1: i32, %arg2: memref<1x512x256xf32, #tpu.memory_space<vmem>>, %arg3: memref<1x512x1xf32, #tpu.memory_space<vmem>>, %arg4: memref<1x512x128xf32, #tpu.memory_space<vmem>>, %arg5: memref<1x512x256xf32, #tpu.memory_space<vmem>>) attributes {dimension_semantics = [#tpu.dimension_semantics<arbitrary>, #tpu.dimension_semantics<arbitrary>], iteration_bounds = array<i64: 8, 4>, scalar_prefetch = 0 : i64, scratch_operands = 0 : i64, tpu.core_type = #tpu.core_type<tc>, window_params = [{transform_indices = @transform_0, window_bounds = array<i64: 1, 512, 256>}, {transform_indices = @transform_1, window_bounds = array<i64: 1, 512, 1>}, {transform_indices = @transform_2, window_bounds = array<i64: 1, 512, 128>}, {transform_indices = @transform_3, window_bounds = array<i64: 1, 512, 256>}]} {
    %get3A = arith.constant 0 : index
    %get3A_0 = arith.constant 0 : index
    %get3A_1 = arith.constant 0 : index
    %get3A_2 = vector.load %arg2[%get3A, %get3A_0, %get3A_1] : memref<1x512x256xf32, #tpu.memory_space<vmem>>, vector<1x512x256xf32>
    %get3A_3 = vector.shape_cast %get3A_2 : vector<1x512x256xf32> to vector<512x256xf32>
    %get3A_4 = arith.constant 0 : index
    %get3A_5 = arith.constant 0 : index
    %get3A_6 = arith.constant 0 : index
    %get3A_7 = vector.load %arg3[%get3A_4, %get3A_5, %get3A_6] : memref<1x512x1xf32, #tpu.memory_space<vmem>>, vector<1x512x1xf32>
    %get3A_8 = vector.shape_cast %get3A_7 : vector<1x512x1xf32> to vector<512x1xf32>
    %get3A_9 = arith.constant 0 : index
    %get3A_10 = arith.constant 0 : index
    %get3A_11 = arith.constant 0 : index
    %get3A_12 = vector.load %arg4[%get3A_9, %get3A_10, %get3A_11] : memref<1x512x128xf32, #tpu.memory_space<vmem>>, vector<1x512x128xf32>
    %get3A_13 = vector.shape_cast %get3A_12 : vector<1x512x128xf32> to vector<512x128xf32>
    %iota3A = tpu.iota {dimensions = array<i32: 0>} : vector<128x8xi32>
    %jit3A = arith.constant 16 : i32
    %div3A = vector.broadcast %jit3A : i32 to vector<128x8xi32>
    %div3A_14 = arith.divsi %iota3A, %div3A : vector<128x8xi32>
    %sign3A = arith.constant 0 : i32
    %sign3A_15 = vector.broadcast %sign3A : i32 to vector<128x8xi32>
    %sign3A_16 = arith.cmpi sgt, %iota3A, %sign3A_15 : vector<128x8xi32>
    %sign3A_17 = arith.extui %sign3A_16 : vector<128x8xi1> to vector<128x8xi32>
    %sign3A_18 = arith.constant 0 : i32
    %sign3A_19 = vector.broadcast %sign3A_18 : i32 to vector<128x8xi32>
    %sign3A_20 = arith.cmpi slt, %iota3A, %sign3A_19 : vector<128x8xi32>
    %sign3A_21 = arith.extui %sign3A_20 : vector<128x8xi1> to vector<128x8xi32>
    %sign3A_22 = arith.subi %sign3A_17, %sign3A_21 : vector<128x8xi32>
    %sign3A_23 = arith.constant 0 : i32
    %sign3A_24 = arith.cmpi sgt, %jit3A, %sign3A_23 : i32
    %sign3A_25 = arith.extui %sign3A_24 : i1 to i32
    %sign3A_26 = arith.constant 0 : i32
    %sign3A_27 = arith.cmpi slt, %jit3A, %sign3A_26 : i32
    %sign3A_28 = arith.extui %sign3A_27 : i1 to i32
    %sign3A_29 = arith.subi %sign3A_25, %sign3A_28 : i32
    %ne3A = vector.broadcast %sign3A_29 : i32 to vector<128x8xi32>
    %ne3A_30 = arith.cmpi ne, %sign3A_22, %ne3A : vector<128x8xi32>
    %rem3A = vector.broadcast %jit3A : i32 to vector<128x8xi32>
    %rem3A_31 = arith.remsi %iota3A, %rem3A : vector<128x8xi32>
    %ne3A_32 = arith.constant 0 : i32
    %ne3A_33 = vector.broadcast %ne3A_32 : i32 to vector<128x8xi32>
    %ne3A_34 = arith.cmpi ne, %rem3A_31, %ne3A_33 : vector<128x8xi32>
    %and3A = arith.andi %ne3A_30, %ne3A_34 : vector<128x8xi1>
    %sub3A = arith.constant 1 : i32
    %sub3A_35 = vector.broadcast %sub3A : i32 to vector<128x8xi32>
    %sub3A_36 = arith.subi %div3A_14, %sub3A_35 : vector<128x8xi32>
    %select_n3A = arith.select %and3A, %sub3A_36, %div3A_14 : vector<128x8xi1>, vector<128x8xi32>
    %iota3A_37 = tpu.iota {dimensions = array<i32: 1>} : vector<128x8xi32>
    %eq3A = arith.cmpi eq, %select_n3A, %iota3A_37 : vector<128x8xi32>
    %convert_element_type3A = arith.extui %eq3A : vector<128x8xi1> to vector<128x8xi32>
    %convert_element_type3A_38 = arith.sitofp %convert_element_type3A : vector<128x8xi32> to vector<128x8xf32>
    %dot_general3A = arith.constant dense<0.000000e+00> : vector<512x8xf32>
    %dot_general3A_39 = tpu.matmul %get3A_13, %convert_element_type3A_38, %dot_general3A {dimension_numbers = #tpu.dot_dimension_numbers<[1], [0], [0], [1], [0, 0, 1, 1], [], []>, transpose_lhs_hint = false} : vector<512x128xf32>, vector<128x8xf32>, vector<512x8xf32> -> vector<512x8xf32>
    %sqrt3A = math.sqrt %dot_general3A_39 : vector<512x8xf32>
    %reduce_sum3A = arith.constant dense<0.000000e+00> : vector<512xf32>
    %reduce_sum3A_40 = vector.multi_reduction <add>, %sqrt3A, %reduce_sum3A [1] : vector<512x8xf32> to vector<512xf32>
    %broadcast_in_dim3A = vector.shape_cast %reduce_sum3A_40 : vector<512xf32> to vector<512x1xf32>
    %mul3A = arith.constant 1.250000e-01 : f32
    %mul3A_41 = vector.broadcast %mul3A : f32 to vector<512x1xf32>
    %mul3A_42 = arith.mulf %broadcast_in_dim3A, %mul3A_41 : vector<512x1xf32>
    %mul3A_43 = arith.constant 5.000000e+00 : f32
    %mul3A_44 = vector.broadcast %mul3A_43 : f32 to vector<512x1xf32>
    %mul3A_45 = arith.mulf %mul3A_44, %mul3A_42 : vector<512x1xf32>
    %tanh3A = math.tanh %mul3A_45 : vector<512x1xf32>
    %mul3A_46 = arith.mulf %tanh3A, %get3A_8 : vector<512x1xf32>
    %mul3A_47 = arith.constant 3.000000e-01 : f32
    %mul3A_48 = vector.broadcast %mul3A_47 : f32 to vector<512x1xf32>
    %mul3A_49 = arith.mulf %mul3A_48, %mul3A_46 : vector<512x1xf32>
    %add3A = vector.broadcast %mul3A_49 : vector<512x1xf32> to vector<512x256xf32>
    %add3A_50 = arith.addf %get3A_3, %add3A : vector<512x256xf32>
    %swap3A = arith.constant 0 : index
    %swap3A_51 = arith.constant 0 : index
    %swap3A_52 = arith.constant 0 : index
    %swap3A_53 = vector.load %arg5[%swap3A, %swap3A_51, %swap3A_52] : memref<1x512x256xf32, #tpu.memory_space<vmem>>, vector<1x512x256xf32>
    %swap3A_54 = vector.shape_cast %swap3A_53 : vector<1x512x256xf32> to vector<512x256xf32>
    %swap3A_55 = vector.shape_cast %add3A_50 : vector<512x256xf32> to vector<1x512x256xf32>
    tpu.vector_store %arg5[%swap3A, %swap3A_51, %swap3A_52], %swap3A_55 {strides = array<i32>} : memref<1x512x256xf32, #tpu.memory_space<vmem>>, vector<1x512x256xf32>,
    return
  }
  func.func @transform_0(%arg0: i32, %arg1: i32) -> (i32, i32, i32) {
    %c0_i32 = arith.constant 0 : i32
    %c0_i32_0 = arith.constant 0 : i32
    return %arg0, %arg1, %c0_i32 : i32, i32, i32
  }
  func.func @transform_1(%arg0: i32, %arg1: i32) -> (i32, i32, i32) {
    %c0_i32 = arith.constant 0 : i32
    %c0_i32_0 = arith.constant 0 : i32
    return %arg0, %arg1, %c0_i32 : i32, i32, i32
  }
  func.func @transform_2(%arg0: i32, %arg1: i32) -> (i32, i32, i32) {
    %c0_i32 = arith.constant 0 : i32
    %c0_i32_0 = arith.constant 0 : i32
    return %arg0, %arg1, %c0_i32 : i32, i32, i32
  }
  func.func @transform_3(%arg0: i32, %arg1: i32) -> (i32, i32, i32) {
    %c0_i32 = arith.constant 0 : i32
    %c0_i32_0 = arith.constant 0 : i32
    return %arg0, %arg1, %c0_i32 : i32, i32, i32
  }
}

</mosaic_0001>

<sc_bundles>
// kernel: kernel.5.cloned.1.call-start
scs
__scs_entry_jumppad:
0x0: {  	(pc) =	sbr.rel $0x88, $3  }
0x1: {  	(tag) =	ssettag $0x0;
	lr =	simm.s32 $0x1  }
0x2: {  	[smem:$0x3F9B] =	sst lr;
	_ =	strace $0xD0000000  }
0x3: {  	_ = 	snop  }
0x4: {  	_ = 	snop  }
0x5: {  	_ = 	snop  }
0x6: {  	_ = 	snop  }
0x7: {  	_ = 	snop  }
__scs_overlays_trampoline_lowered:
0x8: {  	[smem:$0x3FAA] =	sst s0  }
0x9: {  	[smem:$0x3FAB] =	sst s1  }
0xa: {  	[smem:$0x3FAC] =	sst s2  }
0xb: {  	[smem:$0x3FAD] =	sst s3  }
0xc: {  	[smem:$0x3FAE] =	sst s4  }
0xd: {  	[smem:$0x3FAF] =	sst s5  }
0xe: {  	[smem:$0x3FB0] =	sst s6  }
0xf: {  	[smem:$0x3FB1] =	sst s7  }
0x10: {  	[smem:$0x3FB2] =	sst s8  }
0x11: {  	[smem:$0x3FB3] =	sst s9;
	s0 =	simm.s32 @!p0 $0x0  }
0x12: {  	s1 =	sld [smem:$0x3F99];
	s0 =	simm.s32 @p0 $0x1  }
0x13: {  	[smem:$0x3FB4] =	sst s0;
	s0 =	simm.s32 @!p1 $0x0  }
0x14: {  	s2 =	sld [smem:$0x3F98];
	s0 =	simm.s32 @p1 $0x1  }
0x15: {  	[smem:$0x3FB5] =	sst s0;
	s0 =	simm.s32 @!p2 $0x0  }
0x16: {  	s3 =	sld [smem:$0x3FDB];
	s0 =	simm.s32 @p2 $0x1  }
0x17: {  	s4 =	simm.s32 $0x1BF5;
	[smem:$0x3FB7] =	sst s0  }
0x18: {  	s0 =	sld [smem:$0x3F9A];
	_ =	swait.ge [sflag:s4], $0x0  }
0x19: {  	s7 =	sld [smem:$0x3F9B]  }
0x1a: {  	s8 =	sadd.s32 $0xFFFFE003, lr  }
0x1b: {  	s9 =	sadd.s32 $0xFFFFFEF7, lr;
	s5 =	simm.s32 $0xFFFFFFFF;
	p2 =	slt.u32 s8, $0xFFFFF086  }
0x1c: {  	p1 =	slt.u32 s9, $0xF7A;
	s5 =	simm.s32 @!p2 $0x0  }
0x1d: {  	s5 =	simm.s32 @p1 $0x1;
	p0 =	seq.s32 s7, s2  }
0x1e: {  	s7 =	smul.u32 @!p0 $0xF7A, s2;
	p2 =	seq.s32 @!p0 s5, $0x0  }
0x1f: {  	s9 =	smul.u32 $0xF7A, s1;
	s8 =	simm.s32 @!p0 $0x1BF5;
	p2 =	por !p2, p0  }
0x20: {  	[sflag:s8] =	ssyncset.s32 @!p0 $0xFFFFF086;
	s6 =	sadd.s32 @!p0 s3, s7;
	s7 =	simm.s32 @!p0 $0x108  }
0x21: {  	s3 =	sadd.s32 s3, s9;
	s6 =	sadd.s32 @!p0 $0x88, s6;
	s7 =	simm.s32 @p2 $0x1082  }
0x22: {  	[simem:s7], [sflag:s8] =	dma.local @!p0 [hbm:s6], $0xF7A  }
0x23: {  	s9 =	sor.u32 $0xD0000000, s2;
	s6 =	simm.s32 $0x108;
	_ =	swait.ge @!p0 [sflag:s8], $0x0  }
0x24: {  	s3 =	sadd.s32 $0x88, s3;
	s6 =	simm.s32 @!p1 $0x1082;
	[sflag:s4] =	ssyncset.s32 $0xFFFFF086  }
0x25: {  	[simem:s6], [sflag:s4] =	dma.local [hbm:s3], $0xF7A  }
0x26: {  	[smem:$0x3F9B] =	sst s1;
	(tag) =	ssettag s2;
	_ =	strace s9  }
0x27: {  	s1 =	sld [smem:$0x3FAB]  }
0x28: {  	s2 =	sld [smem:$0x3FAC]  }
0x29: {  	s4 =	sld [smem:$0x3FAE]  }
0x2a: {  	p0 =	seq.s32 s5, $0x0;
	s5 =	sld [smem:$0x3FAF]  }
0x2b: {  	s6 =	sld [smem:$0x3FB0]  }
0x2c: {  	s7 =	sld [smem:$0x3FB1]  }
0x2d: {  	s3 =	simm.s32 $0x108;
	s8 =	sld [smem:$0x3FB2]  }
0x2e: {  	s3 =	simm.s32 @!p0 $0x1082;
	s9 =	sld [smem:$0x3FB3]  }
0x2f: {  	lr =	sadd.s32 s0, s3;
	s0 =	sld [smem:$0x3FAA]  }
0x30: {  	s3 =	sld [smem:$0x3FAD]  }
0x31: {  	[smem:$0x3FB6] =	sst s10  }
0x32: {  	s10 =	sld [smem:$0x3FB4];
	_ =	sdelay $0x3  }
0x33: {  	p0 =	seq.s32 s10, $0x1;
	s10 =	sld [smem:$0x3FB6];
	_ =	sdelay $0x3  }
0x34: {  	[smem:$0x3FB6] =	sst s10  }
0x35: {  	s10 =	sld [smem:$0x3FB5];
	_ =	sdelay $0x3  }
0x36: {  	p1 =	seq.s32 s10, $0x1;
	s10 =	sld [smem:$0x3FB6];
	_ =	sdelay $0x3  }
0x37: {  	[smem:$0x3FB6] =	sst s10  }
0x38: {  	s10 =	sld [smem:$0x3FB7]  }
0x39: {  	_ = 	snop;
	(pc) =	sbr.ind lr, $3  }
0x3a: {  	_ = 	snop  }
0x3b: {  	_ = 	snop  }
0x3c: {  	p2 =	seq.s32 s10, $0x1;
	s10 =	sld [smem:$0x3FB6]  }
0x3d: {  	_ =	shalt  }
0x3e: {  	_ =	shalt  }
0x3f: {  	_ =	shalt  }
0x40: {  	_ =	shalt  }
0x41: {  	_ =	shalt  }
0x42: {  	_ =	shalt  }
0x43: {  	_ =	shalt  }
0x44: {  	_ =	shalt  }
0x45: {  	_ =	shalt  }
0x46: {  	_ =	shalt  }
0x47: {  	_ =	shalt  }
0x48: {  	_ =	shalt  }
0x49: {  	_ =	shalt  }
0x4a: {  	_ =	shalt  }
0x4b: {  	_ =	shalt  }
0x4c: {  	_ =	shalt  }
0x4d: {  	_ =	shalt  }
0x4e: {  	_ =	shalt  }
0x4f: {  	_ =	shalt  }
0x50: {  	_ =	shalt  }
0x51: {  	_ =	shalt  }
0x52: {  	_ =	shalt  }
0x53: {  	_ =	shalt  }
0x54: {  	_ =	shalt  }
0x55: {  	_ =	shalt  }
0x56: {  	_ =	shalt  }
0x57: {  	_ =	shalt  }
0x58: {  	_ =	shalt  }
0x59: {  	_ =	shalt  }
0x5a: {  	_ =	shalt  }
0x5b: {  	_ =	shalt  }
0x5c: {  	_ =	shalt  }
0x5d: {  	_ =	shalt  }
0x5e: {  	_ =	shalt  }
0x5f: {  	_ =	shalt  }
0x60: {  	_ =	shalt  }
0x61: {  	_ =	shalt  }
0x62: {  	_ =	shalt  }
0x63: {  	_ =	shalt  }
0x64: {  	_ =	shalt  }
0x65: {  	_ =	shalt  }
0x66: {  	_ =	shalt  }
0x67: {  	_ =	shalt  }
0x68: {  	_ =	shalt  }
0x69: {  	_ =	shalt  }
0x6a: {  	_ =	shalt  }
0x6b: {  	_ =	shalt  }
0x6c: {  	_ =	shalt  }
0x6d: {  	_ =	shalt  }
0x6e: {  	_ =	shalt  }
0x6f: {  	_ =	shalt  }
0x70: {  	_ =	shalt  }
0x71: {  	_ =	shalt  }
0x72: {  	_ =	shalt  }
0x73: {  	_ =	shalt  }
0x74: {  	_ =	shalt  }
0x75: {  	_ =	shalt  }
0x76: {  	_ =	shalt  }
0x77: {  	_ =	shalt  }
0x78: {  	_ =	shalt  }
0x79: {  	_ =	shalt  }
0x7a: {  	_ =	shalt  }
0x7b: {  	_ =	shalt  }
0x7c: {  	_ =	shalt  }
0x7d: {  	_ =	shalt  }
0x7e: {  	_ =	shalt  }
0x7f: {  	_ =	shalt  }
0x80: {  	_ =	shalt  }
0x81: {  	_ =	shalt  }
0x82: {  	_ =	shalt  }
0x83: {  	_ =	shalt  }
0x84: {  	_ =	shalt  }
0x85: {  	_ =	shalt  }
0x86: {  	_ =	shalt  }
0x87: {  	_ =	shalt  }
.Lfunc_end0:
.L_simem_size_0:
called_computation_lowered:
.L_overlay_start_0:
0x88: {  	s2 =	sld [smem:$0x3FD9]  }
0x89: {  	s3 =	sld [smem:$0x3FFE];
	_ =	sdelay $0x1  }
0x8a: {  	s1 =	srdreg.scid  }
0x8b: {  	s0 =	sand.u32 $0x1, s1  }
0x8c: {  	s14 =	sshll.u32 s0, $0xA;
	s2 =	sadd.s32 s3, s2  }
0x8d: {  	s2 =	sadd.s32 s2, s14  }
0x8e: {  	[smem:$0x3FC2] =	sst s2  }
0x8f: {  	_ = 	snop  }
0x90: {  	s2 =	sld [smem:$0x3FD0];
	_ =	sdelay $0x2  }
0x91: {  	s4 =	simm.s32 $0xA;
	s5 =	simm.s32 $0x10;
	s15 =	sld [smem:$0x3FC9]  }
0x92: {  	[smem:s5], [sflag:s4] =	dma.local [hbm:s2], $0x1  }
0x93: {  	_ =	swait.eq [sflag:s4], $0x1  }
0x94: {  	[sflag:s4] =	ssyncset.done $0x0  }
0x95: {  	[sflag:s4] =	ssyncadd.s32 $0xFFFFFFFF  }
0x96: {  	s16 =	sld [smem:$0x11];
	(tm) =	ssettm $0x1  }
0x97: {  	s17 =	sld [smem:$0x3FFB];
	_ =	sdelay $0x3  }
0x98: {  	_ =	strace s17  }
0x99: {  	s4 =	sld [smem:$0x3FFC];
	_ =	sdelay $0x3  }
0x9a: {  	_ =	strace s4  }
0x9b: {  	s4 =	sld [smem:$0x3FFD];
	_ =	sdelay $0x3  }
0x9c: {  	_ =	strace s4  }
0x9d: {  	_ =	strace $0x8FFFFFFF  }
0x9e: {  	s18 =	sld [smem:$0x3FDB];
	_ =	sdelay $0x1  }
0x9f: {  	s19 =	simm.s32 $_scs_section_size  }
0xa0: {  	s6 =	simm.s32 $_size__tile_overlayer_lowered;
	s7 =	simm.s32 $_tile_overlayer_lowered  }
0xa1: {  	s22 =	simm.s32 $0x1BFF;
	s21 =	sshll.u32 s7, $0x1;
	s4 =	sadd.s32 s19, s18  }
0xa2: {  	s8 =	simm.s32 $0x0;
	s20 =	sshll.u32 s6, $0x1;
	s6 =	sadd.s32 s21, s4  }
0xa3: {  	[timem:s8], [sflag:s22] =	dma.local [hbm:s6], s20  }
0xa4: {  	_ =	swait.ge [sflag:s22], s20  }
0xa5: {  	s5 =	ssub.s32 $0x0, s20;
	[sflag:s22] =	ssyncset.done $0x0  }
0xa6: {  	[sflag:s22] =	ssyncadd.s32 s5;
	_ =	sdelay $0x1  }
0xa7: {  	s23 =	simm.s32 $0x1B8B  }
0xa8: {  	_ =	swait.ge [sflag:s23], $0x1  }
0xa9: {  	[sflag:s23] =	ssyncset.done $0x0  }
0xaa: {  	s25 =	simm.s32 $0x1B8E;
	s24 =	sld [smem:$0x3FFE];
	[sflag:s23] =	ssyncadd.s32 $0xFFFFFFFF  }
0xab: {  	s26 =	simm.s32 $execute0_lowered;
	[smem:$0x3FD2] =	sst s25  }
0xac: {  	s6 =	sshll.u32 s26, $0x1;
	_ =	strace $0x80000046;
	[dreg:$0x1] =	wrdreg $0xFFFFFFFF  }
0xad: {  	s28 =	simm.s32 $_size_execute0_lowered;
	s4 =	sadd.s32 s4, s6;
	[dreg:$0x0] =	wrdreg $0x0  }
0xae: {  	s6 =	sshll.u32 s28, $0x1;
	[dreg:$0x2] =	wrdreg s4  }
0xaf: {  	[dreg:$0x3] =	wrdreg s6  }
0xb0: {  	[dreg:$0x4] =	wrdreg $0xC0  }
0xb1: {  	_ =	task [dreg:s8], $0x5FFFF  }
0xb2: {  	[dreg:$0x1] =	wrdreg $0xFFFFFFFF  }
0xb3: {  	[dreg:$0x0] =	wrdreg $0x60  }
0xb4: {  	[dreg:$0x2] =	wrdreg s15  }
0xb5: {  	[dreg:$0x3] =	wrdreg s16  }
0xb6: {  	[dreg:$0x4] =	wrdreg s24  }
0xb7: {  	[dreg:$0x5] =	wrdreg $0x9  }
0xb8: {  	_ =	task.clear_ibuf [dreg:s8], $0x6FFFF;
	_ =	strace $0x90000046  }
0xb9: {  	s29 =	simm.s32 $0x9;
	_ =	strace $0x80000048  }
0xba: {  	_ =	swait.ge [sflag:s29], $0x1  }
0xbb: {  	[sflag:s29] =	ssyncadd.s32 $0xFFFFFFFF  }
0xbc: {  	_ =	strace $0x90000048  }
0xbd: {  	_ =	sfence  }
0xbe: {  	s30 =	sld [smem:$0x0];
	_ =	sdelay $0x2  }
0xbf: {  	s31 =	sshll.u32 s1, $0xD;
	s1 =	sshrl.u32 s1, $0x2  }
0xc0: {  	s3 =	sand.u32 $0x4000, s31;
	s1 =	sadd.s32 s1, s30  }
0xc1: {  	s0 =	sor.u32 s3, s0;
	s1 =	sshll.u32 s1, $0x11  }
0xc2: {  	s0 =	sor.u32 s1, s0  }
0xc3: {  	s0 =	sadd.s32 $0x8F2B, s0  }
0xc4: {  	[sflag:s0] =	ssyncadd.remote.s32 $0x1  }
0xc5: {  	_ =	sfence.sel $0xFFFF  }
0xc6: {  	[dreg:$0x0] =	wrdreg $0xFFFFFFFF;
	(pc) =	sbr.abs _section_cstart, $3  }
0xc7: {  	[dreg:$0x1] =	wrdreg $0xFFFFFFFF  }
0xc8: {  	_ =	task.clear_ibuf [dreg:s8], $0x2FFFF;
	_ =	strace $0x9FFFFFFF  }
0xc9: {  	(tm) =	ssettm $0x7FFFFFFF  }
tec
execute0_lowered:
.L_overlay_start_1:
0x0: {  	(tag) =	ssettag $0x1  }
0x1: {  	s1 =	rddreg [dreg:$0x0]  }
0x2: {  	s0 =	rddreg [dreg:$0x1];
	s2 =	srdreg.scid  }
0x3: {  	s3 =	stileid.u32;
	s4 =	rddreg [dreg:$0x2]  }
0x4: {  	s31 =	simm.s32 $0xB000;
	s7 =	simm.s32 $0xD000;
	s8 =	simm.s32 $0xD800  }
0x5: {  	s9 =	simm.s32 $0xE000;
	s10 =	simm.s32 $0xE800;
	s11 =	simm.s32 $0xF000  }
0x6: {  	s12 =	simm.s32 $0xF800;
	s13 =	simm.s32 $0x10000;
	s14 =	simm.s32 $0x10800  }
0x7: {  	s15 =	simm.s32 $0x12000;
	s16 =	simm.s32 $0x1;
	s17 =	simm.s32 $0x3  }
0x8: {  	s18 =	simm.s32 $0x13000;
	s19 =	simm.s32 $0x2;
	s20 =	simm.s32 $0x4  }
0x9: {  	s21 =	simm.s32 $0x17000;
	s2 =	sand.u32 $0x1, s2;
	s5 =	sshll.u32 s3, $0x1  }
0xa: {  	s24 =	simm.s32 $0x0;
	s3 =	simm.s32 $0x0;
	s5 =	sor.u32 s2, s5  }
0xb: {  	[smem:$0x7FF] =	sst s3;
	s2 =	ssub.s32 $0x2, s2;
	s6 =	sshll.u32 s5, $0x10  }
0xc: {  	_ =	strace $0x80000047;
	s28 =	sshrl.u32 s2, $0x1;
	s29 =	sshll.u32 s5, $0x9  }
0xd: {  	s5 =	sshll.u32 s5, $0xE;
	s4 =	sadd.s32 s6, s4;
	s0 =	sadd.s32 s0, s29  }
0xe: {  	v2 =	vlaneseq.u32;
	s2 =	ssub.s32 s2, s28;
	s5 =	sadd.s32 s1, s5;
	[dreg:$0x4] =	wrdreg s0  }
0xf: {  	vm0 =	vmmov $0xffff;
	v1 =	vshrl.u32 v2, $0x3;
	s6 =	sadd.s32 $0xC00, s4;
	s30 =	smax.u32 s2, $0x1;
	s2 =	simm.s32 $0xB800  }
0x10: {  	v0 =	vand.u32 $0x7, v2;
	v2 =	vor.u32 $0x8, v2;
	v1 =	vmul.u32 $0x8, v1;
	s0 =	simm.s32 $0xC000;
	s4 =	simm.s32 $0xC800;
	[dreg:$0x5] =	wrdreg s30  }
.LBB2_1:
0x11: {  	[dreg:$0x6] =	wrdreg s24  }
0x12: {  	s22 =	rddreg [dreg:$0x4];
	s26 =	simm.s32 $0x7  }
0x13: {  	[tilespmem:s3], [sflag:$0x7] =	stream.linear.gather [hbm4b:s22+s3], $0x1000, $0x38;
	[tilespmem:$0x1B000] =	vst v63  }
0x14: {  	_ =	swait.ge [sflag:s26], $0x1000  }
0x15: {  	[sflag:s26] =	ssyncset.done $0x0  }
0x16: {  	[sflag:s26] =	ssyncadd.s32 $0xFFFFF000  }
0x17: {  	v3 =	vld [tilespmem:$0x0];
	_ =	sdelay $0x4  }
0x18: {  	v4 =	vshll.u32 v3, $0x1  }
0x19: {  	v3 =	vand.u32 $0x7, v3;
	v4 =	vand.u32 $0xFFFFFFF0, v4  }
0x1a: {  	v3 =	vor.u32 v3, v4  }
0x1b: {  	v4 =	vperm.xlane v3, v0;
	_ =	sdelay $0x1  }
0x1c: {  	v3 =	vperm.xlane v3, v2;
	v4 =	vadd.s32 v1, v4;
	_ =	sdelay $0x1  }
0x1d: {  	v3 =	vadd.s32 v1, v3;
	_ =	sdelay $0x1  }
0x1e: {  	s28 =	simm.s32 $0x1000  }
0x1f: {  	[tilespmem:s28], [sflag:$0x1] =	stream.indirect_vreg.gather [hbm4b:s1+s3], $0x80, v4, vm0, $0xb8;
	[tilespmem:$0x1B000] =	vst v63  }
0x20: {  	s29 =	simm.s32 $0x1800  }
0x21: {  	[tilespmem:s29], [sflag:$0x1] =	stream.indirect_vreg.gather [hbm4b:s1+s3], $0x80, v3, vm0, $0xb8;
	[tilespmem:$0x1B000] =	vst v63  }
0x22: {  	v3 =	vld [tilespmem:$0x10];
	_ =	sdelay $0x4  }
0x23: {  	v57 =	vshll.u32 v3, $0x1  }
0x24: {  	v3 =	vand.u32 $0x7, v3;
	v4 =	vand.u32 $0xFFFFFFF0, v57  }
0x25: {  	v3 =	vor.u32 v3, v4  }
0x26: {  	v4 =	vperm.xlane v3, v0;
	_ =	sdelay $0x1  }
0x27: {  	v3 =	vperm.xlane v3, v2;
	v4 =	vadd.s32 v1, v4;
	_ =	sdelay $0x1  }
0x28: {  	v3 =	vadd.s32 v1, v3;
	_ =	sdelay $0x1  }
0x29: {  	s30 =	simm.s32 $0x2000  }
0x2a: {  	[tilespmem:s30], [sflag:$0x1] =	stream.indirect_vreg.gather [hbm4b:s1+s3], $0x80, v4, vm0, $0xb8;
	[tilespmem:$0x1B000] =	vst v63  }
0x2b: {  	s23 =	simm.s32 $0x2800  }
0x2c: {  	[tilespmem:s23], [sflag:$0x1] =	stream.indirect_vreg.gather [hbm4b:s1+s3], $0x80, v3, vm0, $0xb8;
	[tilespmem:$0x1B000] =	vst v63  }
0x2d: {  	v3 =	vld [tilespmem:$0x20];
	_ =	sdelay $0x4  }
0x2e: {  	v58 =	vshll.u32 v3, $0x1  }
0x2f: {  	v3 =	vand.u32 $0x7, v3;
	v4 =	vand.u32 $0xFFFFFFF0, v58  }
0x30: {  	v3 =	vor.u32 v3, v4  }
0x31: {  	v4 =	vperm.xlane v3, v0;
	_ =	sdelay $0x1  }
0x32: {  	v3 =	vperm.xlane v3, v2;
	v4 =	vadd.s32 v1, v4;
	_ =	sdelay $0x1  }
0x33: {  	v3 =	vadd.s32 v1, v3;
	_ =	sdelay $0x1  }
0x34: {  	s24 =	simm.s32 $0x3000  }
0x35: {  	[tilespmem:s24], [sflag:$0x1] =	stream.indirect_vreg.gather [hbm4b:s1+s3], $0x80, v4, vm0, $0xb8;
	[tilespmem:$0x1B000] =	vst v63  }
0x36: {  	s25 =	simm.s32 $0x3800  }
0x37: {  	[tilespmem:s25], [sflag:$0x1] =	stream.indirect_vreg.gather [hbm4b:s1+s3], $0x80, v3, vm0, $0xb8;
	[tilespmem:$0x1B000] =	vst v63  }
0x38: {  	v3 =	vld [tilespmem:$0x30];
	_ =	sdelay $0x4  }
0x39: {  	v59 =	vshll.u32 v3, $0x1  }
0x3a: {  	v3 =	vand.u32 $0x7, v3;
	v4 =	vand.u32 $0xFFFFFFF0, v59  }
0x3b: {  	v3 =	vor.u32 v3, v4  }
0x3c: {  	v4 =	vperm.xlane v3, v0;
	_ =	sdelay $0x1  }
0x3d: {  	v3 =	vperm.xlane v3, v2;
	v4 =	vadd.s32 v1, v4;
	_ =	sdelay $0x1  }
0x3e: {  	v3 =	vadd.s32 v1, v3;
	_ =	sdelay $0x1  }
0x3f: {  	s26 =	simm.s32 $0x4000  }
0x40: {  	[tilespmem:s26], [sflag:$0x1] =	stream.indirect_vreg.gather [hbm4b:s1+s3], $0x80, v4, vm0, $0xb8;
	[tilespmem:$0x1B000] =	vst v63  }
0x41: {  	s28 =	simm.s32 $0x4800  }
0x42: {  	[tilespmem:s28], [sflag:$0x1] =	stream.indirect_vreg.gather [hbm4b:s1+s3], $0x80, v3, vm0, $0xb8;
	[tilespmem:$0x1B000] =	vst v63  }
0x43: {  	v3 =	vld [tilespmem:$0x40];
	_ =	sdelay $0x4  }
0x44: {  	v60 =	vshll.u32 v3, $0x1  }
0x45: {  	v3 =	vand.u32 $0x7, v3;
	v4 =	vand.u32 $0xFFFFFFF0, v60  }
0x46: {  	v3 =	vor.u32 v3, v4  }
0x47: {  	v4 =	vperm.xlane v3, v0;
	_ =	sdelay $0x1  }
0x48: {  	v3 =	vperm.xlane v3, v2;
	v4 =	vadd.s32 v1, v4;
	_ =	sdelay $0x1  }
0x49: {  	v3 =	vadd.s32 v1, v3;
	_ =	sdelay $0x1  }
0x4a: {  	s29 =	simm.s32 $0x5000  }
0x4b: {  	[tilespmem:s29], [sflag:$0x1] =	stream.indirect_vreg.gather [hbm4b:s1+s3], $0x80, v4, vm0, $0xb8;
	[tilespmem:$0x1B000] =	vst v63  }
0x4c: {  	s30 =	simm.s32 $0x5800  }
0x4d: {  	[tilespmem:s30], [sflag:$0x1] =	stream.indirect_vreg.gather [hbm4b:s1+s3], $0x80, v3, vm0, $0xb8;
	[tilespmem:$0x1B000] =	vst v63  }
0x4e: {  	v3 =	vld [tilespmem:$0x50];
	_ =	sdelay $0x4  }
0x4f: {  	v61 =	vshll.u32 v3, $0x1  }
0x50: {  	v3 =	vand.u32 $0x7, v3;
	v4 =	vand.u32 $0xFFFFFFF0, v61  }
0x51: {  	v3 =	vor.u32 v3, v4  }
0x52: {  	v4 =	vperm.xlane v3, v0;
	_ =	sdelay $0x1  }
0x53: {  	v3 =	vperm.xlane v3, v2;
	v4 =	vadd.s32 v1, v4;
	_ =	sdelay $0x1  }
0x54: {  	v3 =	vadd.s32 v1, v3;
	_ =	sdelay $0x1  }
0x55: {  	s23 =	simm.s32 $0x6000  }
0x56: {  	[tilespmem:s23], [sflag:$0x1] =	stream.indirect_vreg.gather [hbm4b:s1+s3], $0x80, v4, vm0, $0xb8;
	[tilespmem:$0x1B000] =	vst v63  }
0x57: {  	s24 =	simm.s32 $0x6800  }
0x58: {  	[tilespmem:s24], [sflag:$0x1] =	stream.indirect_vreg.gather [hbm4b:s1+s3], $0x80, v3, vm0, $0xb8;
	[tilespmem:$0x1B000] =	vst v63  }
0x59: {  	v3 =	vld [tilespmem:$0x60];
	_ =	sdelay $0x4  }
0x5a: {  	v62 =	vshll.u32 v3, $0x1  }
0x5b: {  	v3 =	vand.u32 $0x7, v3;
	v4 =	vand.u32 $0xFFFFFFF0, v62  }
0x5c: {  	v3 =	vor.u32 v3, v4  }
0x5d: {  	v4 =	vperm.xlane v3, v0;
	_ =	sdelay $0x1  }
0x5e: {  	v3 =	vperm.xlane v3, v2;
	v4 =	vadd.s32 v1, v4;
	_ =	sdelay $0x1  }
0x5f: {  	v3 =	vadd.s32 v1, v3;
	_ =	sdelay $0x1  }
0x60: {  	s25 =	simm.s32 $0x7000  }
0x61: {  	[tilespmem:s25], [sflag:$0x1] =	stream.indirect_vreg.gather [hbm4b:s1+s3], $0x80, v4, vm0, $0xb8;
	[tilespmem:$0x1B000] =	vst v63  }
0x62: {  	s26 =	simm.s32 $0x7800  }
0x63: {  	[tilespmem:s26], [sflag:$0x1] =	stream.indirect_vreg.gather [hbm4b:s1+s3], $0x80, v3, vm0, $0xb8;
	[tilespmem:$0x1B000] =	vst v63  }
0x64: {  	v3 =	vld [tilespmem:$0x70];
	_ =	sdelay $0x4  }
0x65: {  	v63 =	vshll.u32 v3, $0x1  }
0x66: {  	v3 =	vand.u32 $0x7, v3;
	v4 =	vand.u32 $0xFFFFFFF0, v63  }
0x67: {  	v3 =	vor.u32 v3, v4  }
0x68: {  	v4 =	vperm.xlane v3, v0;
	_ =	sdelay $0x1  }
0x69: {  	v3 =	vperm.xlane v3, v2;
	v4 =	vadd.s32 v1, v4;
	_ =	sdelay $0x1  }
0x6a: {  	v3 =	vadd.s32 v1, v3;
	_ =	sdelay $0x1  }
0x6b: {  	s28 =	simm.s32 $0x8000  }
0x6c: {  	[tilespmem:s28], [sflag:$0x1] =	stream.indirect_vreg.gather [hbm4b:s1+s3], $0x80, v4, vm0, $0xb8;
	[tilespmem:$0x1B000] =	vst v63  }
0x6d: {  	s29 =	simm.s32 $0x8800  }
0x6e: {  	[tilespmem:s29], [sflag:$0x1] =	stream.indirect_vreg.gather [hbm4b:s1+s3], $0x80, v3, vm0, $0xb8;
	[tilespmem:$0x1B000] =	vst v63  }
0x6f: {  	s22 =	simm.s32 $0x0;
	s30 =	simm.s32 $0x11000  }
0x70: {  	[tilespmem:s30], [sflag:$0x3] =	stream.linear.gather [hbm4b:s5+s3], $0x1000, $0x38;
	[tilespmem:$0x1B000] =	vst v63  }
.LBB2_2:
0x71: {  	s23 =	sshllo.u32 s22, $0x1  }
0x72: {  	s24 =	sshll.u32 s23, $0x9  }
0x73: {  	s25 =	sshrl.u32 s24, $0x2  }
0x74: {  	v3 =	vld [tilespmem:s25+$0x0];
	_ =	sdelay $0x4  }
0x75: {  	v4 =	vshll.u32 v3, $0x1  }
0x76: {  	v3 =	vand.u32 $0x7, v3;
	v4 =	vand.u32 $0xFFFFFFF0, v4  }
0x77: {  	v3 =	vor.u32 v3, v4  }
0x78: {  	v4 =	vperm.xlane v3, v0;
	_ =	sdelay $0x1  }
0x79: {  	v3 =	vperm.xlane v3, v2;
	v4 =	vadd.s32 v1, v4;
	_ =	sdelay $0x1  }
0x7a: {  	v3 =	vadd.s32 v1, v3;
	_ =	sdelay $0x1  }
0x7b: {  	s26 =	simm.s32 $0x9000  }
0x7c: {  	[tilespmem:s26], [sflag:$0x2] =	stream.indirect_vreg.gather [hbm4b:s1+s3], $0x80, v4, vm0, $0xb8;
	[tilespmem:$0x1B000] =	vst v63  }
0x7d: {  	s30 =	simm.s32 $0x9800  }
0x7e: {  	[tilespmem:s30], [sflag:$0x2] =	stream.indirect_vreg.gather [hbm4b:s1+s3], $0x80, v3, vm0, $0xb8;
	[tilespmem:$0x1B000] =	vst v63  }
0x7f: {  	v3 =	vld [tilespmem:s25+$0x10];
	_ =	sdelay $0x4  }
0x80: {  	v57 =	vshll.u32 v3, $0x1  }
0x81: {  	v3 =	vand.u32 $0x7, v3;
	v4 =	vand.u32 $0xFFFFFFF0, v57  }
0x82: {  	v3 =	vor.u32 v3, v4  }
0x83: {  	v4 =	vperm.xlane v3, v0;
	_ =	sdelay $0x1  }
0x84: {  	v3 =	vperm.xlane v3, v2;
	v4 =	vadd.s32 v1, v4;
	_ =	sdelay $0x1  }
0x85: {  	v3 =	vadd.s32 v1, v3;
	_ =	sdelay $0x1  }
0x86: {  	s29 =	simm.s32 $0xA000  }
0x87: {  	[tilespmem:s29], [sflag:$0x2] =	stream.indirect_vreg.gather [hbm4b:s1+s3], $0x80, v4, vm0, $0xb8;
	[tilespmem:$0x1B000] =	vst v63  }
0x88: {  	s30 =	simm.s32 $0xA800  }
0x89: {  	[tilespmem:s30], [sflag:$0x2] =	stream.indirect_vreg.gather [hbm4b:s1+s3], $0x80, v3, vm0, $0xb8;
	[tilespmem:$0x1B000] =	vst v63  }
0x8a: {  	v3 =	vld [tilespmem:s25+$0x20];
	_ =	sdelay $0x4  }
0x8b: {  	v58 =	vshll.u32 v3, $0x1  }
0x8c: {  	v3 =	vand.u32 $0x7, v3;
	v4 =	vand.u32 $0xFFFFFFF0, v58  }
0x8d: {  	v3 =	vor.u32 v3, v4  }
0x8e: {  	v4 =	vperm.xlane v3, v0;
	_ =	sdelay $0x1  }
0x8f: {  	v3 =	vperm.xlane v3, v2;
	v4 =	vadd.s32 v1, v4;
	_ =	sdelay $0x1  }
0x90: {  	v3 =	vadd.s32 v1, v3;
	_ =	sdelay $0x2  }
0x91: {  	[tilespmem:s31], [sflag:$0x2] =	stream.indirect_vreg.gather [hbm4b:s1+s3], $0x80, v4, vm0, $0xb8;
	[tilespmem:$0x1B000] =	vst v63  }
0x92: {  	_ = 	snop  }
0x93: {  	[tilespmem:s2], [sflag:$0x2] =	stream.indirect_vreg.gather [hbm4b:s1+s3], $0x80, v3, vm0, $0xb8;
	[tilespmem:$0x1B000] =	vst v63  }
0x94: {  	v3 =	vld [tilespmem:s25+$0x30];
	_ =	sdelay $0x4  }
0x95: {  	v59 =	vshll.u32 v3, $0x1  }
0x96: {  	v3 =	vand.u32 $0x7, v3;
	v4 =	vand.u32 $0xFFFFFFF0, v59  }
0x97: {  	v3 =	vor.u32 v3, v4  }
0x98: {  	v4 =	vperm.xlane v3, v0;
	_ =	sdelay $0x1  }
0x99: {  	v3 =	vperm.xlane v3, v2;
	v4 =	vadd.s32 v1, v4;
	_ =	sdelay $0x1  }
0x9a: {  	v3 =	vadd.s32 v1, v3;
	_ =	sdelay $0x2  }
0x9b: {  	[tilespmem:s0], [sflag:$0x2] =	stream.indirect_vreg.gather [hbm4b:s1+s3], $0x80, v4, vm0, $0xb8;
	[tilespmem:$0x1B000] =	vst v63  }
0x9c: {  	_ = 	snop  }
0x9d: {  	[tilespmem:s4], [sflag:$0x2] =	stream.indirect_vreg.gather [hbm4b:s1+s3], $0x80, v3, vm0, $0xb8;
	[tilespmem:$0x1B000] =	vst v63  }
0x9e: {  	v3 =	vld [tilespmem:s25+$0x40];
	_ =	sdelay $0x4  }
0x9f: {  	v60 =	vshll.u32 v3, $0x1  }
0xa0: {  	v3 =	vand.u32 $0x7, v3;
	v4 =	vand.u32 $0xFFFFFFF0, v60  }
0xa1: {  	v3 =	vor.u32 v3, v4  }
0xa2: {  	v4 =	vperm.xlane v3, v0;
	_ =	sdelay $0x1  }
0xa3: {  	v3 =	vperm.xlane v3, v2;
	v4 =	vadd.s32 v1, v4;
	_ =	sdelay $0x1  }
0xa4: {  	v3 =	vadd.s32 v1, v3;
	_ =	sdelay $0x2  }
0xa5: {  	[tilespmem:s7], [sflag:$0x2] =	stream.indirect_vreg.gather [hbm4b:s1+s3], $0x80, v4, vm0, $0xb8;
	[tilespmem:$0x1B000] =	vst v63  }
0xa6: {  	_ = 	snop  }
0xa7: {  	[tilespmem:s8], [sflag:$0x2] =	stream.indirect_vreg.gather [hbm4b:s1+s3], $0x80, v3, vm0, $0xb8;
	[tilespmem:$0x1B000] =	vst v63  }
0xa8: {  	v3 =	vld [tilespmem:s25+$0x50];
	_ =	sdelay $0x4  }
0xa9: {  	v61 =	vshll.u32 v3, $0x1  }
0xaa: {  	v3 =	vand.u32 $0x7, v3;
	v4 =	vand.u32 $0xFFFFFFF0, v61  }
0xab: {  	v3 =	vor.u32 v3, v4  }
0xac: {  	v4 =	vperm.xlane v3, v0;
	_ =	sdelay $0x1  }
0xad: {  	v3 =	vperm.xlane v3, v2;
	v4 =	vadd.s32 v1, v4;
	_ =	sdelay $0x1  }
0xae: {  	v3 =	vadd.s32 v1, v3;
	_ =	sdelay $0x2  }
0xaf: {  	[tilespmem:s9], [sflag:$0x2] =	stream.indirect_vreg.gather [hbm4b:s1+s3], $0x80, v4, vm0, $0xb8;
	[tilespmem:$0x1B000] =	vst v63  }
0xb0: {  	_ = 	snop  }
0xb1: {  	[tilespmem:s10], [sflag:$0x2] =	stream.indirect_vreg.gather [hbm4b:s1+s3], $0x80, v3, vm0, $0xb8;
	[tilespmem:$0x1B000] =	vst v63  }
0xb2: {  	v3 =	vld [tilespmem:s25+$0x60];
	_ =	sdelay $0x4  }
0xb3: {  	v62 =	vshll.u32 v3, $0x1  }
0xb4: {  	v3 =	vand.u32 $0x7, v3;
	v4 =	vand.u32 $0xFFFFFFF0, v62  }
0xb5: {  	v3 =	vor.u32 v3, v4  }
0xb6: {  	v4 =	vperm.xlane v3, v0;
	_ =	sdelay $0x1  }
0xb7: {  	v3 =	vperm.xlane v3, v2;
	v4 =	vadd.s32 v1, v4;
	_ =	sdelay $0x1  }
0xb8: {  	v3 =	vadd.s32 v1, v3;
	_ =	sdelay $0x2  }
0xb9: {  	[tilespmem:s11], [sflag:$0x2] =	stream.indirect_vreg.gather [hbm4b:s1+s3], $0x80, v4, vm0, $0xb8;
	[tilespmem:$0x1B000] =	vst v63  }
0xba: {  	_ = 	snop  }
0xbb: {  	[tilespmem:s12], [sflag:$0x2] =	stream.indirect_vreg.gather [hbm4b:s1+s3], $0x80, v3, vm0, $0xb8;
	[tilespmem:$0x1B000] =	vst v63  }
0xbc: {  	v3 =	vld [tilespmem:s25+$0x70];
	_ =	sdelay $0x4  }
0xbd: {  	v63 =	vshll.u32 v3, $0x1  }
0xbe: {  	v3 =	vand.u32 $0x7, v3;
	v4 =	vand.u32 $0xFFFFFFF0, v63  }
0xbf: {  	v3 =	vor.u32 v3, v4  }
0xc0: {  	v4 =	vperm.xlane v3, v0;
	_ =	sdelay $0x1  }
0xc1: {  	v3 =	vperm.xlane v3, v2;
	v4 =	vadd.s32 v1, v4;
	_ =	sdelay $0x1  }
0xc2: {  	v3 =	vadd.s32 v1, v3;
	_ =	sdelay $0x2  }
0xc3: {  	[tilespmem:s13], [sflag:$0x2] =	stream.indirect_vreg.gather [hbm4b:s1+s3], $0x80, v4, vm0, $0xb8;
	[tilespmem:$0x1B000] =	vst v63  }
0xc4: {  	_ = 	snop  }
0xc5: {  	[tilespmem:s14], [sflag:$0x2] =	stream.indirect_vreg.gather [hbm4b:s1+s3], $0x80, v3, vm0, $0xb8;
	[tilespmem:$0x1B000] =	vst v63  }
0xc6: {  	s24 =	sadd.s32 s24, s5  }
0xc7: {  	[tilespmem:s15], [sflag:$0x4] =	stream.linear.gather [hbm4b:s24+s3], $0x1000, $0x38;
	[tilespmem:$0x1B000] =	vst v63  }
0xc8: {  	_ =	swait.ge [sflag:s16], $0x8000  }
0xc9: {  	[sflag:s16] =	ssyncset.done $0x0  }
0xca: {  	[sflag:s16] =	ssyncadd.s32 $0xFFFF8000  }
0xcb: {  	_ =	swait.ge [sflag:s17], $0x1000  }
0xcc: {  	p0 =	seq.s32 s22, $0x0;
	[sflag:s17] =	ssyncset.done $0x0  }
0xcd: {  	s24 =	simm.s32 @!p0 $0x5;
	[sflag:s17] =	ssyncadd.s32 $0xFFFFF000  }
0xce: {  	_ =	swait.ge @!p0 [sflag:s24], $0x4000  }
0xcf: {  	s28 =	simm.s32 $0x0;
	s26 =	simm.s32 $0x13200;
	[sflag:s24] =	ssyncset.done @!p0 $0x0  }
0xd0: {  	s25 =	simm.s32 $0x0;
	[sflag:s24] =	ssyncadd.s32 @!p0 $0xFFFFC000;
	s24 =	simm.s32 $0x1400  }
.LBB2_3:
0xd1: {  	v19 =	vld [tilespmem:s24+$0xFFFFFC00]  }
0xd2: {  	v20 =	vld [tilespmem:s24+$0xFFFFFC10]  }
0xd3: {  	v21 =	vld [tilespmem:s24+$0xFFFFFC20]  }
0xd4: {  	v22 =	vld [tilespmem:s24+$0xFFFFFC30]  }
0xd5: {  	v23 =	vld [tilespmem:s24+$0xFFFFFC40]  }
0xd6: {  	v24 =	vld [tilespmem:s24+$0x0]  }
0xd7: {  	v25 =	vld [tilespmem:s24+$0x10]  }
0xd8: {  	v26 =	vld [tilespmem:s24+$0xFFFFFC50]  }
0xd9: {  	v27 =	vld [tilespmem:s24+$0xFFFFFC60]  }
0xda: {  	v28 =	vld [tilespmem:s24+$0xFFFFFC70]  }
0xdb: {  	v29 =	vld [tilespmem:s24+$0x20]  }
0xdc: {  	v30 =	vld [tilespmem:s24+$0x30]  }
0xdd: {  	v31 =	vld [tilespmem:s24+$0x40]  }
0xde: {  	v32 =	vld [tilespmem:s24+$0x50]  }
0xdf: {  	s29 =	sand.u32 $0x800, s28;
	s30 =	sand.u32 $0x380, s25;
	v39 =	vld [tilespmem:s24+$0x60]  }
0xe0: {  	v40 =	vld [tilespmem:s24+$0x70];
	s29 =	sor.u32 s30, s29  }
0xe1: {  	v17 =	vld [tilespmem:s29+$0x11000]  }
0xe2: {  	v18 =	vld [tilespmem:s29+$0x11010]  }
0xe3: {  	v16 =	vld [tilespmem:s29+$0x11020]  }
0xe4: {  	v14 =	vld [tilespmem:s29+$0x11030]  }
0xe5: {  	v12 =	vld [tilespmem:s29+$0x11040]  }
0xe6: {  	v15 =	vld [tilespmem:s29+$0x11400]  }
0xe7: {  	v13 =	vld [tilespmem:s29+$0x11410]  }
0xe8: {  	v11 =	vld [tilespmem:s29+$0x11050]  }
0xe9: {  	v10 =	vld [tilespmem:s29+$0x11060]  }
0xea: {  	v9 =	vld [tilespmem:s29+$0x11070];
	v19 =	vsub.f32 v19, v17  }
0xeb: {  	v8 =	vld [tilespmem:s29+$0x11420];
	v20 =	vsub.f32 v20, v18;
	v24 =	vsub.f32 v24, v15  }
0xec: {  	v7 =	vld [tilespmem:s29+$0x11430];
	v25 =	vsub.f32 v25, v13;
	v21 =	vsub.f32 v21, v16  }
0xed: {  	v5 =	vld [tilespmem:s29+$0x11440];
	v22 =	vsub.f32 v22, v14;
	v23 =	vsub.f32 v23, v12  }
0xee: {  	v6 =	vld [tilespmem:s29+$0x11450];
	v26 =	vsub.f32 v26, v11;
	v27 =	vsub.f32 v27, v10  }
0xef: {  	v3 =	vld [tilespmem:s29+$0x11460];
	v28 =	vsub.f32 v28, v9;
	v19 =	vmul.f32 v19, v19;
	v20 =	vmul.f32 v20, v20  }
0xf0: {  	v4 =	vld [tilespmem:s29+$0x11470];
	v29 =	vsub.f32 v29, v8;
	v24 =	vmul.f32 v24, v24;
	v25 =	vmul.f32 v25, v25  }
0xf1: {  	v30 =	vsub.f32 v30, v7;
	v21 =	vmul.f32 v21, v21;
	v22 =	vmul.f32 v22, v22  }
0xf2: {  	v31 =	vsub.f32 v31, v5;
	v23 =	vmul.f32 v23, v23;
	v26 =	vmul.f32 v26, v26  }
0xf3: {  	v32 =	vsub.f32 v32, v6;
	v27 =	vmul.f32 v27, v27;
	v28 =	vmul.f32 v28, v28  }
0xf4: {  	v29 =	vmul.f32 v29, v29;
	v19 =	vadd.f32 v24, v19;
	v20 =	vadd.f32 v25, v20  }
0xf5: {  	v30 =	vmul.f32 v30, v30;
	v24 =	vsub.f32 v39, v3;
	v25 =	vsub.f32 v40, v4  }
0xf6: {  	v41 =	vmul.f32 v31, v31;
	v42 =	vmul.f32 v32, v32;
	v21 =	vadd.f32 v29, v21  }
0xf7: {  	v22 =	vadd.f32 v30, v22;
	v24 =	vmul.f32 v24, v24;
	v25 =	vmul.f32 v25, v25  }
0xf8: {  	v23 =	vadd.f32 v41, v23;
	v26 =	vadd.f32 v42, v26  }
0xf9: {  	v24 =	vadd.f32 v24, v27;
	v25 =	vadd.f32 v25, v28  }
0xfa: {  	v19 =	vadd.f32 v20, v19;
	v43 =	vadd.f32 v22, v21  }
0xfb: {  	v44 =	vadd.f32 v26, v23;
	v45 =	vadd.f32 v25, v24;
	_ =	sdelay $0x1  }
0xfc: {  	v19 =	vadd.f32 v43, v19;
	v46 =	vadd.f32 v45, v44;
	_ =	sdelay $0x1  }
0xfd: {  	v19 =	vadd.f32 v46, v19;
	_ =	sdelay $0x1  }
0xfe: {  	[tilespmem:s26+$0xFFFFFE00] =	vst v19  }
0xff: {  	v19 =	vld [tilespmem:s24+$0xFFFFFC80]  }
0x100: {  	v47 =	vld [tilespmem:s24+$0xFFFFFC90]  }
0x101: {  	v48 =	vld [tilespmem:s24+$0xFFFFFCA0]  }
0x102: {  	v49 =	vld [tilespmem:s24+$0xFFFFFCB0]  }
0x103: {  	v50 =	vld [tilespmem:s24+$0xFFFFFCC0]  }
0x104: {  	v51 =	vld [tilespmem:s24+$0x80]  }
0x105: {  	v52 =	vld [tilespmem:s24+$0x90]  }
0x106: {  	v53 =	vld [tilespmem:s24+$0xFFFFFCD0]  }
0x107: {  	v54 =	vld [tilespmem:s24+$0xFFFFFCE0]  }
0x108: {  	v55 =	vld [tilespmem:s24+$0xFFFFFCF0];
	v19 =	vsub.f32 v19, v17  }
0x109: {  	v56 =	vld [tilespmem:s24+$0xA0];
	v20 =	vsub.f32 v47, v18;
	v24 =	vsub.f32 v51, v15  }
0x10a: {  	v57 =	vld [tilespmem:s24+$0xB0];
	v25 =	vsub.f32 v52, v13;
	v21 =	vsub.f32 v48, v16  }
0x10b: {  	v58 =	vld [tilespmem:s24+$0xC0];
	v22 =	vsub.f32 v49, v14;
	v23 =	vsub.f32 v50, v12  }
0x10c: {  	v59 =	vld [tilespmem:s24+$0xD0];
	v26 =	vsub.f32 v53, v11;
	v27 =	vsub.f32 v54, v10  }
0x10d: {  	v60 =	vld [tilespmem:s24+$0xE0];
	v28 =	vsub.f32 v55, v9;
	v19 =	vmul.f32 v19, v19;
	v20 =	vmul.f32 v20, v20  }
0x10e: {  	v61 =	vld [tilespmem:s24+$0xF0];
	v29 =	vsub.f32 v56, v8;
	v24 =	vmul.f32 v24, v24;
	v25 =	vmul.f32 v25, v25  }
0x10f: {  	v30 =	vsub.f32 v57, v7;
	v21 =	vmul.f32 v21, v21;
	v22 =	vmul.f32 v22, v22  }
0x110: {  	v31 =	vsub.f32 v58, v5;
	v23 =	vmul.f32 v23, v23;
	v26 =	vmul.f32 v26, v26  }
0x111: {  	v32 =	vsub.f32 v59, v6;
	v27 =	vmul.f32 v27, v27;
	v28 =	vmul.f32 v28, v28  }
0x112: {  	v29 =	vmul.f32 v29, v29;
	v19 =	vadd.f32 v24, v19;
	v20 =	vadd.f32 v25, v20  }
0x113: {  	v30 =	vmul.f32 v30, v30;
	v24 =	vsub.f32 v60, v3;
	v25 =	vsub.f32 v61, v4  }
0x114: {  	v62 =	vmul.f32 v31, v31;
	v63 =	vmul.f32 v32, v32;
	v21 =	vadd.f32 v29, v21  }
0x115: {  	v22 =	vadd.f32 v30, v22;
	v24 =	vmul.f32 v24, v24;
	v25 =	vmul.f32 v25, v25  }
0x116: {  	v23 =	vadd.f32 v62, v23;
	v26 =	vadd.f32 v63, v26  }
0x117: {  	v24 =	vadd.f32 v24, v27;
	v25 =	vadd.f32 v25, v28  }
0x118: {  	v19 =	vadd.f32 v20, v19;
	v29 =	vadd.f32 v22, v21  }
0x119: {  	v30 =	vadd.f32 v26, v23;
	v31 =	vadd.f32 v25, v24;
	_ =	sdelay $0x1  }
0x11a: {  	v19 =	vadd.f32 v29, v19;
	v32 =	vadd.f32 v31, v30;
	_ =	sdelay $0x1  }
0x11b: {  	v19 =	vadd.f32 v32, v19;
	_ =	sdelay $0x1  }
0x11c: {  	[tilespmem:s26+$0xFFFFFE80] =	vst v19  }
0x11d: {  	v19 =	vld [tilespmem:s24+$0xFFFFFD00]  }
0x11e: {  	v33 =	vld [tilespmem:s24+$0xFFFFFD10]  }
0x11f: {  	v34 =	vld [tilespmem:s24+$0xFFFFFD20]  }
0x120: {  	v35 =	vld [tilespmem:s24+$0xFFFFFD30]  }
0x121: {  	v36 =	vld [tilespmem:s24+$0xFFFFFD40]  }
0x122: {  	v37 =	vld [tilespmem:s24+$0x100]  }
0x123: {  	v38 =	vld [tilespmem:s24+$0x110]  }
0x124: {  	v39 =	vld [tilespmem:s24+$0xFFFFFD50]  }
0x125: {  	v40 =	vld [tilespmem:s24+$0xFFFFFD60]  }
0x126: {  	v41 =	vld [tilespmem:s24+$0xFFFFFD70];
	v19 =	vsub.f32 v19, v17  }
0x127: {  	v42 =	vld [tilespmem:s24+$0x120];
	v20 =	vsub.f32 v33, v18;
	v24 =	vsub.f32 v37, v15  }
0x128: {  	v43 =	vld [tilespmem:s24+$0x130];
	v25 =	vsub.f32 v38, v13;
	v21 =	vsub.f32 v34, v16  }
0x129: {  	v44 =	vld [tilespmem:s24+$0x140];
	v22 =	vsub.f32 v35, v14;
	v23 =	vsub.f32 v36, v12  }
0x12a: {  	v45 =	vld [tilespmem:s24+$0x150];
	v26 =	vsub.f32 v39, v11;
	v27 =	vsub.f32 v40, v10  }
0x12b: {  	v46 =	vld [tilespmem:s24+$0x160];
	v28 =	vsub.f32 v41, v9;
	v19 =	vmul.f32 v19, v19;
	v20 =	vmul.f32 v20, v20  }
0x12c: {  	v47 =	vld [tilespmem:s24+$0x170];
	v29 =	vsub.f32 v42, v8;
	v24 =	vmul.f32 v24, v24;
	v25 =	vmul.f32 v25, v25  }
0x12d: {  	v30 =	vsub.f32 v43, v7;
	v21 =	vmul.f32 v21, v21;
	v22 =	vmul.f32 v22, v22  }
0x12e: {  	v31 =	vsub.f32 v44, v5;
	v23 =	vmul.f32 v23, v23;
	v26 =	vmul.f32 v26, v26  }
0x12f: {  	v32 =	vsub.f32 v45, v6;
	v27 =	vmul.f32 v27, v27;
	v28 =	vmul.f32 v28, v28  }
0x130: {  	v29 =	vmul.f32 v29, v29;
	v19 =	vadd.f32 v24, v19;
	v20 =	vadd.f32 v25, v20  }
0x131: {  	v30 =	vmul.f32 v30, v30;
	v24 =	vsub.f32 v46, v3;
	v25 =	vsub.f32 v47, v4  }
0x132: {  	v48 =	vmul.f32 v31, v31;
	v49 =	vmul.f32 v32, v32;
	v21 =	vadd.f32 v29, v21  }
0x133: {  	v22 =	vadd.f32 v30, v22;
	v24 =	vmul.f32 v24, v24;
	v25 =	vmul.f32 v25, v25  }
0x134: {  	v23 =	vadd.f32 v48, v23;
	v26 =	vadd.f32 v49, v26  }
0x135: {  	v24 =	vadd.f32 v24, v27;
	v25 =	vadd.f32 v25, v28  }
0x136: {  	v19 =	vadd.f32 v20, v19;
	v50 =	vadd.f32 v22, v21  }
0x137: {  	v51 =	vadd.f32 v26, v23;
	v52 =	vadd.f32 v25, v24;
	_ =	sdelay $0x1  }
0x138: {  	v19 =	vadd.f32 v50, v19;
	v53 =	vadd.f32 v52, v51;
	_ =	sdelay $0x1  }
0x139: {  	v19 =	vadd.f32 v53, v19;
	_ =	sdelay $0x1  }
0x13a: {  	[tilespmem:s26+$0xFFFFFF00] =	vst v19  }
0x13b: {  	v19 =	vld [tilespmem:s24+$0xFFFFFD80]  }
0x13c: {  	v54 =	vld [tilespmem:s24+$0xFFFFFD90]  }
0x13d: {  	v55 =	vld [tilespmem:s24+$0xFFFFFDA0]  }
0x13e: {  	v56 =	vld [tilespmem:s24+$0xFFFFFDB0]  }
0x13f: {  	v57 =	vld [tilespmem:s24+$0xFFFFFDC0]  }
0x140: {  	v58 =	vld [tilespmem:s24+$0x180]  }
0x141: {  	v59 =	vld [tilespmem:s24+$0x190]  }
0x142: {  	v60 =	vld [tilespmem:s24+$0xFFFFFDD0]  }
0x143: {  	v61 =	vld [tilespmem:s24+$0xFFFFFDE0]  }
0x144: {  	v62 =	vld [tilespmem:s24+$0xFFFFFDF0];
	v19 =	vsub.f32 v19, v17  }
0x145: {  	v63 =	vld [tilespmem:s24+$0x1A0];
	v20 =	vsub.f32 v54, v18;
	v24 =	vsub.f32 v58, v15  }
0x146: {  	v36 =	vld [tilespmem:s24+$0x1B0];
	v25 =	vsub.f32 v59, v13;
	v21 =	vsub.f32 v55, v16  }
0x147: {  	v37 =	vld [tilespmem:s24+$0x1C0];
	v22 =	vsub.f32 v56, v14;
	v23 =	vsub.f32 v57, v12  }
0x148: {  	v38 =	vld [tilespmem:s24+$0x1D0];
	v26 =	vsub.f32 v60, v11;
	v27 =	vsub.f32 v61, v10  }
0x149: {  	v39 =	vld [tilespmem:s24+$0x1E0];
	v28 =	vsub.f32 v62, v9;
	v19 =	vmul.f32 v19, v19;
	v20 =	vmul.f32 v20, v20  }
0x14a: {  	v40 =	vld [tilespmem:s24+$0x1F0];
	v29 =	vsub.f32 v63, v8;
	v24 =	vmul.f32 v24, v24;
	v25 =	vmul.f32 v25, v25  }
0x14b: {  	v30 =	vsub.f32 v36, v7;
	v21 =	vmul.f32 v21, v21;
	v22 =	vmul.f32 v22, v22  }
0x14c: {  	v31 =	vsub.f32 v37, v5;
	v23 =	vmul.f32 v23, v23;
	v26 =	vmul.f32 v26, v26  }
0x14d: {  	v32 =	vsub.f32 v38, v6;
	v27 =	vmul.f32 v27, v27;
	v28 =	vmul.f32 v28, v28  }
0x14e: {  	v29 =	vmul.f32 v29, v29;
	v19 =	vadd.f32 v24, v19;
	v20 =	vadd.f32 v25, v20  }
0x14f: {  	v30 =	vmul.f32 v30, v30;
	v24 =	vsub.f32 v39, v3;
	v25 =	vsub.f32 v40, v4  }
0x150: {  	v41 =	vmul.f32 v31, v31;
	v42 =	vmul.f32 v32, v32;
	v21 =	vadd.f32 v29, v21  }
0x151: {  	v22 =	vadd.f32 v30, v22;
	v24 =	vmul.f32 v24, v24;
	v25 =	vmul.f32 v25, v25  }
0x152: {  	v23 =	vadd.f32 v41, v23;
	v26 =	vadd.f32 v42, v26  }
0x153: {  	v24 =	vadd.f32 v24, v27;
	v25 =	vadd.f32 v25, v28  }
0x154: {  	v19 =	vadd.f32 v20, v19;
	v43 =	vadd.f32 v22, v21  }
0x155: {  	v44 =	vadd.f32 v26, v23;
	v45 =	vadd.f32 v25, v24;
	_ =	sdelay $0x1  }
0x156: {  	v19 =	vadd.f32 v43, v19;
	v46 =	vadd.f32 v45, v44;
	_ =	sdelay $0x1  }
0x157: {  	v19 =	vadd.f32 v46, v19;
	_ =	sdelay $0x1  }
0x158: {  	[tilespmem:s26+$0xFFFFFF80] =	vst v19  }
0x159: {  	v19 =	vld [tilespmem:s24+$0xFFFFFE00]  }
0x15a: {  	v47 =	vld [tilespmem:s24+$0xFFFFFE10]  }
0x15b: {  	v48 =	vld [tilespmem:s24+$0xFFFFFE20]  }
0x15c: {  	v49 =	vld [tilespmem:s24+$0xFFFFFE30]  }
0x15d: {  	v50 =	vld [tilespmem:s24+$0xFFFFFE40]  }
0x15e: {  	v51 =	vld [tilespmem:s24+$0x200]  }
0x15f: {  	v52 =	vld [tilespmem:s24+$0x210]  }
0x160: {  	v53 =	vld [tilespmem:s24+$0xFFFFFE50]  }
0x161: {  	v54 =	vld [tilespmem:s24+$0xFFFFFE60]  }
0x162: {  	v55 =	vld [tilespmem:s24+$0xFFFFFE70];
	v19 =	vsub.f32 v19, v17  }
0x163: {  	v56 =	vld [tilespmem:s24+$0x220];
	v20 =	vsub.f32 v47, v18;
	v24 =	vsub.f32 v51, v15  }
0x164: {  	v57 =	vld [tilespmem:s24+$0x230];
	v25 =	vsub.f32 v52, v13;
	v21 =	vsub.f32 v48, v16  }
0x165: {  	v58 =	vld [tilespmem:s24+$0x240];
	v22 =	vsub.f32 v49, v14;
	v23 =	vsub.f32 v50, v12  }
0x166: {  	v59 =	vld [tilespmem:s24+$0x250];
	v26 =	vsub.f32 v53, v11;
	v27 =	vsub.f32 v54, v10  }
0x167: {  	v60 =	vld [tilespmem:s24+$0x260];
	v28 =	vsub.f32 v55, v9;
	v19 =	vmul.f32 v19, v19;
	v20 =	vmul.f32 v20, v20  }
0x168: {  	v61 =	vld [tilespmem:s24+$0x270];
	v29 =	vsub.f32 v56, v8;
	v24 =	vmul.f32 v24, v24;
	v25 =	vmul.f32 v25, v25  }
0x169: {  	v30 =	vsub.f32 v57, v7;
	v21 =	vmul.f32 v21, v21;
	v22 =	vmul.f32 v22, v22  }
0x16a: {  	v31 =	vsub.f32 v58, v5;
	v23 =	vmul.f32 v23, v23;
	v26 =	vmul.f32 v26, v26  }
0x16b: {  	v32 =	vsub.f32 v59, v6;
	v27 =	vmul.f32 v27, v27;
	v28 =	vmul.f32 v28, v28  }
0x16c: {  	v29 =	vmul.f32 v29, v29;
	v19 =	vadd.f32 v24, v19;
	v20 =	vadd.f32 v25, v20  }
0x16d: {  	v30 =	vmul.f32 v30, v30;
	v24 =	vsub.f32 v60, v3;
	v25 =	vsub.f32 v61, v4  }
0x16e: {  	v62 =	vmul.f32 v31, v31;
	v63 =	vmul.f32 v32, v32;
	v21 =	vadd.f32 v29, v21  }
0x16f: {  	v22 =	vadd.f32 v30, v22;
	v24 =	vmul.f32 v24, v24;
	v25 =	vmul.f32 v25, v25  }
0x170: {  	v23 =	vadd.f32 v62, v23;
	v26 =	vadd.f32 v63, v26  }
0x171: {  	v24 =	vadd.f32 v24, v27;
	v25 =	vadd.f32 v25, v28  }
0x172: {  	v19 =	vadd.f32 v20, v19;
	v29 =	vadd.f32 v22, v21  }
0x173: {  	v30 =	vadd.f32 v26, v23;
	v31 =	vadd.f32 v25, v24;
	_ =	sdelay $0x1  }
0x174: {  	v19 =	vadd.f32 v29, v19;
	v32 =	vadd.f32 v31, v30;
	_ =	sdelay $0x1  }
0x175: {  	v19 =	vadd.f32 v32, v19;
	_ =	sdelay $0x1  }
0x176: {  	[tilespmem:s26+$0x0] =	vst v19  }
0x177: {  	v19 =	vld [tilespmem:s24+$0xFFFFFE80]  }
0x178: {  	v33 =	vld [tilespmem:s24+$0xFFFFFE90]  }
0x179: {  	v34 =	vld [tilespmem:s24+$0xFFFFFEA0]  }
0x17a: {  	v35 =	vld [tilespmem:s24+$0xFFFFFEB0]  }
0x17b: {  	v36 =	vld [tilespmem:s24+$0xFFFFFEC0]  }
0x17c: {  	v37 =	vld [tilespmem:s24+$0x280]  }
0x17d: {  	v38 =	vld [tilespmem:s24+$0x290]  }
0x17e: {  	v39 =	vld [tilespmem:s24+$0xFFFFFED0]  }
0x17f: {  	v40 =	vld [tilespmem:s24+$0xFFFFFEE0]  }
0x180: {  	v41 =	vld [tilespmem:s24+$0xFFFFFEF0];
	v19 =	vsub.f32 v19, v17  }
0x181: {  	v42 =	vld [tilespmem:s24+$0x2A0];
	v20 =	vsub.f32 v33, v18;
	v24 =	vsub.f32 v37, v15  }
0x182: {  	v43 =	vld [tilespmem:s24+$0x2B0];
	v25 =	vsub.f32 v38, v13;
	v21 =	vsub.f32 v34, v16  }
0x183: {  	v44 =	vld [tilespmem:s24+$0x2C0];
	v22 =	vsub.f32 v35, v14;
	v23 =	vsub.f32 v36, v12  }
0x184: {  	v45 =	vld [tilespmem:s24+$0x2D0];
	v26 =	vsub.f32 v39, v11;
	v27 =	vsub.f32 v40, v10  }
0x185: {  	v46 =	vld [tilespmem:s24+$0x2E0];
	v28 =	vsub.f32 v41, v9;
	v19 =	vmul.f32 v19, v19;
	v20 =	vmul.f32 v20, v20  }
0x186: {  	v47 =	vld [tilespmem:s24+$0x2F0];
	v29 =	vsub.f32 v42, v8;
	v24 =	vmul.f32 v24, v24;
	v25 =	vmul.f32 v25, v25  }
0x187: {  	v30 =	vsub.f32 v43, v7;
	v21 =	vmul.f32 v21, v21;
	v22 =	vmul.f32 v22, v22  }
0x188: {  	v31 =	vsub.f32 v44, v5;
	v23 =	vmul.f32 v23, v23;
	v26 =	vmul.f32 v26, v26  }
0x189: {  	v32 =	vsub.f32 v45, v6;
	v27 =	vmul.f32 v27, v27;
	v28 =	vmul.f32 v28, v28  }
0x18a: {  	v29 =	vmul.f32 v29, v29;
	v19 =	vadd.f32 v24, v19;
	v20 =	vadd.f32 v25, v20  }
0x18b: {  	v30 =	vmul.f32 v30, v30;
	v24 =	vsub.f32 v46, v3;
	v25 =	vsub.f32 v47, v4  }
0x18c: {  	v48 =	vmul.f32 v31, v31;
	v49 =	vmul.f32 v32, v32;
	v21 =	vadd.f32 v29, v21  }
0x18d: {  	v22 =	vadd.f32 v30, v22;
	v24 =	vmul.f32 v24, v24;
	v25 =	vmul.f32 v25, v25  }
0x18e: {  	v23 =	vadd.f32 v48, v23;
	v26 =	vadd.f32 v49, v26  }
0x18f: {  	v24 =	vadd.f32 v24, v27;
	v25 =	vadd.f32 v25, v28  }
0x190: {  	v19 =	vadd.f32 v20, v19;
	v50 =	vadd.f32 v22, v21  }
0x191: {  	v51 =	vadd.f32 v26, v23;
	v52 =	vadd.f32 v25, v24;
	_ =	sdelay $0x1  }
0x192: {  	v19 =	vadd.f32 v50, v19;
	v53 =	vadd.f32 v52, v51;
	_ =	sdelay $0x1  }
0x193: {  	v19 =	vadd.f32 v53, v19;
	_ =	sdelay $0x1  }
0x194: {  	[tilespmem:s26+$0x80] =	vst v19  }
0x195: {  	v19 =	vld [tilespmem:s24+$0xFFFFFF00]  }
0x196: {  	v54 =	vld [tilespmem:s24+$0xFFFFFF10]  }
0x197: {  	v55 =	vld [tilespmem:s24+$0xFFFFFF20]  }
0x198: {  	v56 =	vld [tilespmem:s24+$0xFFFFFF30]  }
0x199: {  	v57 =	vld [tilespmem:s24+$0xFFFFFF40]  }
0x19a: {  	v58 =	vld [tilespmem:s24+$0x300]  }
0x19b: {  	v59 =	vld [tilespmem:s24+$0x310]  }
0x19c: {  	v60 =	vld [tilespmem:s24+$0xFFFFFF50]  }
0x19d: {  	v61 =	vld [tilespmem:s24+$0xFFFFFF60]  }
0x19e: {  	v62 =	vld [tilespmem:s24+$0xFFFFFF70];
	v19 =	vsub.f32 v19, v17  }
0x19f: {  	v63 =	vld [tilespmem:s24+$0x320];
	v20 =	vsub.f32 v54, v18;
	v24 =	vsub.f32 v58, v15  }
0x1a0: {  	v36 =	vld [tilespmem:s24+$0x330];
	v25 =	vsub.f32 v59, v13;
	v21 =	vsub.f32 v55, v16  }
0x1a1: {  	v37 =	vld [tilespmem:s24+$0x340];
	v22 =	vsub.f32 v56, v14;
	v23 =	vsub.f32 v57, v12  }
0x1a2: {  	v38 =	vld [tilespmem:s24+$0x350];
	v26 =	vsub.f32 v60, v11;
	v27 =	vsub.f32 v61, v10  }
0x1a3: {  	v39 =	vld [tilespmem:s24+$0x360];
	v28 =	vsub.f32 v62, v9;
	v19 =	vmul.f32 v19, v19;
	v20 =	vmul.f32 v20, v20  }
0x1a4: {  	v40 =	vld [tilespmem:s24+$0x370];
	v29 =	vsub.f32 v63, v8;
	v24 =	vmul.f32 v24, v24;
	v25 =	vmul.f32 v25, v25  }
0x1a5: {  	v30 =	vsub.f32 v36, v7;
	v21 =	vmul.f32 v21, v21;
	v22 =	vmul.f32 v22, v22  }
0x1a6: {  	v31 =	vsub.f32 v37, v5;
	v23 =	vmul.f32 v23, v23;
	v26 =	vmul.f32 v26, v26  }
0x1a7: {  	v32 =	vsub.f32 v38, v6;
	v27 =	vmul.f32 v27, v27;
	v28 =	vmul.f32 v28, v28  }
0x1a8: {  	v29 =	vmul.f32 v29, v29;
	v19 =	vadd.f32 v24, v19;
	v20 =	vadd.f32 v25, v20  }
0x1a9: {  	v30 =	vmul.f32 v30, v30;
	v24 =	vsub.f32 v39, v3;
	v25 =	vsub.f32 v40, v4  }
0x1aa: {  	v41 =	vmul.f32 v31, v31;
	v42 =	vmul.f32 v32, v32;
	v21 =	vadd.f32 v29, v21  }
0x1ab: {  	v22 =	vadd.f32 v30, v22;
	v24 =	vmul.f32 v24, v24;
	v25 =	vmul.f32 v25, v25  }
0x1ac: {  	v23 =	vadd.f32 v41, v23;
	v26 =	vadd.f32 v42, v26  }
0x1ad: {  	v24 =	vadd.f32 v24, v27;
	v25 =	vadd.f32 v25, v28  }
0x1ae: {  	v19 =	vadd.f32 v20, v19;
	v43 =	vadd.f32 v22, v21  }
0x1af: {  	v44 =	vadd.f32 v26, v23;
	v45 =	vadd.f32 v25, v24;
	_ =	sdelay $0x1  }
0x1b0: {  	v19 =	vadd.f32 v43, v19;
	v46 =	vadd.f32 v45, v44;
	_ =	sdelay $0x1  }
0x1b1: {  	v19 =	vadd.f32 v46, v19;
	_ =	sdelay $0x1  }
0x1b2: {  	[tilespmem:s26+$0x100] =	vst v19  }
0x1b3: {  	v19 =	vld [tilespmem:s24+$0xFFFFFF80]  }
0x1b4: {  	v47 =	vld [tilespmem:s24+$0xFFFFFF90]  }
0x1b5: {  	v48 =	vld [tilespmem:s24+$0xFFFFFFA0]  }
0x1b6: {  	v49 =	vld [tilespmem:s24+$0xFFFFFFB0]  }
0x1b7: {  	v50 =	vld [tilespmem:s24+$0xFFFFFFC0]  }
0x1b8: {  	v51 =	vld [tilespmem:s24+$0xFFFFFFD0]  }
0x1b9: {  	v52 =	vld [tilespmem:s24+$0xFFFFFFE0]  }
0x1ba: {  	v54 =	vld [tilespmem:s24+$0x380]  }
0x1bb: {  	v55 =	vld [tilespmem:s24+$0x390]  }
0x1bc: {  	v53 =	vld [tilespmem:s24+$0xFFFFFFF0];
	v17 =	vsub.f32 v19, v17  }
0x1bd: {  	v56 =	vld [tilespmem:s24+$0x3A0];
	v18 =	vsub.f32 v47, v18;
	v16 =	vsub.f32 v48, v16  }
0x1be: {  	v57 =	vld [tilespmem:s24+$0x3B0];
	v14 =	vsub.f32 v49, v14;
	v12 =	vsub.f32 v50, v12  }
0x1bf: {  	v58 =	vld [tilespmem:s24+$0x3C0];
	v15 =	vsub.f32 v54, v15;
	v11 =	vsub.f32 v51, v11  }
0x1c0: {  	v59 =	vld [tilespmem:s24+$0x3D0];
	v13 =	vsub.f32 v55, v13;
	v10 =	vsub.f32 v52, v10  }
0x1c1: {  	v60 =	vld [tilespmem:s24+$0x3E0];
	v9 =	vsub.f32 v53, v9;
	v17 =	vmul.f32 v17, v17;
	v18 =	vmul.f32 v18, v18  }
0x1c2: {  	v61 =	vld [tilespmem:s24+$0x3F0];
	v8 =	vsub.f32 v56, v8;
	v16 =	vmul.f32 v16, v16;
	v14 =	vmul.f32 v14, v14  }
0x1c3: {  	v7 =	vsub.f32 v57, v7;
	v12 =	vmul.f32 v12, v12;
	v15 =	vmul.f32 v15, v15  }
0x1c4: {  	v5 =	vsub.f32 v58, v5;
	v11 =	vmul.f32 v11, v11;
	v13 =	vmul.f32 v13, v13  }
0x1c5: {  	v6 =	vsub.f32 v59, v6;
	v10 =	vmul.f32 v10, v10;
	v9 =	vmul.f32 v9, v9  }
0x1c6: {  	v3 =	vsub.f32 v60, v3;
	v8 =	vmul.f32 v8, v8;
	v7 =	vmul.f32 v7, v7  }
0x1c7: {  	v4 =	vsub.f32 v61, v4;
	v5 =	vmul.f32 v5, v5;
	v6 =	vmul.f32 v6, v6  }
0x1c8: {  	v3 =	vmul.f32 v3, v3;
	v15 =	vadd.f32 v15, v17;
	v13 =	vadd.f32 v13, v18  }
0x1c9: {  	v4 =	vmul.f32 v4, v4;
	v8 =	vadd.f32 v8, v16;
	v7 =	vadd.f32 v7, v14  }
0x1ca: {  	v5 =	vadd.f32 v5, v12;
	v6 =	vadd.f32 v6, v11  }
0x1cb: {  	v3 =	vadd.f32 v3, v10;
	v4 =	vadd.f32 v4, v9  }
0x1cc: {  	v62 =	vadd.f32 v13, v15;
	v7 =	vadd.f32 v7, v8  }
0x1cd: {  	v5 =	vadd.f32 v6, v5;
	v3 =	vadd.f32 v4, v3  }
0x1ce: {  	p1 =	sne.s32 s28, $0xF00  }
.Ltmp0:
0x1cf: {  	v63 =	vadd.f32 v7, v62;
	v3 =	vadd.f32 v3, v5;
	(pc) =	sbr.rel @p1 .LBB2_3-.Ltmp0, $4  }
0x1d0: {  	_ = 	snop  }
0x1d1: {  	v3 =	vadd.f32 v3, v63  }
0x1d2: {  	s25 =	sadd.s32 $0x80, s25  }
0x1d3: {  	s28 =	sadd.s32 $0x100, s28;
	s24 =	sadd.s32 $0x800, s24;
	[tilespmem:s26+$0x180] =	vst v3;
	s26 =	sadd.s32 $0x400, s26  }
0x1d4: {  	p1 =	seq.s32 s22, $0xF  }
.Ltmp1:
0x1d5: {  	_ = 	snop;
	(pc) =	sbr.rel @p1 .LBB2_6-.Ltmp1, $4  }
0x1d6: {  	_ = 	snop  }
0x1d7: {  	s24 =	sshll.u32 s22, $0xC  }
0x1d8: {  	s24 =	sadd.s32 s24, s6  }
0x1d9: {  	[hbm4b:s24+s3] =	stream.linear.scatter [tilespmem:s18], [sflag:$0x5], $0x4000, $0x38;
	[tilespmem:$0x1B000] =	vst v63  }
0x1da: {  	s24 =	sshll.u32 s22, $0xA  }
0x1db: {  	s24 =	sadd.s32 $0x400, s24  }
0x1dc: {  	s25 =	sshrl.u32 s24, $0x2  }
0x1dd: {  	v3 =	vld [tilespmem:s25+$0x0];
	_ =	sdelay $0x4  }
0x1de: {  	v4 =	vshll.u32 v3, $0x1  }
0x1df: {  	v3 =	vand.u32 $0x7, v3;
	v4 =	vand.u32 $0xFFFFFFF0, v4  }
0x1e0: {  	v3 =	vor.u32 v3, v4  }
0x1e1: {  	v4 =	vperm.xlane v3, v0;
	_ =	sdelay $0x1  }
0x1e2: {  	v3 =	vperm.xlane v3, v2;
	v4 =	vadd.s32 v1, v4;
	_ =	sdelay $0x1  }
0x1e3: {  	v3 =	vadd.s32 v1, v3;
	_ =	sdelay $0x1  }
0x1e4: {  	s26 =	simm.s32 $0x1000  }
0x1e5: {  	[tilespmem:s26], [sflag:$0x1] =	stream.indirect_vreg.gather [hbm4b:s1+s3], $0x80, v4, vm0, $0xb8;
	[tilespmem:$0x1B000] =	vst v63  }
0x1e6: {  	s30 =	simm.s32 $0x1800  }
0x1e7: {  	[tilespmem:s30], [sflag:$0x1] =	stream.indirect_vreg.gather [hbm4b:s1+s3], $0x80, v3, vm0, $0xb8;
	[tilespmem:$0x1B000] =	vst v63  }
0x1e8: {  	v3 =	vld [tilespmem:s25+$0x10];
	_ =	sdelay $0x4  }
0x1e9: {  	v57 =	vshll.u32 v3, $0x1  }
0x1ea: {  	v3 =	vand.u32 $0x7, v3;
	v4 =	vand.u32 $0xFFFFFFF0, v57  }
0x1eb: {  	v3 =	vor.u32 v3, v4  }
0x1ec: {  	v4 =	vperm.xlane v3, v0;
	_ =	sdelay $0x1  }
0x1ed: {  	v3 =	vperm.xlane v3, v2;
	v4 =	vadd.s32 v1, v4;
	_ =	sdelay $0x1  }
0x1ee: {  	v3 =	vadd.s32 v1, v3;
	_ =	sdelay $0x1  }
0x1ef: {  	s28 =	simm.s32 $0x2000  }
0x1f0: {  	[tilespmem:s28], [sflag:$0x1] =	stream.indirect_vreg.gather [hbm4b:s1+s3], $0x80, v4, vm0, $0xb8;
	[tilespmem:$0x1B000] =	vst v63  }
0x1f1: {  	s29 =	simm.s32 $0x2800  }
0x1f2: {  	[tilespmem:s29], [sflag:$0x1] =	stream.indirect_vreg.gather [hbm4b:s1+s3], $0x80, v3, vm0, $0xb8;
	[tilespmem:$0x1B000] =	vst v63  }
0x1f3: {  	v3 =	vld [tilespmem:s25+$0x20];
	_ =	sdelay $0x4  }
0x1f4: {  	v58 =	vshll.u32 v3, $0x1  }
0x1f5: {  	v3 =	vand.u32 $0x7, v3;
	v4 =	vand.u32 $0xFFFFFFF0, v58  }
0x1f6: {  	v3 =	vor.u32 v3, v4  }
0x1f7: {  	v4 =	vperm.xlane v3, v0;
	_ =	sdelay $0x1  }
0x1f8: {  	v3 =	vperm.xlane v3, v2;
	v4 =	vadd.s32 v1, v4;
	_ =	sdelay $0x1  }
0x1f9: {  	v3 =	vadd.s32 v1, v3;
	_ =	sdelay $0x1  }
0x1fa: {  	s30 =	simm.s32 $0x3000  }
0x1fb: {  	[tilespmem:s30], [sflag:$0x1] =	stream.indirect_vreg.gather [hbm4b:s1+s3], $0x80, v4, vm0, $0xb8;
	[tilespmem:$0x1B000] =	vst v63  }
0x1fc: {  	s28 =	simm.s32 $0x3800  }
0x1fd: {  	[tilespmem:s28], [sflag:$0x1] =	stream.indirect_vreg.gather [hbm4b:s1+s3], $0x80, v3, vm0, $0xb8;
	[tilespmem:$0x1B000] =	vst v63  }
0x1fe: {  	v3 =	vld [tilespmem:s25+$0x30];
	_ =	sdelay $0x4  }
0x1ff: {  	v59 =	vshll.u32 v3, $0x1  }
0x200: {  	v3 =	vand.u32 $0x7, v3;
	v4 =	vand.u32 $0xFFFFFFF0, v59  }
0x201: {  	v3 =	vor.u32 v3, v4  }
0x202: {  	v4 =	vperm.xlane v3, v0;
	_ =	sdelay $0x1  }
0x203: {  	v3 =	vperm.xlane v3, v2;
	v4 =	vadd.s32 v1, v4;
	_ =	sdelay $0x1  }
0x204: {  	v3 =	vadd.s32 v1, v3;
	_ =	sdelay $0x1  }
0x205: {  	s29 =	simm.s32 $0x4000  }
0x206: {  	[tilespmem:s29], [sflag:$0x1] =	stream.indirect_vreg.gather [hbm4b:s1+s3], $0x80, v4, vm0, $0xb8;
	[tilespmem:$0x1B000] =	vst v63  }
0x207: {  	s30 =	simm.s32 $0x4800  }
0x208: {  	[tilespmem:s30], [sflag:$0x1] =	stream.indirect_vreg.gather [hbm4b:s1+s3], $0x80, v3, vm0, $0xb8;
	[tilespmem:$0x1B000] =	vst v63  }
0x209: {  	v3 =	vld [tilespmem:s25+$0x40];
	_ =	sdelay $0x4  }
0x20a: {  	v60 =	vshll.u32 v3, $0x1  }
0x20b: {  	v3 =	vand.u32 $0x7, v3;
	v4 =	vand.u32 $0xFFFFFFF0, v60  }
0x20c: {  	v3 =	vor.u32 v3, v4  }
0x20d: {  	v4 =	vperm.xlane v3, v0;
	_ =	sdelay $0x1  }
0x20e: {  	v3 =	vperm.xlane v3, v2;
	v4 =	vadd.s32 v1, v4;
	_ =	sdelay $0x1  }
0x20f: {  	v3 =	vadd.s32 v1, v3;
	_ =	sdelay $0x1  }
0x210: {  	s28 =	simm.s32 $0x5000  }
0x211: {  	[tilespmem:s28], [sflag:$0x1] =	stream.indirect_vreg.gather [hbm4b:s1+s3], $0x80, v4, vm0, $0xb8;
	[tilespmem:$0x1B000] =	vst v63  }
0x212: {  	s29 =	simm.s32 $0x5800  }
0x213: {  	[tilespmem:s29], [sflag:$0x1] =	stream.indirect_vreg.gather [hbm4b:s1+s3], $0x80, v3, vm0, $0xb8;
	[tilespmem:$0x1B000] =	vst v63  }
0x214: {  	v3 =	vld [tilespmem:s25+$0x50];
	_ =	sdelay $0x4  }
0x215: {  	v61 =	vshll.u32 v3, $0x1  }
0x216: {  	v3 =	vand.u32 $0x7, v3;
	v4 =	vand.u32 $0xFFFFFFF0, v61  }
0x217: {  	v3 =	vor.u32 v3, v4  }
0x218: {  	v4 =	vperm.xlane v3, v0;
	_ =	sdelay $0x1  }
0x219: {  	v3 =	vperm.xlane v3, v2;
	v4 =	vadd.s32 v1, v4;
	_ =	sdelay $0x1  }
0x21a: {  	v3 =	vadd.s32 v1, v3;
	_ =	sdelay $0x1  }
0x21b: {  	s30 =	simm.s32 $0x6000  }
0x21c: {  	[tilespmem:s30], [sflag:$0x1] =	stream.indirect_vreg.gather [hbm4b:s1+s3], $0x80, v4, vm0, $0xb8;
	[tilespmem:$0x1B000] =	vst v63  }
0x21d: {  	s28 =	simm.s32 $0x6800  }
0x21e: {  	[tilespmem:s28], [sflag:$0x1] =	stream.indirect_vreg.gather [hbm4b:s1+s3], $0x80, v3, vm0, $0xb8;
	[tilespmem:$0x1B000] =	vst v63  }
0x21f: {  	v3 =	vld [tilespmem:s25+$0x60];
	_ =	sdelay $0x4  }
0x220: {  	v62 =	vshll.u32 v3, $0x1  }
0x221: {  	v3 =	vand.u32 $0x7, v3;
	v4 =	vand.u32 $0xFFFFFFF0, v62  }
0x222: {  	v3 =	vor.u32 v3, v4  }
0x223: {  	v4 =	vperm.xlane v3, v0;
	_ =	sdelay $0x1  }
0x224: {  	v3 =	vperm.xlane v3, v2;
	v4 =	vadd.s32 v1, v4;
	_ =	sdelay $0x1  }
0x225: {  	v3 =	vadd.s32 v1, v3;
	_ =	sdelay $0x1  }
0x226: {  	s29 =	simm.s32 $0x7000  }
0x227: {  	[tilespmem:s29], [sflag:$0x1] =	stream.indirect_vreg.gather [hbm4b:s1+s3], $0x80, v4, vm0, $0xb8;
	[tilespmem:$0x1B000] =	vst v63  }
0x228: {  	s30 =	simm.s32 $0x7800  }
0x229: {  	[tilespmem:s30], [sflag:$0x1] =	stream.indirect_vreg.gather [hbm4b:s1+s3], $0x80, v3, vm0, $0xb8;
	[tilespmem:$0x1B000] =	vst v63  }
0x22a: {  	v3 =	vld [tilespmem:s25+$0x70];
	_ =	sdelay $0x4  }
0x22b: {  	v63 =	vshll.u32 v3, $0x1  }
0x22c: {  	v3 =	vand.u32 $0x7, v3;
	v4 =	vand.u32 $0xFFFFFFF0, v63  }
0x22d: {  	v3 =	vor.u32 v3, v4  }
0x22e: {  	v4 =	vperm.xlane v3, v0;
	_ =	sdelay $0x1  }
0x22f: {  	v3 =	vperm.xlane v3, v2;
	v4 =	vadd.s32 v1, v4;
	_ =	sdelay $0x1  }
0x230: {  	v3 =	vadd.s32 v1, v3;
	_ =	sdelay $0x1  }
0x231: {  	s28 =	simm.s32 $0x8000  }
0x232: {  	[tilespmem:s28], [sflag:$0x1] =	stream.indirect_vreg.gather [hbm4b:s1+s3], $0x80, v4, vm0, $0xb8;
	[tilespmem:$0x1B000] =	vst v63  }
0x233: {  	s29 =	simm.s32 $0x8800  }
0x234: {  	[tilespmem:s29], [sflag:$0x1] =	stream.indirect_vreg.gather [hbm4b:s1+s3], $0x80, v3, vm0, $0xb8;
	[tilespmem:$0x1B000] =	vst v63  }
0x235: {  	s24 =	sadd.s32 s24, s5;
	s30 =	simm.s32 $0x11000  }
0x236: {  	[tilespmem:s30], [sflag:$0x3] =	stream.linear.gather [hbm4b:s24+s3], $0x1000, $0x38;
	[tilespmem:$0x1B000] =	vst v63  }
.LBB2_6:
0x237: {  	_ =	swait.ge [sflag:s19], $0x8000  }
0x238: {  	[sflag:s19] =	ssyncset.done $0x0  }
0x239: {  	[sflag:s19] =	ssyncadd.s32 $0xFFFF8000  }
0x23a: {  	_ =	swait.ge [sflag:s20], $0x1000  }
0x23b: {  	[sflag:s20] =	ssyncset.done $0x0  }
0x23c: {  	s24 =	simm.s32 @!p0 $0x6;
	[sflag:s20] =	ssyncadd.s32 $0xFFFFF000  }
0x23d: {  	_ =	swait.ge @!p0 [sflag:s24], $0x4000  }
0x23e: {  	s25 =	simm.s32 $0x0;
	s26 =	simm.s32 $0x0;
	[sflag:s24] =	ssyncset.done @!p0 $0x0  }
0x23f: {  	s28 =	simm.s32 $0x0;
	[sflag:s24] =	ssyncadd.s32 @!p0 $0xFFFFC000;
	s24 =	simm.s32 $0x17380  }
.LBB2_7:
0x240: {  	s29 =	sand.u32 $0x800, s25;
	s30 =	sand.u32 $0x380, s26  }
0x241: {  	s30 =	sor.u32 s30, s29  }
0x242: {  	v17 =	vld [tilespmem:s30+$0x12000]  }
0x243: {  	v18 =	vld [tilespmem:s30+$0x12010]  }
0x244: {  	v15 =	vld [tilespmem:s30+$0x12020]  }
0x245: {  	v13 =	vld [tilespmem:s30+$0x12030]  }
0x246: {  	v12 =	vld [tilespmem:s30+$0x12040]  }
0x247: {  	v11 =	vld [tilespmem:s30+$0x12050]  }
0x248: {  	s29 =	sor.u32 s29, s26;
	v10 =	vld [tilespmem:s30+$0x12060]  }
0x249: {  	v8 =	vld [tilespmem:s30+$0x12070];
	s29 =	sor.u32 $0x1400, s29  }
0x24a: {  	v16 =	vld [tilespmem:s29+$0x11000]  }
0x24b: {  	v14 =	vld [tilespmem:s29+$0x11010]  }
0x24c: {  	v9 =	vld [tilespmem:s29+$0x11020]  }
0x24d: {  	v7 =	vld [tilespmem:s29+$0x11030]  }
0x24e: {  	v5 =	vld [tilespmem:s29+$0x11040]  }
0x24f: {  	v6 =	vld [tilespmem:s29+$0x11050]  }
0x250: {  	v3 =	vld [tilespmem:s29+$0x11060]  }
0x251: {  	s30 =	sshra.s32 s28, $0x2;
	v4 =	vld [tilespmem:s29+$0x11070]  }
0x252: {  	v19 =	vld [tilespmem:s30+$0x9000]  }
0x253: {  	v20 =	vld [tilespmem:s30+$0x9010]  }
0x254: {  	v21 =	vld [tilespmem:s30+$0x9020]  }
0x255: {  	v22 =	vld [tilespmem:s30+$0x9030]  }
0x256: {  	v23 =	vld [tilespmem:s30+$0x9040]  }
0x257: {  	v24 =	vld [tilespmem:s30+$0x9400]  }
0x258: {  	v25 =	vld [tilespmem:s30+$0x9410]  }
0x259: {  	v26 =	vld [tilespmem:s30+$0x9050]  }
0x25a: {  	v27 =	vld [tilespmem:s30+$0x9060]  }
0x25b: {  	v28 =	vld [tilespmem:s30+$0x9070];
	v19 =	vsub.f32 v19, v17  }
0x25c: {  	v29 =	vld [tilespmem:s30+$0x9420];
	v20 =	vsub.f32 v20, v18;
	v24 =	vsub.f32 v24, v16  }
0x25d: {  	v30 =	vld [tilespmem:s30+$0x9430];
	v25 =	vsub.f32 v25, v14;
	v21 =	vsub.f32 v21, v15  }
0x25e: {  	v31 =	vld [tilespmem:s30+$0x9440];
	v22 =	vsub.f32 v22, v13;
	v23 =	vsub.f32 v23, v12  }
0x25f: {  	v32 =	vld [tilespmem:s30+$0x9450];
	v26 =	vsub.f32 v26, v11;
	v27 =	vsub.f32 v27, v10  }
0x260: {  	v39 =	vld [tilespmem:s30+$0x9460];
	v28 =	vsub.f32 v28, v8;
	v19 =	vmul.f32 v19, v19;
	v20 =	vmul.f32 v20, v20  }
0x261: {  	v40 =	vld [tilespmem:s30+$0x9470];
	v29 =	vsub.f32 v29, v9;
	v24 =	vmul.f32 v24, v24;
	v25 =	vmul.f32 v25, v25  }
0x262: {  	v30 =	vsub.f32 v30, v7;
	v21 =	vmul.f32 v21, v21;
	v22 =	vmul.f32 v22, v22  }
0x263: {  	v31 =	vsub.f32 v31, v5;
	v23 =	vmul.f32 v23, v23;
	v26 =	vmul.f32 v26, v26  }
0x264: {  	v32 =	vsub.f32 v32, v6;
	v27 =	vmul.f32 v27, v27;
	v28 =	vmul.f32 v28, v28  }
0x265: {  	v29 =	vmul.f32 v29, v29;
	v19 =	vadd.f32 v24, v19;
	v20 =	vadd.f32 v25, v20  }
0x266: {  	v30 =	vmul.f32 v30, v30;
	v24 =	vsub.f32 v39, v3;
	v25 =	vsub.f32 v40, v4  }
0x267: {  	v41 =	vmul.f32 v31, v31;
	v42 =	vmul.f32 v32, v32;
	v21 =	vadd.f32 v29, v21  }
0x268: {  	v22 =	vadd.f32 v30, v22;
	v24 =	vmul.f32 v24, v24;
	v25 =	vmul.f32 v25, v25  }
0x269: {  	v23 =	vadd.f32 v41, v23;
	v26 =	vadd.f32 v42, v26  }
0x26a: {  	v24 =	vadd.f32 v24, v27;
	v25 =	vadd.f32 v25, v28  }
0x26b: {  	v19 =	vadd.f32 v20, v19;
	v43 =	vadd.f32 v22, v21  }
0x26c: {  	v44 =	vadd.f32 v26, v23;
	v45 =	vadd.f32 v25, v24;
	_ =	sdelay $0x1  }
0x26d: {  	v19 =	vadd.f32 v43, v19;
	v46 =	vadd.f32 v45, v44;
	_ =	sdelay $0x1  }
0x26e: {  	v19 =	vadd.f32 v46, v19;
	_ =	sdelay $0x1  }
0x26f: {  	[tilespmem:s24+$0xFFFFFC80] =	vst v19  }
0x270: {  	v19 =	vld [tilespmem:s30+$0x9080]  }
0x271: {  	v47 =	vld [tilespmem:s30+$0x9090]  }
0x272: {  	v48 =	vld [tilespmem:s30+$0x90A0]  }
0x273: {  	v49 =	vld [tilespmem:s30+$0x90B0]  }
0x274: {  	v50 =	vld [tilespmem:s30+$0x90C0]  }
0x275: {  	v51 =	vld [tilespmem:s30+$0x9480]  }
0x276: {  	v52 =	vld [tilespmem:s30+$0x9490]  }
0x277: {  	v53 =	vld [tilespmem:s30+$0x90D0]  }
0x278: {  	v54 =	vld [tilespmem:s30+$0x90E0]  }
0x279: {  	v55 =	vld [tilespmem:s30+$0x90F0];
	v19 =	vsub.f32 v19, v17  }
0x27a: {  	v56 =	vld [tilespmem:s30+$0x94A0];
	v20 =	vsub.f32 v47, v18;
	v24 =	vsub.f32 v51, v16  }
0x27b: {  	v57 =	vld [tilespmem:s30+$0x94B0];
	v25 =	vsub.f32 v52, v14;
	v21 =	vsub.f32 v48, v15  }
0x27c: {  	v58 =	vld [tilespmem:s30+$0x94C0];
	v22 =	vsub.f32 v49, v13;
	v23 =	vsub.f32 v50, v12  }
0x27d: {  	v59 =	vld [tilespmem:s30+$0x94D0];
	v26 =	vsub.f32 v53, v11;
	v27 =	vsub.f32 v54, v10  }
0x27e: {  	v60 =	vld [tilespmem:s30+$0x94E0];
	v28 =	vsub.f32 v55, v8;
	v19 =	vmul.f32 v19, v19;
	v20 =	vmul.f32 v20, v20  }
0x27f: {  	v61 =	vld [tilespmem:s30+$0x94F0];
	v29 =	vsub.f32 v56, v9;
	v24 =	vmul.f32 v24, v24;
	v25 =	vmul.f32 v25, v25  }
0x280: {  	v30 =	vsub.f32 v57, v7;
	v21 =	vmul.f32 v21, v21;
	v22 =	vmul.f32 v22, v22  }
0x281: {  	v31 =	vsub.f32 v58, v5;
	v23 =	vmul.f32 v23, v23;
	v26 =	vmul.f32 v26, v26  }
0x282: {  	v32 =	vsub.f32 v59, v6;
	v27 =	vmul.f32 v27, v27;
	v28 =	vmul.f32 v28, v28  }
0x283: {  	v29 =	vmul.f32 v29, v29;
	v19 =	vadd.f32 v24, v19;
	v20 =	vadd.f32 v25, v20  }
0x284: {  	v30 =	vmul.f32 v30, v30;
	v24 =	vsub.f32 v60, v3;
	v25 =	vsub.f32 v61, v4  }
0x285: {  	v62 =	vmul.f32 v31, v31;
	v63 =	vmul.f32 v32, v32;
	v21 =	vadd.f32 v29, v21  }
0x286: {  	v22 =	vadd.f32 v30, v22;
	v24 =	vmul.f32 v24, v24;
	v25 =	vmul.f32 v25, v25  }
0x287: {  	v23 =	vadd.f32 v62, v23;
	v26 =	vadd.f32 v63, v26  }
0x288: {  	v24 =	vadd.f32 v24, v27;
	v25 =	vadd.f32 v25, v28  }
0x289: {  	v19 =	vadd.f32 v20, v19;
	v29 =	vadd.f32 v22, v21  }
0x28a: {  	v30 =	vadd.f32 v26, v23;
	v31 =	vadd.f32 v25, v24;
	_ =	sdelay $0x1  }
0x28b: {  	v19 =	vadd.f32 v29, v19;
	v32 =	vadd.f32 v31, v30;
	_ =	sdelay $0x1  }
0x28c: {  	v19 =	vadd.f32 v32, v19;
	_ =	sdelay $0x1  }
0x28d: {  	[tilespmem:s24+$0xFFFFFD00] =	vst v19  }
0x28e: {  	v19 =	vld [tilespmem:s30+$0x9100]  }
0x28f: {  	v33 =	vld [tilespmem:s30+$0x9110]  }
0x290: {  	v34 =	vld [tilespmem:s30+$0x9120]  }
0x291: {  	v35 =	vld [tilespmem:s30+$0x9130]  }
0x292: {  	v36 =	vld [tilespmem:s30+$0x9140]  }
0x293: {  	v37 =	vld [tilespmem:s30+$0x9500]  }
0x294: {  	v38 =	vld [tilespmem:s30+$0x9510]  }
0x295: {  	v39 =	vld [tilespmem:s30+$0x9150]  }
0x296: {  	v40 =	vld [tilespmem:s30+$0x9160]  }
0x297: {  	v41 =	vld [tilespmem:s30+$0x9170];
	v19 =	vsub.f32 v19, v17  }
0x298: {  	v42 =	vld [tilespmem:s30+$0x9520];
	v20 =	vsub.f32 v33, v18;
	v24 =	vsub.f32 v37, v16  }
0x299: {  	v43 =	vld [tilespmem:s30+$0x9530];
	v25 =	vsub.f32 v38, v14;
	v21 =	vsub.f32 v34, v15  }
0x29a: {  	v44 =	vld [tilespmem:s30+$0x9540];
	v22 =	vsub.f32 v35, v13;
	v23 =	vsub.f32 v36, v12  }
0x29b: {  	v45 =	vld [tilespmem:s30+$0x9550];
	v26 =	vsub.f32 v39, v11;
	v27 =	vsub.f32 v40, v10  }
0x29c: {  	v46 =	vld [tilespmem:s30+$0x9560];
	v28 =	vsub.f32 v41, v8;
	v19 =	vmul.f32 v19, v19;
	v20 =	vmul.f32 v20, v20  }
0x29d: {  	v47 =	vld [tilespmem:s30+$0x9570];
	v29 =	vsub.f32 v42, v9;
	v24 =	vmul.f32 v24, v24;
	v25 =	vmul.f32 v25, v25  }
0x29e: {  	v30 =	vsub.f32 v43, v7;
	v21 =	vmul.f32 v21, v21;
	v22 =	vmul.f32 v22, v22  }
0x29f: {  	v31 =	vsub.f32 v44, v5;
	v23 =	vmul.f32 v23, v23;
	v26 =	vmul.f32 v26, v26  }
0x2a0: {  	v32 =	vsub.f32 v45, v6;
	v27 =	vmul.f32 v27, v27;
	v28 =	vmul.f32 v28, v28  }
0x2a1: {  	v29 =	vmul.f32 v29, v29;
	v19 =	vadd.f32 v24, v19;
	v20 =	vadd.f32 v25, v20  }
0x2a2: {  	v30 =	vmul.f32 v30, v30;
	v24 =	vsub.f32 v46, v3;
	v25 =	vsub.f32 v47, v4  }
0x2a3: {  	v48 =	vmul.f32 v31, v31;
	v49 =	vmul.f32 v32, v32;
	v21 =	vadd.f32 v29, v21  }
0x2a4: {  	v22 =	vadd.f32 v30, v22;
	v24 =	vmul.f32 v24, v24;
	v25 =	vmul.f32 v25, v25  }
0x2a5: {  	v23 =	vadd.f32 v48, v23;
	v26 =	vadd.f32 v49, v26  }
0x2a6: {  	v24 =	vadd.f32 v24, v27;
	v25 =	vadd.f32 v25, v28  }
0x2a7: {  	v19 =	vadd.f32 v20, v19;
	v50 =	vadd.f32 v22, v21  }
0x2a8: {  	v51 =	vadd.f32 v26, v23;
	v52 =	vadd.f32 v25, v24;
	_ =	sdelay $0x1  }
0x2a9: {  	v19 =	vadd.f32 v50, v19;
	v53 =	vadd.f32 v52, v51;
	_ =	sdelay $0x1  }
0x2aa: {  	v19 =	vadd.f32 v53, v19;
	_ =	sdelay $0x1  }
0x2ab: {  	[tilespmem:s24+$0xFFFFFD80] =	vst v19  }
0x2ac: {  	v19 =	vld [tilespmem:s30+$0x9180]  }
0x2ad: {  	v54 =	vld [tilespmem:s30+$0x9190]  }
0x2ae: {  	v55 =	vld [tilespmem:s30+$0x91A0]  }
0x2af: {  	v56 =	vld [tilespmem:s30+$0x91B0]  }
0x2b0: {  	v57 =	vld [tilespmem:s30+$0x91C0]  }
0x2b1: {  	v58 =	vld [tilespmem:s30+$0x9580]  }
0x2b2: {  	v59 =	vld [tilespmem:s30+$0x9590]  }
0x2b3: {  	v60 =	vld [tilespmem:s30+$0x91D0]  }
0x2b4: {  	v61 =	vld [tilespmem:s30+$0x91E0]  }
0x2b5: {  	v62 =	vld [tilespmem:s30+$0x91F0];
	v19 =	vsub.f32 v19, v17  }
0x2b6: {  	v63 =	vld [tilespmem:s30+$0x95A0];
	v20 =	vsub.f32 v54, v18;
	v24 =	vsub.f32 v58, v16  }
0x2b7: {  	v36 =	vld [tilespmem:s30+$0x95B0];
	v25 =	vsub.f32 v59, v14;
	v21 =	vsub.f32 v55, v15  }
0x2b8: {  	v37 =	vld [tilespmem:s30+$0x95C0];
	v22 =	vsub.f32 v56, v13;
	v23 =	vsub.f32 v57, v12  }
0x2b9: {  	v38 =	vld [tilespmem:s30+$0x95D0];
	v26 =	vsub.f32 v60, v11;
	v27 =	vsub.f32 v61, v10  }
0x2ba: {  	v39 =	vld [tilespmem:s30+$0x95E0];
	v28 =	vsub.f32 v62, v8;
	v19 =	vmul.f32 v19, v19;
	v20 =	vmul.f32 v20, v20  }
0x2bb: {  	v40 =	vld [tilespmem:s30+$0x95F0];
	v29 =	vsub.f32 v63, v9;
	v24 =	vmul.f32 v24, v24;
	v25 =	vmul.f32 v25, v25  }
0x2bc: {  	v30 =	vsub.f32 v36, v7;
	v21 =	vmul.f32 v21, v21;
	v22 =	vmul.f32 v22, v22  }
0x2bd: {  	v31 =	vsub.f32 v37, v5;
	v23 =	vmul.f32 v23, v23;
	v26 =	vmul.f32 v26, v26  }
0x2be: {  	v32 =	vsub.f32 v38, v6;
	v27 =	vmul.f32 v27, v27;
	v28 =	vmul.f32 v28, v28  }
0x2bf: {  	v29 =	vmul.f32 v29, v29;
	v19 =	vadd.f32 v24, v19;
	v20 =	vadd.f32 v25, v20  }
0x2c0: {  	v30 =	vmul.f32 v30, v30;
	v24 =	vsub.f32 v39, v3;
	v25 =	vsub.f32 v40, v4  }
0x2c1: {  	v41 =	vmul.f32 v31, v31;
	v42 =	vmul.f32 v32, v32;
	v21 =	vadd.f32 v29, v21  }
0x2c2: {  	v22 =	vadd.f32 v30, v22;
	v24 =	vmul.f32 v24, v24;
	v25 =	vmul.f32 v25, v25  }
0x2c3: {  	v23 =	vadd.f32 v41, v23;
	v26 =	vadd.f32 v42, v26  }
0x2c4: {  	v24 =	vadd.f32 v24, v27;
	v25 =	vadd.f32 v25, v28  }
0x2c5: {  	v19 =	vadd.f32 v20, v19;
	v43 =	vadd.f32 v22, v21  }
0x2c6: {  	v44 =	vadd.f32 v26, v23;
	v45 =	vadd.f32 v25, v24;
	_ =	sdelay $0x1  }
0x2c7: {  	v19 =	vadd.f32 v43, v19;
	v46 =	vadd.f32 v45, v44;
	_ =	sdelay $0x1  }
0x2c8: {  	v19 =	vadd.f32 v46, v19;
	_ =	sdelay $0x1  }
0x2c9: {  	[tilespmem:s24+$0xFFFFFE00] =	vst v19  }
0x2ca: {  	v19 =	vld [tilespmem:s30+$0x9200]  }
0x2cb: {  	v47 =	vld [tilespmem:s30+$0x9210]  }
0x2cc: {  	v48 =	vld [tilespmem:s30+$0x9220]  }
0x2cd: {  	v49 =	vld [tilespmem:s30+$0x9230]  }
0x2ce: {  	v50 =	vld [tilespmem:s30+$0x9240]  }
0x2cf: {  	v51 =	vld [tilespmem:s30+$0x9600]  }
0x2d0: {  	v52 =	vld [tilespmem:s30+$0x9610]  }
0x2d1: {  	v53 =	vld [tilespmem:s30+$0x9250]  }
0x2d2: {  	v54 =	vld [tilespmem:s30+$0x9260]  }
0x2d3: {  	v55 =	vld [tilespmem:s30+$0x9270];
	v19 =	vsub.f32 v19, v17  }
0x2d4: {  	v56 =	vld [tilespmem:s30+$0x9620];
	v20 =	vsub.f32 v47, v18;
	v24 =	vsub.f32 v51, v16  }
0x2d5: {  	v57 =	vld [tilespmem:s30+$0x9630];
	v25 =	vsub.f32 v52, v14;
	v21 =	vsub.f32 v48, v15  }
0x2d6: {  	v58 =	vld [tilespmem:s30+$0x9640];
	v22 =	vsub.f32 v49, v13;
	v23 =	vsub.f32 v50, v12  }
0x2d7: {  	v59 =	vld [tilespmem:s30+$0x9650];
	v26 =	vsub.f32 v53, v11;
	v27 =	vsub.f32 v54, v10  }
0x2d8: {  	v60 =	vld [tilespmem:s30+$0x9660];
	v28 =	vsub.f32 v55, v8;
	v19 =	vmul.f32 v19, v19;
	v20 =	vmul.f32 v20, v20  }
0x2d9: {  	v61 =	vld [tilespmem:s30+$0x9670];
	v29 =	vsub.f32 v56, v9;
	v24 =	vmul.f32 v24, v24;
	v25 =	vmul.f32 v25, v25  }
0x2da: {  	v30 =	vsub.f32 v57, v7;
	v21 =	vmul.f32 v21, v21;
	v22 =	vmul.f32 v22, v22  }
0x2db: {  	v31 =	vsub.f32 v58, v5;
	v23 =	vmul.f32 v23, v23;
	v26 =	vmul.f32 v26, v26  }
0x2dc: {  	v32 =	vsub.f32 v59, v6;
	v27 =	vmul.f32 v27, v27;
	v28 =	vmul.f32 v28, v28  }
0x2dd: {  	v29 =	vmul.f32 v29, v29;
	v19 =	vadd.f32 v24, v19;
	v20 =	vadd.f32 v25, v20  }
0x2de: {  	v30 =	vmul.f32 v30, v30;
	v24 =	vsub.f32 v60, v3;
	v25 =	vsub.f32 v61, v4  }
0x2df: {  	v62 =	vmul.f32 v31, v31;
	v63 =	vmul.f32 v32, v32;
	v21 =	vadd.f32 v29, v21  }
0x2e0: {  	v22 =	vadd.f32 v30, v22;
	v24 =	vmul.f32 v24, v24;
	v25 =	vmul.f32 v25, v25  }
0x2e1: {  	v23 =	vadd.f32 v62, v23;
	v26 =	vadd.f32 v63, v26  }
0x2e2: {  	v24 =	vadd.f32 v24, v27;
	v25 =	vadd.f32 v25, v28  }
0x2e3: {  	v19 =	vadd.f32 v20, v19;
	v29 =	vadd.f32 v22, v21  }
0x2e4: {  	v30 =	vadd.f32 v26, v23;
	v31 =	vadd.f32 v25, v24;
	_ =	sdelay $0x1  }
0x2e5: {  	v19 =	vadd.f32 v29, v19;
	v32 =	vadd.f32 v31, v30;
	_ =	sdelay $0x1  }
0x2e6: {  	v19 =	vadd.f32 v32, v19;
	_ =	sdelay $0x1  }
0x2e7: {  	[tilespmem:s24+$0xFFFFFE80] =	vst v19  }
0x2e8: {  	v19 =	vld [tilespmem:s30+$0x9280]  }
0x2e9: {  	v33 =	vld [tilespmem:s30+$0x9290]  }
0x2ea: {  	v34 =	vld [tilespmem:s30+$0x92A0]  }
0x2eb: {  	v35 =	vld [tilespmem:s30+$0x92B0]  }
0x2ec: {  	v36 =	vld [tilespmem:s30+$0x92C0]  }
0x2ed: {  	v37 =	vld [tilespmem:s30+$0x9680]  }
0x2ee: {  	v38 =	vld [tilespmem:s30+$0x9690]  }
0x2ef: {  	v39 =	vld [tilespmem:s30+$0x92D0]  }
0x2f0: {  	v40 =	vld [tilespmem:s30+$0x92E0]  }
0x2f1: {  	v41 =	vld [tilespmem:s30+$0x92F0];
	v19 =	vsub.f32 v19, v17  }
0x2f2: {  	v42 =	vld [tilespmem:s30+$0x96A0];
	v20 =	vsub.f32 v33, v18;
	v24 =	vsub.f32 v37, v16  }
0x2f3: {  	v43 =	vld [tilespmem:s30+$0x96B0];
	v25 =	vsub.f32 v38, v14;
	v21 =	vsub.f32 v34, v15  }
0x2f4: {  	v44 =	vld [tilespmem:s30+$0x96C0];
	v22 =	vsub.f32 v35, v13;
	v23 =	vsub.f32 v36, v12  }
0x2f5: {  	v45 =	vld [tilespmem:s30+$0x96D0];
	v26 =	vsub.f32 v39, v11;
	v27 =	vsub.f32 v40, v10  }
0x2f6: {  	v46 =	vld [tilespmem:s30+$0x96E0];
	v28 =	vsub.f32 v41, v8;
	v19 =	vmul.f32 v19, v19;
	v20 =	vmul.f32 v20, v20  }
0x2f7: {  	v47 =	vld [tilespmem:s30+$0x96F0];
	v29 =	vsub.f32 v42, v9;
	v24 =	vmul.f32 v24, v24;
	v25 =	vmul.f32 v25, v25  }
0x2f8: {  	v30 =	vsub.f32 v43, v7;
	v21 =	vmul.f32 v21, v21;
	v22 =	vmul.f32 v22, v22  }
0x2f9: {  	v31 =	vsub.f32 v44, v5;
	v23 =	vmul.f32 v23, v23;
	v26 =	vmul.f32 v26, v26  }
0x2fa: {  	v32 =	vsub.f32 v45, v6;
	v27 =	vmul.f32 v27, v27;
	v28 =	vmul.f32 v28, v28  }
0x2fb: {  	v29 =	vmul.f32 v29, v29;
	v19 =	vadd.f32 v24, v19;
	v20 =	vadd.f32 v25, v20  }
0x2fc: {  	v30 =	vmul.f32 v30, v30;
	v24 =	vsub.f32 v46, v3;
	v25 =	vsub.f32 v47, v4  }
0x2fd: {  	v48 =	vmul.f32 v31, v31;
	v49 =	vmul.f32 v32, v32;
	v21 =	vadd.f32 v29, v21  }
0x2fe: {  	v22 =	vadd.f32 v30, v22;
	v24 =	vmul.f32 v24, v24;
	v25 =	vmul.f32 v25, v25  }
0x2ff: {  	v23 =	vadd.f32 v48, v23;
	v26 =	vadd.f32 v49, v26  }
0x300: {  	v24 =	vadd.f32 v24, v27;
	v25 =	vadd.f32 v25, v28  }
0x301: {  	v19 =	vadd.f32 v20, v19;
	v50 =	vadd.f32 v22, v21  }
0x302: {  	v51 =	vadd.f32 v26, v23;
	v52 =	vadd.f32 v25, v24;
	_ =	sdelay $0x1  }
0x303: {  	v19 =	vadd.f32 v50, v19;
	v53 =	vadd.f32 v52, v51;
	_ =	sdelay $0x1  }
0x304: {  	v19 =	vadd.f32 v53, v19;
	_ =	sdelay $0x1  }
0x305: {  	[tilespmem:s24+$0xFFFFFF00] =	vst v19  }
0x306: {  	v19 =	vld [tilespmem:s30+$0x9300]  }
0x307: {  	v54 =	vld [tilespmem:s30+$0x9310]  }
0x308: {  	v55 =	vld [tilespmem:s30+$0x9320]  }
0x309: {  	v56 =	vld [tilespmem:s30+$0x9330]  }
0x30a: {  	v57 =	vld [tilespmem:s30+$0x9340]  }
0x30b: {  	v58 =	vld [tilespmem:s30+$0x9700]  }
0x30c: {  	v59 =	vld [tilespmem:s30+$0x9710]  }
0x30d: {  	v60 =	vld [tilespmem:s30+$0x9350]  }
0x30e: {  	v61 =	vld [tilespmem:s30+$0x9360]  }
0x30f: {  	v62 =	vld [tilespmem:s30+$0x9370];
	v19 =	vsub.f32 v19, v17  }
0x310: {  	v63 =	vld [tilespmem:s30+$0x9720];
	v20 =	vsub.f32 v54, v18;
	v24 =	vsub.f32 v58, v16  }
0x311: {  	v36 =	vld [tilespmem:s30+$0x9730];
	v25 =	vsub.f32 v59, v14;
	v21 =	vsub.f32 v55, v15  }
0x312: {  	v37 =	vld [tilespmem:s30+$0x9740];
	v22 =	vsub.f32 v56, v13;
	v23 =	vsub.f32 v57, v12  }
0x313: {  	v38 =	vld [tilespmem:s30+$0x9750];
	v26 =	vsub.f32 v60, v11;
	v27 =	vsub.f32 v61, v10  }
0x314: {  	v39 =	vld [tilespmem:s30+$0x9760];
	v28 =	vsub.f32 v62, v8;
	v19 =	vmul.f32 v19, v19;
	v20 =	vmul.f32 v20, v20  }
0x315: {  	v40 =	vld [tilespmem:s30+$0x9770];
	v29 =	vsub.f32 v63, v9;
	v24 =	vmul.f32 v24, v24;
	v25 =	vmul.f32 v25, v25  }
0x316: {  	v30 =	vsub.f32 v36, v7;
	v21 =	vmul.f32 v21, v21;
	v22 =	vmul.f32 v22, v22  }
0x317: {  	v31 =	vsub.f32 v37, v5;
	v23 =	vmul.f32 v23, v23;
	v26 =	vmul.f32 v26, v26  }
0x318: {  	v32 =	vsub.f32 v38, v6;
	v27 =	vmul.f32 v27, v27;
	v28 =	vmul.f32 v28, v28  }
0x319: {  	v29 =	vmul.f32 v29, v29;
	v19 =	vadd.f32 v24, v19;
	v20 =	vadd.f32 v25, v20  }
0x31a: {  	v30 =	vmul.f32 v30, v30;
	v24 =	vsub.f32 v39, v3;
	v25 =	vsub.f32 v40, v4  }
0x31b: {  	v41 =	vmul.f32 v31, v31;
	v42 =	vmul.f32 v32, v32;
	v21 =	vadd.f32 v29, v21  }
0x31c: {  	v22 =	vadd.f32 v30, v22;
	v24 =	vmul.f32 v24, v24;
	v25 =	vmul.f32 v25, v25  }
0x31d: {  	v23 =	vadd.f32 v41, v23;
	v26 =	vadd.f32 v42, v26  }
0x31e: {  	v24 =	vadd.f32 v24, v27;
	v25 =	vadd.f32 v25, v28  }
0x31f: {  	v19 =	vadd.f32 v20, v19;
	v43 =	vadd.f32 v22, v21  }
0x320: {  	v44 =	vadd.f32 v26, v23;
	v45 =	vadd.f32 v25, v24;
	_ =	sdelay $0x1  }
0x321: {  	v19 =	vadd.f32 v43, v19;
	v46 =	vadd.f32 v45, v44;
	_ =	sdelay $0x1  }
0x322: {  	v19 =	vadd.f32 v46, v19;
	_ =	sdelay $0x1  }
0x323: {  	[tilespmem:s24+$0xFFFFFF80] =	vst v19  }
0x324: {  	v19 =	vld [tilespmem:s30+$0x9380]  }
0x325: {  	v47 =	vld [tilespmem:s30+$0x9390]  }
0x326: {  	v48 =	vld [tilespmem:s30+$0x93A0]  }
0x327: {  	v49 =	vld [tilespmem:s30+$0x93B0]  }
0x328: {  	v50 =	vld [tilespmem:s30+$0x93C0]  }
0x329: {  	v51 =	vld [tilespmem:s30+$0x93D0]  }
0x32a: {  	v52 =	vld [tilespmem:s30+$0x93E0]  }
0x32b: {  	v54 =	vld [tilespmem:s30+$0x9780]  }
0x32c: {  	v55 =	vld [tilespmem:s30+$0x9790]  }
0x32d: {  	v53 =	vld [tilespmem:s30+$0x93F0];
	v17 =	vsub.f32 v19, v17  }
0x32e: {  	v56 =	vld [tilespmem:s30+$0x97A0];
	v18 =	vsub.f32 v47, v18;
	v15 =	vsub.f32 v48, v15  }
0x32f: {  	v57 =	vld [tilespmem:s30+$0x97B0];
	v13 =	vsub.f32 v49, v13;
	v12 =	vsub.f32 v50, v12  }
0x330: {  	v58 =	vld [tilespmem:s30+$0x97C0];
	v16 =	vsub.f32 v54, v16;
	v11 =	vsub.f32 v51, v11  }
0x331: {  	v59 =	vld [tilespmem:s30+$0x97D0];
	v14 =	vsub.f32 v55, v14;
	v10 =	vsub.f32 v52, v10  }
0x332: {  	v60 =	vld [tilespmem:s30+$0x97E0];
	v8 =	vsub.f32 v53, v8;
	v17 =	vmul.f32 v17, v17;
	v18 =	vmul.f32 v18, v18  }
0x333: {  	v61 =	vld [tilespmem:s30+$0x97F0];
	v9 =	vsub.f32 v56, v9;
	v15 =	vmul.f32 v15, v15;
	v13 =	vmul.f32 v13, v13  }
0x334: {  	v7 =	vsub.f32 v57, v7;
	v12 =	vmul.f32 v12, v12;
	v16 =	vmul.f32 v16, v16  }
0x335: {  	v5 =	vsub.f32 v58, v5;
	v11 =	vmul.f32 v11, v11;
	v14 =	vmul.f32 v14, v14  }
0x336: {  	v6 =	vsub.f32 v59, v6;
	v10 =	vmul.f32 v10, v10;
	v8 =	vmul.f32 v8, v8  }
0x337: {  	v3 =	vsub.f32 v60, v3;
	v9 =	vmul.f32 v9, v9;
	v7 =	vmul.f32 v7, v7  }
0x338: {  	v4 =	vsub.f32 v61, v4;
	v5 =	vmul.f32 v5, v5;
	v6 =	vmul.f32 v6, v6  }
0x339: {  	v3 =	vmul.f32 v3, v3;
	v16 =	vadd.f32 v16, v17;
	v14 =	vadd.f32 v14, v18  }
0x33a: {  	v4 =	vmul.f32 v4, v4;
	v9 =	vadd.f32 v9, v15;
	v7 =	vadd.f32 v7, v13  }
0x33b: {  	v5 =	vadd.f32 v5, v12;
	v6 =	vadd.f32 v6, v11  }
0x33c: {  	v3 =	vadd.f32 v3, v10;
	v4 =	vadd.f32 v4, v8  }
0x33d: {  	v62 =	vadd.f32 v14, v16;
	v7 =	vadd.f32 v7, v9  }
0x33e: {  	v5 =	vadd.f32 v6, v5;
	v3 =	vadd.f32 v4, v3  }
0x33f: {  	p0 =	sne.s32 s28, $0x1E000  }
.Ltmp2:
0x340: {  	v63 =	vadd.f32 v7, v62;
	v3 =	vadd.f32 v3, v5;
	(pc) =	sbr.rel @p0 .LBB2_7-.Ltmp2, $4  }
0x341: {  	_ = 	snop  }
0x342: {  	v3 =	vadd.f32 v3, v63  }
0x343: {  	s25 =	sadd.s32 $0x100, s25  }
0x344: {  	s26 =	sadd.s32 $0x80, s26;
	s28 =	sadd.s32 $0x2000, s28;
	[tilespmem:s24+$0x0] =	vst v3;
	s24 =	sadd.s32 $0x400, s24  }
0x345: {  	s22 =	sadd.s32 $0x1, s22  }
0x346: {  	p0 =	sne.s32 s22, $0x10  }
.Ltmp3:
0x347: {  	_ = 	snop;
	(pc) =	sbr.rel @p0 .LBB2_2-.Ltmp3, $4  }
0x348: {  	_ = 	snop  }
0x349: {  	s23 =	sshll.u32 s23, $0xB  }
0x34a: {  	s23 =	sadd.s32 s23, s6  }
0x34b: {  	[hbm4b:s23+s3] =	stream.linear.scatter [tilespmem:s21], [sflag:$0x6], $0x4000, $0x38;
	[tilespmem:$0x1B000] =	vst v63  }
0x34c: {  	s22 =	simm.s32 $0x5  }
0x34d: {  	_ =	swait.ge [sflag:s22], $0x4000  }
0x34e: {  	[sflag:s22] =	ssyncset.done $0x0  }
0x34f: {  	s23 =	simm.s32 $0x6;
	[sflag:s22] =	ssyncadd.s32 $0xFFFFC000  }
0x350: {  	_ =	swait.ge [sflag:s23], $0x4000  }
0x351: {  	s24 =	rddreg [dreg:$0x6]  }
0x352: {  	s30 =	rddreg [dreg:$0x5];
	s24 =	sadd.s32 $0x1, s24  }
0x353: {  	p0 =	sne.s32 s24, s30  }
.Ltmp4:
0x354: {  	_ = 	snop;
	(pc) =	sbr.rel @p0 .LBB2_1-.Ltmp4, $3  }
0x355: {  	_ =	sdelay $0x1  }
0x356: {  	[sflag:s23] =	ssyncset.done $0x0  }
0x357: {  	[sflag:s23] =	ssyncadd.s32 $0xFFFFC000  }
0x358: {  	_ =	sfence.sel $0x180000  }
0x359: {  	[bflag:$0x0] =	sbarrier.arrive $0xFFFF  }
0x35a: {  	_ =	strace $0x90000047  }
0x35b: {  	s0 =	stileid.u32;
	[bflag:$0x2] =	sbarrier.arrive $0xFFFF  }
0x35c: {  	p0 =	sne.s32 s0, $0x0;
	s0 =	rddreg [dreg:$0x3]  }
0x35d: {  	s0 =	sadd.s32 @!p0 $0x100000, s0  }
0x35e: {  	[sflag:s0] =	ssyncadd.tile.s32 @!p0 $0x1;
	_ =	shalt  }
.Lfunc_end2:
_tile_overlayer_lowered:
.L_overlay_start_2:
0x35f: {  	(tag) =	ssettag $0x2  }
0x360: {  	s0 =	rddreg [dreg:$0x0];
	s2 =	stileid.u32  }
0x361: {  	s1 =	rddreg [dreg:$0x1];
	p0 =	sne.s32 s2, $0x0  }
0x362: {  	s3 =	rddreg [dreg:$0x2];
	[bflag:$0x3] =	sbarrier.arrive $0xFFFF;
	s2 =	simm.s32 @!p0 $0x1C07  }
0x363: {  	[timem:s3], [sflag:s2] =	dma.local @!p0 [hbm:s0], s1  }
0x364: {  	s0 =	simm.s32 @!p0 $0x7  }
0x365: {  	_ =	swait.ge @!p0 [sflag:s0], s1  }
0x366: {  	s1 =	ssub.s32 @!p0 $0x0, s1;
	[sflag:s0] =	ssyncset.done @!p0 $0x0  }
0x367: {  	[sflag:s0] =	ssyncadd.s32 @!p0 s1  }
0x368: {  	[bflag:$0x3] =	sbarrier.arrive $0xFFFF  }
0x369: {  	_ =	shalt  }

</sc_bundles>
